<compile_context>
chip_gen: v7x
topology: tpu7x:2x2x1
jax: 0.10.2.dev20260603
libtpu: 0.0.44.dev20260713+nightly
codegen_flags: <defaults>
</compile_context>

<pallas_src>
import jax
import jax.numpy as jnp
from jax import lax
from jax.experimental import pallas as pl
from jax.experimental.pallas import tpu as pltpu
from jax.experimental.pallas import tpu_sc as plsc

_MAX_LEN = 200
_D = 64
_BATCH = 4096
_N = _BATCH * _MAX_LEN
_NC = 2
_NS = 16
_NW = _NC * _NS
_PER_W = _N // _NW
_CH = 2 * _MAX_LEN
_NCHUNK = _PER_W // _CH
_NBUF = 3
_SCALE = 8.0


def _body(idx_hbm, table_hbm, pos_hbm, out_hbm, idx_v, dest_v, posrep_v,
          sg0, sg1, sg2, so0, so1, so2):
    sem_g = (sg0, sg1, sg2)
    sem_o = (so0, so1, so2)
    wid = lax.axis_index("s") * _NC + lax.axis_index("c")
    wbase = wid * _PER_W

    pltpu.sync_copy(idx_hbm.at[pl.ds(wbase, _PER_W)], idx_v)
    pltpu.sync_copy(pos_hbm, posrep_v.at[pl.ds(0, _MAX_LEN)])
    pltpu.sync_copy(pos_hbm, posrep_v.at[pl.ds(_MAX_LEN, _MAX_LEN)])

    def start_gather(k, b):
        pltpu.async_copy(
            table_hbm.at[idx_v.at[pl.ds(k * _CH, _CH)]], dest_v.at[b],
            sem_g[b])

    def wait_gather(k, b):
        pltpu.make_async_copy(
            table_hbm.at[idx_v.at[pl.ds(k * _CH, _CH)]], dest_v.at[b],
            sem_g[b]).wait()

    def start_out(k, b):
        pltpu.async_copy(
            dest_v.at[b], out_hbm.at[pl.ds(wbase + k * _CH, _CH)], sem_o[b])

    def wait_out(k, b):
        pltpu.make_async_copy(
            dest_v.at[b], out_hbm.at[pl.ds(wbase + k * _CH, _CH)],
            sem_o[b]).wait()

    def compute(b):
        def rowgrp(j, c2):
            for r in range(4):
                row = j * 4 + r
                for c in range(_D // 16):
                    sl = pl.ds(c * 16, 16)
                    dest_v[b, row, sl] = (
                        dest_v[b, row, sl] * _SCALE + posrep_v[row, sl])
            return c2
        lax.fori_loop(0, _CH // 4, rowgrp, 0)

    start_gather(0, 0)

    start_gather(1, 1)
    wait_gather(0, 0)
    compute(0)
    start_out(0, 0)

    start_gather(2, 2)
    wait_gather(1, 1)
    compute(1)
    start_out(1, 1)

    def steady(g, carry):
        for r in range(3):
            k = 2 + g * 3 + r
            b = (2 + r) % 3
            bn = (b + 1) % 3
            wait_out(k - 2, bn)
            start_gather(k + 1, bn)
            wait_gather(k, b)
            compute(b)
            start_out(k, b)
        return carry
    lax.fori_loop(0, 20, steady, 0)

    wait_out(60, 0)
    start_gather(63, 0)
    wait_gather(62, 2)
    compute(2)
    start_out(62, 2)

    wait_gather(63, 0)
    compute(0)
    start_out(63, 0)

    wait_out(61, 1)
    wait_out(62, 2)
    wait_out(63, 0)


def kernel(inputs, token_table, pos_table):
    idx = inputs.reshape(_N)
    mesh = plsc.VectorSubcoreMesh(core_axis_name="c", subcore_axis_name="s")
    out = pl.kernel(
        _body,
        mesh=mesh,
        compiler_params=pltpu.CompilerParams(use_tc_tiling_on_sc=False),
        out_type=jax.ShapeDtypeStruct((_N, _D), jnp.float32),
        scratch_types=[
            pltpu.VMEM((_PER_W,), jnp.int32),
            pltpu.VMEM((_NBUF, _CH, _D), jnp.float32),
            pltpu.VMEM((2 * _MAX_LEN, _D), jnp.float32),
            pltpu.SemaphoreType.DMA,
            pltpu.SemaphoreType.DMA,
            pltpu.SemaphoreType.DMA,
            pltpu.SemaphoreType.DMA,
            pltpu.SemaphoreType.DMA,
            pltpu.SemaphoreType.DMA,
        ],
    )(idx, token_table, pos_table)
    return out.reshape(_BATCH, _MAX_LEN, _D)

# --- scband reference (transcript-rebuilt; emitter-appended) ---
"""Pipeline reference for scband-transformer-embedding-37778532335782 (READ-ONLY COPY).

The authoritative reference and input builder live on the scoring server;
editing this copy changes nothing except your own understanding.
"""

import jax, jax.numpy as jnp
import numpy as np

VOCAB = 1000000
MAX_LEN = 200
EMBED_DIM = 64
BATCH = 4096

def setup_inputs(seed: int = 0) -> dict:
    key = jax.random.key(seed)
    k1, k2, k3 = jax.random.split(key, 3)
    inputs = jax.random.randint(k1, (BATCH, MAX_LEN), 0, VOCAB, dtype=jnp.int64 if jax.config.read('jax_enable_x64') else jnp.int32)
    token_table = jax.random.normal(k2, (VOCAB, EMBED_DIM), dtype=jnp.float32) * 0.02
    pos_table = jax.random.normal(k3, (MAX_LEN, EMBED_DIM), dtype=jnp.float32) * 0.02
    return {"inputs": inputs, "token_table": token_table, "pos_table": pos_table}

def reference(inputs, token_table, pos_table):
    seq_len = inputs.shape[-1]
    positions = jnp.arange(seq_len)
    embedded_positions = jnp.take(pos_table, positions, axis=0)
    embedded_tokens = jnp.take(token_table, inputs, axis=0)
    embed_scale = jnp.sqrt(jnp.asarray(EMBED_DIM, dtype=jnp.float32))
    embedded_tokens = embedded_tokens * embed_scale
    return embedded_tokens + embedded_positions

if __name__ == "__main__":
    import jax
    _d = setup_inputs()
    print(jax.jit(kernel)(*tuple(_d.values())))

</pallas_src>

<mosaic_0001>
#map = affine_map<(d0, d1) -> (0)>
#map1 = affine_map<(d0, d1) -> (0, 0)>
module attributes {stable_mosaic.version = 14 : i64} {
  func.func @_body(%arg0: i32, %arg1: i32, %arg2: memref<819200xi32, #tpu.memory_space<hbm>>, %arg3: memref<1000000x64xf32, #tpu.memory_space<hbm>>, %arg4: memref<200x64xf32, #tpu.memory_space<hbm>>, %arg5: memref<819200x64xf32, #tpu.memory_space<hbm>>, %arg6: memref<25600xi32, #tpu.memory_space<vmem>>, %arg7: memref<3x400x64xf32, #tpu.memory_space<vmem>>, %arg8: memref<400x64xf32, #tpu.memory_space<vmem>>, %arg9: memref<!tpu.dma_semaphore, #tpu.memory_space<semaphore_mem>>, %arg10: memref<!tpu.dma_semaphore, #tpu.memory_space<semaphore_mem>>, %arg11: memref<!tpu.dma_semaphore, #tpu.memory_space<semaphore_mem>>, %arg12: memref<!tpu.dma_semaphore, #tpu.memory_space<semaphore_mem>>, %arg13: memref<!tpu.dma_semaphore, #tpu.memory_space<semaphore_mem>>, %arg14: memref<!tpu.dma_semaphore, #tpu.memory_space<semaphore_mem>>) attributes {dimension_semantics = [#tpu.dimension_semantics<core_parallel>, #tpu.dimension_semantics<subcore_parallel>], iteration_bounds = array<i64: 2, 16>, scalar_prefetch = 0 : i64, scratch_operands = 9 : i64, tpu.core_type = #tpu.core_type<sc_vector_subcore>, window_params = [{transform_indices = #map}, {transform_indices = #map1}, {transform_indices = #map1}, {transform_indices = #map1}]} {
    %mul3A = arith.constant 2 : i32
    %mul3A_0 = arith.muli %arg1, %mul3A : i32
    %add3A = arith.addi %mul3A_0, %arg0 : i32
    %mul3A_1 = arith.constant 25600 : i32
    %mul3A_2 = arith.muli %add3A, %mul3A_1 : i32
    "tpu.region"() ({
      %run_scoped3A = tpu.sem_alloc : memref<!tpu.dma_semaphore, #tpu.memory_space<semaphore_mem>>
      %dma_start3A_230 = tpu.memref_slice %arg2[%mul3A_2] : memref<819200xi32, #tpu.memory_space<hbm>> -> memref<25600xi32, #tpu.memory_space<hbm>>
      %dma_start3A_231 = tpu.memref_slice %arg2[%mul3A_2] : memref<819200xi32, #tpu.memory_space<hbm>> -> memref<25600xi32, #tpu.memory_space<hbm>>
      tpu.enqueue_dma source(%dma_start3A_231 : memref<25600xi32, #tpu.memory_space<hbm>>) target(%arg6 : memref<25600xi32, #tpu.memory_space<vmem>>) target_semaphore(%run_scoped3A : memref<!tpu.dma_semaphore, #tpu.memory_space<semaphore_mem>>)
      %dma_wait3A_232 = tpu.memref_slice %arg2[%mul3A_2] : memref<819200xi32, #tpu.memory_space<hbm>> -> memref<25600xi32, #tpu.memory_space<hbm>>
      %dma_wait3A_233 = tpu.memref_slice %arg2[%mul3A_2] : memref<819200xi32, #tpu.memory_space<hbm>> -> memref<25600xi32, #tpu.memory_space<hbm>>
      tpu.wait_dma2 semaphore(%run_scoped3A : memref<!tpu.dma_semaphore, #tpu.memory_space<semaphore_mem>>) src(%dma_wait3A_233 : memref<25600xi32, #tpu.memory_space<hbm>>) dst(%arg6 : memref<25600xi32, #tpu.memory_space<vmem>>)
      tpu.yield
    }) : () -> ()
    "tpu.region"() ({
      %run_scoped3A = tpu.sem_alloc : memref<!tpu.dma_semaphore, #tpu.memory_space<semaphore_mem>>
      %dma_start3A_230 = arith.constant 0 : i32
      %dma_start3A_231 = arith.constant 0 : i32
      %dma_start3A_232 = tpu.memref_slice %arg8[%dma_start3A_230, %dma_start3A_231] : memref<400x64xf32, #tpu.memory_space<vmem>> -> memref<200x64xf32, #tpu.memory_space<vmem>>
      %dma_start3A_233 = arith.constant 0 : i32
      %dma_start3A_234 = arith.constant 0 : i32
      %dma_start3A_235 = tpu.memref_slice %arg8[%dma_start3A_233, %dma_start3A_234] : memref<400x64xf32, #tpu.memory_space<vmem>> -> memref<200x64xf32, #tpu.memory_space<vmem>>
      tpu.enqueue_dma source(%arg4 : memref<200x64xf32, #tpu.memory_space<hbm>>) target(%dma_start3A_235 : memref<200x64xf32, #tpu.memory_space<vmem>>) target_semaphore(%run_scoped3A : memref<!tpu.dma_semaphore, #tpu.memory_space<semaphore_mem>>)
      %dma_wait3A_236 = arith.constant 0 : i32
      %dma_wait3A_237 = arith.constant 0 : i32
      %dma_wait3A_238 = tpu.memref_slice %arg8[%dma_wait3A_236, %dma_wait3A_237] : memref<400x64xf32, #tpu.memory_space<vmem>> -> memref<200x64xf32, #tpu.memory_space<vmem>>
      %dma_wait3A_239 = arith.constant 0 : i32
      %dma_wait3A_240 = arith.constant 0 : i32
      %dma_wait3A_241 = tpu.memref_slice %arg8[%dma_wait3A_239, %dma_wait3A_240] : memref<400x64xf32, #tpu.memory_space<vmem>> -> memref<200x64xf32, #tpu.memory_space<vmem>>
      tpu.wait_dma2 semaphore(%run_scoped3A : memref<!tpu.dma_semaphore, #tpu.memory_space<semaphore_mem>>) src(%arg4 : memref<200x64xf32, #tpu.memory_space<hbm>>) dst(%dma_wait3A_241 : memref<200x64xf32, #tpu.memory_space<vmem>>)
      tpu.yield
    }) : () -> ()
    "tpu.region"() ({
      %run_scoped3A = tpu.sem_alloc : memref<!tpu.dma_semaphore, #tpu.memory_space<semaphore_mem>>
      %dma_start3A_230 = arith.constant 200 : i32
      %dma_start3A_231 = arith.constant 0 : i32
      %dma_start3A_232 = tpu.memref_slice %arg8[%dma_start3A_230, %dma_start3A_231] : memref<400x64xf32, #tpu.memory_space<vmem>> -> memref<200x64xf32, #tpu.memory_space<vmem>>
      %dma_start3A_233 = arith.constant 200 : i32
      %dma_start3A_234 = arith.constant 0 : i32
      %dma_start3A_235 = tpu.memref_slice %arg8[%dma_start3A_233, %dma_start3A_234] : memref<400x64xf32, #tpu.memory_space<vmem>> -> memref<200x64xf32, #tpu.memory_space<vmem>>
      tpu.enqueue_dma source(%arg4 : memref<200x64xf32, #tpu.memory_space<hbm>>) target(%dma_start3A_235 : memref<200x64xf32, #tpu.memory_space<vmem>>) target_semaphore(%run_scoped3A : memref<!tpu.dma_semaphore, #tpu.memory_space<semaphore_mem>>)
      %dma_wait3A_236 = arith.constant 200 : i32
      %dma_wait3A_237 = arith.constant 0 : i32
      %dma_wait3A_238 = tpu.memref_slice %arg8[%dma_wait3A_236, %dma_wait3A_237] : memref<400x64xf32, #tpu.memory_space<vmem>> -> memref<200x64xf32, #tpu.memory_space<vmem>>
      %dma_wait3A_239 = arith.constant 200 : i32
      %dma_wait3A_240 = arith.constant 0 : i32
      %dma_wait3A_241 = tpu.memref_slice %arg8[%dma_wait3A_239, %dma_wait3A_240] : memref<400x64xf32, #tpu.memory_space<vmem>> -> memref<200x64xf32, #tpu.memory_space<vmem>>
      tpu.wait_dma2 semaphore(%run_scoped3A : memref<!tpu.dma_semaphore, #tpu.memory_space<semaphore_mem>>) src(%arg4 : memref<200x64xf32, #tpu.memory_space<hbm>>) dst(%dma_wait3A_241 : memref<200x64xf32, #tpu.memory_space<vmem>>)
      tpu.yield
    }) : () -> ()
    %dma_start3A = arith.constant 0 : i32
    %dma_start3A_3 = arith.constant 0 : i32
    %dma_start3A_4 = arith.constant 0 : i32
    %dma_start3A_5 = tpu.memref_slice %arg7[%dma_start3A, %dma_start3A_3, %dma_start3A_4] : memref<3x400x64xf32, #tpu.memory_space<vmem>> -> memref<1x400x64xf32, #tpu.memory_space<vmem>>
    %dma_start3A_6 = tpu.memref_squeeze %dma_start3A_5 : memref<1x400x64xf32, #tpu.memory_space<vmem>> -> memref<400x64xf32, #tpu.memory_space<vmem>>
    %dma_start3A_7 = arith.constant 0 : i32
    %dma_start3A_8 = tpu.memref_slice %arg6[%dma_start3A_7] : memref<25600xi32, #tpu.memory_space<vmem>> -> memref<400xi32, #tpu.memory_space<vmem>>
    %dma_start3A_9 = arith.constant 0 : i32
    %dma_start3A_10 = arith.constant 0 : i32
    %dma_start3A_11 = tpu.memref_slice %arg3[%dma_start3A_9, %dma_start3A_10] : memref<1000000x64xf32, #tpu.memory_space<hbm>> -> memref<1000000x64xf32, #tpu.memory_space<hbm>>
    tpu.enqueue_indirect_dma source(%dma_start3A_11 : memref<1000000x64xf32, #tpu.memory_space<hbm>>) target(%dma_start3A_6 : memref<400x64xf32, #tpu.memory_space<vmem>>) offsets(%dma_start3A_8 : memref<400xi32, #tpu.memory_space<vmem>>) semaphore(%arg9 : memref<!tpu.dma_semaphore, #tpu.memory_space<semaphore_mem>>)
    %dma_start3A_12 = arith.constant 1 : i32
    %dma_start3A_13 = arith.constant 0 : i32
    %dma_start3A_14 = arith.constant 0 : i32
    %dma_start3A_15 = tpu.memref_slice %arg7[%dma_start3A_12, %dma_start3A_13, %dma_start3A_14] : memref<3x400x64xf32, #tpu.memory_space<vmem>> -> memref<1x400x64xf32, #tpu.memory_space<vmem>>
    %dma_start3A_16 = tpu.memref_squeeze %dma_start3A_15 : memref<1x400x64xf32, #tpu.memory_space<vmem>> -> memref<400x64xf32, #tpu.memory_space<vmem>>
    %dma_start3A_17 = arith.constant 400 : i32
    %dma_start3A_18 = tpu.memref_slice %arg6[%dma_start3A_17] : memref<25600xi32, #tpu.memory_space<vmem>> -> memref<400xi32, #tpu.memory_space<vmem>>
    %dma_start3A_19 = arith.constant 0 : i32
    %dma_start3A_20 = arith.constant 0 : i32
    %dma_start3A_21 = tpu.memref_slice %arg3[%dma_start3A_19, %dma_start3A_20] : memref<1000000x64xf32, #tpu.memory_space<hbm>> -> memref<1000000x64xf32, #tpu.memory_space<hbm>>
    tpu.enqueue_indirect_dma source(%dma_start3A_21 : memref<1000000x64xf32, #tpu.memory_space<hbm>>) target(%dma_start3A_16 : memref<400x64xf32, #tpu.memory_space<vmem>>) offsets(%dma_start3A_18 : memref<400xi32, #tpu.memory_space<vmem>>) semaphore(%arg10 : memref<!tpu.dma_semaphore, #tpu.memory_space<semaphore_mem>>)
    %dma_wait3A = arith.constant 0 : i32
    %dma_wait3A_22 = arith.constant 0 : i32
    %dma_wait3A_23 = arith.constant 0 : i32
    %dma_wait3A_24 = tpu.memref_slice %arg7[%dma_wait3A, %dma_wait3A_22, %dma_wait3A_23] : memref<3x400x64xf32, #tpu.memory_space<vmem>> -> memref<1x400x64xf32, #tpu.memory_space<vmem>>
    %dma_wait3A_25 = tpu.memref_squeeze %dma_wait3A_24 : memref<1x400x64xf32, #tpu.memory_space<vmem>> -> memref<400x64xf32, #tpu.memory_space<vmem>>
    %dma_wait3A_26 = arith.constant 0 : i32
    %dma_wait3A_27 = tpu.memref_slice %arg6[%dma_wait3A_26] : memref<25600xi32, #tpu.memory_space<vmem>> -> memref<400xi32, #tpu.memory_space<vmem>>
    %dma_wait3A_28 = arith.constant 0 : i32
    %dma_wait3A_29 = arith.constant 0 : i32
    %dma_wait3A_30 = tpu.memref_slice %arg3[%dma_wait3A_28, %dma_wait3A_29] : memref<1000000x64xf32, #tpu.memory_space<hbm>> -> memref<1000000x64xf32, #tpu.memory_space<hbm>>
    tpu.wait_indirect_dma semaphore(%arg9 : memref<!tpu.dma_semaphore, #tpu.memory_space<semaphore_mem>>) src(%dma_wait3A_30 : memref<1000000x64xf32, #tpu.memory_space<hbm>>) dst(%dma_wait3A_25 : memref<400x64xf32, #tpu.memory_space<vmem>>)
    %scan3A = arith.constant 0 : i32
    %scan3A_31 = arith.constant 0 : i32
    %scan3A_32 = arith.constant 100 : i32
    %scan3A_33 = arith.addi %scan3A_31, %scan3A_32 : i32
    %scan3A_34 = arith.constant 1 : i32
    scf.for %scan3A_230 = %scan3A_31 to %scan3A_33 step %scan3A_34  : i32 {
      %mul3A_231 = arith.constant 4 : i32
      %mul3A_232 = arith.muli %scan3A_230, %mul3A_231 : i32
      %add3A_233 = arith.constant 0 : i32
      %add3A_234 = arith.addi %mul3A_232, %add3A_233 : i32
      %get3A = arith.constant 0 : i32
      %get3A_235 = arith.index_cast %get3A : i32 to index
      %get3A_236 = arith.index_cast %add3A_234 : i32 to index
      %get3A_237 = arith.constant 0 : index
      %get3A_238 = tpu.vector_load %arg7[%get3A_235, %get3A_236, %get3A_237] {strides = array<i32>} : memref<3x400x64xf32, #tpu.memory_space<vmem>>, vector<1x1x16xf32>,
      %get3A_239 = vector.shape_cast %get3A_238 : vector<1x1x16xf32> to vector<16xf32>
      %mul3A_240 = arith.constant 8.000000e+00 : f32
      %mul3A_241 = vector.broadcast %mul3A_240 : f32 to vector<16xf32>
      %mul3A_242 = arith.mulf %get3A_239, %mul3A_241 : vector<16xf32>
      %get3A_243 = arith.index_cast %add3A_234 : i32 to index
      %get3A_244 = arith.constant 0 : index
      %get3A_245 = tpu.vector_load %arg8[%get3A_243, %get3A_244] {strides = array<i32>} : memref<400x64xf32, #tpu.memory_space<vmem>>, vector<1x16xf32>,
      %get3A_246 = vector.shape_cast %get3A_245 : vector<1x16xf32> to vector<16xf32>
      %add3A_247 = arith.addf %mul3A_242, %get3A_246 : vector<16xf32>
      %swap3A = arith.constant 0 : i32
      %swap3A_248 = arith.index_cast %swap3A : i32 to index
      %swap3A_249 = arith.index_cast %add3A_234 : i32 to index
      %swap3A_250 = arith.constant 0 : index
      %swap3A_251 = tpu.vector_load %arg7[%swap3A_248, %swap3A_249, %swap3A_250] {strides = array<i32>} : memref<3x400x64xf32, #tpu.memory_space<vmem>>, vector<1x1x16xf32>,
      %swap3A_252 = vector.shape_cast %swap3A_251 : vector<1x1x16xf32> to vector<16xf32>
      %swap3A_253 = vector.shape_cast %add3A_247 : vector<16xf32> to vector<1x1x16xf32>
      tpu.vector_store %arg7[%swap3A_248, %swap3A_249, %swap3A_250], %swap3A_253 {strides = array<i32>} : memref<3x400x64xf32, #tpu.memory_space<vmem>>, vector<1x1x16xf32>,
      %get3A_254 = arith.constant 0 : i32
      %get3A_255 = arith.index_cast %get3A_254 : i32 to index
      %get3A_256 = arith.index_cast %add3A_234 : i32 to index
      %get3A_257 = arith.constant 16 : index
      %get3A_258 = tpu.vector_load %arg7[%get3A_255, %get3A_256, %get3A_257] {strides = array<i32>} : memref<3x400x64xf32, #tpu.memory_space<vmem>>, vector<1x1x16xf32>,
      %get3A_259 = vector.shape_cast %get3A_258 : vector<1x1x16xf32> to vector<16xf32>
      %mul3A_260 = arith.constant 8.000000e+00 : f32
      %mul3A_261 = vector.broadcast %mul3A_260 : f32 to vector<16xf32>
      %mul3A_262 = arith.mulf %get3A_259, %mul3A_261 : vector<16xf32>
      %get3A_263 = arith.index_cast %add3A_234 : i32 to index
      %get3A_264 = arith.constant 16 : index
      %get3A_265 = tpu.vector_load %arg8[%get3A_263, %get3A_264] {strides = array<i32>} : memref<400x64xf32, #tpu.memory_space<vmem>>, vector<1x16xf32>,
      %get3A_266 = vector.shape_cast %get3A_265 : vector<1x16xf32> to vector<16xf32>
      %add3A_267 = arith.addf %mul3A_262, %get3A_266 : vector<16xf32>
      %swap3A_268 = arith.constant 0 : i32
      %swap3A_269 = arith.index_cast %swap3A_268 : i32 to index
      %swap3A_270 = arith.index_cast %add3A_234 : i32 to index
      %swap3A_271 = arith.constant 16 : index
      %swap3A_272 = tpu.vector_load %arg7[%swap3A_269, %swap3A_270, %swap3A_271] {strides = array<i32>} : memref<3x400x64xf32, #tpu.memory_space<vmem>>, vector<1x1x16xf32>,
      %swap3A_273 = vector.shape_cast %swap3A_272 : vector<1x1x16xf32> to vector<16xf32>
      %swap3A_274 = vector.shape_cast %add3A_267 : vector<16xf32> to vector<1x1x16xf32>
      tpu.vector_store %arg7[%swap3A_269, %swap3A_270, %swap3A_271], %swap3A_274 {strides = array<i32>} : memref<3x400x64xf32, #tpu.memory_space<vmem>>, vector<1x1x16xf32>,
      %get3A_275 = arith.constant 0 : i32
      %get3A_276 = arith.index_cast %get3A_275 : i32 to index
      %get3A_277 = arith.index_cast %add3A_234 : i32 to index
      %get3A_278 = arith.constant 32 : index
      %get3A_279 = tpu.vector_load %arg7[%get3A_276, %get3A_277, %get3A_278] {strides = array<i32>} : memref<3x400x64xf32, #tpu.memory_space<vmem>>, vector<1x1x16xf32>,
      %get3A_280 = vector.shape_cast %get3A_279 : vector<1x1x16xf32> to vector<16xf32>
      %mul3A_281 = arith.constant 8.000000e+00 : f32
      %mul3A_282 = vector.broadcast %mul3A_281 : f32 to vector<16xf32>
      %mul3A_283 = arith.mulf %get3A_280, %mul3A_282 : vector<16xf32>
      %get3A_284 = arith.index_cast %add3A_234 : i32 to index
      %get3A_285 = arith.constant 32 : index
      %get3A_286 = tpu.vector_load %arg8[%get3A_284, %get3A_285] {strides = array<i32>} : memref<400x64xf32, #tpu.memory_space<vmem>>, vector<1x16xf32>,
      %get3A_287 = vector.shape_cast %get3A_286 : vector<1x16xf32> to vector<16xf32>
      %add3A_288 = arith.addf %mul3A_283, %get3A_287 : vector<16xf32>
      %swap3A_289 = arith.constant 0 : i32
      %swap3A_290 = arith.index_cast %swap3A_289 : i32 to index
      %swap3A_291 = arith.index_cast %add3A_234 : i32 to index
      %swap3A_292 = arith.constant 32 : index
      %swap3A_293 = tpu.vector_load %arg7[%swap3A_290, %swap3A_291, %swap3A_292] {strides = array<i32>} : memref<3x400x64xf32, #tpu.memory_space<vmem>>, vector<1x1x16xf32>,
      %swap3A_294 = vector.shape_cast %swap3A_293 : vector<1x1x16xf32> to vector<16xf32>
      %swap3A_295 = vector.shape_cast %add3A_288 : vector<16xf32> to vector<1x1x16xf32>
      tpu.vector_store %arg7[%swap3A_290, %swap3A_291, %swap3A_292], %swap3A_295 {strides = array<i32>} : memref<3x400x64xf32, #tpu.memory_space<vmem>>, vector<1x1x16xf32>,
      %get3A_296 = arith.constant 0 : i32
      %get3A_297 = arith.index_cast %get3A_296 : i32 to index
      %get3A_298 = arith.index_cast %add3A_234 : i32 to index
      %get3A_299 = arith.constant 48 : index
      %get3A_300 = tpu.vector_load %arg7[%get3A_297, %get3A_298, %get3A_299] {strides = array<i32>} : memref<3x400x64xf32, #tpu.memory_space<vmem>>, vector<1x1x16xf32>,
      %get3A_301 = vector.shape_cast %get3A_300 : vector<1x1x16xf32> to vector<16xf32>
      %mul3A_302 = arith.constant 8.000000e+00 : f32
      %mul3A_303 = vector.broadcast %mul3A_302 : f32 to vector<16xf32>
      %mul3A_304 = arith.mulf %get3A_301, %mul3A_303 : vector<16xf32>
      %get3A_305 = arith.index_cast %add3A_234 : i32 to index
      %get3A_306 = arith.constant 48 : index
      %get3A_307 = tpu.vector_load %arg8[%get3A_305, %get3A_306] {strides = array<i32>} : memref<400x64xf32, #tpu.memory_space<vmem>>, vector<1x16xf32>,
      %get3A_308 = vector.shape_cast %get3A_307 : vector<1x16xf32> to vector<16xf32>
      %add3A_309 = arith.addf %mul3A_304, %get3A_308 : vector<16xf32>
      %swap3A_310 = arith.constant 0 : i32
      %swap3A_311 = arith.index_cast %swap3A_310 : i32 to index
      %swap3A_312 = arith.index_cast %add3A_234 : i32 to index
      %swap3A_313 = arith.constant 48 : index
      %swap3A_314 = tpu.vector_load %arg7[%swap3A_311, %swap3A_312, %swap3A_313] {strides = array<i32>} : memref<3x400x64xf32, #tpu.memory_space<vmem>>, vector<1x1x16xf32>,
      %swap3A_315 = vector.shape_cast %swap3A_314 : vector<1x1x16xf32> to vector<16xf32>
      %swap3A_316 = vector.shape_cast %add3A_309 : vector<16xf32> to vector<1x1x16xf32>
      tpu.vector_store %arg7[%swap3A_311, %swap3A_312, %swap3A_313], %swap3A_316 {strides = array<i32>} : memref<3x400x64xf32, #tpu.memory_space<vmem>>, vector<1x1x16xf32>,
      %mul3A_317 = arith.constant 4 : i32
      %mul3A_318 = arith.muli %scan3A_230, %mul3A_317 : i32
      %add3A_319 = arith.constant 1 : i32
      %add3A_320 = arith.addi %mul3A_318, %add3A_319 : i32
      %get3A_321 = arith.constant 0 : i32
      %get3A_322 = arith.index_cast %get3A_321 : i32 to index
      %get3A_323 = arith.index_cast %add3A_320 : i32 to index
      %get3A_324 = arith.constant 0 : index
      %get3A_325 = tpu.vector_load %arg7[%get3A_322, %get3A_323, %get3A_324] {strides = array<i32>} : memref<3x400x64xf32, #tpu.memory_space<vmem>>, vector<1x1x16xf32>,
      %get3A_326 = vector.shape_cast %get3A_325 : vector<1x1x16xf32> to vector<16xf32>
      %mul3A_327 = arith.constant 8.000000e+00 : f32
      %mul3A_328 = vector.broadcast %mul3A_327 : f32 to vector<16xf32>
      %mul3A_329 = arith.mulf %get3A_326, %mul3A_328 : vector<16xf32>
      %get3A_330 = arith.index_cast %add3A_320 : i32 to index
      %get3A_331 = arith.constant 0 : index
      %get3A_332 = tpu.vector_load %arg8[%get3A_330, %get3A_331] {strides = array<i32>} : memref<400x64xf32, #tpu.memory_space<vmem>>, vector<1x16xf32>,
      %get3A_333 = vector.shape_cast %get3A_332 : vector<1x16xf32> to vector<16xf32>
      %add3A_334 = arith.addf %mul3A_329, %get3A_333 : vector<16xf32>
      %swap3A_335 = arith.constant 0 : i32
      %swap3A_336 = arith.index_cast %swap3A_335 : i32 to index
      %swap3A_337 = arith.index_cast %add3A_320 : i32 to index
      %swap3A_338 = arith.constant 0 : index
      %swap3A_339 = tpu.vector_load %arg7[%swap3A_336, %swap3A_337, %swap3A_338] {strides = array<i32>} : memref<3x400x64xf32, #tpu.memory_space<vmem>>, vector<1x1x16xf32>,
      %swap3A_340 = vector.shape_cast %swap3A_339 : vector<1x1x16xf32> to vector<16xf32>
      %swap3A_341 = vector.shape_cast %add3A_334 : vector<16xf32> to vector<1x1x16xf32>
      tpu.vector_store %arg7[%swap3A_336, %swap3A_337, %swap3A_338], %swap3A_341 {strides = array<i32>} : memref<3x400x64xf32, #tpu.memory_space<vmem>>, vector<1x1x16xf32>,
      %get3A_342 = arith.constant 0 : i32
      %get3A_343 = arith.index_cast %get3A_342 : i32 to index
      %get3A_344 = arith.index_cast %add3A_320 : i32 to index
      %get3A_345 = arith.constant 16 : index
      %get3A_346 = tpu.vector_load %arg7[%get3A_343, %get3A_344, %get3A_345] {strides = array<i32>} : memref<3x400x64xf32, #tpu.memory_space<vmem>>, vector<1x1x16xf32>,
      %get3A_347 = vector.shape_cast %get3A_346 : vector<1x1x16xf32> to vector<16xf32>
      %mul3A_348 = arith.constant 8.000000e+00 : f32
      %mul3A_349 = vector.broadcast %mul3A_348 : f32 to vector<16xf32>
      %mul3A_350 = arith.mulf %get3A_347, %mul3A_349 : vector<16xf32>
      %get3A_351 = arith.index_cast %add3A_320 : i32 to index
      %get3A_352 = arith.constant 16 : index
      %get3A_353 = tpu.vector_load %arg8[%get3A_351, %get3A_352] {strides = array<i32>} : memref<400x64xf32, #tpu.memory_space<vmem>>, vector<1x16xf32>,
      %get3A_354 = vector.shape_cast %get3A_353 : vector<1x16xf32> to vector<16xf32>
      %add3A_355 = arith.addf %mul3A_350, %get3A_354 : vector<16xf32>
      %swap3A_356 = arith.constant 0 : i32
      %swap3A_357 = arith.index_cast %swap3A_356 : i32 to index
      %swap3A_358 = arith.index_cast %add3A_320 : i32 to index
      %swap3A_359 = arith.constant 16 : index
      %swap3A_360 = tpu.vector_load %arg7[%swap3A_357, %swap3A_358, %swap3A_359] {strides = array<i32>} : memref<3x400x64xf32, #tpu.memory_space<vmem>>, vector<1x1x16xf32>,
      %swap3A_361 = vector.shape_cast %swap3A_360 : vector<1x1x16xf32> to vector<16xf32>
      %swap3A_362 = vector.shape_cast %add3A_355 : vector<16xf32> to vector<1x1x16xf32>
      tpu.vector_store %arg7[%swap3A_357, %swap3A_358, %swap3A_359], %swap3A_362 {strides = array<i32>} : memref<3x400x64xf32, #tpu.memory_space<vmem>>, vector<1x1x16xf32>,
      %get3A_363 = arith.constant 0 : i32
      %get3A_364 = arith.index_cast %get3A_363 : i32 to index
      %get3A_365 = arith.index_cast %add3A_320 : i32 to index
      %get3A_366 = arith.constant 32 : index
      %get3A_367 = tpu.vector_load %arg7[%get3A_364, %get3A_365, %get3A_366] {strides = array<i32>} : memref<3x400x64xf32, #tpu.memory_space<vmem>>, vector<1x1x16xf32>,
      %get3A_368 = vector.shape_cast %get3A_367 : vector<1x1x16xf32> to vector<16xf32>
      %mul3A_369 = arith.constant 8.000000e+00 : f32
      %mul3A_370 = vector.broadcast %mul3A_369 : f32 to vector<16xf32>
      %mul3A_371 = arith.mulf %get3A_368, %mul3A_370 : vector<16xf32>
      %get3A_372 = arith.index_cast %add3A_320 : i32 to index
      %get3A_373 = arith.constant 32 : index
      %get3A_374 = tpu.vector_load %arg8[%get3A_372, %get3A_373] {strides = array<i32>} : memref<400x64xf32, #tpu.memory_space<vmem>>, vector<1x16xf32>,
      %get3A_375 = vector.shape_cast %get3A_374 : vector<1x16xf32> to vector<16xf32>
      %add3A_376 = arith.addf %mul3A_371, %get3A_375 : vector<16xf32>
      %swap3A_377 = arith.constant 0 : i32
      %swap3A_378 = arith.index_cast %swap3A_377 : i32 to index
      %swap3A_379 = arith.index_cast %add3A_320 : i32 to index
      %swap3A_380 = arith.constant 32 : index
      %swap3A_381 = tpu.vector_load %arg7[%swap3A_378, %swap3A_379, %swap3A_380] {strides = array<i32>} : memref<3x400x64xf32, #tpu.memory_space<vmem>>, vector<1x1x16xf32>,
      %swap3A_382 = vector.shape_cast %swap3A_381 : vector<1x1x16xf32> to vector<16xf32>
      %swap3A_383 = vector.shape_cast %add3A_376 : vector<16xf32> to vector<1x1x16xf32>
      tpu.vector_store %arg7[%swap3A_378, %swap3A_379, %swap3A_380], %swap3A_383 {strides = array<i32>} : memref<3x400x64xf32, #tpu.memory_space<vmem>>, vector<1x1x16xf32>,
      %get3A_384 = arith.constant 0 : i32
      %get3A_385 = arith.index_cast %get3A_384 : i32 to index
      %get3A_386 = arith.index_cast %add3A_320 : i32 to index
      %get3A_387 = arith.constant 48 : index
      %get3A_388 = tpu.vector_load %arg7[%get3A_385, %get3A_386, %get3A_387] {strides = array<i32>} : memref<3x400x64xf32, #tpu.memory_space<vmem>>, vector<1x1x16xf32>,
      %get3A_389 = vector.shape_cast %get3A_388 : vector<1x1x16xf32> to vector<16xf32>
      %mul3A_390 = arith.constant 8.000000e+00 : f32
      %mul3A_391 = vector.broadcast %mul3A_390 : f32 to vector<16xf32>
      %mul3A_392 = arith.mulf %get3A_389, %mul3A_391 : vector<16xf32>
      %get3A_393 = arith.index_cast %add3A_320 : i32 to index
      %get3A_394 = arith.constant 48 : index
      %get3A_395 = tpu.vector_load %arg8[%get3A_393, %get3A_394] {strides = array<i32>} : memref<400x64xf32, #tpu.memory_space<vmem>>, vector<1x16xf32>,
      %get3A_396 = vector.shape_cast %get3A_395 : vector<1x16xf32> to vector<16xf32>
      %add3A_397 = arith.addf %mul3A_392, %get3A_396 : vector<16xf32>
      %swap3A_398 = arith.constant 0 : i32
      %swap3A_399 = arith.index_cast %swap3A_398 : i32 to index
      %swap3A_400 = arith.index_cast %add3A_320 : i32 to index
      %swap3A_401 = arith.constant 48 : index
      %swap3A_402 = tpu.vector_load %arg7[%swap3A_399, %swap3A_400, %swap3A_401] {strides = array<i32>} : memref<3x400x64xf32, #tpu.memory_space<vmem>>, vector<1x1x16xf32>,
      %swap3A_403 = vector.shape_cast %swap3A_402 : vector<1x1x16xf32> to vector<16xf32>
      %swap3A_404 = vector.shape_cast %add3A_397 : vector<16xf32> to vector<1x1x16xf32>
      tpu.vector_store %arg7[%swap3A_399, %swap3A_400, %swap3A_401], %swap3A_404 {strides = array<i32>} : memref<3x400x64xf32, #tpu.memory_space<vmem>>, vector<1x1x16xf32>,
      %mul3A_405 = arith.constant 4 : i32
      %mul3A_406 = arith.muli %scan3A_230, %mul3A_405 : i32
      %add3A_407 = arith.constant 2 : i32
      %add3A_408 = arith.addi %mul3A_406, %add3A_407 : i32
      %get3A_409 = arith.constant 0 : i32
      %get3A_410 = arith.index_cast %get3A_409 : i32 to index
      %get3A_411 = arith.index_cast %add3A_408 : i32 to index
      %get3A_412 = arith.constant 0 : index
      %get3A_413 = tpu.vector_load %arg7[%get3A_410, %get3A_411, %get3A_412] {strides = array<i32>} : memref<3x400x64xf32, #tpu.memory_space<vmem>>, vector<1x1x16xf32>,
      %get3A_414 = vector.shape_cast %get3A_413 : vector<1x1x16xf32> to vector<16xf32>
      %mul3A_415 = arith.constant 8.000000e+00 : f32
      %mul3A_416 = vector.broadcast %mul3A_415 : f32 to vector<16xf32>
      %mul3A_417 = arith.mulf %get3A_414, %mul3A_416 : vector<16xf32>
      %get3A_418 = arith.index_cast %add3A_408 : i32 to index
      %get3A_419 = arith.constant 0 : index
      %get3A_420 = tpu.vector_load %arg8[%get3A_418, %get3A_419] {strides = array<i32>} : memref<400x64xf32, #tpu.memory_space<vmem>>, vector<1x16xf32>,
      %get3A_421 = vector.shape_cast %get3A_420 : vector<1x16xf32> to vector<16xf32>
      %add3A_422 = arith.addf %mul3A_417, %get3A_421 : vector<16xf32>
      %swap3A_423 = arith.constant 0 : i32
      %swap3A_424 = arith.index_cast %swap3A_423 : i32 to index
      %swap3A_425 = arith.index_cast %add3A_408 : i32 to index
      %swap3A_426 = arith.constant 0 : index
      %swap3A_427 = tpu.vector_load %arg7[%swap3A_424, %swap3A_425, %swap3A_426] {strides = array<i32>} : memref<3x400x64xf32, #tpu.memory_space<vmem>>, vector<1x1x16xf32>,
      %swap3A_428 = vector.shape_cast %swap3A_427 : vector<1x1x16xf32> to vector<16xf32>
      %swap3A_429 = vector.shape_cast %add3A_422 : vector<16xf32> to vector<1x1x16xf32>
      tpu.vector_store %arg7[%swap3A_424, %swap3A_425, %swap3A_426], %swap3A_429 {strides = array<i32>} : memref<3x400x64xf32, #tpu.memory_space<vmem>>, vector<1x1x16xf32>,
      %get3A_430 = arith.constant 0 : i32
      %get3A_431 = arith.index_cast %get3A_430 : i32 to index
      %get3A_432 = arith.index_cast %add3A_408 : i32 to index
      %get3A_433 = arith.constant 16 : index
      %get3A_434 = tpu.vector_load %arg7[%get3A_431, %get3A_432, %get3A_433] {strides = array<i32>} : memref<3x400x64xf32, #tpu.memory_space<vmem>>, vector<1x1x16xf32>,
      %get3A_435 = vector.shape_cast %get3A_434 : vector<1x1x16xf32> to vector<16xf32>
      %mul3A_436 = arith.constant 8.000000e+00 : f32
      %mul3A_437 = vector.broadcast %mul3A_436 : f32 to vector<16xf32>
      %mul3A_438 = arith.mulf %get3A_435, %mul3A_437 : vector<16xf32>
      %get3A_439 = arith.index_cast %add3A_408 : i32 to index
      %get3A_440 = arith.constant 16 : index
      %get3A_441 = tpu.vector_load %arg8[%get3A_439, %get3A_440] {strides = array<i32>} : memref<400x64xf32, #tpu.memory_space<vmem>>, vector<1x16xf32>,
      %get3A_442 = vector.shape_cast %get3A_441 : vector<1x16xf32> to vector<16xf32>
      %add3A_443 = arith.addf %mul3A_438, %get3A_442 : vector<16xf32>
      %swap3A_444 = arith.constant 0 : i32
      %swap3A_445 = arith.index_cast %swap3A_444 : i32 to index
      %swap3A_446 = arith.index_cast %add3A_408 : i32 to index
      %swap3A_447 = arith.constant 16 : index
      %swap3A_448 = tpu.vector_load %arg7[%swap3A_445, %swap3A_446, %swap3A_447] {strides = array<i32>} : memref<3x400x64xf32, #tpu.memory_space<vmem>>, vector<1x1x16xf32>,
      %swap3A_449 = vector.shape_cast %swap3A_448 : vector<1x1x16xf32> to vector<16xf32>
      %swap3A_450 = vector.shape_cast %add3A_443 : vector<16xf32> to vector<1x1x16xf32>
      tpu.vector_store %arg7[%swap3A_445, %swap3A_446, %swap3A_447], %swap3A_450 {strides = array<i32>} : memref<3x400x64xf32, #tpu.memory_space<vmem>>, vector<1x1x16xf32>,
      %get3A_451 = arith.constant 0 : i32
      %get3A_452 = arith.index_cast %get3A_451 : i32 to index
      %get3A_453 = arith.index_cast %add3A_408 : i32 to index
      %get3A_454 = arith.constant 32 : index
      %get3A_455 = tpu.vector_load %arg7[%get3A_452, %get3A_453, %get3A_454] {strides = array<i32>} : memref<3x400x64xf32, #tpu.memory_space<vmem>>, vector<1x1x16xf32>,
      %get3A_456 = vector.shape_cast %get3A_455 : vector<1x1x16xf32> to vector<16xf32>
      %mul3A_457 = arith.constant 8.000000e+00 : f32
      %mul3A_458 = vector.broadcast %mul3A_457 : f32 to vector<16xf32>
      %mul3A_459 = arith.mulf %get3A_456, %mul3A_458 : vector<16xf32>
      %get3A_460 = arith.index_cast %add3A_408 : i32 to index
      %get3A_461 = arith.constant 32 : index
      %get3A_462 = tpu.vector_load %arg8[%get3A_460, %get3A_461] {strides = array<i32>} : memref<400x64xf32, #tpu.memory_space<vmem>>, vector<1x16xf32>,
      %get3A_463 = vector.shape_cast %get3A_462 : vector<1x16xf32> to vector<16xf32>
      %add3A_464 = arith.addf %mul3A_459, %get3A_463 : vector<16xf32>
      %swap3A_465 = arith.constant 0 : i32
      %swap3A_466 = arith.index_cast %swap3A_465 : i32 to index
      %swap3A_467 = arith.index_cast %add3A_408 : i32 to index
      %swap3A_468 = arith.constant 32 : index
      %swap3A_469 = tpu.vector_load %arg7[%swap3A_466, %swap3A_467, %swap3A_468] {strides = array<i32>} : memref<3x400x64xf32, #tpu.memory_space<vmem>>, vector<1x1x16xf32>,
      %swap3A_470 = vector.shape_cast %swap3A_469 : vector<1x1x16xf32> to vector<16xf32>
      %swap3A_471 = vector.shape_cast %add3A_464 : vector<16xf32> to vector<1x1x16xf32>
      tpu.vector_store %arg7[%swap3A_466, %swap3A_467, %swap3A_468], %swap3A_471 {strides = array<i32>} : memref<3x400x64xf32, #tpu.memory_space<vmem>>, vector<1x1x16xf32>,
      %get3A_472 = arith.constant 0 : i32
      %get3A_473 = arith.index_cast %get3A_472 : i32 to index
      %get3A_474 = arith.index_cast %add3A_408 : i32 to index
      %get3A_475 = arith.constant 48 : index
      %get3A_476 = tpu.vector_load %arg7[%get3A_473, %get3A_474, %get3A_475] {strides = array<i32>} : memref<3x400x64xf32, #tpu.memory_space<vmem>>, vector<1x1x16xf32>,
      %get3A_477 = vector.shape_cast %get3A_476 : vector<1x1x16xf32> to vector<16xf32>
      %mul3A_478 = arith.constant 8.000000e+00 : f32
      %mul3A_479 = vector.broadcast %mul3A_478 : f32 to vector<16xf32>
      %mul3A_480 = arith.mulf %get3A_477, %mul3A_479 : vector<16xf32>
      %get3A_481 = arith.index_cast %add3A_408 : i32 to index
      %get3A_482 = arith.constant 48 : index
      %get3A_483 = tpu.vector_load %arg8[%get3A_481, %get3A_482] {strides = array<i32>} : memref<400x64xf32, #tpu.memory_space<vmem>>, vector<1x16xf32>,
      %get3A_484 = vector.shape_cast %get3A_483 : vector<1x16xf32> to vector<16xf32>
      %add3A_485 = arith.addf %mul3A_480, %get3A_484 : vector<16xf32>
      %swap3A_486 = arith.constant 0 : i32
      %swap3A_487 = arith.index_cast %swap3A_486 : i32 to index
      %swap3A_488 = arith.index_cast %add3A_408 : i32 to index
      %swap3A_489 = arith.constant 48 : index
      %swap3A_490 = tpu.vector_load %arg7[%swap3A_487, %swap3A_488, %swap3A_489] {strides = array<i32>} : memref<3x400x64xf32, #tpu.memory_space<vmem>>, vector<1x1x16xf32>,
      %swap3A_491 = vector.shape_cast %swap3A_490 : vector<1x1x16xf32> to vector<16xf32>
      %swap3A_492 = vector.shape_cast %add3A_485 : vector<16xf32> to vector<1x1x16xf32>
      tpu.vector_store %arg7[%swap3A_487, %swap3A_488, %swap3A_489], %swap3A_492 {strides = array<i32>} : memref<3x400x64xf32, #tpu.memory_space<vmem>>, vector<1x1x16xf32>,
      %mul3A_493 = arith.constant 4 : i32
      %mul3A_494 = arith.muli %scan3A_230, %mul3A_493 : i32
      %add3A_495 = arith.constant 3 : i32
      %add3A_496 = arith.addi %mul3A_494, %add3A_495 : i32
      %get3A_497 = arith.constant 0 : i32
      %get3A_498 = arith.index_cast %get3A_497 : i32 to index
      %get3A_499 = arith.index_cast %add3A_496 : i32 to index
      %get3A_500 = arith.constant 0 : index
      %get3A_501 = tpu.vector_load %arg7[%get3A_498, %get3A_499, %get3A_500] {strides = array<i32>} : memref<3x400x64xf32, #tpu.memory_space<vmem>>, vector<1x1x16xf32>,
      %get3A_502 = vector.shape_cast %get3A_501 : vector<1x1x16xf32> to vector<16xf32>
      %mul3A_503 = arith.constant 8.000000e+00 : f32
      %mul3A_504 = vector.broadcast %mul3A_503 : f32 to vector<16xf32>
      %mul3A_505 = arith.mulf %get3A_502, %mul3A_504 : vector<16xf32>
      %get3A_506 = arith.index_cast %add3A_496 : i32 to index
      %get3A_507 = arith.constant 0 : index
      %get3A_508 = tpu.vector_load %arg8[%get3A_506, %get3A_507] {strides = array<i32>} : memref<400x64xf32, #tpu.memory_space<vmem>>, vector<1x16xf32>,
      %get3A_509 = vector.shape_cast %get3A_508 : vector<1x16xf32> to vector<16xf32>
      %add3A_510 = arith.addf %mul3A_505, %get3A_509 : vector<16xf32>
      %swap3A_511 = arith.constant 0 : i32
      %swap3A_512 = arith.index_cast %swap3A_511 : i32 to index
      %swap3A_513 = arith.index_cast %add3A_496 : i32 to index
      %swap3A_514 = arith.constant 0 : index
      %swap3A_515 = tpu.vector_load %arg7[%swap3A_512, %swap3A_513, %swap3A_514] {strides = array<i32>} : memref<3x400x64xf32, #tpu.memory_space<vmem>>, vector<1x1x16xf32>,
      %swap3A_516 = vector.shape_cast %swap3A_515 : vector<1x1x16xf32> to vector<16xf32>
      %swap3A_517 = vector.shape_cast %add3A_510 : vector<16xf32> to vector<1x1x16xf32>
      tpu.vector_store %arg7[%swap3A_512, %swap3A_513, %swap3A_514], %swap3A_517 {strides = array<i32>} : memref<3x400x64xf32, #tpu.memory_space<vmem>>, vector<1x1x16xf32>,
      %get3A_518 = arith.constant 0 : i32
      %get3A_519 = arith.index_cast %get3A_518 : i32 to index
      %get3A_520 = arith.index_cast %add3A_496 : i32 to index
      %get3A_521 = arith.constant 16 : index
      %get3A_522 = tpu.vector_load %arg7[%get3A_519, %get3A_520, %get3A_521] {strides = array<i32>} : memref<3x400x64xf32, #tpu.memory_space<vmem>>, vector<1x1x16xf32>,
      %get3A_523 = vector.shape_cast %get3A_522 : vector<1x1x16xf32> to vector<16xf32>
      %mul3A_524 = arith.constant 8.000000e+00 : f32
      %mul3A_525 = vector.broadcast %mul3A_524 : f32 to vector<16xf32>
      %mul3A_526 = arith.mulf %get3A_523, %mul3A_525 : vector<16xf32>
      %get3A_527 = arith.index_cast %add3A_496 : i32 to index
      %get3A_528 = arith.constant 16 : index
      %get3A_529 = tpu.vector_load %arg8[%get3A_527, %get3A_528] {strides = array<i32>} : memref<400x64xf32, #tpu.memory_space<vmem>>, vector<1x16xf32>,
      %get3A_530 = vector.shape_cast %get3A_529 : vector<1x16xf32> to vector<16xf32>
      %add3A_531 = arith.addf %mul3A_526, %get3A_530 : vector<16xf32>
      %swap3A_532 = arith.constant 0 : i32
      %swap3A_533 = arith.index_cast %swap3A_532 : i32 to index
      %swap3A_534 = arith.index_cast %add3A_496 : i32 to index
      %swap3A_535 = arith.constant 16 : index
      %swap3A_536 = tpu.vector_load %arg7[%swap3A_533, %swap3A_534, %swap3A_535] {strides = array<i32>} : memref<3x400x64xf32, #tpu.memory_space<vmem>>, vector<1x1x16xf32>,
      %swap3A_537 = vector.shape_cast %swap3A_536 : vector<1x1x16xf32> to vector<16xf32>
      %swap3A_538 = vector.shape_cast %add3A_531 : vector<16xf32> to vector<1x1x16xf32>
      tpu.vector_store %arg7[%swap3A_533, %swap3A_534, %swap3A_535], %swap3A_538 {strides = array<i32>} : memref<3x400x64xf32, #tpu.memory_space<vmem>>, vector<1x1x16xf32>,
      %get3A_539 = arith.constant 0 : i32
      %get3A_540 = arith.index_cast %get3A_539 : i32 to index
      %get3A_541 = arith.index_cast %add3A_496 : i32 to index
      %get3A_542 = arith.constant 32 : index
      %get3A_543 = tpu.vector_load %arg7[%get3A_540, %get3A_541, %get3A_542] {strides = array<i32>} : memref<3x400x64xf32, #tpu.memory_space<vmem>>, vector<1x1x16xf32>,
      %get3A_544 = vector.shape_cast %get3A_543 : vector<1x1x16xf32> to vector<16xf32>
      %mul3A_545 = arith.constant 8.000000e+00 : f32
      %mul3A_546 = vector.broadcast %mul3A_545 : f32 to vector<16xf32>
      %mul3A_547 = arith.mulf %get3A_544, %mul3A_546 : vector<16xf32>
      %get3A_548 = arith.index_cast %add3A_496 : i32 to index
      %get3A_549 = arith.constant 32 : index
      %get3A_550 = tpu.vector_load %arg8[%get3A_548, %get3A_549] {strides = array<i32>} : memref<400x64xf32, #tpu.memory_space<vmem>>, vector<1x16xf32>,
      %get3A_551 = vector.shape_cast %get3A_550 : vector<1x16xf32> to vector<16xf32>
      %add3A_552 = arith.addf %mul3A_547, %get3A_551 : vector<16xf32>
      %swap3A_553 = arith.constant 0 : i32
      %swap3A_554 = arith.index_cast %swap3A_553 : i32 to index
      %swap3A_555 = arith.index_cast %add3A_496 : i32 to index
      %swap3A_556 = arith.constant 32 : index
      %swap3A_557 = tpu.vector_load %arg7[%swap3A_554, %swap3A_555, %swap3A_556] {strides = array<i32>} : memref<3x400x64xf32, #tpu.memory_space<vmem>>, vector<1x1x16xf32>,
      %swap3A_558 = vector.shape_cast %swap3A_557 : vector<1x1x16xf32> to vector<16xf32>
      %swap3A_559 = vector.shape_cast %add3A_552 : vector<16xf32> to vector<1x1x16xf32>
      tpu.vector_store %arg7[%swap3A_554, %swap3A_555, %swap3A_556], %swap3A_559 {strides = array<i32>} : memref<3x400x64xf32, #tpu.memory_space<vmem>>, vector<1x1x16xf32>,
      %get3A_560 = arith.constant 0 : i32
      %get3A_561 = arith.index_cast %get3A_560 : i32 to index
      %get3A_562 = arith.index_cast %add3A_496 : i32 to index
      %get3A_563 = arith.constant 48 : index
      %get3A_564 = tpu.vector_load %arg7[%get3A_561, %get3A_562, %get3A_563] {strides = array<i32>} : memref<3x400x64xf32, #tpu.memory_space<vmem>>, vector<1x1x16xf32>,
      %get3A_565 = vector.shape_cast %get3A_564 : vector<1x1x16xf32> to vector<16xf32>
      %mul3A_566 = arith.constant 8.000000e+00 : f32
      %mul3A_567 = vector.broadcast %mul3A_566 : f32 to vector<16xf32>
      %mul3A_568 = arith.mulf %get3A_565, %mul3A_567 : vector<16xf32>
      %get3A_569 = arith.index_cast %add3A_496 : i32 to index
      %get3A_570 = arith.constant 48 : index
      %get3A_571 = tpu.vector_load %arg8[%get3A_569, %get3A_570] {strides = array<i32>} : memref<400x64xf32, #tpu.memory_space<vmem>>, vector<1x16xf32>,
      %get3A_572 = vector.shape_cast %get3A_571 : vector<1x16xf32> to vector<16xf32>
      %add3A_573 = arith.addf %mul3A_568, %get3A_572 : vector<16xf32>
      %swap3A_574 = arith.constant 0 : i32
      %swap3A_575 = arith.index_cast %swap3A_574 : i32 to index
      %swap3A_576 = arith.index_cast %add3A_496 : i32 to index
      %swap3A_577 = arith.constant 48 : index
      %swap3A_578 = tpu.vector_load %arg7[%swap3A_575, %swap3A_576, %swap3A_577] {strides = array<i32>} : memref<3x400x64xf32, #tpu.memory_space<vmem>>, vector<1x1x16xf32>,
      %swap3A_579 = vector.shape_cast %swap3A_578 : vector<1x1x16xf32> to vector<16xf32>
      %swap3A_580 = vector.shape_cast %add3A_573 : vector<16xf32> to vector<1x1x16xf32>
      tpu.vector_store %arg7[%swap3A_575, %swap3A_576, %swap3A_577], %swap3A_580 {strides = array<i32>} : memref<3x400x64xf32, #tpu.memory_space<vmem>>, vector<1x1x16xf32>,
    }
    %scan3A_35 = arith.constant 100 : i32
    %add3A_36 = arith.constant 0 : i32
    %add3A_37 = arith.addi %mul3A_2, %add3A_36 : i32
    %dma_start3A_38 = arith.constant 0 : i32
    %dma_start3A_39 = arith.constant 0 : i32
    %dma_start3A_40 = arith.constant 0 : i32
    %dma_start3A_41 = tpu.memref_slice %arg7[%dma_start3A_38, %dma_start3A_39, %dma_start3A_40] : memref<3x400x64xf32, #tpu.memory_space<vmem>> -> memref<1x400x64xf32, #tpu.memory_space<vmem>>
    %dma_start3A_42 = tpu.memref_squeeze %dma_start3A_41 : memref<1x400x64xf32, #tpu.memory_space<vmem>> -> memref<400x64xf32, #tpu.memory_space<vmem>>
    %dma_start3A_43 = arith.constant 0 : i32
    %dma_start3A_44 = tpu.memref_slice %arg5[%add3A_37, %dma_start3A_43] : memref<819200x64xf32, #tpu.memory_space<hbm>> -> memref<400x64xf32, #tpu.memory_space<hbm>>
    %dma_start3A_45 = arith.constant 0 : i32
    %dma_start3A_46 = tpu.memref_slice %arg5[%add3A_37, %dma_start3A_45] : memref<819200x64xf32, #tpu.memory_space<hbm>> -> memref<400x64xf32, #tpu.memory_space<hbm>>
    %dma_start3A_47 = arith.constant 0 : i32
    %dma_start3A_48 = arith.constant 0 : i32
    %dma_start3A_49 = tpu.memref_slice %arg7[%dma_start3A_38, %dma_start3A_47, %dma_start3A_48] : memref<3x400x64xf32, #tpu.memory_space<vmem>> -> memref<1x400x64xf32, #tpu.memory_space<vmem>>
    %dma_start3A_50 = tpu.memref_squeeze %dma_start3A_49 : memref<1x400x64xf32, #tpu.memory_space<vmem>> -> memref<400x64xf32, #tpu.memory_space<vmem>>
    tpu.enqueue_dma source(%dma_start3A_50 : memref<400x64xf32, #tpu.memory_space<vmem>>) target(%dma_start3A_46 : memref<400x64xf32, #tpu.memory_space<hbm>>) target_semaphore(%arg12 : memref<!tpu.dma_semaphore, #tpu.memory_space<semaphore_mem>>)
    %dma_start3A_51 = arith.constant 2 : i32
    %dma_start3A_52 = arith.constant 0 : i32
    %dma_start3A_53 = arith.constant 0 : i32
    %dma_start3A_54 = tpu.memref_slice %arg7[%dma_start3A_51, %dma_start3A_52, %dma_start3A_53] : memref<3x400x64xf32, #tpu.memory_space<vmem>> -> memref<1x400x64xf32, #tpu.memory_space<vmem>>
    %dma_start3A_55 = tpu.memref_squeeze %dma_start3A_54 : memref<1x400x64xf32, #tpu.memory_space<vmem>> -> memref<400x64xf32, #tpu.memory_space<vmem>>
    %dma_start3A_56 = arith.constant 800 : i32
    %dma_start3A_57 = tpu.memref_slice %arg6[%dma_start3A_56] : memref<25600xi32, #tpu.memory_space<vmem>> -> memref<400xi32, #tpu.memory_space<vmem>>
    %dma_start3A_58 = arith.constant 0 : i32
    %dma_start3A_59 = arith.constant 0 : i32
    %dma_start3A_60 = tpu.memref_slice %arg3[%dma_start3A_58, %dma_start3A_59] : memref<1000000x64xf32, #tpu.memory_space<hbm>> -> memref<1000000x64xf32, #tpu.memory_space<hbm>>
    tpu.enqueue_indirect_dma source(%dma_start3A_60 : memref<1000000x64xf32, #tpu.memory_space<hbm>>) target(%dma_start3A_55 : memref<400x64xf32, #tpu.memory_space<vmem>>) offsets(%dma_start3A_57 : memref<400xi32, #tpu.memory_space<vmem>>) semaphore(%arg11 : memref<!tpu.dma_semaphore, #tpu.memory_space<semaphore_mem>>)
    %dma_wait3A_61 = arith.constant 1 : i32
    %dma_wait3A_62 = arith.constant 0 : i32
    %dma_wait3A_63 = arith.constant 0 : i32
    %dma_wait3A_64 = tpu.memref_slice %arg7[%dma_wait3A_61, %dma_wait3A_62, %dma_wait3A_63] : memref<3x400x64xf32, #tpu.memory_space<vmem>> -> memref<1x400x64xf32, #tpu.memory_space<vmem>>
    %dma_wait3A_65 = tpu.memref_squeeze %dma_wait3A_64 : memref<1x400x64xf32, #tpu.memory_space<vmem>> -> memref<400x64xf32, #tpu.memory_space<vmem>>
    %dma_wait3A_66 = arith.constant 400 : i32
    %dma_wait3A_67 = tpu.memref_slice %arg6[%dma_wait3A_66] : memref<25600xi32, #tpu.memory_space<vmem>> -> memref<400xi32, #tpu.memory_space<vmem>>
    %dma_wait3A_68 = arith.constant 0 : i32
    %dma_wait3A_69 = arith.constant 0 : i32
    %dma_wait3A_70 = tpu.memref_slice %arg3[%dma_wait3A_68, %dma_wait3A_69] : memref<1000000x64xf32, #tpu.memory_space<hbm>> -> memref<1000000x64xf32, #tpu.memory_space<hbm>>
    tpu.wait_indirect_dma semaphore(%arg10 : memref<!tpu.dma_semaphore, #tpu.memory_space<semaphore_mem>>) src(%dma_wait3A_70 : memref<1000000x64xf32, #tpu.memory_space<hbm>>) dst(%dma_wait3A_65 : memref<400x64xf32, #tpu.memory_space<vmem>>)
    %scan3A_71 = arith.constant 0 : i32
    %scan3A_72 = arith.constant 0 : i32
    %scan3A_73 = arith.constant 100 : i32
    %scan3A_74 = arith.addi %scan3A_72, %scan3A_73 : i32
    %scan3A_75 = arith.constant 1 : i32
    scf.for %scan3A_230 = %scan3A_72 to %scan3A_74 step %scan3A_75  : i32 {
      %mul3A_231 = arith.constant 4 : i32
      %mul3A_232 = arith.muli %scan3A_230, %mul3A_231 : i32
      %add3A_233 = arith.constant 0 : i32
      %add3A_234 = arith.addi %mul3A_232, %add3A_233 : i32
      %get3A = arith.constant 1 : i32
      %get3A_235 = arith.index_cast %get3A : i32 to index
      %get3A_236 = arith.index_cast %add3A_234 : i32 to index
      %get3A_237 = arith.constant 0 : index
      %get3A_238 = tpu.vector_load %arg7[%get3A_235, %get3A_236, %get3A_237] {strides = array<i32>} : memref<3x400x64xf32, #tpu.memory_space<vmem>>, vector<1x1x16xf32>,
      %get3A_239 = vector.shape_cast %get3A_238 : vector<1x1x16xf32> to vector<16xf32>
      %mul3A_240 = arith.constant 8.000000e+00 : f32
      %mul3A_241 = vector.broadcast %mul3A_240 : f32 to vector<16xf32>
      %mul3A_242 = arith.mulf %get3A_239, %mul3A_241 : vector<16xf32>
      %get3A_243 = arith.index_cast %add3A_234 : i32 to index
      %get3A_244 = arith.constant 0 : index
      %get3A_245 = tpu.vector_load %arg8[%get3A_243, %get3A_244] {strides = array<i32>} : memref<400x64xf32, #tpu.memory_space<vmem>>, vector<1x16xf32>,
      %get3A_246 = vector.shape_cast %get3A_245 : vector<1x16xf32> to vector<16xf32>
      %add3A_247 = arith.addf %mul3A_242, %get3A_246 : vector<16xf32>
      %swap3A = arith.constant 1 : i32
      %swap3A_248 = arith.index_cast %swap3A : i32 to index
      %swap3A_249 = arith.index_cast %add3A_234 : i32 to index
      %swap3A_250 = arith.constant 0 : index
      %swap3A_251 = tpu.vector_load %arg7[%swap3A_248, %swap3A_249, %swap3A_250] {strides = array<i32>} : memref<3x400x64xf32, #tpu.memory_space<vmem>>, vector<1x1x16xf32>,
      %swap3A_252 = vector.shape_cast %swap3A_251 : vector<1x1x16xf32> to vector<16xf32>
      %swap3A_253 = vector.shape_cast %add3A_247 : vector<16xf32> to vector<1x1x16xf32>
      tpu.vector_store %arg7[%swap3A_248, %swap3A_249, %swap3A_250], %swap3A_253 {strides = array<i32>} : memref<3x400x64xf32, #tpu.memory_space<vmem>>, vector<1x1x16xf32>,
      %get3A_254 = arith.constant 1 : i32
      %get3A_255 = arith.index_cast %get3A_254 : i32 to index
      %get3A_256 = arith.index_cast %add3A_234 : i32 to index
      %get3A_257 = arith.constant 16 : index
      %get3A_258 = tpu.vector_load %arg7[%get3A_255, %get3A_256, %get3A_257] {strides = array<i32>} : memref<3x400x64xf32, #tpu.memory_space<vmem>>, vector<1x1x16xf32>,
      %get3A_259 = vector.shape_cast %get3A_258 : vector<1x1x16xf32> to vector<16xf32>
      %mul3A_260 = arith.constant 8.000000e+00 : f32
      %mul3A_261 = vector.broadcast %mul3A_260 : f32 to vector<16xf32>
      %mul3A_262 = arith.mulf %get3A_259, %mul3A_261 : vector<16xf32>
      %get3A_263 = arith.index_cast %add3A_234 : i32 to index
      %get3A_264 = arith.constant 16 : index
      %get3A_265 = tpu.vector_load %arg8[%get3A_263, %get3A_264] {strides = array<i32>} : memref<400x64xf32, #tpu.memory_space<vmem>>, vector<1x16xf32>,
      %get3A_266 = vector.shape_cast %get3A_265 : vector<1x16xf32> to vector<16xf32>
      %add3A_267 = arith.addf %mul3A_262, %get3A_266 : vector<16xf32>
      %swap3A_268 = arith.constant 1 : i32
      %swap3A_269 = arith.index_cast %swap3A_268 : i32 to index
      %swap3A_270 = arith.index_cast %add3A_234 : i32 to index
      %swap3A_271 = arith.constant 16 : index
      %swap3A_272 = tpu.vector_load %arg7[%swap3A_269, %swap3A_270, %swap3A_271] {strides = array<i32>} : memref<3x400x64xf32, #tpu.memory_space<vmem>>, vector<1x1x16xf32>,
      %swap3A_273 = vector.shape_cast %swap3A_272 : vector<1x1x16xf32> to vector<16xf32>
      %swap3A_274 = vector.shape_cast %add3A_267 : vector<16xf32> to vector<1x1x16xf32>
      tpu.vector_store %arg7[%swap3A_269, %swap3A_270, %swap3A_271], %swap3A_274 {strides = array<i32>} : memref<3x400x64xf32, #tpu.memory_space<vmem>>, vector<1x1x16xf32>,
      %get3A_275 = arith.constant 1 : i32
      %get3A_276 = arith.index_cast %get3A_275 : i32 to index
      %get3A_277 = arith.index_cast %add3A_234 : i32 to index
      %get3A_278 = arith.constant 32 : index
      %get3A_279 = tpu.vector_load %arg7[%get3A_276, %get3A_277, %get3A_278] {strides = array<i32>} : memref<3x400x64xf32, #tpu.memory_space<vmem>>, vector<1x1x16xf32>,
      %get3A_280 = vector.shape_cast %get3A_279 : vector<1x1x16xf32> to vector<16xf32>
      %mul3A_281 = arith.constant 8.000000e+00 : f32
      %mul3A_282 = vector.broadcast %mul3A_281 : f32 to vector<16xf32>
      %mul3A_283 = arith.mulf %get3A_280, %mul3A_282 : vector<16xf32>
      %get3A_284 = arith.index_cast %add3A_234 : i32 to index
      %get3A_285 = arith.constant 32 : index
      %get3A_286 = tpu.vector_load %arg8[%get3A_284, %get3A_285] {strides = array<i32>} : memref<400x64xf32, #tpu.memory_space<vmem>>, vector<1x16xf32>,
      %get3A_287 = vector.shape_cast %get3A_286 : vector<1x16xf32> to vector<16xf32>
      %add3A_288 = arith.addf %mul3A_283, %get3A_287 : vector<16xf32>
      %swap3A_289 = arith.constant 1 : i32
      %swap3A_290 = arith.index_cast %swap3A_289 : i32 to index
      %swap3A_291 = arith.index_cast %add3A_234 : i32 to index
      %swap3A_292 = arith.constant 32 : index
      %swap3A_293 = tpu.vector_load %arg7[%swap3A_290, %swap3A_291, %swap3A_292] {strides = array<i32>} : memref<3x400x64xf32, #tpu.memory_space<vmem>>, vector<1x1x16xf32>,
      %swap3A_294 = vector.shape_cast %swap3A_293 : vector<1x1x16xf32> to vector<16xf32>
      %swap3A_295 = vector.shape_cast %add3A_288 : vector<16xf32> to vector<1x1x16xf32>
      tpu.vector_store %arg7[%swap3A_290, %swap3A_291, %swap3A_292], %swap3A_295 {strides = array<i32>} : memref<3x400x64xf32, #tpu.memory_space<vmem>>, vector<1x1x16xf32>,
      %get3A_296 = arith.constant 1 : i32
      %get3A_297 = arith.index_cast %get3A_296 : i32 to index
      %get3A_298 = arith.index_cast %add3A_234 : i32 to index
      %get3A_299 = arith.constant 48 : index
      %get3A_300 = tpu.vector_load %arg7[%get3A_297, %get3A_298, %get3A_299] {strides = array<i32>} : memref<3x400x64xf32, #tpu.memory_space<vmem>>, vector<1x1x16xf32>,
      %get3A_301 = vector.shape_cast %get3A_300 : vector<1x1x16xf32> to vector<16xf32>
      %mul3A_302 = arith.constant 8.000000e+00 : f32
      %mul3A_303 = vector.broadcast %mul3A_302 : f32 to vector<16xf32>
      %mul3A_304 = arith.mulf %get3A_301, %mul3A_303 : vector<16xf32>
      %get3A_305 = arith.index_cast %add3A_234 : i32 to index
      %get3A_306 = arith.constant 48 : index
      %get3A_307 = tpu.vector_load %arg8[%get3A_305, %get3A_306] {strides = array<i32>} : memref<400x64xf32, #tpu.memory_space<vmem>>, vector<1x16xf32>,
      %get3A_308 = vector.shape_cast %get3A_307 : vector<1x16xf32> to vector<16xf32>
      %add3A_309 = arith.addf %mul3A_304, %get3A_308 : vector<16xf32>
      %swap3A_310 = arith.constant 1 : i32
      %swap3A_311 = arith.index_cast %swap3A_310 : i32 to index
      %swap3A_312 = arith.index_cast %add3A_234 : i32 to index
      %swap3A_313 = arith.constant 48 : index
      %swap3A_314 = tpu.vector_load %arg7[%swap3A_311, %swap3A_312, %swap3A_313] {strides = array<i32>} : memref<3x400x64xf32, #tpu.memory_space<vmem>>, vector<1x1x16xf32>,
      %swap3A_315 = vector.shape_cast %swap3A_314 : vector<1x1x16xf32> to vector<16xf32>
      %swap3A_316 = vector.shape_cast %add3A_309 : vector<16xf32> to vector<1x1x16xf32>
      tpu.vector_store %arg7[%swap3A_311, %swap3A_312, %swap3A_313], %swap3A_316 {strides = array<i32>} : memref<3x400x64xf32, #tpu.memory_space<vmem>>, vector<1x1x16xf32>,
      %mul3A_317 = arith.constant 4 : i32
      %mul3A_318 = arith.muli %scan3A_230, %mul3A_317 : i32
      %add3A_319 = arith.constant 1 : i32
      %add3A_320 = arith.addi %mul3A_318, %add3A_319 : i32
      %get3A_321 = arith.constant 1 : i32
      %get3A_322 = arith.index_cast %get3A_321 : i32 to index
      %get3A_323 = arith.index_cast %add3A_320 : i32 to index
      %get3A_324 = arith.constant 0 : index
      %get3A_325 = tpu.vector_load %arg7[%get3A_322, %get3A_323, %get3A_324] {strides = array<i32>} : memref<3x400x64xf32, #tpu.memory_space<vmem>>, vector<1x1x16xf32>,
      %get3A_326 = vector.shape_cast %get3A_325 : vector<1x1x16xf32> to vector<16xf32>
      %mul3A_327 = arith.constant 8.000000e+00 : f32
      %mul3A_328 = vector.broadcast %mul3A_327 : f32 to vector<16xf32>
      %mul3A_329 = arith.mulf %get3A_326, %mul3A_328 : vector<16xf32>
      %get3A_330 = arith.index_cast %add3A_320 : i32 to index
      %get3A_331 = arith.constant 0 : index
      %get3A_332 = tpu.vector_load %arg8[%get3A_330, %get3A_331] {strides = array<i32>} : memref<400x64xf32, #tpu.memory_space<vmem>>, vector<1x16xf32>,
      %get3A_333 = vector.shape_cast %get3A_332 : vector<1x16xf32> to vector<16xf32>
      %add3A_334 = arith.addf %mul3A_329, %get3A_333 : vector<16xf32>
      %swap3A_335 = arith.constant 1 : i32
      %swap3A_336 = arith.index_cast %swap3A_335 : i32 to index
      %swap3A_337 = arith.index_cast %add3A_320 : i32 to index
      %swap3A_338 = arith.constant 0 : index
      %swap3A_339 = tpu.vector_load %arg7[%swap3A_336, %swap3A_337, %swap3A_338] {strides = array<i32>} : memref<3x400x64xf32, #tpu.memory_space<vmem>>, vector<1x1x16xf32>,
      %swap3A_340 = vector.shape_cast %swap3A_339 : vector<1x1x16xf32> to vector<16xf32>
      %swap3A_341 = vector.shape_cast %add3A_334 : vector<16xf32> to vector<1x1x16xf32>
      tpu.vector_store %arg7[%swap3A_336, %swap3A_337, %swap3A_338], %swap3A_341 {strides = array<i32>} : memref<3x400x64xf32, #tpu.memory_space<vmem>>, vector<1x1x16xf32>,
      %get3A_342 = arith.constant 1 : i32
      %get3A_343 = arith.index_cast %get3A_342 : i32 to index
      %get3A_344 = arith.index_cast %add3A_320 : i32 to index
      %get3A_345 = arith.constant 16 : index
      %get3A_346 = tpu.vector_load %arg7[%get3A_343, %get3A_344, %get3A_345] {strides = array<i32>} : memref<3x400x64xf32, #tpu.memory_space<vmem>>, vector<1x1x16xf32>,
      %get3A_347 = vector.shape_cast %get3A_346 : vector<1x1x16xf32> to vector<16xf32>
      %mul3A_348 = arith.constant 8.000000e+00 : f32
      %mul3A_349 = vector.broadcast %mul3A_348 : f32 to vector<16xf32>
      %mul3A_350 = arith.mulf %get3A_347, %mul3A_349 : vector<16xf32>
      %get3A_351 = arith.index_cast %add3A_320 : i32 to index
      %get3A_352 = arith.constant 16 : index
      %get3A_353 = tpu.vector_load %arg8[%get3A_351, %get3A_352] {strides = array<i32>} : memref<400x64xf32, #tpu.memory_space<vmem>>, vector<1x16xf32>,
      %get3A_354 = vector.shape_cast %get3A_353 : vector<1x16xf32> to vector<16xf32>
      %add3A_355 = arith.addf %mul3A_350, %get3A_354 : vector<16xf32>
      %swap3A_356 = arith.constant 1 : i32
      %swap3A_357 = arith.index_cast %swap3A_356 : i32 to index
      %swap3A_358 = arith.index_cast %add3A_320 : i32 to index
      %swap3A_359 = arith.constant 16 : index
      %swap3A_360 = tpu.vector_load %arg7[%swap3A_357, %swap3A_358, %swap3A_359] {strides = array<i32>} : memref<3x400x64xf32, #tpu.memory_space<vmem>>, vector<1x1x16xf32>,
      %swap3A_361 = vector.shape_cast %swap3A_360 : vector<1x1x16xf32> to vector<16xf32>
      %swap3A_362 = vector.shape_cast %add3A_355 : vector<16xf32> to vector<1x1x16xf32>
      tpu.vector_store %arg7[%swap3A_357, %swap3A_358, %swap3A_359], %swap3A_362 {strides = array<i32>} : memref<3x400x64xf32, #tpu.memory_space<vmem>>, vector<1x1x16xf32>,
      %get3A_363 = arith.constant 1 : i32
      %get3A_364 = arith.index_cast %get3A_363 : i32 to index
      %get3A_365 = arith.index_cast %add3A_320 : i32 to index
      %get3A_366 = arith.constant 32 : index
      %get3A_367 = tpu.vector_load %arg7[%get3A_364, %get3A_365, %get3A_366] {strides = array<i32>} : memref<3x400x64xf32, #tpu.memory_space<vmem>>, vector<1x1x16xf32>,
      %get3A_368 = vector.shape_cast %get3A_367 : vector<1x1x16xf32> to vector<16xf32>
      %mul3A_369 = arith.constant 8.000000e+00 : f32
      %mul3A_370 = vector.broadcast %mul3A_369 : f32 to vector<16xf32>
      %mul3A_371 = arith.mulf %get3A_368, %mul3A_370 : vector<16xf32>
      %get3A_372 = arith.index_cast %add3A_320 : i32 to index
      %get3A_373 = arith.constant 32 : index
      %get3A_374 = tpu.vector_load %arg8[%get3A_372, %get3A_373] {strides = array<i32>} : memref<400x64xf32, #tpu.memory_space<vmem>>, vector<1x16xf32>,
      %get3A_375 = vector.shape_cast %get3A_374 : vector<1x16xf32> to vector<16xf32>
      %add3A_376 = arith.addf %mul3A_371, %get3A_375 : vector<16xf32>
      %swap3A_377 = arith.constant 1 : i32
      %swap3A_378 = arith.index_cast %swap3A_377 : i32 to index
      %swap3A_379 = arith.index_cast %add3A_320 : i32 to index
      %swap3A_380 = arith.constant 32 : index
      %swap3A_381 = tpu.vector_load %arg7[%swap3A_378, %swap3A_379, %swap3A_380] {strides = array<i32>} : memref<3x400x64xf32, #tpu.memory_space<vmem>>, vector<1x1x16xf32>,
      %swap3A_382 = vector.shape_cast %swap3A_381 : vector<1x1x16xf32> to vector<16xf32>
      %swap3A_383 = vector.shape_cast %add3A_376 : vector<16xf32> to vector<1x1x16xf32>
      tpu.vector_store %arg7[%swap3A_378, %swap3A_379, %swap3A_380], %swap3A_383 {strides = array<i32>} : memref<3x400x64xf32, #tpu.memory_space<vmem>>, vector<1x1x16xf32>,
      %get3A_384 = arith.constant 1 : i32
      %get3A_385 = arith.index_cast %get3A_384 : i32 to index
      %get3A_386 = arith.index_cast %add3A_320 : i32 to index
      %get3A_387 = arith.constant 48 : index
      %get3A_388 = tpu.vector_load %arg7[%get3A_385, %get3A_386, %get3A_387] {strides = array<i32>} : memref<3x400x64xf32, #tpu.memory_space<vmem>>, vector<1x1x16xf32>,
      %get3A_389 = vector.shape_cast %get3A_388 : vector<1x1x16xf32> to vector<16xf32>
      %mul3A_390 = arith.constant 8.000000e+00 : f32
      %mul3A_391 = vector.broadcast %mul3A_390 : f32 to vector<16xf32>
      %mul3A_392 = arith.mulf %get3A_389, %mul3A_391 : vector<16xf32>
      %get3A_393 = arith.index_cast %add3A_320 : i32 to index
      %get3A_394 = arith.constant 48 : index
      %get3A_395 = tpu.vector_load %arg8[%get3A_393, %get3A_394] {strides = array<i32>} : memref<400x64xf32, #tpu.memory_space<vmem>>, vector<1x16xf32>,
      %get3A_396 = vector.shape_cast %get3A_395 : vector<1x16xf32> to vector<16xf32>
      %add3A_397 = arith.addf %mul3A_392, %get3A_396 : vector<16xf32>
      %swap3A_398 = arith.constant 1 : i32
      %swap3A_399 = arith.index_cast %swap3A_398 : i32 to index
      %swap3A_400 = arith.index_cast %add3A_320 : i32 to index
      %swap3A_401 = arith.constant 48 : index
      %swap3A_402 = tpu.vector_load %arg7[%swap3A_399, %swap3A_400, %swap3A_401] {strides = array<i32>} : memref<3x400x64xf32, #tpu.memory_space<vmem>>, vector<1x1x16xf32>,
      %swap3A_403 = vector.shape_cast %swap3A_402 : vector<1x1x16xf32> to vector<16xf32>
      %swap3A_404 = vector.shape_cast %add3A_397 : vector<16xf32> to vector<1x1x16xf32>
      tpu.vector_store %arg7[%swap3A_399, %swap3A_400, %swap3A_401], %swap3A_404 {strides = array<i32>} : memref<3x400x64xf32, #tpu.memory_space<vmem>>, vector<1x1x16xf32>,
      %mul3A_405 = arith.constant 4 : i32
      %mul3A_406 = arith.muli %scan3A_230, %mul3A_405 : i32
      %add3A_407 = arith.constant 2 : i32
      %add3A_408 = arith.addi %mul3A_406, %add3A_407 : i32
      %get3A_409 = arith.constant 1 : i32
      %get3A_410 = arith.index_cast %get3A_409 : i32 to index
      %get3A_411 = arith.index_cast %add3A_408 : i32 to index
      %get3A_412 = arith.constant 0 : index
      %get3A_413 = tpu.vector_load %arg7[%get3A_410, %get3A_411, %get3A_412] {strides = array<i32>} : memref<3x400x64xf32, #tpu.memory_space<vmem>>, vector<1x1x16xf32>,
      %get3A_414 = vector.shape_cast %get3A_413 : vector<1x1x16xf32> to vector<16xf32>
      %mul3A_415 = arith.constant 8.000000e+00 : f32
      %mul3A_416 = vector.broadcast %mul3A_415 : f32 to vector<16xf32>
      %mul3A_417 = arith.mulf %get3A_414, %mul3A_416 : vector<16xf32>
      %get3A_418 = arith.index_cast %add3A_408 : i32 to index
      %get3A_419 = arith.constant 0 : index
      %get3A_420 = tpu.vector_load %arg8[%get3A_418, %get3A_419] {strides = array<i32>} : memref<400x64xf32, #tpu.memory_space<vmem>>, vector<1x16xf32>,
      %get3A_421 = vector.shape_cast %get3A_420 : vector<1x16xf32> to vector<16xf32>
      %add3A_422 = arith.addf %mul3A_417, %get3A_421 : vector<16xf32>
      %swap3A_423 = arith.constant 1 : i32
      %swap3A_424 = arith.index_cast %swap3A_423 : i32 to index
      %swap3A_425 = arith.index_cast %add3A_408 : i32 to index
      %swap3A_426 = arith.constant 0 : index
      %swap3A_427 = tpu.vector_load %arg7[%swap3A_424, %swap3A_425, %swap3A_426] {strides = array<i32>} : memref<3x400x64xf32, #tpu.memory_space<vmem>>, vector<1x1x16xf32>,
      %swap3A_428 = vector.shape_cast %swap3A_427 : vector<1x1x16xf32> to vector<16xf32>
      %swap3A_429 = vector.shape_cast %add3A_422 : vector<16xf32> to vector<1x1x16xf32>
      tpu.vector_store %arg7[%swap3A_424, %swap3A_425, %swap3A_426], %swap3A_429 {strides = array<i32>} : memref<3x400x64xf32, #tpu.memory_space<vmem>>, vector<1x1x16xf32>,
      %get3A_430 = arith.constant 1 : i32
      %get3A_431 = arith.index_cast %get3A_430 : i32 to index
      %get3A_432 = arith.index_cast %add3A_408 : i32 to index
      %get3A_433 = arith.constant 16 : index
      %get3A_434 = tpu.vector_load %arg7[%get3A_431, %get3A_432, %get3A_433] {strides = array<i32>} : memref<3x400x64xf32, #tpu.memory_space<vmem>>, vector<1x1x16xf32>,
      %get3A_435 = vector.shape_cast %get3A_434 : vector<1x1x16xf32> to vector<16xf32>
      %mul3A_436 = arith.constant 8.000000e+00 : f32
      %mul3A_437 = vector.broadcast %mul3A_436 : f32 to vector<16xf32>
      %mul3A_438 = arith.mulf %get3A_435, %mul3A_437 : vector<16xf32>
      %get3A_439 = arith.index_cast %add3A_408 : i32 to index
      %get3A_440 = arith.constant 16 : index
      %get3A_441 = tpu.vector_load %arg8[%get3A_439, %get3A_440] {strides = array<i32>} : memref<400x64xf32, #tpu.memory_space<vmem>>, vector<1x16xf32>,
      %get3A_442 = vector.shape_cast %get3A_441 : vector<1x16xf32> to vector<16xf32>
      %add3A_443 = arith.addf %mul3A_438, %get3A_442 : vector<16xf32>
      %swap3A_444 = arith.constant 1 : i32
      %swap3A_445 = arith.index_cast %swap3A_444 : i32 to index
      %swap3A_446 = arith.index_cast %add3A_408 : i32 to index
      %swap3A_447 = arith.constant 16 : index
      %swap3A_448 = tpu.vector_load %arg7[%swap3A_445, %swap3A_446, %swap3A_447] {strides = array<i32>} : memref<3x400x64xf32, #tpu.memory_space<vmem>>, vector<1x1x16xf32>,
      %swap3A_449 = vector.shape_cast %swap3A_448 : vector<1x1x16xf32> to vector<16xf32>
      %swap3A_450 = vector.shape_cast %add3A_443 : vector<16xf32> to vector<1x1x16xf32>
      tpu.vector_store %arg7[%swap3A_445, %swap3A_446, %swap3A_447], %swap3A_450 {strides = array<i32>} : memref<3x400x64xf32, #tpu.memory_space<vmem>>, vector<1x1x16xf32>,
      %get3A_451 = arith.constant 1 : i32
      %get3A_452 = arith.index_cast %get3A_451 : i32 to index
      %get3A_453 = arith.index_cast %add3A_408 : i32 to index
      %get3A_454 = arith.constant 32 : index
      %get3A_455 = tpu.vector_load %arg7[%get3A_452, %get3A_453, %get3A_454] {strides = array<i32>} : memref<3x400x64xf32, #tpu.memory_space<vmem>>, vector<1x1x16xf32>,
      %get3A_456 = vector.shape_cast %get3A_455 : vector<1x1x16xf32> to vector<16xf32>
      %mul3A_457 = arith.constant 8.000000e+00 : f32
      %mul3A_458 = vector.broadcast %mul3A_457 : f32 to vector<16xf32>
      %mul3A_459 = arith.mulf %get3A_456, %mul3A_458 : vector<16xf32>
      %get3A_460 = arith.index_cast %add3A_408 : i32 to index
      %get3A_461 = arith.constant 32 : index
      %get3A_462 = tpu.vector_load %arg8[%get3A_460, %get3A_461] {strides = array<i32>} : memref<400x64xf32, #tpu.memory_space<vmem>>, vector<1x16xf32>,
      %get3A_463 = vector.shape_cast %get3A_462 : vector<1x16xf32> to vector<16xf32>
      %add3A_464 = arith.addf %mul3A_459, %get3A_463 : vector<16xf32>
      %swap3A_465 = arith.constant 1 : i32
      %swap3A_466 = arith.index_cast %swap3A_465 : i32 to index
      %swap3A_467 = arith.index_cast %add3A_408 : i32 to index
      %swap3A_468 = arith.constant 32 : index
      %swap3A_469 = tpu.vector_load %arg7[%swap3A_466, %swap3A_467, %swap3A_468] {strides = array<i32>} : memref<3x400x64xf32, #tpu.memory_space<vmem>>, vector<1x1x16xf32>,
      %swap3A_470 = vector.shape_cast %swap3A_469 : vector<1x1x16xf32> to vector<16xf32>
      %swap3A_471 = vector.shape_cast %add3A_464 : vector<16xf32> to vector<1x1x16xf32>
      tpu.vector_store %arg7[%swap3A_466, %swap3A_467, %swap3A_468], %swap3A_471 {strides = array<i32>} : memref<3x400x64xf32, #tpu.memory_space<vmem>>, vector<1x1x16xf32>,
      %get3A_472 = arith.constant 1 : i32
      %get3A_473 = arith.index_cast %get3A_472 : i32 to index
      %get3A_474 = arith.index_cast %add3A_408 : i32 to index
      %get3A_475 = arith.constant 48 : index
      %get3A_476 = tpu.vector_load %arg7[%get3A_473, %get3A_474, %get3A_475] {strides = array<i32>} : memref<3x400x64xf32, #tpu.memory_space<vmem>>, vector<1x1x16xf32>,
      %get3A_477 = vector.shape_cast %get3A_476 : vector<1x1x16xf32> to vector<16xf32>
      %mul3A_478 = arith.constant 8.000000e+00 : f32
      %mul3A_479 = vector.broadcast %mul3A_478 : f32 to vector<16xf32>
      %mul3A_480 = arith.mulf %get3A_477, %mul3A_479 : vector<16xf32>
      %get3A_481 = arith.index_cast %add3A_408 : i32 to index
      %get3A_482 = arith.constant 48 : index
      %get3A_483 = tpu.vector_load %arg8[%get3A_481, %get3A_482] {strides = array<i32>} : memref<400x64xf32, #tpu.memory_space<vmem>>, vector<1x16xf32>,
      %get3A_484 = vector.shape_cast %get3A_483 : vector<1x16xf32> to vector<16xf32>
      %add3A_485 = arith.addf %mul3A_480, %get3A_484 : vector<16xf32>
      %swap3A_486 = arith.constant 1 : i32
      %swap3A_487 = arith.index_cast %swap3A_486 : i32 to index
      %swap3A_488 = arith.index_cast %add3A_408 : i32 to index
      %swap3A_489 = arith.constant 48 : index
      %swap3A_490 = tpu.vector_load %arg7[%swap3A_487, %swap3A_488, %swap3A_489] {strides = array<i32>} : memref<3x400x64xf32, #tpu.memory_space<vmem>>, vector<1x1x16xf32>,
      %swap3A_491 = vector.shape_cast %swap3A_490 : vector<1x1x16xf32> to vector<16xf32>
      %swap3A_492 = vector.shape_cast %add3A_485 : vector<16xf32> to vector<1x1x16xf32>
      tpu.vector_store %arg7[%swap3A_487, %swap3A_488, %swap3A_489], %swap3A_492 {strides = array<i32>} : memref<3x400x64xf32, #tpu.memory_space<vmem>>, vector<1x1x16xf32>,
      %mul3A_493 = arith.constant 4 : i32
      %mul3A_494 = arith.muli %scan3A_230, %mul3A_493 : i32
      %add3A_495 = arith.constant 3 : i32
      %add3A_496 = arith.addi %mul3A_494, %add3A_495 : i32
      %get3A_497 = arith.constant 1 : i32
      %get3A_498 = arith.index_cast %get3A_497 : i32 to index
      %get3A_499 = arith.index_cast %add3A_496 : i32 to index
      %get3A_500 = arith.constant 0 : index
      %get3A_501 = tpu.vector_load %arg7[%get3A_498, %get3A_499, %get3A_500] {strides = array<i32>} : memref<3x400x64xf32, #tpu.memory_space<vmem>>, vector<1x1x16xf32>,
      %get3A_502 = vector.shape_cast %get3A_501 : vector<1x1x16xf32> to vector<16xf32>
      %mul3A_503 = arith.constant 8.000000e+00 : f32
      %mul3A_504 = vector.broadcast %mul3A_503 : f32 to vector<16xf32>
      %mul3A_505 = arith.mulf %get3A_502, %mul3A_504 : vector<16xf32>
      %get3A_506 = arith.index_cast %add3A_496 : i32 to index
      %get3A_507 = arith.constant 0 : index
      %get3A_508 = tpu.vector_load %arg8[%get3A_506, %get3A_507] {strides = array<i32>} : memref<400x64xf32, #tpu.memory_space<vmem>>, vector<1x16xf32>,
      %get3A_509 = vector.shape_cast %get3A_508 : vector<1x16xf32> to vector<16xf32>
      %add3A_510 = arith.addf %mul3A_505, %get3A_509 : vector<16xf32>
      %swap3A_511 = arith.constant 1 : i32
      %swap3A_512 = arith.index_cast %swap3A_511 : i32 to index
      %swap3A_513 = arith.index_cast %add3A_496 : i32 to index
      %swap3A_514 = arith.constant 0 : index
      %swap3A_515 = tpu.vector_load %arg7[%swap3A_512, %swap3A_513, %swap3A_514] {strides = array<i32>} : memref<3x400x64xf32, #tpu.memory_space<vmem>>, vector<1x1x16xf32>,
      %swap3A_516 = vector.shape_cast %swap3A_515 : vector<1x1x16xf32> to vector<16xf32>
      %swap3A_517 = vector.shape_cast %add3A_510 : vector<16xf32> to vector<1x1x16xf32>
      tpu.vector_store %arg7[%swap3A_512, %swap3A_513, %swap3A_514], %swap3A_517 {strides = array<i32>} : memref<3x400x64xf32, #tpu.memory_space<vmem>>, vector<1x1x16xf32>,
      %get3A_518 = arith.constant 1 : i32
      %get3A_519 = arith.index_cast %get3A_518 : i32 to index
      %get3A_520 = arith.index_cast %add3A_496 : i32 to index
      %get3A_521 = arith.constant 16 : index
      %get3A_522 = tpu.vector_load %arg7[%get3A_519, %get3A_520, %get3A_521] {strides = array<i32>} : memref<3x400x64xf32, #tpu.memory_space<vmem>>, vector<1x1x16xf32>,
      %get3A_523 = vector.shape_cast %get3A_522 : vector<1x1x16xf32> to vector<16xf32>
      %mul3A_524 = arith.constant 8.000000e+00 : f32
      %mul3A_525 = vector.broadcast %mul3A_524 : f32 to vector<16xf32>
      %mul3A_526 = arith.mulf %get3A_523, %mul3A_525 : vector<16xf32>
      %get3A_527 = arith.index_cast %add3A_496 : i32 to index
      %get3A_528 = arith.constant 16 : index
      %get3A_529 = tpu.vector_load %arg8[%get3A_527, %get3A_528] {strides = array<i32>} : memref<400x64xf32, #tpu.memory_space<vmem>>, vector<1x16xf32>,
      %get3A_530 = vector.shape_cast %get3A_529 : vector<1x16xf32> to vector<16xf32>
      %add3A_531 = arith.addf %mul3A_526, %get3A_530 : vector<16xf32>
      %swap3A_532 = arith.constant 1 : i32
      %swap3A_533 = arith.index_cast %swap3A_532 : i32 to index
      %swap3A_534 = arith.index_cast %add3A_496 : i32 to index
      %swap3A_535 = arith.constant 16 : index
      %swap3A_536 = tpu.vector_load %arg7[%swap3A_533, %swap3A_534, %swap3A_535] {strides = array<i32>} : memref<3x400x64xf32, #tpu.memory_space<vmem>>, vector<1x1x16xf32>,
      %swap3A_537 = vector.shape_cast %swap3A_536 : vector<1x1x16xf32> to vector<16xf32>
      %swap3A_538 = vector.shape_cast %add3A_531 : vector<16xf32> to vector<1x1x16xf32>
      tpu.vector_store %arg7[%swap3A_533, %swap3A_534, %swap3A_535], %swap3A_538 {strides = array<i32>} : memref<3x400x64xf32, #tpu.memory_space<vmem>>, vector<1x1x16xf32>,
      %get3A_539 = arith.constant 1 : i32
      %get3A_540 = arith.index_cast %get3A_539 : i32 to index
      %get3A_541 = arith.index_cast %add3A_496 : i32 to index
      %get3A_542 = arith.constant 32 : index
      %get3A_543 = tpu.vector_load %arg7[%get3A_540, %get3A_541, %get3A_542] {strides = array<i32>} : memref<3x400x64xf32, #tpu.memory_space<vmem>>, vector<1x1x16xf32>,
      %get3A_544 = vector.shape_cast %get3A_543 : vector<1x1x16xf32> to vector<16xf32>
      %mul3A_545 = arith.constant 8.000000e+00 : f32
      %mul3A_546 = vector.broadcast %mul3A_545 : f32 to vector<16xf32>
      %mul3A_547 = arith.mulf %get3A_544, %mul3A_546 : vector<16xf32>
      %get3A_548 = arith.index_cast %add3A_496 : i32 to index
      %get3A_549 = arith.constant 32 : index
      %get3A_550 = tpu.vector_load %arg8[%get3A_548, %get3A_549] {strides = array<i32>} : memref<400x64xf32, #tpu.memory_space<vmem>>, vector<1x16xf32>,
      %get3A_551 = vector.shape_cast %get3A_550 : vector<1x16xf32> to vector<16xf32>
      %add3A_552 = arith.addf %mul3A_547, %get3A_551 : vector<16xf32>
      %swap3A_553 = arith.constant 1 : i32
      %swap3A_554 = arith.index_cast %swap3A_553 : i32 to index
      %swap3A_555 = arith.index_cast %add3A_496 : i32 to index
      %swap3A_556 = arith.constant 32 : index
      %swap3A_557 = tpu.vector_load %arg7[%swap3A_554, %swap3A_555, %swap3A_556] {strides = array<i32>} : memref<3x400x64xf32, #tpu.memory_space<vmem>>, vector<1x1x16xf32>,
      %swap3A_558 = vector.shape_cast %swap3A_557 : vector<1x1x16xf32> to vector<16xf32>
      %swap3A_559 = vector.shape_cast %add3A_552 : vector<16xf32> to vector<1x1x16xf32>
      tpu.vector_store %arg7[%swap3A_554, %swap3A_555, %swap3A_556], %swap3A_559 {strides = array<i32>} : memref<3x400x64xf32, #tpu.memory_space<vmem>>, vector<1x1x16xf32>,
      %get3A_560 = arith.constant 1 : i32
      %get3A_561 = arith.index_cast %get3A_560 : i32 to index
      %get3A_562 = arith.index_cast %add3A_496 : i32 to index
      %get3A_563 = arith.constant 48 : index
      %get3A_564 = tpu.vector_load %arg7[%get3A_561, %get3A_562, %get3A_563] {strides = array<i32>} : memref<3x400x64xf32, #tpu.memory_space<vmem>>, vector<1x1x16xf32>,
      %get3A_565 = vector.shape_cast %get3A_564 : vector<1x1x16xf32> to vector<16xf32>
      %mul3A_566 = arith.constant 8.000000e+00 : f32
      %mul3A_567 = vector.broadcast %mul3A_566 : f32 to vector<16xf32>
      %mul3A_568 = arith.mulf %get3A_565, %mul3A_567 : vector<16xf32>
      %get3A_569 = arith.index_cast %add3A_496 : i32 to index
      %get3A_570 = arith.constant 48 : index
      %get3A_571 = tpu.vector_load %arg8[%get3A_569, %get3A_570] {strides = array<i32>} : memref<400x64xf32, #tpu.memory_space<vmem>>, vector<1x16xf32>,
      %get3A_572 = vector.shape_cast %get3A_571 : vector<1x16xf32> to vector<16xf32>
      %add3A_573 = arith.addf %mul3A_568, %get3A_572 : vector<16xf32>
      %swap3A_574 = arith.constant 1 : i32
      %swap3A_575 = arith.index_cast %swap3A_574 : i32 to index
      %swap3A_576 = arith.index_cast %add3A_496 : i32 to index
      %swap3A_577 = arith.constant 48 : index
      %swap3A_578 = tpu.vector_load %arg7[%swap3A_575, %swap3A_576, %swap3A_577] {strides = array<i32>} : memref<3x400x64xf32, #tpu.memory_space<vmem>>, vector<1x1x16xf32>,
      %swap3A_579 = vector.shape_cast %swap3A_578 : vector<1x1x16xf32> to vector<16xf32>
      %swap3A_580 = vector.shape_cast %add3A_573 : vector<16xf32> to vector<1x1x16xf32>
      tpu.vector_store %arg7[%swap3A_575, %swap3A_576, %swap3A_577], %swap3A_580 {strides = array<i32>} : memref<3x400x64xf32, #tpu.memory_space<vmem>>, vector<1x1x16xf32>,
    }
    %scan3A_76 = arith.constant 100 : i32
    %add3A_77 = arith.constant 400 : i32
    %add3A_78 = arith.addi %mul3A_2, %add3A_77 : i32
    %dma_start3A_79 = arith.constant 1 : i32
    %dma_start3A_80 = arith.constant 0 : i32
    %dma_start3A_81 = arith.constant 0 : i32
    %dma_start3A_82 = tpu.memref_slice %arg7[%dma_start3A_79, %dma_start3A_80, %dma_start3A_81] : memref<3x400x64xf32, #tpu.memory_space<vmem>> -> memref<1x400x64xf32, #tpu.memory_space<vmem>>
    %dma_start3A_83 = tpu.memref_squeeze %dma_start3A_82 : memref<1x400x64xf32, #tpu.memory_space<vmem>> -> memref<400x64xf32, #tpu.memory_space<vmem>>
    %dma_start3A_84 = arith.constant 0 : i32
    %dma_start3A_85 = tpu.memref_slice %arg5[%add3A_78, %dma_start3A_84] : memref<819200x64xf32, #tpu.memory_space<hbm>> -> memref<400x64xf32, #tpu.memory_space<hbm>>
    %dma_start3A_86 = arith.constant 0 : i32
    %dma_start3A_87 = tpu.memref_slice %arg5[%add3A_78, %dma_start3A_86] : memref<819200x64xf32, #tpu.memory_space<hbm>> -> memref<400x64xf32, #tpu.memory_space<hbm>>
    %dma_start3A_88 = arith.constant 0 : i32
    %dma_start3A_89 = arith.constant 0 : i32
    %dma_start3A_90 = tpu.memref_slice %arg7[%dma_start3A_79, %dma_start3A_88, %dma_start3A_89] : memref<3x400x64xf32, #tpu.memory_space<vmem>> -> memref<1x400x64xf32, #tpu.memory_space<vmem>>
    %dma_start3A_91 = tpu.memref_squeeze %dma_start3A_90 : memref<1x400x64xf32, #tpu.memory_space<vmem>> -> memref<400x64xf32, #tpu.memory_space<vmem>>
    tpu.enqueue_dma source(%dma_start3A_91 : memref<400x64xf32, #tpu.memory_space<vmem>>) target(%dma_start3A_87 : memref<400x64xf32, #tpu.memory_space<hbm>>) target_semaphore(%arg13 : memref<!tpu.dma_semaphore, #tpu.memory_space<semaphore_mem>>)
    %scan3A_92 = arith.constant 0 : i32
    %scan3A_93 = arith.constant 0 : i32
    %scan3A_94 = arith.constant 20 : i32
    %scan3A_95 = arith.addi %scan3A_93, %scan3A_94 : i32
    %scan3A_96 = arith.constant 1 : i32
    scf.for %scan3A_230 = %scan3A_93 to %scan3A_95 step %scan3A_96  : i32 {
      %mul3A_231 = arith.constant 3 : i32
      %mul3A_232 = arith.muli %scan3A_230, %mul3A_231 : i32
      %add3A_233 = arith.constant 2 : i32
      %add3A_234 = arith.addi %add3A_233, %mul3A_232 : i32
      %add3A_235 = arith.constant 0 : i32
      %add3A_236 = arith.addi %add3A_234, %add3A_235 : i32
      %sub3A = arith.constant 2 : i32
      %sub3A_237 = arith.subi %add3A_236, %sub3A : i32
      %mul3A_238 = arith.constant 400 : i32
      %mul3A_239 = arith.muli %sub3A_237, %mul3A_238 : i32
      %add3A_240 = arith.addi %mul3A_2, %mul3A_239 : i32
      %dma_wait3A_241 = arith.constant 0 : i32
      %dma_wait3A_242 = arith.constant 0 : i32
      %dma_wait3A_243 = arith.constant 0 : i32
      %dma_wait3A_244 = tpu.memref_slice %arg7[%dma_wait3A_241, %dma_wait3A_242, %dma_wait3A_243] : memref<3x400x64xf32, #tpu.memory_space<vmem>> -> memref<1x400x64xf32, #tpu.memory_space<vmem>>
      %dma_wait3A_245 = tpu.memref_squeeze %dma_wait3A_244 : memref<1x400x64xf32, #tpu.memory_space<vmem>> -> memref<400x64xf32, #tpu.memory_space<vmem>>
      %dma_wait3A_246 = arith.constant 0 : i32
      %dma_wait3A_247 = tpu.memref_slice %arg5[%add3A_240, %dma_wait3A_246] : memref<819200x64xf32, #tpu.memory_space<hbm>> -> memref<400x64xf32, #tpu.memory_space<hbm>>
      %dma_wait3A_248 = arith.constant 0 : i32
      %dma_wait3A_249 = tpu.memref_slice %arg5[%add3A_240, %dma_wait3A_248] : memref<819200x64xf32, #tpu.memory_space<hbm>> -> memref<400x64xf32, #tpu.memory_space<hbm>>
      %dma_wait3A_250 = arith.constant 0 : i32
      %dma_wait3A_251 = arith.constant 0 : i32
      %dma_wait3A_252 = tpu.memref_slice %arg7[%dma_wait3A_241, %dma_wait3A_250, %dma_wait3A_251] : memref<3x400x64xf32, #tpu.memory_space<vmem>> -> memref<1x400x64xf32, #tpu.memory_space<vmem>>
      %dma_wait3A_253 = tpu.memref_squeeze %dma_wait3A_252 : memref<1x400x64xf32, #tpu.memory_space<vmem>> -> memref<400x64xf32, #tpu.memory_space<vmem>>
      tpu.wait_dma2 semaphore(%arg12 : memref<!tpu.dma_semaphore, #tpu.memory_space<semaphore_mem>>) src(%dma_wait3A_253 : memref<400x64xf32, #tpu.memory_space<vmem>>) dst(%dma_wait3A_249 : memref<400x64xf32, #tpu.memory_space<hbm>>)
      %add3A_254 = arith.constant 1 : i32
      %add3A_255 = arith.addi %add3A_236, %add3A_254 : i32
      %mul3A_256 = arith.constant 400 : i32
      %mul3A_257 = arith.muli %add3A_255, %mul3A_256 : i32
      %dma_start3A_258 = arith.constant 0 : i32
      %dma_start3A_259 = arith.constant 0 : i32
      %dma_start3A_260 = arith.constant 0 : i32
      %dma_start3A_261 = tpu.memref_slice %arg7[%dma_start3A_258, %dma_start3A_259, %dma_start3A_260] : memref<3x400x64xf32, #tpu.memory_space<vmem>> -> memref<1x400x64xf32, #tpu.memory_space<vmem>>
      %dma_start3A_262 = tpu.memref_squeeze %dma_start3A_261 : memref<1x400x64xf32, #tpu.memory_space<vmem>> -> memref<400x64xf32, #tpu.memory_space<vmem>>
      %dma_start3A_263 = tpu.memref_slice %arg6[%mul3A_257] : memref<25600xi32, #tpu.memory_space<vmem>> -> memref<400xi32, #tpu.memory_space<vmem>>
      %dma_start3A_264 = arith.constant 0 : i32
      %dma_start3A_265 = arith.constant 0 : i32
      %dma_start3A_266 = tpu.memref_slice %arg3[%dma_start3A_264, %dma_start3A_265] : memref<1000000x64xf32, #tpu.memory_space<hbm>> -> memref<1000000x64xf32, #tpu.memory_space<hbm>>
      tpu.enqueue_indirect_dma source(%dma_start3A_266 : memref<1000000x64xf32, #tpu.memory_space<hbm>>) target(%dma_start3A_262 : memref<400x64xf32, #tpu.memory_space<vmem>>) offsets(%dma_start3A_263 : memref<400xi32, #tpu.memory_space<vmem>>) semaphore(%arg9 : memref<!tpu.dma_semaphore, #tpu.memory_space<semaphore_mem>>)
      %mul3A_267 = arith.constant 400 : i32
      %mul3A_268 = arith.muli %add3A_236, %mul3A_267 : i32
      %dma_wait3A_269 = arith.constant 2 : i32
      %dma_wait3A_270 = arith.constant 0 : i32
      %dma_wait3A_271 = arith.constant 0 : i32
      %dma_wait3A_272 = tpu.memref_slice %arg7[%dma_wait3A_269, %dma_wait3A_270, %dma_wait3A_271] : memref<3x400x64xf32, #tpu.memory_space<vmem>> -> memref<1x400x64xf32, #tpu.memory_space<vmem>>
      %dma_wait3A_273 = tpu.memref_squeeze %dma_wait3A_272 : memref<1x400x64xf32, #tpu.memory_space<vmem>> -> memref<400x64xf32, #tpu.memory_space<vmem>>
      %dma_wait3A_274 = tpu.memref_slice %arg6[%mul3A_268] : memref<25600xi32, #tpu.memory_space<vmem>> -> memref<400xi32, #tpu.memory_space<vmem>>
      %dma_wait3A_275 = arith.constant 0 : i32
      %dma_wait3A_276 = arith.constant 0 : i32
      %dma_wait3A_277 = tpu.memref_slice %arg3[%dma_wait3A_275, %dma_wait3A_276] : memref<1000000x64xf32, #tpu.memory_space<hbm>> -> memref<1000000x64xf32, #tpu.memory_space<hbm>>
      tpu.wait_indirect_dma semaphore(%arg11 : memref<!tpu.dma_semaphore, #tpu.memory_space<semaphore_mem>>) src(%dma_wait3A_277 : memref<1000000x64xf32, #tpu.memory_space<hbm>>) dst(%dma_wait3A_273 : memref<400x64xf32, #tpu.memory_space<vmem>>)
      %scan3A_278 = arith.constant 0 : i32
      %scan3A_279 = arith.constant 0 : i32
      %scan3A_280 = arith.constant 100 : i32
      %scan3A_281 = arith.addi %scan3A_279, %scan3A_280 : i32
      %scan3A_282 = arith.constant 1 : i32
      scf.for %scan3A_440 = %scan3A_279 to %scan3A_281 step %scan3A_282  : i32 {
        %mul3A_441 = arith.constant 4 : i32
        %mul3A_442 = arith.muli %scan3A_440, %mul3A_441 : i32
        %add3A_443 = arith.constant 0 : i32
        %add3A_444 = arith.addi %mul3A_442, %add3A_443 : i32
        %get3A = arith.constant 2 : i32
        %get3A_445 = arith.index_cast %get3A : i32 to index
        %get3A_446 = arith.index_cast %add3A_444 : i32 to index
        %get3A_447 = arith.constant 0 : index
        %get3A_448 = tpu.vector_load %arg7[%get3A_445, %get3A_446, %get3A_447] {strides = array<i32>} : memref<3x400x64xf32, #tpu.memory_space<vmem>>, vector<1x1x16xf32>,
        %get3A_449 = vector.shape_cast %get3A_448 : vector<1x1x16xf32> to vector<16xf32>
        %mul3A_450 = arith.constant 8.000000e+00 : f32
        %mul3A_451 = vector.broadcast %mul3A_450 : f32 to vector<16xf32>
        %mul3A_452 = arith.mulf %get3A_449, %mul3A_451 : vector<16xf32>
        %get3A_453 = arith.index_cast %add3A_444 : i32 to index
        %get3A_454 = arith.constant 0 : index
        %get3A_455 = tpu.vector_load %arg8[%get3A_453, %get3A_454] {strides = array<i32>} : memref<400x64xf32, #tpu.memory_space<vmem>>, vector<1x16xf32>,
        %get3A_456 = vector.shape_cast %get3A_455 : vector<1x16xf32> to vector<16xf32>
        %add3A_457 = arith.addf %mul3A_452, %get3A_456 : vector<16xf32>
        %swap3A = arith.constant 2 : i32
        %swap3A_458 = arith.index_cast %swap3A : i32 to index
        %swap3A_459 = arith.index_cast %add3A_444 : i32 to index
        %swap3A_460 = arith.constant 0 : index
        %swap3A_461 = tpu.vector_load %arg7[%swap3A_458, %swap3A_459, %swap3A_460] {strides = array<i32>} : memref<3x400x64xf32, #tpu.memory_space<vmem>>, vector<1x1x16xf32>,
        %swap3A_462 = vector.shape_cast %swap3A_461 : vector<1x1x16xf32> to vector<16xf32>
        %swap3A_463 = vector.shape_cast %add3A_457 : vector<16xf32> to vector<1x1x16xf32>
        tpu.vector_store %arg7[%swap3A_458, %swap3A_459, %swap3A_460], %swap3A_463 {strides = array<i32>} : memref<3x400x64xf32, #tpu.memory_space<vmem>>, vector<1x1x16xf32>,
        %get3A_464 = arith.constant 2 : i32
        %get3A_465 = arith.index_cast %get3A_464 : i32 to index
        %get3A_466 = arith.index_cast %add3A_444 : i32 to index
        %get3A_467 = arith.constant 16 : index
        %get3A_468 = tpu.vector_load %arg7[%get3A_465, %get3A_466, %get3A_467] {strides = array<i32>} : memref<3x400x64xf32, #tpu.memory_space<vmem>>, vector<1x1x16xf32>,
        %get3A_469 = vector.shape_cast %get3A_468 : vector<1x1x16xf32> to vector<16xf32>
        %mul3A_470 = arith.constant 8.000000e+00 : f32
        %mul3A_471 = vector.broadcast %mul3A_470 : f32 to vector<16xf32>
        %mul3A_472 = arith.mulf %get3A_469, %mul3A_471 : vector<16xf32>
        %get3A_473 = arith.index_cast %add3A_444 : i32 to index
        %get3A_474 = arith.constant 16 : index
        %get3A_475 = tpu.vector_load %arg8[%get3A_473, %get3A_474] {strides = array<i32>} : memref<400x64xf32, #tpu.memory_space<vmem>>, vector<1x16xf32>,
        %get3A_476 = vector.shape_cast %get3A_475 : vector<1x16xf32> to vector<16xf32>
        %add3A_477 = arith.addf %mul3A_472, %get3A_476 : vector<16xf32>
        %swap3A_478 = arith.constant 2 : i32
        %swap3A_479 = arith.index_cast %swap3A_478 : i32 to index
        %swap3A_480 = arith.index_cast %add3A_444 : i32 to index
        %swap3A_481 = arith.constant 16 : index
        %swap3A_482 = tpu.vector_load %arg7[%swap3A_479, %swap3A_480, %swap3A_481] {strides = array<i32>} : memref<3x400x64xf32, #tpu.memory_space<vmem>>, vector<1x1x16xf32>,
        %swap3A_483 = vector.shape_cast %swap3A_482 : vector<1x1x16xf32> to vector<16xf32>
        %swap3A_484 = vector.shape_cast %add3A_477 : vector<16xf32> to vector<1x1x16xf32>
        tpu.vector_store %arg7[%swap3A_479, %swap3A_480, %swap3A_481], %swap3A_484 {strides = array<i32>} : memref<3x400x64xf32, #tpu.memory_space<vmem>>, vector<1x1x16xf32>,
        %get3A_485 = arith.constant 2 : i32
        %get3A_486 = arith.index_cast %get3A_485 : i32 to index
        %get3A_487 = arith.index_cast %add3A_444 : i32 to index
        %get3A_488 = arith.constant 32 : index
        %get3A_489 = tpu.vector_load %arg7[%get3A_486, %get3A_487, %get3A_488] {strides = array<i32>} : memref<3x400x64xf32, #tpu.memory_space<vmem>>, vector<1x1x16xf32>,
        %get3A_490 = vector.shape_cast %get3A_489 : vector<1x1x16xf32> to vector<16xf32>
        %mul3A_491 = arith.constant 8.000000e+00 : f32
        %mul3A_492 = vector.broadcast %mul3A_491 : f32 to vector<16xf32>
        %mul3A_493 = arith.mulf %get3A_490, %mul3A_492 : vector<16xf32>
        %get3A_494 = arith.index_cast %add3A_444 : i32 to index
        %get3A_495 = arith.constant 32 : index
        %get3A_496 = tpu.vector_load %arg8[%get3A_494, %get3A_495] {strides = array<i32>} : memref<400x64xf32, #tpu.memory_space<vmem>>, vector<1x16xf32>,
        %get3A_497 = vector.shape_cast %get3A_496 : vector<1x16xf32> to vector<16xf32>
        %add3A_498 = arith.addf %mul3A_493, %get3A_497 : vector<16xf32>
        %swap3A_499 = arith.constant 2 : i32
        %swap3A_500 = arith.index_cast %swap3A_499 : i32 to index
        %swap3A_501 = arith.index_cast %add3A_444 : i32 to index
        %swap3A_502 = arith.constant 32 : index
        %swap3A_503 = tpu.vector_load %arg7[%swap3A_500, %swap3A_501, %swap3A_502] {strides = array<i32>} : memref<3x400x64xf32, #tpu.memory_space<vmem>>, vector<1x1x16xf32>,
        %swap3A_504 = vector.shape_cast %swap3A_503 : vector<1x1x16xf32> to vector<16xf32>
        %swap3A_505 = vector.shape_cast %add3A_498 : vector<16xf32> to vector<1x1x16xf32>
        tpu.vector_store %arg7[%swap3A_500, %swap3A_501, %swap3A_502], %swap3A_505 {strides = array<i32>} : memref<3x400x64xf32, #tpu.memory_space<vmem>>, vector<1x1x16xf32>,
        %get3A_506 = arith.constant 2 : i32
        %get3A_507 = arith.index_cast %get3A_506 : i32 to index
        %get3A_508 = arith.index_cast %add3A_444 : i32 to index
        %get3A_509 = arith.constant 48 : index
        %get3A_510 = tpu.vector_load %arg7[%get3A_507, %get3A_508, %get3A_509] {strides = array<i32>} : memref<3x400x64xf32, #tpu.memory_space<vmem>>, vector<1x1x16xf32>,
        %get3A_511 = vector.shape_cast %get3A_510 : vector<1x1x16xf32> to vector<16xf32>
        %mul3A_512 = arith.constant 8.000000e+00 : f32
        %mul3A_513 = vector.broadcast %mul3A_512 : f32 to vector<16xf32>
        %mul3A_514 = arith.mulf %get3A_511, %mul3A_513 : vector<16xf32>
        %get3A_515 = arith.index_cast %add3A_444 : i32 to index
        %get3A_516 = arith.constant 48 : index
        %get3A_517 = tpu.vector_load %arg8[%get3A_515, %get3A_516] {strides = array<i32>} : memref<400x64xf32, #tpu.memory_space<vmem>>, vector<1x16xf32>,
        %get3A_518 = vector.shape_cast %get3A_517 : vector<1x16xf32> to vector<16xf32>
        %add3A_519 = arith.addf %mul3A_514, %get3A_518 : vector<16xf32>
        %swap3A_520 = arith.constant 2 : i32
        %swap3A_521 = arith.index_cast %swap3A_520 : i32 to index
        %swap3A_522 = arith.index_cast %add3A_444 : i32 to index
        %swap3A_523 = arith.constant 48 : index
        %swap3A_524 = tpu.vector_load %arg7[%swap3A_521, %swap3A_522, %swap3A_523] {strides = array<i32>} : memref<3x400x64xf32, #tpu.memory_space<vmem>>, vector<1x1x16xf32>,
        %swap3A_525 = vector.shape_cast %swap3A_524 : vector<1x1x16xf32> to vector<16xf32>
        %swap3A_526 = vector.shape_cast %add3A_519 : vector<16xf32> to vector<1x1x16xf32>
        tpu.vector_store %arg7[%swap3A_521, %swap3A_522, %swap3A_523], %swap3A_526 {strides = array<i32>} : memref<3x400x64xf32, #tpu.memory_space<vmem>>, vector<1x1x16xf32>,
        %mul3A_527 = arith.constant 4 : i32
        %mul3A_528 = arith.muli %scan3A_440, %mul3A_527 : i32
        %add3A_529 = arith.constant 1 : i32
        %add3A_530 = arith.addi %mul3A_528, %add3A_529 : i32
        %get3A_531 = arith.constant 2 : i32
        %get3A_532 = arith.index_cast %get3A_531 : i32 to index
        %get3A_533 = arith.index_cast %add3A_530 : i32 to index
        %get3A_534 = arith.constant 0 : index
        %get3A_535 = tpu.vector_load %arg7[%get3A_532, %get3A_533, %get3A_534] {strides = array<i32>} : memref<3x400x64xf32, #tpu.memory_space<vmem>>, vector<1x1x16xf32>,
        %get3A_536 = vector.shape_cast %get3A_535 : vector<1x1x16xf32> to vector<16xf32>
        %mul3A_537 = arith.constant 8.000000e+00 : f32
        %mul3A_538 = vector.broadcast %mul3A_537 : f32 to vector<16xf32>
        %mul3A_539 = arith.mulf %get3A_536, %mul3A_538 : vector<16xf32>
        %get3A_540 = arith.index_cast %add3A_530 : i32 to index
        %get3A_541 = arith.constant 0 : index
        %get3A_542 = tpu.vector_load %arg8[%get3A_540, %get3A_541] {strides = array<i32>} : memref<400x64xf32, #tpu.memory_space<vmem>>, vector<1x16xf32>,
        %get3A_543 = vector.shape_cast %get3A_542 : vector<1x16xf32> to vector<16xf32>
        %add3A_544 = arith.addf %mul3A_539, %get3A_543 : vector<16xf32>
        %swap3A_545 = arith.constant 2 : i32
        %swap3A_546 = arith.index_cast %swap3A_545 : i32 to index
        %swap3A_547 = arith.index_cast %add3A_530 : i32 to index
        %swap3A_548 = arith.constant 0 : index
        %swap3A_549 = tpu.vector_load %arg7[%swap3A_546, %swap3A_547, %swap3A_548] {strides = array<i32>} : memref<3x400x64xf32, #tpu.memory_space<vmem>>, vector<1x1x16xf32>,
        %swap3A_550 = vector.shape_cast %swap3A_549 : vector<1x1x16xf32> to vector<16xf32>
        %swap3A_551 = vector.shape_cast %add3A_544 : vector<16xf32> to vector<1x1x16xf32>
        tpu.vector_store %arg7[%swap3A_546, %swap3A_547, %swap3A_548], %swap3A_551 {strides = array<i32>} : memref<3x400x64xf32, #tpu.memory_space<vmem>>, vector<1x1x16xf32>,
        %get3A_552 = arith.constant 2 : i32
        %get3A_553 = arith.index_cast %get3A_552 : i32 to index
        %get3A_554 = arith.index_cast %add3A_530 : i32 to index
        %get3A_555 = arith.constant 16 : index
        %get3A_556 = tpu.vector_load %arg7[%get3A_553, %get3A_554, %get3A_555] {strides = array<i32>} : memref<3x400x64xf32, #tpu.memory_space<vmem>>, vector<1x1x16xf32>,
        %get3A_557 = vector.shape_cast %get3A_556 : vector<1x1x16xf32> to vector<16xf32>
        %mul3A_558 = arith.constant 8.000000e+00 : f32
        %mul3A_559 = vector.broadcast %mul3A_558 : f32 to vector<16xf32>
        %mul3A_560 = arith.mulf %get3A_557, %mul3A_559 : vector<16xf32>
        %get3A_561 = arith.index_cast %add3A_530 : i32 to index
        %get3A_562 = arith.constant 16 : index
        %get3A_563 = tpu.vector_load %arg8[%get3A_561, %get3A_562] {strides = array<i32>} : memref<400x64xf32, #tpu.memory_space<vmem>>, vector<1x16xf32>,
        %get3A_564 = vector.shape_cast %get3A_563 : vector<1x16xf32> to vector<16xf32>
        %add3A_565 = arith.addf %mul3A_560, %get3A_564 : vector<16xf32>
        %swap3A_566 = arith.constant 2 : i32
        %swap3A_567 = arith.index_cast %swap3A_566 : i32 to index
        %swap3A_568 = arith.index_cast %add3A_530 : i32 to index
        %swap3A_569 = arith.constant 16 : index
        %swap3A_570 = tpu.vector_load %arg7[%swap3A_567, %swap3A_568, %swap3A_569] {strides = array<i32>} : memref<3x400x64xf32, #tpu.memory_space<vmem>>, vector<1x1x16xf32>,
        %swap3A_571 = vector.shape_cast %swap3A_570 : vector<1x1x16xf32> to vector<16xf32>
        %swap3A_572 = vector.shape_cast %add3A_565 : vector<16xf32> to vector<1x1x16xf32>
        tpu.vector_store %arg7[%swap3A_567, %swap3A_568, %swap3A_569], %swap3A_572 {strides = array<i32>} : memref<3x400x64xf32, #tpu.memory_space<vmem>>, vector<1x1x16xf32>,
        %get3A_573 = arith.constant 2 : i32
        %get3A_574 = arith.index_cast %get3A_573 : i32 to index
        %get3A_575 = arith.index_cast %add3A_530 : i32 to index
        %get3A_576 = arith.constant 32 : index
        %get3A_577 = tpu.vector_load %arg7[%get3A_574, %get3A_575, %get3A_576] {strides = array<i32>} : memref<3x400x64xf32, #tpu.memory_space<vmem>>, vector<1x1x16xf32>,
        %get3A_578 = vector.shape_cast %get3A_577 : vector<1x1x16xf32> to vector<16xf32>
        %mul3A_579 = arith.constant 8.000000e+00 : f32
        %mul3A_580 = vector.broadcast %mul3A_579 : f32 to vector<16xf32>
        %mul3A_581 = arith.mulf %get3A_578, %mul3A_580 : vector<16xf32>
        %get3A_582 = arith.index_cast %add3A_530 : i32 to index
        %get3A_583 = arith.constant 32 : index
        %get3A_584 = tpu.vector_load %arg8[%get3A_582, %get3A_583] {strides = array<i32>} : memref<400x64xf32, #tpu.memory_space<vmem>>, vector<1x16xf32>,
        %get3A_585 = vector.shape_cast %get3A_584 : vector<1x16xf32> to vector<16xf32>
        %add3A_586 = arith.addf %mul3A_581, %get3A_585 : vector<16xf32>
        %swap3A_587 = arith.constant 2 : i32
        %swap3A_588 = arith.index_cast %swap3A_587 : i32 to index
        %swap3A_589 = arith.index_cast %add3A_530 : i32 to index
        %swap3A_590 = arith.constant 32 : index
        %swap3A_591 = tpu.vector_load %arg7[%swap3A_588, %swap3A_589, %swap3A_590] {strides = array<i32>} : memref<3x400x64xf32, #tpu.memory_space<vmem>>, vector<1x1x16xf32>,
        %swap3A_592 = vector.shape_cast %swap3A_591 : vector<1x1x16xf32> to vector<16xf32>
        %swap3A_593 = vector.shape_cast %add3A_586 : vector<16xf32> to vector<1x1x16xf32>
        tpu.vector_store %arg7[%swap3A_588, %swap3A_589, %swap3A_590], %swap3A_593 {strides = array<i32>} : memref<3x400x64xf32, #tpu.memory_space<vmem>>, vector<1x1x16xf32>,
        %get3A_594 = arith.constant 2 : i32
        %get3A_595 = arith.index_cast %get3A_594 : i32 to index
        %get3A_596 = arith.index_cast %add3A_530 : i32 to index
        %get3A_597 = arith.constant 48 : index
        %get3A_598 = tpu.vector_load %arg7[%get3A_595, %get3A_596, %get3A_597] {strides = array<i32>} : memref<3x400x64xf32, #tpu.memory_space<vmem>>, vector<1x1x16xf32>,
        %get3A_599 = vector.shape_cast %get3A_598 : vector<1x1x16xf32> to vector<16xf32>
        %mul3A_600 = arith.constant 8.000000e+00 : f32
        %mul3A_601 = vector.broadcast %mul3A_600 : f32 to vector<16xf32>
        %mul3A_602 = arith.mulf %get3A_599, %mul3A_601 : vector<16xf32>
        %get3A_603 = arith.index_cast %add3A_530 : i32 to index
        %get3A_604 = arith.constant 48 : index
        %get3A_605 = tpu.vector_load %arg8[%get3A_603, %get3A_604] {strides = array<i32>} : memref<400x64xf32, #tpu.memory_space<vmem>>, vector<1x16xf32>,
        %get3A_606 = vector.shape_cast %get3A_605 : vector<1x16xf32> to vector<16xf32>
        %add3A_607 = arith.addf %mul3A_602, %get3A_606 : vector<16xf32>
        %swap3A_608 = arith.constant 2 : i32
        %swap3A_609 = arith.index_cast %swap3A_608 : i32 to index
        %swap3A_610 = arith.index_cast %add3A_530 : i32 to index
        %swap3A_611 = arith.constant 48 : index
        %swap3A_612 = tpu.vector_load %arg7[%swap3A_609, %swap3A_610, %swap3A_611] {strides = array<i32>} : memref<3x400x64xf32, #tpu.memory_space<vmem>>, vector<1x1x16xf32>,
        %swap3A_613 = vector.shape_cast %swap3A_612 : vector<1x1x16xf32> to vector<16xf32>
        %swap3A_614 = vector.shape_cast %add3A_607 : vector<16xf32> to vector<1x1x16xf32>
        tpu.vector_store %arg7[%swap3A_609, %swap3A_610, %swap3A_611], %swap3A_614 {strides = array<i32>} : memref<3x400x64xf32, #tpu.memory_space<vmem>>, vector<1x1x16xf32>,
        %mul3A_615 = arith.constant 4 : i32
        %mul3A_616 = arith.muli %scan3A_440, %mul3A_615 : i32
        %add3A_617 = arith.constant 2 : i32
        %add3A_618 = arith.addi %mul3A_616, %add3A_617 : i32
        %get3A_619 = arith.constant 2 : i32
        %get3A_620 = arith.index_cast %get3A_619 : i32 to index
        %get3A_621 = arith.index_cast %add3A_618 : i32 to index
        %get3A_622 = arith.constant 0 : index
        %get3A_623 = tpu.vector_load %arg7[%get3A_620, %get3A_621, %get3A_622] {strides = array<i32>} : memref<3x400x64xf32, #tpu.memory_space<vmem>>, vector<1x1x16xf32>,
        %get3A_624 = vector.shape_cast %get3A_623 : vector<1x1x16xf32> to vector<16xf32>
        %mul3A_625 = arith.constant 8.000000e+00 : f32
        %mul3A_626 = vector.broadcast %mul3A_625 : f32 to vector<16xf32>
        %mul3A_627 = arith.mulf %get3A_624, %mul3A_626 : vector<16xf32>
        %get3A_628 = arith.index_cast %add3A_618 : i32 to index
        %get3A_629 = arith.constant 0 : index
        %get3A_630 = tpu.vector_load %arg8[%get3A_628, %get3A_629] {strides = array<i32>} : memref<400x64xf32, #tpu.memory_space<vmem>>, vector<1x16xf32>,
        %get3A_631 = vector.shape_cast %get3A_630 : vector<1x16xf32> to vector<16xf32>
        %add3A_632 = arith.addf %mul3A_627, %get3A_631 : vector<16xf32>
        %swap3A_633 = arith.constant 2 : i32
        %swap3A_634 = arith.index_cast %swap3A_633 : i32 to index
        %swap3A_635 = arith.index_cast %add3A_618 : i32 to index
        %swap3A_636 = arith.constant 0 : index
        %swap3A_637 = tpu.vector_load %arg7[%swap3A_634, %swap3A_635, %swap3A_636] {strides = array<i32>} : memref<3x400x64xf32, #tpu.memory_space<vmem>>, vector<1x1x16xf32>,
        %swap3A_638 = vector.shape_cast %swap3A_637 : vector<1x1x16xf32> to vector<16xf32>
        %swap3A_639 = vector.shape_cast %add3A_632 : vector<16xf32> to vector<1x1x16xf32>
        tpu.vector_store %arg7[%swap3A_634, %swap3A_635, %swap3A_636], %swap3A_639 {strides = array<i32>} : memref<3x400x64xf32, #tpu.memory_space<vmem>>, vector<1x1x16xf32>,
        %get3A_640 = arith.constant 2 : i32
        %get3A_641 = arith.index_cast %get3A_640 : i32 to index
        %get3A_642 = arith.index_cast %add3A_618 : i32 to index
        %get3A_643 = arith.constant 16 : index
        %get3A_644 = tpu.vector_load %arg7[%get3A_641, %get3A_642, %get3A_643] {strides = array<i32>} : memref<3x400x64xf32, #tpu.memory_space<vmem>>, vector<1x1x16xf32>,
        %get3A_645 = vector.shape_cast %get3A_644 : vector<1x1x16xf32> to vector<16xf32>
        %mul3A_646 = arith.constant 8.000000e+00 : f32
        %mul3A_647 = vector.broadcast %mul3A_646 : f32 to vector<16xf32>
        %mul3A_648 = arith.mulf %get3A_645, %mul3A_647 : vector<16xf32>
        %get3A_649 = arith.index_cast %add3A_618 : i32 to index
        %get3A_650 = arith.constant 16 : index
        %get3A_651 = tpu.vector_load %arg8[%get3A_649, %get3A_650] {strides = array<i32>} : memref<400x64xf32, #tpu.memory_space<vmem>>, vector<1x16xf32>,
        %get3A_652 = vector.shape_cast %get3A_651 : vector<1x16xf32> to vector<16xf32>
        %add3A_653 = arith.addf %mul3A_648, %get3A_652 : vector<16xf32>
        %swap3A_654 = arith.constant 2 : i32
        %swap3A_655 = arith.index_cast %swap3A_654 : i32 to index
        %swap3A_656 = arith.index_cast %add3A_618 : i32 to index
        %swap3A_657 = arith.constant 16 : index
        %swap3A_658 = tpu.vector_load %arg7[%swap3A_655, %swap3A_656, %swap3A_657] {strides = array<i32>} : memref<3x400x64xf32, #tpu.memory_space<vmem>>, vector<1x1x16xf32>,
        %swap3A_659 = vector.shape_cast %swap3A_658 : vector<1x1x16xf32> to vector<16xf32>
        %swap3A_660 = vector.shape_cast %add3A_653 : vector<16xf32> to vector<1x1x16xf32>
        tpu.vector_store %arg7[%swap3A_655, %swap3A_656, %swap3A_657], %swap3A_660 {strides = array<i32>} : memref<3x400x64xf32, #tpu.memory_space<vmem>>, vector<1x1x16xf32>,
        %get3A_661 = arith.constant 2 : i32
        %get3A_662 = arith.index_cast %get3A_661 : i32 to index
        %get3A_663 = arith.index_cast %add3A_618 : i32 to index
        %get3A_664 = arith.constant 32 : index
        %get3A_665 = tpu.vector_load %arg7[%get3A_662, %get3A_663, %get3A_664] {strides = array<i32>} : memref<3x400x64xf32, #tpu.memory_space<vmem>>, vector<1x1x16xf32>,
        %get3A_666 = vector.shape_cast %get3A_665 : vector<1x1x16xf32> to vector<16xf32>
        %mul3A_667 = arith.constant 8.000000e+00 : f32
        %mul3A_668 = vector.broadcast %mul3A_667 : f32 to vector<16xf32>
        %mul3A_669 = arith.mulf %get3A_666, %mul3A_668 : vector<16xf32>
        %get3A_670 = arith.index_cast %add3A_618 : i32 to index
        %get3A_671 = arith.constant 32 : index
        %get3A_672 = tpu.vector_load %arg8[%get3A_670, %get3A_671] {strides = array<i32>} : memref<400x64xf32, #tpu.memory_space<vmem>>, vector<1x16xf32>,
        %get3A_673 = vector.shape_cast %get3A_672 : vector<1x16xf32> to vector<16xf32>
        %add3A_674 = arith.addf %mul3A_669, %get3A_673 : vector<16xf32>
        %swap3A_675 = arith.constant 2 : i32
        %swap3A_676 = arith.index_cast %swap3A_675 : i32 to index
        %swap3A_677 = arith.index_cast %add3A_618 : i32 to index
        %swap3A_678 = arith.constant 32 : index
        %swap3A_679 = tpu.vector_load %arg7[%swap3A_676, %swap3A_677, %swap3A_678] {strides = array<i32>} : memref<3x400x64xf32, #tpu.memory_space<vmem>>, vector<1x1x16xf32>,
        %swap3A_680 = vector.shape_cast %swap3A_679 : vector<1x1x16xf32> to vector<16xf32>
        %swap3A_681 = vector.shape_cast %add3A_674 : vector<16xf32> to vector<1x1x16xf32>
        tpu.vector_store %arg7[%swap3A_676, %swap3A_677, %swap3A_678], %swap3A_681 {strides = array<i32>} : memref<3x400x64xf32, #tpu.memory_space<vmem>>, vector<1x1x16xf32>,
        %get3A_682 = arith.constant 2 : i32
        %get3A_683 = arith.index_cast %get3A_682 : i32 to index
        %get3A_684 = arith.index_cast %add3A_618 : i32 to index
        %get3A_685 = arith.constant 48 : index
        %get3A_686 = tpu.vector_load %arg7[%get3A_683, %get3A_684, %get3A_685] {strides = array<i32>} : memref<3x400x64xf32, #tpu.memory_space<vmem>>, vector<1x1x16xf32>,
        %get3A_687 = vector.shape_cast %get3A_686 : vector<1x1x16xf32> to vector<16xf32>
        %mul3A_688 = arith.constant 8.000000e+00 : f32
        %mul3A_689 = vector.broadcast %mul3A_688 : f32 to vector<16xf32>
        %mul3A_690 = arith.mulf %get3A_687, %mul3A_689 : vector<16xf32>
        %get3A_691 = arith.index_cast %add3A_618 : i32 to index
        %get3A_692 = arith.constant 48 : index
        %get3A_693 = tpu.vector_load %arg8[%get3A_691, %get3A_692] {strides = array<i32>} : memref<400x64xf32, #tpu.memory_space<vmem>>, vector<1x16xf32>,
        %get3A_694 = vector.shape_cast %get3A_693 : vector<1x16xf32> to vector<16xf32>
        %add3A_695 = arith.addf %mul3A_690, %get3A_694 : vector<16xf32>
        %swap3A_696 = arith.constant 2 : i32
        %swap3A_697 = arith.index_cast %swap3A_696 : i32 to index
        %swap3A_698 = arith.index_cast %add3A_618 : i32 to index
        %swap3A_699 = arith.constant 48 : index
        %swap3A_700 = tpu.vector_load %arg7[%swap3A_697, %swap3A_698, %swap3A_699] {strides = array<i32>} : memref<3x400x64xf32, #tpu.memory_space<vmem>>, vector<1x1x16xf32>,
        %swap3A_701 = vector.shape_cast %swap3A_700 : vector<1x1x16xf32> to vector<16xf32>
        %swap3A_702 = vector.shape_cast %add3A_695 : vector<16xf32> to vector<1x1x16xf32>
        tpu.vector_store %arg7[%swap3A_697, %swap3A_698, %swap3A_699], %swap3A_702 {strides = array<i32>} : memref<3x400x64xf32, #tpu.memory_space<vmem>>, vector<1x1x16xf32>,
        %mul3A_703 = arith.constant 4 : i32
        %mul3A_704 = arith.muli %scan3A_440, %mul3A_703 : i32
        %add3A_705 = arith.constant 3 : i32
        %add3A_706 = arith.addi %mul3A_704, %add3A_705 : i32
        %get3A_707 = arith.constant 2 : i32
        %get3A_708 = arith.index_cast %get3A_707 : i32 to index
        %get3A_709 = arith.index_cast %add3A_706 : i32 to index
        %get3A_710 = arith.constant 0 : index
        %get3A_711 = tpu.vector_load %arg7[%get3A_708, %get3A_709, %get3A_710] {strides = array<i32>} : memref<3x400x64xf32, #tpu.memory_space<vmem>>, vector<1x1x16xf32>,
        %get3A_712 = vector.shape_cast %get3A_711 : vector<1x1x16xf32> to vector<16xf32>
        %mul3A_713 = arith.constant 8.000000e+00 : f32
        %mul3A_714 = vector.broadcast %mul3A_713 : f32 to vector<16xf32>
        %mul3A_715 = arith.mulf %get3A_712, %mul3A_714 : vector<16xf32>
        %get3A_716 = arith.index_cast %add3A_706 : i32 to index
        %get3A_717 = arith.constant 0 : index
        %get3A_718 = tpu.vector_load %arg8[%get3A_716, %get3A_717] {strides = array<i32>} : memref<400x64xf32, #tpu.memory_space<vmem>>, vector<1x16xf32>,
        %get3A_719 = vector.shape_cast %get3A_718 : vector<1x16xf32> to vector<16xf32>
        %add3A_720 = arith.addf %mul3A_715, %get3A_719 : vector<16xf32>
        %swap3A_721 = arith.constant 2 : i32
        %swap3A_722 = arith.index_cast %swap3A_721 : i32 to index
        %swap3A_723 = arith.index_cast %add3A_706 : i32 to index
        %swap3A_724 = arith.constant 0 : index
        %swap3A_725 = tpu.vector_load %arg7[%swap3A_722, %swap3A_723, %swap3A_724] {strides = array<i32>} : memref<3x400x64xf32, #tpu.memory_space<vmem>>, vector<1x1x16xf32>,
        %swap3A_726 = vector.shape_cast %swap3A_725 : vector<1x1x16xf32> to vector<16xf32>
        %swap3A_727 = vector.shape_cast %add3A_720 : vector<16xf32> to vector<1x1x16xf32>
        tpu.vector_store %arg7[%swap3A_722, %swap3A_723, %swap3A_724], %swap3A_727 {strides = array<i32>} : memref<3x400x64xf32, #tpu.memory_space<vmem>>, vector<1x1x16xf32>,
        %get3A_728 = arith.constant 2 : i32
        %get3A_729 = arith.index_cast %get3A_728 : i32 to index
        %get3A_730 = arith.index_cast %add3A_706 : i32 to index
        %get3A_731 = arith.constant 16 : index
        %get3A_732 = tpu.vector_load %arg7[%get3A_729, %get3A_730, %get3A_731] {strides = array<i32>} : memref<3x400x64xf32, #tpu.memory_space<vmem>>, vector<1x1x16xf32>,
        %get3A_733 = vector.shape_cast %get3A_732 : vector<1x1x16xf32> to vector<16xf32>
        %mul3A_734 = arith.constant 8.000000e+00 : f32
        %mul3A_735 = vector.broadcast %mul3A_734 : f32 to vector<16xf32>
        %mul3A_736 = arith.mulf %get3A_733, %mul3A_735 : vector<16xf32>
        %get3A_737 = arith.index_cast %add3A_706 : i32 to index
        %get3A_738 = arith.constant 16 : index
        %get3A_739 = tpu.vector_load %arg8[%get3A_737, %get3A_738] {strides = array<i32>} : memref<400x64xf32, #tpu.memory_space<vmem>>, vector<1x16xf32>,
        %get3A_740 = vector.shape_cast %get3A_739 : vector<1x16xf32> to vector<16xf32>
        %add3A_741 = arith.addf %mul3A_736, %get3A_740 : vector<16xf32>
        %swap3A_742 = arith.constant 2 : i32
        %swap3A_743 = arith.index_cast %swap3A_742 : i32 to index
        %swap3A_744 = arith.index_cast %add3A_706 : i32 to index
        %swap3A_745 = arith.constant 16 : index
        %swap3A_746 = tpu.vector_load %arg7[%swap3A_743, %swap3A_744, %swap3A_745] {strides = array<i32>} : memref<3x400x64xf32, #tpu.memory_space<vmem>>, vector<1x1x16xf32>,
        %swap3A_747 = vector.shape_cast %swap3A_746 : vector<1x1x16xf32> to vector<16xf32>
        %swap3A_748 = vector.shape_cast %add3A_741 : vector<16xf32> to vector<1x1x16xf32>
        tpu.vector_store %arg7[%swap3A_743, %swap3A_744, %swap3A_745], %swap3A_748 {strides = array<i32>} : memref<3x400x64xf32, #tpu.memory_space<vmem>>, vector<1x1x16xf32>,
        %get3A_749 = arith.constant 2 : i32
        %get3A_750 = arith.index_cast %get3A_749 : i32 to index
        %get3A_751 = arith.index_cast %add3A_706 : i32 to index
        %get3A_752 = arith.constant 32 : index
        %get3A_753 = tpu.vector_load %arg7[%get3A_750, %get3A_751, %get3A_752] {strides = array<i32>} : memref<3x400x64xf32, #tpu.memory_space<vmem>>, vector<1x1x16xf32>,
        %get3A_754 = vector.shape_cast %get3A_753 : vector<1x1x16xf32> to vector<16xf32>
        %mul3A_755 = arith.constant 8.000000e+00 : f32
        %mul3A_756 = vector.broadcast %mul3A_755 : f32 to vector<16xf32>
        %mul3A_757 = arith.mulf %get3A_754, %mul3A_756 : vector<16xf32>
        %get3A_758 = arith.index_cast %add3A_706 : i32 to index
        %get3A_759 = arith.constant 32 : index
        %get3A_760 = tpu.vector_load %arg8[%get3A_758, %get3A_759] {strides = array<i32>} : memref<400x64xf32, #tpu.memory_space<vmem>>, vector<1x16xf32>,
        %get3A_761 = vector.shape_cast %get3A_760 : vector<1x16xf32> to vector<16xf32>
        %add3A_762 = arith.addf %mul3A_757, %get3A_761 : vector<16xf32>
        %swap3A_763 = arith.constant 2 : i32
        %swap3A_764 = arith.index_cast %swap3A_763 : i32 to index
        %swap3A_765 = arith.index_cast %add3A_706 : i32 to index
        %swap3A_766 = arith.constant 32 : index
        %swap3A_767 = tpu.vector_load %arg7[%swap3A_764, %swap3A_765, %swap3A_766] {strides = array<i32>} : memref<3x400x64xf32, #tpu.memory_space<vmem>>, vector<1x1x16xf32>,
        %swap3A_768 = vector.shape_cast %swap3A_767 : vector<1x1x16xf32> to vector<16xf32>
        %swap3A_769 = vector.shape_cast %add3A_762 : vector<16xf32> to vector<1x1x16xf32>
        tpu.vector_store %arg7[%swap3A_764, %swap3A_765, %swap3A_766], %swap3A_769 {strides = array<i32>} : memref<3x400x64xf32, #tpu.memory_space<vmem>>, vector<1x1x16xf32>,
        %get3A_770 = arith.constant 2 : i32
        %get3A_771 = arith.index_cast %get3A_770 : i32 to index
        %get3A_772 = arith.index_cast %add3A_706 : i32 to index
        %get3A_773 = arith.constant 48 : index
        %get3A_774 = tpu.vector_load %arg7[%get3A_771, %get3A_772, %get3A_773] {strides = array<i32>} : memref<3x400x64xf32, #tpu.memory_space<vmem>>, vector<1x1x16xf32>,
        %get3A_775 = vector.shape_cast %get3A_774 : vector<1x1x16xf32> to vector<16xf32>
        %mul3A_776 = arith.constant 8.000000e+00 : f32
        %mul3A_777 = vector.broadcast %mul3A_776 : f32 to vector<16xf32>
        %mul3A_778 = arith.mulf %get3A_775, %mul3A_777 : vector<16xf32>
        %get3A_779 = arith.index_cast %add3A_706 : i32 to index
        %get3A_780 = arith.constant 48 : index
        %get3A_781 = tpu.vector_load %arg8[%get3A_779, %get3A_780] {strides = array<i32>} : memref<400x64xf32, #tpu.memory_space<vmem>>, vector<1x16xf32>,
        %get3A_782 = vector.shape_cast %get3A_781 : vector<1x16xf32> to vector<16xf32>
        %add3A_783 = arith.addf %mul3A_778, %get3A_782 : vector<16xf32>
        %swap3A_784 = arith.constant 2 : i32
        %swap3A_785 = arith.index_cast %swap3A_784 : i32 to index
        %swap3A_786 = arith.index_cast %add3A_706 : i32 to index
        %swap3A_787 = arith.constant 48 : index
        %swap3A_788 = tpu.vector_load %arg7[%swap3A_785, %swap3A_786, %swap3A_787] {strides = array<i32>} : memref<3x400x64xf32, #tpu.memory_space<vmem>>, vector<1x1x16xf32>,
        %swap3A_789 = vector.shape_cast %swap3A_788 : vector<1x1x16xf32> to vector<16xf32>
        %swap3A_790 = vector.shape_cast %add3A_783 : vector<16xf32> to vector<1x1x16xf32>
        tpu.vector_store %arg7[%swap3A_785, %swap3A_786, %swap3A_787], %swap3A_790 {strides = array<i32>} : memref<3x400x64xf32, #tpu.memory_space<vmem>>, vector<1x1x16xf32>,
      }
      %scan3A_283 = arith.constant 100 : i32
      %mul3A_284 = arith.constant 400 : i32
      %mul3A_285 = arith.muli %add3A_236, %mul3A_284 : i32
      %add3A_286 = arith.addi %mul3A_2, %mul3A_285 : i32
      %dma_start3A_287 = arith.constant 2 : i32
      %dma_start3A_288 = arith.constant 0 : i32
      %dma_start3A_289 = arith.constant 0 : i32
      %dma_start3A_290 = tpu.memref_slice %arg7[%dma_start3A_287, %dma_start3A_288, %dma_start3A_289] : memref<3x400x64xf32, #tpu.memory_space<vmem>> -> memref<1x400x64xf32, #tpu.memory_space<vmem>>
      %dma_start3A_291 = tpu.memref_squeeze %dma_start3A_290 : memref<1x400x64xf32, #tpu.memory_space<vmem>> -> memref<400x64xf32, #tpu.memory_space<vmem>>
      %dma_start3A_292 = arith.constant 0 : i32
      %dma_start3A_293 = tpu.memref_slice %arg5[%add3A_286, %dma_start3A_292] : memref<819200x64xf32, #tpu.memory_space<hbm>> -> memref<400x64xf32, #tpu.memory_space<hbm>>
      %dma_start3A_294 = arith.constant 0 : i32
      %dma_start3A_295 = tpu.memref_slice %arg5[%add3A_286, %dma_start3A_294] : memref<819200x64xf32, #tpu.memory_space<hbm>> -> memref<400x64xf32, #tpu.memory_space<hbm>>
      %dma_start3A_296 = arith.constant 0 : i32
      %dma_start3A_297 = arith.constant 0 : i32
      %dma_start3A_298 = tpu.memref_slice %arg7[%dma_start3A_287, %dma_start3A_296, %dma_start3A_297] : memref<3x400x64xf32, #tpu.memory_space<vmem>> -> memref<1x400x64xf32, #tpu.memory_space<vmem>>
      %dma_start3A_299 = tpu.memref_squeeze %dma_start3A_298 : memref<1x400x64xf32, #tpu.memory_space<vmem>> -> memref<400x64xf32, #tpu.memory_space<vmem>>
      tpu.enqueue_dma source(%dma_start3A_299 : memref<400x64xf32, #tpu.memory_space<vmem>>) target(%dma_start3A_295 : memref<400x64xf32, #tpu.memory_space<hbm>>) target_semaphore(%arg14 : memref<!tpu.dma_semaphore, #tpu.memory_space<semaphore_mem>>)
      %mul3A_300 = arith.constant 3 : i32
      %mul3A_301 = arith.muli %scan3A_230, %mul3A_300 : i32
      %add3A_302 = arith.constant 2 : i32
      %add3A_303 = arith.addi %add3A_302, %mul3A_301 : i32
      %add3A_304 = arith.constant 1 : i32
      %add3A_305 = arith.addi %add3A_303, %add3A_304 : i32
      %sub3A_306 = arith.constant 2 : i32
      %sub3A_307 = arith.subi %add3A_305, %sub3A_306 : i32
      %mul3A_308 = arith.constant 400 : i32
      %mul3A_309 = arith.muli %sub3A_307, %mul3A_308 : i32
      %add3A_310 = arith.addi %mul3A_2, %mul3A_309 : i32
      %dma_wait3A_311 = arith.constant 1 : i32
      %dma_wait3A_312 = arith.constant 0 : i32
      %dma_wait3A_313 = arith.constant 0 : i32
      %dma_wait3A_314 = tpu.memref_slice %arg7[%dma_wait3A_311, %dma_wait3A_312, %dma_wait3A_313] : memref<3x400x64xf32, #tpu.memory_space<vmem>> -> memref<1x400x64xf32, #tpu.memory_space<vmem>>
      %dma_wait3A_315 = tpu.memref_squeeze %dma_wait3A_314 : memref<1x400x64xf32, #tpu.memory_space<vmem>> -> memref<400x64xf32, #tpu.memory_space<vmem>>
      %dma_wait3A_316 = arith.constant 0 : i32
      %dma_wait3A_317 = tpu.memref_slice %arg5[%add3A_310, %dma_wait3A_316] : memref<819200x64xf32, #tpu.memory_space<hbm>> -> memref<400x64xf32, #tpu.memory_space<hbm>>
      %dma_wait3A_318 = arith.constant 0 : i32
      %dma_wait3A_319 = tpu.memref_slice %arg5[%add3A_310, %dma_wait3A_318] : memref<819200x64xf32, #tpu.memory_space<hbm>> -> memref<400x64xf32, #tpu.memory_space<hbm>>
      %dma_wait3A_320 = arith.constant 0 : i32
      %dma_wait3A_321 = arith.constant 0 : i32
      %dma_wait3A_322 = tpu.memref_slice %arg7[%dma_wait3A_311, %dma_wait3A_320, %dma_wait3A_321] : memref<3x400x64xf32, #tpu.memory_space<vmem>> -> memref<1x400x64xf32, #tpu.memory_space<vmem>>
      %dma_wait3A_323 = tpu.memref_squeeze %dma_wait3A_322 : memref<1x400x64xf32, #tpu.memory_space<vmem>> -> memref<400x64xf32, #tpu.memory_space<vmem>>
      tpu.wait_dma2 semaphore(%arg13 : memref<!tpu.dma_semaphore, #tpu.memory_space<semaphore_mem>>) src(%dma_wait3A_323 : memref<400x64xf32, #tpu.memory_space<vmem>>) dst(%dma_wait3A_319 : memref<400x64xf32, #tpu.memory_space<hbm>>)
      %add3A_324 = arith.constant 1 : i32
      %add3A_325 = arith.addi %add3A_305, %add3A_324 : i32
      %mul3A_326 = arith.constant 400 : i32
      %mul3A_327 = arith.muli %add3A_325, %mul3A_326 : i32
      %dma_start3A_328 = arith.constant 1 : i32
      %dma_start3A_329 = arith.constant 0 : i32
      %dma_start3A_330 = arith.constant 0 : i32
      %dma_start3A_331 = tpu.memref_slice %arg7[%dma_start3A_328, %dma_start3A_329, %dma_start3A_330] : memref<3x400x64xf32, #tpu.memory_space<vmem>> -> memref<1x400x64xf32, #tpu.memory_space<vmem>>
      %dma_start3A_332 = tpu.memref_squeeze %dma_start3A_331 : memref<1x400x64xf32, #tpu.memory_space<vmem>> -> memref<400x64xf32, #tpu.memory_space<vmem>>
      %dma_start3A_333 = tpu.memref_slice %arg6[%mul3A_327] : memref<25600xi32, #tpu.memory_space<vmem>> -> memref<400xi32, #tpu.memory_space<vmem>>
      %dma_start3A_334 = arith.constant 0 : i32
      %dma_start3A_335 = arith.constant 0 : i32
      %dma_start3A_336 = tpu.memref_slice %arg3[%dma_start3A_334, %dma_start3A_335] : memref<1000000x64xf32, #tpu.memory_space<hbm>> -> memref<1000000x64xf32, #tpu.memory_space<hbm>>
      tpu.enqueue_indirect_dma source(%dma_start3A_336 : memref<1000000x64xf32, #tpu.memory_space<hbm>>) target(%dma_start3A_332 : memref<400x64xf32, #tpu.memory_space<vmem>>) offsets(%dma_start3A_333 : memref<400xi32, #tpu.memory_space<vmem>>) semaphore(%arg10 : memref<!tpu.dma_semaphore, #tpu.memory_space<semaphore_mem>>)
      %mul3A_337 = arith.constant 400 : i32
      %mul3A_338 = arith.muli %add3A_305, %mul3A_337 : i32
      %dma_wait3A_339 = arith.constant 0 : i32
      %dma_wait3A_340 = arith.constant 0 : i32
      %dma_wait3A_341 = arith.constant 0 : i32
      %dma_wait3A_342 = tpu.memref_slice %arg7[%dma_wait3A_339, %dma_wait3A_340, %dma_wait3A_341] : memref<3x400x64xf32, #tpu.memory_space<vmem>> -> memref<1x400x64xf32, #tpu.memory_space<vmem>>
      %dma_wait3A_343 = tpu.memref_squeeze %dma_wait3A_342 : memref<1x400x64xf32, #tpu.memory_space<vmem>> -> memref<400x64xf32, #tpu.memory_space<vmem>>
      %dma_wait3A_344 = tpu.memref_slice %arg6[%mul3A_338] : memref<25600xi32, #tpu.memory_space<vmem>> -> memref<400xi32, #tpu.memory_space<vmem>>
      %dma_wait3A_345 = arith.constant 0 : i32
      %dma_wait3A_346 = arith.constant 0 : i32
      %dma_wait3A_347 = tpu.memref_slice %arg3[%dma_wait3A_345, %dma_wait3A_346] : memref<1000000x64xf32, #tpu.memory_space<hbm>> -> memref<1000000x64xf32, #tpu.memory_space<hbm>>
      tpu.wait_indirect_dma semaphore(%arg9 : memref<!tpu.dma_semaphore, #tpu.memory_space<semaphore_mem>>) src(%dma_wait3A_347 : memref<1000000x64xf32, #tpu.memory_space<hbm>>) dst(%dma_wait3A_343 : memref<400x64xf32, #tpu.memory_space<vmem>>)
      %scan3A_348 = arith.constant 0 : i32
      %scan3A_349 = arith.constant 0 : i32
      %scan3A_350 = arith.constant 100 : i32
      %scan3A_351 = arith.addi %scan3A_349, %scan3A_350 : i32
      %scan3A_352 = arith.constant 1 : i32
      scf.for %scan3A_440 = %scan3A_349 to %scan3A_351 step %scan3A_352  : i32 {
        %mul3A_441 = arith.constant 4 : i32
        %mul3A_442 = arith.muli %scan3A_440, %mul3A_441 : i32
        %add3A_443 = arith.constant 0 : i32
        %add3A_444 = arith.addi %mul3A_442, %add3A_443 : i32
        %get3A = arith.constant 0 : i32
        %get3A_445 = arith.index_cast %get3A : i32 to index
        %get3A_446 = arith.index_cast %add3A_444 : i32 to index
        %get3A_447 = arith.constant 0 : index
        %get3A_448 = tpu.vector_load %arg7[%get3A_445, %get3A_446, %get3A_447] {strides = array<i32>} : memref<3x400x64xf32, #tpu.memory_space<vmem>>, vector<1x1x16xf32>,
        %get3A_449 = vector.shape_cast %get3A_448 : vector<1x1x16xf32> to vector<16xf32>
        %mul3A_450 = arith.constant 8.000000e+00 : f32
        %mul3A_451 = vector.broadcast %mul3A_450 : f32 to vector<16xf32>
        %mul3A_452 = arith.mulf %get3A_449, %mul3A_451 : vector<16xf32>
        %get3A_453 = arith.index_cast %add3A_444 : i32 to index
        %get3A_454 = arith.constant 0 : index
        %get3A_455 = tpu.vector_load %arg8[%get3A_453, %get3A_454] {strides = array<i32>} : memref<400x64xf32, #tpu.memory_space<vmem>>, vector<1x16xf32>,
        %get3A_456 = vector.shape_cast %get3A_455 : vector<1x16xf32> to vector<16xf32>
        %add3A_457 = arith.addf %mul3A_452, %get3A_456 : vector<16xf32>
        %swap3A = arith.constant 0 : i32
        %swap3A_458 = arith.index_cast %swap3A : i32 to index
        %swap3A_459 = arith.index_cast %add3A_444 : i32 to index
        %swap3A_460 = arith.constant 0 : index
        %swap3A_461 = tpu.vector_load %arg7[%swap3A_458, %swap3A_459, %swap3A_460] {strides = array<i32>} : memref<3x400x64xf32, #tpu.memory_space<vmem>>, vector<1x1x16xf32>,
        %swap3A_462 = vector.shape_cast %swap3A_461 : vector<1x1x16xf32> to vector<16xf32>
        %swap3A_463 = vector.shape_cast %add3A_457 : vector<16xf32> to vector<1x1x16xf32>
        tpu.vector_store %arg7[%swap3A_458, %swap3A_459, %swap3A_460], %swap3A_463 {strides = array<i32>} : memref<3x400x64xf32, #tpu.memory_space<vmem>>, vector<1x1x16xf32>,
        %get3A_464 = arith.constant 0 : i32
        %get3A_465 = arith.index_cast %get3A_464 : i32 to index
        %get3A_466 = arith.index_cast %add3A_444 : i32 to index
        %get3A_467 = arith.constant 16 : index
        %get3A_468 = tpu.vector_load %arg7[%get3A_465, %get3A_466, %get3A_467] {strides = array<i32>} : memref<3x400x64xf32, #tpu.memory_space<vmem>>, vector<1x1x16xf32>,
        %get3A_469 = vector.shape_cast %get3A_468 : vector<1x1x16xf32> to vector<16xf32>
        %mul3A_470 = arith.constant 8.000000e+00 : f32
        %mul3A_471 = vector.broadcast %mul3A_470 : f32 to vector<16xf32>
        %mul3A_472 = arith.mulf %get3A_469, %mul3A_471 : vector<16xf32>
        %get3A_473 = arith.index_cast %add3A_444 : i32 to index
        %get3A_474 = arith.constant 16 : index
        %get3A_475 = tpu.vector_load %arg8[%get3A_473, %get3A_474] {strides = array<i32>} : memref<400x64xf32, #tpu.memory_space<vmem>>, vector<1x16xf32>,
        %get3A_476 = vector.shape_cast %get3A_475 : vector<1x16xf32> to vector<16xf32>
        %add3A_477 = arith.addf %mul3A_472, %get3A_476 : vector<16xf32>
        %swap3A_478 = arith.constant 0 : i32
        %swap3A_479 = arith.index_cast %swap3A_478 : i32 to index
        %swap3A_480 = arith.index_cast %add3A_444 : i32 to index
        %swap3A_481 = arith.constant 16 : index
        %swap3A_482 = tpu.vector_load %arg7[%swap3A_479, %swap3A_480, %swap3A_481] {strides = array<i32>} : memref<3x400x64xf32, #tpu.memory_space<vmem>>, vector<1x1x16xf32>,
        %swap3A_483 = vector.shape_cast %swap3A_482 : vector<1x1x16xf32> to vector<16xf32>
        %swap3A_484 = vector.shape_cast %add3A_477 : vector<16xf32> to vector<1x1x16xf32>
        tpu.vector_store %arg7[%swap3A_479, %swap3A_480, %swap3A_481], %swap3A_484 {strides = array<i32>} : memref<3x400x64xf32, #tpu.memory_space<vmem>>, vector<1x1x16xf32>,
        %get3A_485 = arith.constant 0 : i32
        %get3A_486 = arith.index_cast %get3A_485 : i32 to index
        %get3A_487 = arith.index_cast %add3A_444 : i32 to index
        %get3A_488 = arith.constant 32 : index
        %get3A_489 = tpu.vector_load %arg7[%get3A_486, %get3A_487, %get3A_488] {strides = array<i32>} : memref<3x400x64xf32, #tpu.memory_space<vmem>>, vector<1x1x16xf32>,
        %get3A_490 = vector.shape_cast %get3A_489 : vector<1x1x16xf32> to vector<16xf32>
        %mul3A_491 = arith.constant 8.000000e+00 : f32
        %mul3A_492 = vector.broadcast %mul3A_491 : f32 to vector<16xf32>
        %mul3A_493 = arith.mulf %get3A_490, %mul3A_492 : vector<16xf32>
        %get3A_494 = arith.index_cast %add3A_444 : i32 to index
        %get3A_495 = arith.constant 32 : index
        %get3A_496 = tpu.vector_load %arg8[%get3A_494, %get3A_495] {strides = array<i32>} : memref<400x64xf32, #tpu.memory_space<vmem>>, vector<1x16xf32>,
        %get3A_497 = vector.shape_cast %get3A_496 : vector<1x16xf32> to vector<16xf32>
        %add3A_498 = arith.addf %mul3A_493, %get3A_497 : vector<16xf32>
        %swap3A_499 = arith.constant 0 : i32
        %swap3A_500 = arith.index_cast %swap3A_499 : i32 to index
        %swap3A_501 = arith.index_cast %add3A_444 : i32 to index
        %swap3A_502 = arith.constant 32 : index
        %swap3A_503 = tpu.vector_load %arg7[%swap3A_500, %swap3A_501, %swap3A_502] {strides = array<i32>} : memref<3x400x64xf32, #tpu.memory_space<vmem>>, vector<1x1x16xf32>,
        %swap3A_504 = vector.shape_cast %swap3A_503 : vector<1x1x16xf32> to vector<16xf32>
        %swap3A_505 = vector.shape_cast %add3A_498 : vector<16xf32> to vector<1x1x16xf32>
        tpu.vector_store %arg7[%swap3A_500, %swap3A_501, %swap3A_502], %swap3A_505 {strides = array<i32>} : memref<3x400x64xf32, #tpu.memory_space<vmem>>, vector<1x1x16xf32>,
        %get3A_506 = arith.constant 0 : i32
        %get3A_507 = arith.index_cast %get3A_506 : i32 to index
        %get3A_508 = arith.index_cast %add3A_444 : i32 to index
        %get3A_509 = arith.constant 48 : index
        %get3A_510 = tpu.vector_load %arg7[%get3A_507, %get3A_508, %get3A_509] {strides = array<i32>} : memref<3x400x64xf32, #tpu.memory_space<vmem>>, vector<1x1x16xf32>,
        %get3A_511 = vector.shape_cast %get3A_510 : vector<1x1x16xf32> to vector<16xf32>
        %mul3A_512 = arith.constant 8.000000e+00 : f32
        %mul3A_513 = vector.broadcast %mul3A_512 : f32 to vector<16xf32>
        %mul3A_514 = arith.mulf %get3A_511, %mul3A_513 : vector<16xf32>
        %get3A_515 = arith.index_cast %add3A_444 : i32 to index
        %get3A_516 = arith.constant 48 : index
        %get3A_517 = tpu.vector_load %arg8[%get3A_515, %get3A_516] {strides = array<i32>} : memref<400x64xf32, #tpu.memory_space<vmem>>, vector<1x16xf32>,
        %get3A_518 = vector.shape_cast %get3A_517 : vector<1x16xf32> to vector<16xf32>
        %add3A_519 = arith.addf %mul3A_514, %get3A_518 : vector<16xf32>
        %swap3A_520 = arith.constant 0 : i32
        %swap3A_521 = arith.index_cast %swap3A_520 : i32 to index
        %swap3A_522 = arith.index_cast %add3A_444 : i32 to index
        %swap3A_523 = arith.constant 48 : index
        %swap3A_524 = tpu.vector_load %arg7[%swap3A_521, %swap3A_522, %swap3A_523] {strides = array<i32>} : memref<3x400x64xf32, #tpu.memory_space<vmem>>, vector<1x1x16xf32>,
        %swap3A_525 = vector.shape_cast %swap3A_524 : vector<1x1x16xf32> to vector<16xf32>
        %swap3A_526 = vector.shape_cast %add3A_519 : vector<16xf32> to vector<1x1x16xf32>
        tpu.vector_store %arg7[%swap3A_521, %swap3A_522, %swap3A_523], %swap3A_526 {strides = array<i32>} : memref<3x400x64xf32, #tpu.memory_space<vmem>>, vector<1x1x16xf32>,
        %mul3A_527 = arith.constant 4 : i32
        %mul3A_528 = arith.muli %scan3A_440, %mul3A_527 : i32
        %add3A_529 = arith.constant 1 : i32
        %add3A_530 = arith.addi %mul3A_528, %add3A_529 : i32
        %get3A_531 = arith.constant 0 : i32
        %get3A_532 = arith.index_cast %get3A_531 : i32 to index
        %get3A_533 = arith.index_cast %add3A_530 : i32 to index
        %get3A_534 = arith.constant 0 : index
        %get3A_535 = tpu.vector_load %arg7[%get3A_532, %get3A_533, %get3A_534] {strides = array<i32>} : memref<3x400x64xf32, #tpu.memory_space<vmem>>, vector<1x1x16xf32>,
        %get3A_536 = vector.shape_cast %get3A_535 : vector<1x1x16xf32> to vector<16xf32>
        %mul3A_537 = arith.constant 8.000000e+00 : f32
        %mul3A_538 = vector.broadcast %mul3A_537 : f32 to vector<16xf32>
        %mul3A_539 = arith.mulf %get3A_536, %mul3A_538 : vector<16xf32>
        %get3A_540 = arith.index_cast %add3A_530 : i32 to index
        %get3A_541 = arith.constant 0 : index
        %get3A_542 = tpu.vector_load %arg8[%get3A_540, %get3A_541] {strides = array<i32>} : memref<400x64xf32, #tpu.memory_space<vmem>>, vector<1x16xf32>,
        %get3A_543 = vector.shape_cast %get3A_542 : vector<1x16xf32> to vector<16xf32>
        %add3A_544 = arith.addf %mul3A_539, %get3A_543 : vector<16xf32>
        %swap3A_545 = arith.constant 0 : i32
        %swap3A_546 = arith.index_cast %swap3A_545 : i32 to index
        %swap3A_547 = arith.index_cast %add3A_530 : i32 to index
        %swap3A_548 = arith.constant 0 : index
        %swap3A_549 = tpu.vector_load %arg7[%swap3A_546, %swap3A_547, %swap3A_548] {strides = array<i32>} : memref<3x400x64xf32, #tpu.memory_space<vmem>>, vector<1x1x16xf32>,
        %swap3A_550 = vector.shape_cast %swap3A_549 : vector<1x1x16xf32> to vector<16xf32>
        %swap3A_551 = vector.shape_cast %add3A_544 : vector<16xf32> to vector<1x1x16xf32>
        tpu.vector_store %arg7[%swap3A_546, %swap3A_547, %swap3A_548], %swap3A_551 {strides = array<i32>} : memref<3x400x64xf32, #tpu.memory_space<vmem>>, vector<1x1x16xf32>,
        %get3A_552 = arith.constant 0 : i32
        %get3A_553 = arith.index_cast %get3A_552 : i32 to index
        %get3A_554 = arith.index_cast %add3A_530 : i32 to index
        %get3A_555 = arith.constant 16 : index
        %get3A_556 = tpu.vector_load %arg7[%get3A_553, %get3A_554, %get3A_555] {strides = array<i32>} : memref<3x400x64xf32, #tpu.memory_space<vmem>>, vector<1x1x16xf32>,
        %get3A_557 = vector.shape_cast %get3A_556 : vector<1x1x16xf32> to vector<16xf32>
        %mul3A_558 = arith.constant 8.000000e+00 : f32
        %mul3A_559 = vector.broadcast %mul3A_558 : f32 to vector<16xf32>
        %mul3A_560 = arith.mulf %get3A_557, %mul3A_559 : vector<16xf32>
        %get3A_561 = arith.index_cast %add3A_530 : i32 to index
        %get3A_562 = arith.constant 16 : index
        %get3A_563 = tpu.vector_load %arg8[%get3A_561, %get3A_562] {strides = array<i32>} : memref<400x64xf32, #tpu.memory_space<vmem>>, vector<1x16xf32>,
        %get3A_564 = vector.shape_cast %get3A_563 : vector<1x16xf32> to vector<16xf32>
        %add3A_565 = arith.addf %mul3A_560, %get3A_564 : vector<16xf32>
        %swap3A_566 = arith.constant 0 : i32
        %swap3A_567 = arith.index_cast %swap3A_566 : i32 to index
        %swap3A_568 = arith.index_cast %add3A_530 : i32 to index
        %swap3A_569 = arith.constant 16 : index
        %swap3A_570 = tpu.vector_load %arg7[%swap3A_567, %swap3A_568, %swap3A_569] {strides = array<i32>} : memref<3x400x64xf32, #tpu.memory_space<vmem>>, vector<1x1x16xf32>,
        %swap3A_571 = vector.shape_cast %swap3A_570 : vector<1x1x16xf32> to vector<16xf32>
        %swap3A_572 = vector.shape_cast %add3A_565 : vector<16xf32> to vector<1x1x16xf32>
        tpu.vector_store %arg7[%swap3A_567, %swap3A_568, %swap3A_569], %swap3A_572 {strides = array<i32>} : memref<3x400x64xf32, #tpu.memory_space<vmem>>, vector<1x1x16xf32>,
        %get3A_573 = arith.constant 0 : i32
        %get3A_574 = arith.index_cast %get3A_573 : i32 to index
        %get3A_575 = arith.index_cast %add3A_530 : i32 to index
        %get3A_576 = arith.constant 32 : index
        %get3A_577 = tpu.vector_load %arg7[%get3A_574, %get3A_575, %get3A_576] {strides = array<i32>} : memref<3x400x64xf32, #tpu.memory_space<vmem>>, vector<1x1x16xf32>,
        %get3A_578 = vector.shape_cast %get3A_577 : vector<1x1x16xf32> to vector<16xf32>
        %mul3A_579 = arith.constant 8.000000e+00 : f32
        %mul3A_580 = vector.broadcast %mul3A_579 : f32 to vector<16xf32>
        %mul3A_581 = arith.mulf %get3A_578, %mul3A_580 : vector<16xf32>
        %get3A_582 = arith.index_cast %add3A_530 : i32 to index
        %get3A_583 = arith.constant 32 : index
        %get3A_584 = tpu.vector_load %arg8[%get3A_582, %get3A_583] {strides = array<i32>} : memref<400x64xf32, #tpu.memory_space<vmem>>, vector<1x16xf32>,
        %get3A_585 = vector.shape_cast %get3A_584 : vector<1x16xf32> to vector<16xf32>
        %add3A_586 = arith.addf %mul3A_581, %get3A_585 : vector<16xf32>
        %swap3A_587 = arith.constant 0 : i32
        %swap3A_588 = arith.index_cast %swap3A_587 : i32 to index
        %swap3A_589 = arith.index_cast %add3A_530 : i32 to index
        %swap3A_590 = arith.constant 32 : index
        %swap3A_591 = tpu.vector_load %arg7[%swap3A_588, %swap3A_589, %swap3A_590] {strides = array<i32>} : memref<3x400x64xf32, #tpu.memory_space<vmem>>, vector<1x1x16xf32>,
        %swap3A_592 = vector.shape_cast %swap3A_591 : vector<1x1x16xf32> to vector<16xf32>
        %swap3A_593 = vector.shape_cast %add3A_586 : vector<16xf32> to vector<1x1x16xf32>
        tpu.vector_store %arg7[%swap3A_588, %swap3A_589, %swap3A_590], %swap3A_593 {strides = array<i32>} : memref<3x400x64xf32, #tpu.memory_space<vmem>>, vector<1x1x16xf32>,
        %get3A_594 = arith.constant 0 : i32
        %get3A_595 = arith.index_cast %get3A_594 : i32 to index
        %get3A_596 = arith.index_cast %add3A_530 : i32 to index
        %get3A_597 = arith.constant 48 : index
        %get3A_598 = tpu.vector_load %arg7[%get3A_595, %get3A_596, %get3A_597] {strides = array<i32>} : memref<3x400x64xf32, #tpu.memory_space<vmem>>, vector<1x1x16xf32>,
        %get3A_599 = vector.shape_cast %get3A_598 : vector<1x1x16xf32> to vector<16xf32>
        %mul3A_600 = arith.constant 8.000000e+00 : f32
        %mul3A_601 = vector.broadcast %mul3A_600 : f32 to vector<16xf32>
        %mul3A_602 = arith.mulf %get3A_599, %mul3A_601 : vector<16xf32>
        %get3A_603 = arith.index_cast %add3A_530 : i32 to index
        %get3A_604 = arith.constant 48 : index
        %get3A_605 = tpu.vector_load %arg8[%get3A_603, %get3A_604] {strides = array<i32>} : memref<400x64xf32, #tpu.memory_space<vmem>>, vector<1x16xf32>,
        %get3A_606 = vector.shape_cast %get3A_605 : vector<1x16xf32> to vector<16xf32>
        %add3A_607 = arith.addf %mul3A_602, %get3A_606 : vector<16xf32>
        %swap3A_608 = arith.constant 0 : i32
        %swap3A_609 = arith.index_cast %swap3A_608 : i32 to index
        %swap3A_610 = arith.index_cast %add3A_530 : i32 to index
        %swap3A_611 = arith.constant 48 : index
        %swap3A_612 = tpu.vector_load %arg7[%swap3A_609, %swap3A_610, %swap3A_611] {strides = array<i32>} : memref<3x400x64xf32, #tpu.memory_space<vmem>>, vector<1x1x16xf32>,
        %swap3A_613 = vector.shape_cast %swap3A_612 : vector<1x1x16xf32> to vector<16xf32>
        %swap3A_614 = vector.shape_cast %add3A_607 : vector<16xf32> to vector<1x1x16xf32>
        tpu.vector_store %arg7[%swap3A_609, %swap3A_610, %swap3A_611], %swap3A_614 {strides = array<i32>} : memref<3x400x64xf32, #tpu.memory_space<vmem>>, vector<1x1x16xf32>,
        %mul3A_615 = arith.constant 4 : i32
        %mul3A_616 = arith.muli %scan3A_440, %mul3A_615 : i32
        %add3A_617 = arith.constant 2 : i32
        %add3A_618 = arith.addi %mul3A_616, %add3A_617 : i32
        %get3A_619 = arith.constant 0 : i32
        %get3A_620 = arith.index_cast %get3A_619 : i32 to index
        %get3A_621 = arith.index_cast %add3A_618 : i32 to index
        %get3A_622 = arith.constant 0 : index
        %get3A_623 = tpu.vector_load %arg7[%get3A_620, %get3A_621, %get3A_622] {strides = array<i32>} : memref<3x400x64xf32, #tpu.memory_space<vmem>>, vector<1x1x16xf32>,
        %get3A_624 = vector.shape_cast %get3A_623 : vector<1x1x16xf32> to vector<16xf32>
        %mul3A_625 = arith.constant 8.000000e+00 : f32
        %mul3A_626 = vector.broadcast %mul3A_625 : f32 to vector<16xf32>
        %mul3A_627 = arith.mulf %get3A_624, %mul3A_626 : vector<16xf32>
        %get3A_628 = arith.index_cast %add3A_618 : i32 to index
        %get3A_629 = arith.constant 0 : index
        %get3A_630 = tpu.vector_load %arg8[%get3A_628, %get3A_629] {strides = array<i32>} : memref<400x64xf32, #tpu.memory_space<vmem>>, vector<1x16xf32>,
        %get3A_631 = vector.shape_cast %get3A_630 : vector<1x16xf32> to vector<16xf32>
        %add3A_632 = arith.addf %mul3A_627, %get3A_631 : vector<16xf32>
        %swap3A_633 = arith.constant 0 : i32
        %swap3A_634 = arith.index_cast %swap3A_633 : i32 to index
        %swap3A_635 = arith.index_cast %add3A_618 : i32 to index
        %swap3A_636 = arith.constant 0 : index
        %swap3A_637 = tpu.vector_load %arg7[%swap3A_634, %swap3A_635, %swap3A_636] {strides = array<i32>} : memref<3x400x64xf32, #tpu.memory_space<vmem>>, vector<1x1x16xf32>,
        %swap3A_638 = vector.shape_cast %swap3A_637 : vector<1x1x16xf32> to vector<16xf32>
        %swap3A_639 = vector.shape_cast %add3A_632 : vector<16xf32> to vector<1x1x16xf32>
        tpu.vector_store %arg7[%swap3A_634, %swap3A_635, %swap3A_636], %swap3A_639 {strides = array<i32>} : memref<3x400x64xf32, #tpu.memory_space<vmem>>, vector<1x1x16xf32>,
        %get3A_640 = arith.constant 0 : i32
        %get3A_641 = arith.index_cast %get3A_640 : i32 to index
        %get3A_642 = arith.index_cast %add3A_618 : i32 to index
        %get3A_643 = arith.constant 16 : index
        %get3A_644 = tpu.vector_load %arg7[%get3A_641, %get3A_642, %get3A_643] {strides = array<i32>} : memref<3x400x64xf32, #tpu.memory_space<vmem>>, vector<1x1x16xf32>,
        %get3A_645 = vector.shape_cast %get3A_644 : vector<1x1x16xf32> to vector<16xf32>
        %mul3A_646 = arith.constant 8.000000e+00 : f32
        %mul3A_647 = vector.broadcast %mul3A_646 : f32 to vector<16xf32>
        %mul3A_648 = arith.mulf %get3A_645, %mul3A_647 : vector<16xf32>
        %get3A_649 = arith.index_cast %add3A_618 : i32 to index
        %get3A_650 = arith.constant 16 : index
        %get3A_651 = tpu.vector_load %arg8[%get3A_649, %get3A_650] {strides = array<i32>} : memref<400x64xf32, #tpu.memory_space<vmem>>, vector<1x16xf32>,
        %get3A_652 = vector.shape_cast %get3A_651 : vector<1x16xf32> to vector<16xf32>
        %add3A_653 = arith.addf %mul3A_648, %get3A_652 : vector<16xf32>
        %swap3A_654 = arith.constant 0 : i32
        %swap3A_655 = arith.index_cast %swap3A_654 : i32 to index
        %swap3A_656 = arith.index_cast %add3A_618 : i32 to index
        %swap3A_657 = arith.constant 16 : index
        %swap3A_658 = tpu.vector_load %arg7[%swap3A_655, %swap3A_656, %swap3A_657] {strides = array<i32>} : memref<3x400x64xf32, #tpu.memory_space<vmem>>, vector<1x1x16xf32>,
        %swap3A_659 = vector.shape_cast %swap3A_658 : vector<1x1x16xf32> to vector<16xf32>
        %swap3A_660 = vector.shape_cast %add3A_653 : vector<16xf32> to vector<1x1x16xf32>
        tpu.vector_store %arg7[%swap3A_655, %swap3A_656, %swap3A_657], %swap3A_660 {strides = array<i32>} : memref<3x400x64xf32, #tpu.memory_space<vmem>>, vector<1x1x16xf32>,
        %get3A_661 = arith.constant 0 : i32
        %get3A_662 = arith.index_cast %get3A_661 : i32 to index
        %get3A_663 = arith.index_cast %add3A_618 : i32 to index
        %get3A_664 = arith.constant 32 : index
        %get3A_665 = tpu.vector_load %arg7[%get3A_662, %get3A_663, %get3A_664] {strides = array<i32>} : memref<3x400x64xf32, #tpu.memory_space<vmem>>, vector<1x1x16xf32>,
        %get3A_666 = vector.shape_cast %get3A_665 : vector<1x1x16xf32> to vector<16xf32>
        %mul3A_667 = arith.constant 8.000000e+00 : f32
        %mul3A_668 = vector.broadcast %mul3A_667 : f32 to vector<16xf32>
        %mul3A_669 = arith.mulf %get3A_666, %mul3A_668 : vector<16xf32>
        %get3A_670 = arith.index_cast %add3A_618 : i32 to index
        %get3A_671 = arith.constant 32 : index
        %get3A_672 = tpu.vector_load %arg8[%get3A_670, %get3A_671] {strides = array<i32>} : memref<400x64xf32, #tpu.memory_space<vmem>>, vector<1x16xf32>,
        %get3A_673 = vector.shape_cast %get3A_672 : vector<1x16xf32> to vector<16xf32>
        %add3A_674 = arith.addf %mul3A_669, %get3A_673 : vector<16xf32>
        %swap3A_675 = arith.constant 0 : i32
        %swap3A_676 = arith.index_cast %swap3A_675 : i32 to index
        %swap3A_677 = arith.index_cast %add3A_618 : i32 to index
        %swap3A_678 = arith.constant 32 : index
        %swap3A_679 = tpu.vector_load %arg7[%swap3A_676, %swap3A_677, %swap3A_678] {strides = array<i32>} : memref<3x400x64xf32, #tpu.memory_space<vmem>>, vector<1x1x16xf32>,
        %swap3A_680 = vector.shape_cast %swap3A_679 : vector<1x1x16xf32> to vector<16xf32>
        %swap3A_681 = vector.shape_cast %add3A_674 : vector<16xf32> to vector<1x1x16xf32>
        tpu.vector_store %arg7[%swap3A_676, %swap3A_677, %swap3A_678], %swap3A_681 {strides = array<i32>} : memref<3x400x64xf32, #tpu.memory_space<vmem>>, vector<1x1x16xf32>,
        %get3A_682 = arith.constant 0 : i32
        %get3A_683 = arith.index_cast %get3A_682 : i32 to index
        %get3A_684 = arith.index_cast %add3A_618 : i32 to index
        %get3A_685 = arith.constant 48 : index
        %get3A_686 = tpu.vector_load %arg7[%get3A_683, %get3A_684, %get3A_685] {strides = array<i32>} : memref<3x400x64xf32, #tpu.memory_space<vmem>>, vector<1x1x16xf32>,
        %get3A_687 = vector.shape_cast %get3A_686 : vector<1x1x16xf32> to vector<16xf32>
        %mul3A_688 = arith.constant 8.000000e+00 : f32
        %mul3A_689 = vector.broadcast %mul3A_688 : f32 to vector<16xf32>
        %mul3A_690 = arith.mulf %get3A_687, %mul3A_689 : vector<16xf32>
        %get3A_691 = arith.index_cast %add3A_618 : i32 to index
        %get3A_692 = arith.constant 48 : index
        %get3A_693 = tpu.vector_load %arg8[%get3A_691, %get3A_692] {strides = array<i32>} : memref<400x64xf32, #tpu.memory_space<vmem>>, vector<1x16xf32>,
        %get3A_694 = vector.shape_cast %get3A_693 : vector<1x16xf32> to vector<16xf32>
        %add3A_695 = arith.addf %mul3A_690, %get3A_694 : vector<16xf32>
        %swap3A_696 = arith.constant 0 : i32
        %swap3A_697 = arith.index_cast %swap3A_696 : i32 to index
        %swap3A_698 = arith.index_cast %add3A_618 : i32 to index
        %swap3A_699 = arith.constant 48 : index
        %swap3A_700 = tpu.vector_load %arg7[%swap3A_697, %swap3A_698, %swap3A_699] {strides = array<i32>} : memref<3x400x64xf32, #tpu.memory_space<vmem>>, vector<1x1x16xf32>,
        %swap3A_701 = vector.shape_cast %swap3A_700 : vector<1x1x16xf32> to vector<16xf32>
        %swap3A_702 = vector.shape_cast %add3A_695 : vector<16xf32> to vector<1x1x16xf32>
        tpu.vector_store %arg7[%swap3A_697, %swap3A_698, %swap3A_699], %swap3A_702 {strides = array<i32>} : memref<3x400x64xf32, #tpu.memory_space<vmem>>, vector<1x1x16xf32>,
        %mul3A_703 = arith.constant 4 : i32
        %mul3A_704 = arith.muli %scan3A_440, %mul3A_703 : i32
        %add3A_705 = arith.constant 3 : i32
        %add3A_706 = arith.addi %mul3A_704, %add3A_705 : i32
        %get3A_707 = arith.constant 0 : i32
        %get3A_708 = arith.index_cast %get3A_707 : i32 to index
        %get3A_709 = arith.index_cast %add3A_706 : i32 to index
        %get3A_710 = arith.constant 0 : index
        %get3A_711 = tpu.vector_load %arg7[%get3A_708, %get3A_709, %get3A_710] {strides = array<i32>} : memref<3x400x64xf32, #tpu.memory_space<vmem>>, vector<1x1x16xf32>,
        %get3A_712 = vector.shape_cast %get3A_711 : vector<1x1x16xf32> to vector<16xf32>
        %mul3A_713 = arith.constant 8.000000e+00 : f32
        %mul3A_714 = vector.broadcast %mul3A_713 : f32 to vector<16xf32>
        %mul3A_715 = arith.mulf %get3A_712, %mul3A_714 : vector<16xf32>
        %get3A_716 = arith.index_cast %add3A_706 : i32 to index
        %get3A_717 = arith.constant 0 : index
        %get3A_718 = tpu.vector_load %arg8[%get3A_716, %get3A_717] {strides = array<i32>} : memref<400x64xf32, #tpu.memory_space<vmem>>, vector<1x16xf32>,
        %get3A_719 = vector.shape_cast %get3A_718 : vector<1x16xf32> to vector<16xf32>
        %add3A_720 = arith.addf %mul3A_715, %get3A_719 : vector<16xf32>
        %swap3A_721 = arith.constant 0 : i32
        %swap3A_722 = arith.index_cast %swap3A_721 : i32 to index
        %swap3A_723 = arith.index_cast %add3A_706 : i32 to index
        %swap3A_724 = arith.constant 0 : index
        %swap3A_725 = tpu.vector_load %arg7[%swap3A_722, %swap3A_723, %swap3A_724] {strides = array<i32>} : memref<3x400x64xf32, #tpu.memory_space<vmem>>, vector<1x1x16xf32>,
        %swap3A_726 = vector.shape_cast %swap3A_725 : vector<1x1x16xf32> to vector<16xf32>
        %swap3A_727 = vector.shape_cast %add3A_720 : vector<16xf32> to vector<1x1x16xf32>
        tpu.vector_store %arg7[%swap3A_722, %swap3A_723, %swap3A_724], %swap3A_727 {strides = array<i32>} : memref<3x400x64xf32, #tpu.memory_space<vmem>>, vector<1x1x16xf32>,
        %get3A_728 = arith.constant 0 : i32
        %get3A_729 = arith.index_cast %get3A_728 : i32 to index
        %get3A_730 = arith.index_cast %add3A_706 : i32 to index
        %get3A_731 = arith.constant 16 : index
        %get3A_732 = tpu.vector_load %arg7[%get3A_729, %get3A_730, %get3A_731] {strides = array<i32>} : memref<3x400x64xf32, #tpu.memory_space<vmem>>, vector<1x1x16xf32>,
        %get3A_733 = vector.shape_cast %get3A_732 : vector<1x1x16xf32> to vector<16xf32>
        %mul3A_734 = arith.constant 8.000000e+00 : f32
        %mul3A_735 = vector.broadcast %mul3A_734 : f32 to vector<16xf32>
        %mul3A_736 = arith.mulf %get3A_733, %mul3A_735 : vector<16xf32>
        %get3A_737 = arith.index_cast %add3A_706 : i32 to index
        %get3A_738 = arith.constant 16 : index
        %get3A_739 = tpu.vector_load %arg8[%get3A_737, %get3A_738] {strides = array<i32>} : memref<400x64xf32, #tpu.memory_space<vmem>>, vector<1x16xf32>,
        %get3A_740 = vector.shape_cast %get3A_739 : vector<1x16xf32> to vector<16xf32>
        %add3A_741 = arith.addf %mul3A_736, %get3A_740 : vector<16xf32>
        %swap3A_742 = arith.constant 0 : i32
        %swap3A_743 = arith.index_cast %swap3A_742 : i32 to index
        %swap3A_744 = arith.index_cast %add3A_706 : i32 to index
        %swap3A_745 = arith.constant 16 : index
        %swap3A_746 = tpu.vector_load %arg7[%swap3A_743, %swap3A_744, %swap3A_745] {strides = array<i32>} : memref<3x400x64xf32, #tpu.memory_space<vmem>>, vector<1x1x16xf32>,
        %swap3A_747 = vector.shape_cast %swap3A_746 : vector<1x1x16xf32> to vector<16xf32>
        %swap3A_748 = vector.shape_cast %add3A_741 : vector<16xf32> to vector<1x1x16xf32>
        tpu.vector_store %arg7[%swap3A_743, %swap3A_744, %swap3A_745], %swap3A_748 {strides = array<i32>} : memref<3x400x64xf32, #tpu.memory_space<vmem>>, vector<1x1x16xf32>,
        %get3A_749 = arith.constant 0 : i32
        %get3A_750 = arith.index_cast %get3A_749 : i32 to index
        %get3A_751 = arith.index_cast %add3A_706 : i32 to index
        %get3A_752 = arith.constant 32 : index
        %get3A_753 = tpu.vector_load %arg7[%get3A_750, %get3A_751, %get3A_752] {strides = array<i32>} : memref<3x400x64xf32, #tpu.memory_space<vmem>>, vector<1x1x16xf32>,
        %get3A_754 = vector.shape_cast %get3A_753 : vector<1x1x16xf32> to vector<16xf32>
        %mul3A_755 = arith.constant 8.000000e+00 : f32
        %mul3A_756 = vector.broadcast %mul3A_755 : f32 to vector<16xf32>
        %mul3A_757 = arith.mulf %get3A_754, %mul3A_756 : vector<16xf32>
        %get3A_758 = arith.index_cast %add3A_706 : i32 to index
        %get3A_759 = arith.constant 32 : index
        %get3A_760 = tpu.vector_load %arg8[%get3A_758, %get3A_759] {strides = array<i32>} : memref<400x64xf32, #tpu.memory_space<vmem>>, vector<1x16xf32>,
        %get3A_761 = vector.shape_cast %get3A_760 : vector<1x16xf32> to vector<16xf32>
        %add3A_762 = arith.addf %mul3A_757, %get3A_761 : vector<16xf32>
        %swap3A_763 = arith.constant 0 : i32
        %swap3A_764 = arith.index_cast %swap3A_763 : i32 to index
        %swap3A_765 = arith.index_cast %add3A_706 : i32 to index
        %swap3A_766 = arith.constant 32 : index
        %swap3A_767 = tpu.vector_load %arg7[%swap3A_764, %swap3A_765, %swap3A_766] {strides = array<i32>} : memref<3x400x64xf32, #tpu.memory_space<vmem>>, vector<1x1x16xf32>,
        %swap3A_768 = vector.shape_cast %swap3A_767 : vector<1x1x16xf32> to vector<16xf32>
        %swap3A_769 = vector.shape_cast %add3A_762 : vector<16xf32> to vector<1x1x16xf32>
        tpu.vector_store %arg7[%swap3A_764, %swap3A_765, %swap3A_766], %swap3A_769 {strides = array<i32>} : memref<3x400x64xf32, #tpu.memory_space<vmem>>, vector<1x1x16xf32>,
        %get3A_770 = arith.constant 0 : i32
        %get3A_771 = arith.index_cast %get3A_770 : i32 to index
        %get3A_772 = arith.index_cast %add3A_706 : i32 to index
        %get3A_773 = arith.constant 48 : index
        %get3A_774 = tpu.vector_load %arg7[%get3A_771, %get3A_772, %get3A_773] {strides = array<i32>} : memref<3x400x64xf32, #tpu.memory_space<vmem>>, vector<1x1x16xf32>,
        %get3A_775 = vector.shape_cast %get3A_774 : vector<1x1x16xf32> to vector<16xf32>
        %mul3A_776 = arith.constant 8.000000e+00 : f32
        %mul3A_777 = vector.broadcast %mul3A_776 : f32 to vector<16xf32>
        %mul3A_778 = arith.mulf %get3A_775, %mul3A_777 : vector<16xf32>
        %get3A_779 = arith.index_cast %add3A_706 : i32 to index
        %get3A_780 = arith.constant 48 : index
        %get3A_781 = tpu.vector_load %arg8[%get3A_779, %get3A_780] {strides = array<i32>} : memref<400x64xf32, #tpu.memory_space<vmem>>, vector<1x16xf32>,
        %get3A_782 = vector.shape_cast %get3A_781 : vector<1x16xf32> to vector<16xf32>
        %add3A_783 = arith.addf %mul3A_778, %get3A_782 : vector<16xf32>
        %swap3A_784 = arith.constant 0 : i32
        %swap3A_785 = arith.index_cast %swap3A_784 : i32 to index
        %swap3A_786 = arith.index_cast %add3A_706 : i32 to index
        %swap3A_787 = arith.constant 48 : index
        %swap3A_788 = tpu.vector_load %arg7[%swap3A_785, %swap3A_786, %swap3A_787] {strides = array<i32>} : memref<3x400x64xf32, #tpu.memory_space<vmem>>, vector<1x1x16xf32>,
        %swap3A_789 = vector.shape_cast %swap3A_788 : vector<1x1x16xf32> to vector<16xf32>
        %swap3A_790 = vector.shape_cast %add3A_783 : vector<16xf32> to vector<1x1x16xf32>
        tpu.vector_store %arg7[%swap3A_785, %swap3A_786, %swap3A_787], %swap3A_790 {strides = array<i32>} : memref<3x400x64xf32, #tpu.memory_space<vmem>>, vector<1x1x16xf32>,
      }
      %scan3A_353 = arith.constant 100 : i32
      %mul3A_354 = arith.constant 400 : i32
      %mul3A_355 = arith.muli %add3A_305, %mul3A_354 : i32
      %add3A_356 = arith.addi %mul3A_2, %mul3A_355 : i32
      %dma_start3A_357 = arith.constant 0 : i32
      %dma_start3A_358 = arith.constant 0 : i32
      %dma_start3A_359 = arith.constant 0 : i32
      %dma_start3A_360 = tpu.memref_slice %arg7[%dma_start3A_357, %dma_start3A_358, %dma_start3A_359] : memref<3x400x64xf32, #tpu.memory_space<vmem>> -> memref<1x400x64xf32, #tpu.memory_space<vmem>>
      %dma_start3A_361 = tpu.memref_squeeze %dma_start3A_360 : memref<1x400x64xf32, #tpu.memory_space<vmem>> -> memref<400x64xf32, #tpu.memory_space<vmem>>
      %dma_start3A_362 = arith.constant 0 : i32
      %dma_start3A_363 = tpu.memref_slice %arg5[%add3A_356, %dma_start3A_362] : memref<819200x64xf32, #tpu.memory_space<hbm>> -> memref<400x64xf32, #tpu.memory_space<hbm>>
      %dma_start3A_364 = arith.constant 0 : i32
      %dma_start3A_365 = tpu.memref_slice %arg5[%add3A_356, %dma_start3A_364] : memref<819200x64xf32, #tpu.memory_space<hbm>> -> memref<400x64xf32, #tpu.memory_space<hbm>>
      %dma_start3A_366 = arith.constant 0 : i32
      %dma_start3A_367 = arith.constant 0 : i32
      %dma_start3A_368 = tpu.memref_slice %arg7[%dma_start3A_357, %dma_start3A_366, %dma_start3A_367] : memref<3x400x64xf32, #tpu.memory_space<vmem>> -> memref<1x400x64xf32, #tpu.memory_space<vmem>>
      %dma_start3A_369 = tpu.memref_squeeze %dma_start3A_368 : memref<1x400x64xf32, #tpu.memory_space<vmem>> -> memref<400x64xf32, #tpu.memory_space<vmem>>
      tpu.enqueue_dma source(%dma_start3A_369 : memref<400x64xf32, #tpu.memory_space<vmem>>) target(%dma_start3A_365 : memref<400x64xf32, #tpu.memory_space<hbm>>) target_semaphore(%arg12 : memref<!tpu.dma_semaphore, #tpu.memory_space<semaphore_mem>>)
      %mul3A_370 = arith.constant 3 : i32
      %mul3A_371 = arith.muli %scan3A_230, %mul3A_370 : i32
      %add3A_372 = arith.constant 2 : i32
      %add3A_373 = arith.addi %add3A_372, %mul3A_371 : i32
      %add3A_374 = arith.constant 2 : i32
      %add3A_375 = arith.addi %add3A_373, %add3A_374 : i32
      %sub3A_376 = arith.constant 2 : i32
      %sub3A_377 = arith.subi %add3A_375, %sub3A_376 : i32
      %mul3A_378 = arith.constant 400 : i32
      %mul3A_379 = arith.muli %sub3A_377, %mul3A_378 : i32
      %add3A_380 = arith.addi %mul3A_2, %mul3A_379 : i32
      %dma_wait3A_381 = arith.constant 2 : i32
      %dma_wait3A_382 = arith.constant 0 : i32
      %dma_wait3A_383 = arith.constant 0 : i32
      %dma_wait3A_384 = tpu.memref_slice %arg7[%dma_wait3A_381, %dma_wait3A_382, %dma_wait3A_383] : memref<3x400x64xf32, #tpu.memory_space<vmem>> -> memref<1x400x64xf32, #tpu.memory_space<vmem>>
      %dma_wait3A_385 = tpu.memref_squeeze %dma_wait3A_384 : memref<1x400x64xf32, #tpu.memory_space<vmem>> -> memref<400x64xf32, #tpu.memory_space<vmem>>
      %dma_wait3A_386 = arith.constant 0 : i32
      %dma_wait3A_387 = tpu.memref_slice %arg5[%add3A_380, %dma_wait3A_386] : memref<819200x64xf32, #tpu.memory_space<hbm>> -> memref<400x64xf32, #tpu.memory_space<hbm>>
      %dma_wait3A_388 = arith.constant 0 : i32
      %dma_wait3A_389 = tpu.memref_slice %arg5[%add3A_380, %dma_wait3A_388] : memref<819200x64xf32, #tpu.memory_space<hbm>> -> memref<400x64xf32, #tpu.memory_space<hbm>>
      %dma_wait3A_390 = arith.constant 0 : i32
      %dma_wait3A_391 = arith.constant 0 : i32
      %dma_wait3A_392 = tpu.memref_slice %arg7[%dma_wait3A_381, %dma_wait3A_390, %dma_wait3A_391] : memref<3x400x64xf32, #tpu.memory_space<vmem>> -> memref<1x400x64xf32, #tpu.memory_space<vmem>>
      %dma_wait3A_393 = tpu.memref_squeeze %dma_wait3A_392 : memref<1x400x64xf32, #tpu.memory_space<vmem>> -> memref<400x64xf32, #tpu.memory_space<vmem>>
      tpu.wait_dma2 semaphore(%arg14 : memref<!tpu.dma_semaphore, #tpu.memory_space<semaphore_mem>>) src(%dma_wait3A_393 : memref<400x64xf32, #tpu.memory_space<vmem>>) dst(%dma_wait3A_389 : memref<400x64xf32, #tpu.memory_space<hbm>>)
      %add3A_394 = arith.constant 1 : i32
      %add3A_395 = arith.addi %add3A_375, %add3A_394 : i32
      %mul3A_396 = arith.constant 400 : i32
      %mul3A_397 = arith.muli %add3A_395, %mul3A_396 : i32
      %dma_start3A_398 = arith.constant 2 : i32
      %dma_start3A_399 = arith.constant 0 : i32
      %dma_start3A_400 = arith.constant 0 : i32
      %dma_start3A_401 = tpu.memref_slice %arg7[%dma_start3A_398, %dma_start3A_399, %dma_start3A_400] : memref<3x400x64xf32, #tpu.memory_space<vmem>> -> memref<1x400x64xf32, #tpu.memory_space<vmem>>
      %dma_start3A_402 = tpu.memref_squeeze %dma_start3A_401 : memref<1x400x64xf32, #tpu.memory_space<vmem>> -> memref<400x64xf32, #tpu.memory_space<vmem>>
      %dma_start3A_403 = tpu.memref_slice %arg6[%mul3A_397] : memref<25600xi32, #tpu.memory_space<vmem>> -> memref<400xi32, #tpu.memory_space<vmem>>
      %dma_start3A_404 = arith.constant 0 : i32
      %dma_start3A_405 = arith.constant 0 : i32
      %dma_start3A_406 = tpu.memref_slice %arg3[%dma_start3A_404, %dma_start3A_405] : memref<1000000x64xf32, #tpu.memory_space<hbm>> -> memref<1000000x64xf32, #tpu.memory_space<hbm>>
      tpu.enqueue_indirect_dma source(%dma_start3A_406 : memref<1000000x64xf32, #tpu.memory_space<hbm>>) target(%dma_start3A_402 : memref<400x64xf32, #tpu.memory_space<vmem>>) offsets(%dma_start3A_403 : memref<400xi32, #tpu.memory_space<vmem>>) semaphore(%arg11 : memref<!tpu.dma_semaphore, #tpu.memory_space<semaphore_mem>>)
      %mul3A_407 = arith.constant 400 : i32
      %mul3A_408 = arith.muli %add3A_375, %mul3A_407 : i32
      %dma_wait3A_409 = arith.constant 1 : i32
      %dma_wait3A_410 = arith.constant 0 : i32
      %dma_wait3A_411 = arith.constant 0 : i32
      %dma_wait3A_412 = tpu.memref_slice %arg7[%dma_wait3A_409, %dma_wait3A_410, %dma_wait3A_411] : memref<3x400x64xf32, #tpu.memory_space<vmem>> -> memref<1x400x64xf32, #tpu.memory_space<vmem>>
      %dma_wait3A_413 = tpu.memref_squeeze %dma_wait3A_412 : memref<1x400x64xf32, #tpu.memory_space<vmem>> -> memref<400x64xf32, #tpu.memory_space<vmem>>
      %dma_wait3A_414 = tpu.memref_slice %arg6[%mul3A_408] : memref<25600xi32, #tpu.memory_space<vmem>> -> memref<400xi32, #tpu.memory_space<vmem>>
      %dma_wait3A_415 = arith.constant 0 : i32
      %dma_wait3A_416 = arith.constant 0 : i32
      %dma_wait3A_417 = tpu.memref_slice %arg3[%dma_wait3A_415, %dma_wait3A_416] : memref<1000000x64xf32, #tpu.memory_space<hbm>> -> memref<1000000x64xf32, #tpu.memory_space<hbm>>
      tpu.wait_indirect_dma semaphore(%arg10 : memref<!tpu.dma_semaphore, #tpu.memory_space<semaphore_mem>>) src(%dma_wait3A_417 : memref<1000000x64xf32, #tpu.memory_space<hbm>>) dst(%dma_wait3A_413 : memref<400x64xf32, #tpu.memory_space<vmem>>)
      %scan3A_418 = arith.constant 0 : i32
      %scan3A_419 = arith.constant 0 : i32
      %scan3A_420 = arith.constant 100 : i32
      %scan3A_421 = arith.addi %scan3A_419, %scan3A_420 : i32
      %scan3A_422 = arith.constant 1 : i32
      scf.for %scan3A_440 = %scan3A_419 to %scan3A_421 step %scan3A_422  : i32 {
        %mul3A_441 = arith.constant 4 : i32
        %mul3A_442 = arith.muli %scan3A_440, %mul3A_441 : i32
        %add3A_443 = arith.constant 0 : i32
        %add3A_444 = arith.addi %mul3A_442, %add3A_443 : i32
        %get3A = arith.constant 1 : i32
        %get3A_445 = arith.index_cast %get3A : i32 to index
        %get3A_446 = arith.index_cast %add3A_444 : i32 to index
        %get3A_447 = arith.constant 0 : index
        %get3A_448 = tpu.vector_load %arg7[%get3A_445, %get3A_446, %get3A_447] {strides = array<i32>} : memref<3x400x64xf32, #tpu.memory_space<vmem>>, vector<1x1x16xf32>,
        %get3A_449 = vector.shape_cast %get3A_448 : vector<1x1x16xf32> to vector<16xf32>
        %mul3A_450 = arith.constant 8.000000e+00 : f32
        %mul3A_451 = vector.broadcast %mul3A_450 : f32 to vector<16xf32>
        %mul3A_452 = arith.mulf %get3A_449, %mul3A_451 : vector<16xf32>
        %get3A_453 = arith.index_cast %add3A_444 : i32 to index
        %get3A_454 = arith.constant 0 : index
        %get3A_455 = tpu.vector_load %arg8[%get3A_453, %get3A_454] {strides = array<i32>} : memref<400x64xf32, #tpu.memory_space<vmem>>, vector<1x16xf32>,
        %get3A_456 = vector.shape_cast %get3A_455 : vector<1x16xf32> to vector<16xf32>
        %add3A_457 = arith.addf %mul3A_452, %get3A_456 : vector<16xf32>
        %swap3A = arith.constant 1 : i32
        %swap3A_458 = arith.index_cast %swap3A : i32 to index
        %swap3A_459 = arith.index_cast %add3A_444 : i32 to index
        %swap3A_460 = arith.constant 0 : index
        %swap3A_461 = tpu.vector_load %arg7[%swap3A_458, %swap3A_459, %swap3A_460] {strides = array<i32>} : memref<3x400x64xf32, #tpu.memory_space<vmem>>, vector<1x1x16xf32>,
        %swap3A_462 = vector.shape_cast %swap3A_461 : vector<1x1x16xf32> to vector<16xf32>
        %swap3A_463 = vector.shape_cast %add3A_457 : vector<16xf32> to vector<1x1x16xf32>
        tpu.vector_store %arg7[%swap3A_458, %swap3A_459, %swap3A_460], %swap3A_463 {strides = array<i32>} : memref<3x400x64xf32, #tpu.memory_space<vmem>>, vector<1x1x16xf32>,
        %get3A_464 = arith.constant 1 : i32
        %get3A_465 = arith.index_cast %get3A_464 : i32 to index
        %get3A_466 = arith.index_cast %add3A_444 : i32 to index
        %get3A_467 = arith.constant 16 : index
        %get3A_468 = tpu.vector_load %arg7[%get3A_465, %get3A_466, %get3A_467] {strides = array<i32>} : memref<3x400x64xf32, #tpu.memory_space<vmem>>, vector<1x1x16xf32>,
        %get3A_469 = vector.shape_cast %get3A_468 : vector<1x1x16xf32> to vector<16xf32>
        %mul3A_470 = arith.constant 8.000000e+00 : f32
        %mul3A_471 = vector.broadcast %mul3A_470 : f32 to vector<16xf32>
        %mul3A_472 = arith.mulf %get3A_469, %mul3A_471 : vector<16xf32>
        %get3A_473 = arith.index_cast %add3A_444 : i32 to index
        %get3A_474 = arith.constant 16 : index
        %get3A_475 = tpu.vector_load %arg8[%get3A_473, %get3A_474] {strides = array<i32>} : memref<400x64xf32, #tpu.memory_space<vmem>>, vector<1x16xf32>,
        %get3A_476 = vector.shape_cast %get3A_475 : vector<1x16xf32> to vector<16xf32>
        %add3A_477 = arith.addf %mul3A_472, %get3A_476 : vector<16xf32>
        %swap3A_478 = arith.constant 1 : i32
        %swap3A_479 = arith.index_cast %swap3A_478 : i32 to index
        %swap3A_480 = arith.index_cast %add3A_444 : i32 to index
        %swap3A_481 = arith.constant 16 : index
        %swap3A_482 = tpu.vector_load %arg7[%swap3A_479, %swap3A_480, %swap3A_481] {strides = array<i32>} : memref<3x400x64xf32, #tpu.memory_space<vmem>>, vector<1x1x16xf32>,
        %swap3A_483 = vector.shape_cast %swap3A_482 : vector<1x1x16xf32> to vector<16xf32>
        %swap3A_484 = vector.shape_cast %add3A_477 : vector<16xf32> to vector<1x1x16xf32>
        tpu.vector_store %arg7[%swap3A_479, %swap3A_480, %swap3A_481], %swap3A_484 {strides = array<i32>} : memref<3x400x64xf32, #tpu.memory_space<vmem>>, vector<1x1x16xf32>,
        %get3A_485 = arith.constant 1 : i32
        %get3A_486 = arith.index_cast %get3A_485 : i32 to index
        %get3A_487 = arith.index_cast %add3A_444 : i32 to index
        %get3A_488 = arith.constant 32 : index
        %get3A_489 = tpu.vector_load %arg7[%get3A_486, %get3A_487, %get3A_488] {strides = array<i32>} : memref<3x400x64xf32, #tpu.memory_space<vmem>>, vector<1x1x16xf32>,
        %get3A_490 = vector.shape_cast %get3A_489 : vector<1x1x16xf32> to vector<16xf32>
        %mul3A_491 = arith.constant 8.000000e+00 : f32
        %mul3A_492 = vector.broadcast %mul3A_491 : f32 to vector<16xf32>
        %mul3A_493 = arith.mulf %get3A_490, %mul3A_492 : vector<16xf32>
        %get3A_494 = arith.index_cast %add3A_444 : i32 to index
        %get3A_495 = arith.constant 32 : index
        %get3A_496 = tpu.vector_load %arg8[%get3A_494, %get3A_495] {strides = array<i32>} : memref<400x64xf32, #tpu.memory_space<vmem>>, vector<1x16xf32>,
        %get3A_497 = vector.shape_cast %get3A_496 : vector<1x16xf32> to vector<16xf32>
        %add3A_498 = arith.addf %mul3A_493, %get3A_497 : vector<16xf32>
        %swap3A_499 = arith.constant 1 : i32
        %swap3A_500 = arith.index_cast %swap3A_499 : i32 to index
        %swap3A_501 = arith.index_cast %add3A_444 : i32 to index
        %swap3A_502 = arith.constant 32 : index
        %swap3A_503 = tpu.vector_load %arg7[%swap3A_500, %swap3A_501, %swap3A_502] {strides = array<i32>} : memref<3x400x64xf32, #tpu.memory_space<vmem>>, vector<1x1x16xf32>,
        %swap3A_504 = vector.shape_cast %swap3A_503 : vector<1x1x16xf32> to vector<16xf32>
        %swap3A_505 = vector.shape_cast %add3A_498 : vector<16xf32> to vector<1x1x16xf32>
        tpu.vector_store %arg7[%swap3A_500, %swap3A_501, %swap3A_502], %swap3A_505 {strides = array<i32>} : memref<3x400x64xf32, #tpu.memory_space<vmem>>, vector<1x1x16xf32>,
        %get3A_506 = arith.constant 1 : i32
        %get3A_507 = arith.index_cast %get3A_506 : i32 to index
        %get3A_508 = arith.index_cast %add3A_444 : i32 to index
        %get3A_509 = arith.constant 48 : index
        %get3A_510 = tpu.vector_load %arg7[%get3A_507, %get3A_508, %get3A_509] {strides = array<i32>} : memref<3x400x64xf32, #tpu.memory_space<vmem>>, vector<1x1x16xf32>,
        %get3A_511 = vector.shape_cast %get3A_510 : vector<1x1x16xf32> to vector<16xf32>
        %mul3A_512 = arith.constant 8.000000e+00 : f32
        %mul3A_513 = vector.broadcast %mul3A_512 : f32 to vector<16xf32>
        %mul3A_514 = arith.mulf %get3A_511, %mul3A_513 : vector<16xf32>
        %get3A_515 = arith.index_cast %add3A_444 : i32 to index
        %get3A_516 = arith.constant 48 : index
        %get3A_517 = tpu.vector_load %arg8[%get3A_515, %get3A_516] {strides = array<i32>} : memref<400x64xf32, #tpu.memory_space<vmem>>, vector<1x16xf32>,
        %get3A_518 = vector.shape_cast %get3A_517 : vector<1x16xf32> to vector<16xf32>
        %add3A_519 = arith.addf %mul3A_514, %get3A_518 : vector<16xf32>
        %swap3A_520 = arith.constant 1 : i32
        %swap3A_521 = arith.index_cast %swap3A_520 : i32 to index
        %swap3A_522 = arith.index_cast %add3A_444 : i32 to index
        %swap3A_523 = arith.constant 48 : index
        %swap3A_524 = tpu.vector_load %arg7[%swap3A_521, %swap3A_522, %swap3A_523] {strides = array<i32>} : memref<3x400x64xf32, #tpu.memory_space<vmem>>, vector<1x1x16xf32>,
        %swap3A_525 = vector.shape_cast %swap3A_524 : vector<1x1x16xf32> to vector<16xf32>
        %swap3A_526 = vector.shape_cast %add3A_519 : vector<16xf32> to vector<1x1x16xf32>
        tpu.vector_store %arg7[%swap3A_521, %swap3A_522, %swap3A_523], %swap3A_526 {strides = array<i32>} : memref<3x400x64xf32, #tpu.memory_space<vmem>>, vector<1x1x16xf32>,
        %mul3A_527 = arith.constant 4 : i32
        %mul3A_528 = arith.muli %scan3A_440, %mul3A_527 : i32
        %add3A_529 = arith.constant 1 : i32
        %add3A_530 = arith.addi %mul3A_528, %add3A_529 : i32
        %get3A_531 = arith.constant 1 : i32
        %get3A_532 = arith.index_cast %get3A_531 : i32 to index
        %get3A_533 = arith.index_cast %add3A_530 : i32 to index
        %get3A_534 = arith.constant 0 : index
        %get3A_535 = tpu.vector_load %arg7[%get3A_532, %get3A_533, %get3A_534] {strides = array<i32>} : memref<3x400x64xf32, #tpu.memory_space<vmem>>, vector<1x1x16xf32>,
        %get3A_536 = vector.shape_cast %get3A_535 : vector<1x1x16xf32> to vector<16xf32>
        %mul3A_537 = arith.constant 8.000000e+00 : f32
        %mul3A_538 = vector.broadcast %mul3A_537 : f32 to vector<16xf32>
        %mul3A_539 = arith.mulf %get3A_536, %mul3A_538 : vector<16xf32>
        %get3A_540 = arith.index_cast %add3A_530 : i32 to index
        %get3A_541 = arith.constant 0 : index
        %get3A_542 = tpu.vector_load %arg8[%get3A_540, %get3A_541] {strides = array<i32>} : memref<400x64xf32, #tpu.memory_space<vmem>>, vector<1x16xf32>,
        %get3A_543 = vector.shape_cast %get3A_542 : vector<1x16xf32> to vector<16xf32>
        %add3A_544 = arith.addf %mul3A_539, %get3A_543 : vector<16xf32>
        %swap3A_545 = arith.constant 1 : i32
        %swap3A_546 = arith.index_cast %swap3A_545 : i32 to index
        %swap3A_547 = arith.index_cast %add3A_530 : i32 to index
        %swap3A_548 = arith.constant 0 : index
        %swap3A_549 = tpu.vector_load %arg7[%swap3A_546, %swap3A_547, %swap3A_548] {strides = array<i32>} : memref<3x400x64xf32, #tpu.memory_space<vmem>>, vector<1x1x16xf32>,
        %swap3A_550 = vector.shape_cast %swap3A_549 : vector<1x1x16xf32> to vector<16xf32>
        %swap3A_551 = vector.shape_cast %add3A_544 : vector<16xf32> to vector<1x1x16xf32>
        tpu.vector_store %arg7[%swap3A_546, %swap3A_547, %swap3A_548], %swap3A_551 {strides = array<i32>} : memref<3x400x64xf32, #tpu.memory_space<vmem>>, vector<1x1x16xf32>,
        %get3A_552 = arith.constant 1 : i32
        %get3A_553 = arith.index_cast %get3A_552 : i32 to index
        %get3A_554 = arith.index_cast %add3A_530 : i32 to index
        %get3A_555 = arith.constant 16 : index
        %get3A_556 = tpu.vector_load %arg7[%get3A_553, %get3A_554, %get3A_555] {strides = array<i32>} : memref<3x400x64xf32, #tpu.memory_space<vmem>>, vector<1x1x16xf32>,
        %get3A_557 = vector.shape_cast %get3A_556 : vector<1x1x16xf32> to vector<16xf32>
        %mul3A_558 = arith.constant 8.000000e+00 : f32
        %mul3A_559 = vector.broadcast %mul3A_558 : f32 to vector<16xf32>
        %mul3A_560 = arith.mulf %get3A_557, %mul3A_559 : vector<16xf32>
        %get3A_561 = arith.index_cast %add3A_530 : i32 to index
        %get3A_562 = arith.constant 16 : index
        %get3A_563 = tpu.vector_load %arg8[%get3A_561, %get3A_562] {strides = array<i32>} : memref<400x64xf32, #tpu.memory_space<vmem>>, vector<1x16xf32>,
        %get3A_564 = vector.shape_cast %get3A_563 : vector<1x16xf32> to vector<16xf32>
        %add3A_565 = arith.addf %mul3A_560, %get3A_564 : vector<16xf32>
        %swap3A_566 = arith.constant 1 : i32
        %swap3A_567 = arith.index_cast %swap3A_566 : i32 to index
        %swap3A_568 = arith.index_cast %add3A_530 : i32 to index
        %swap3A_569 = arith.constant 16 : index
        %swap3A_570 = tpu.vector_load %arg7[%swap3A_567, %swap3A_568, %swap3A_569] {strides = array<i32>} : memref<3x400x64xf32, #tpu.memory_space<vmem>>, vector<1x1x16xf32>,
        %swap3A_571 = vector.shape_cast %swap3A_570 : vector<1x1x16xf32> to vector<16xf32>
        %swap3A_572 = vector.shape_cast %add3A_565 : vector<16xf32> to vector<1x1x16xf32>
        tpu.vector_store %arg7[%swap3A_567, %swap3A_568, %swap3A_569], %swap3A_572 {strides = array<i32>} : memref<3x400x64xf32, #tpu.memory_space<vmem>>, vector<1x1x16xf32>,
        %get3A_573 = arith.constant 1 : i32
        %get3A_574 = arith.index_cast %get3A_573 : i32 to index
        %get3A_575 = arith.index_cast %add3A_530 : i32 to index
        %get3A_576 = arith.constant 32 : index
        %get3A_577 = tpu.vector_load %arg7[%get3A_574, %get3A_575, %get3A_576] {strides = array<i32>} : memref<3x400x64xf32, #tpu.memory_space<vmem>>, vector<1x1x16xf32>,
        %get3A_578 = vector.shape_cast %get3A_577 : vector<1x1x16xf32> to vector<16xf32>
        %mul3A_579 = arith.constant 8.000000e+00 : f32
        %mul3A_580 = vector.broadcast %mul3A_579 : f32 to vector<16xf32>
        %mul3A_581 = arith.mulf %get3A_578, %mul3A_580 : vector<16xf32>
        %get3A_582 = arith.index_cast %add3A_530 : i32 to index
        %get3A_583 = arith.constant 32 : index
        %get3A_584 = tpu.vector_load %arg8[%get3A_582, %get3A_583] {strides = array<i32>} : memref<400x64xf32, #tpu.memory_space<vmem>>, vector<1x16xf32>,
        %get3A_585 = vector.shape_cast %get3A_584 : vector<1x16xf32> to vector<16xf32>
        %add3A_586 = arith.addf %mul3A_581, %get3A_585 : vector<16xf32>
        %swap3A_587 = arith.constant 1 : i32
        %swap3A_588 = arith.index_cast %swap3A_587 : i32 to index
        %swap3A_589 = arith.index_cast %add3A_530 : i32 to index
        %swap3A_590 = arith.constant 32 : index
        %swap3A_591 = tpu.vector_load %arg7[%swap3A_588, %swap3A_589, %swap3A_590] {strides = array<i32>} : memref<3x400x64xf32, #tpu.memory_space<vmem>>, vector<1x1x16xf32>,
        %swap3A_592 = vector.shape_cast %swap3A_591 : vector<1x1x16xf32> to vector<16xf32>
        %swap3A_593 = vector.shape_cast %add3A_586 : vector<16xf32> to vector<1x1x16xf32>
        tpu.vector_store %arg7[%swap3A_588, %swap3A_589, %swap3A_590], %swap3A_593 {strides = array<i32>} : memref<3x400x64xf32, #tpu.memory_space<vmem>>, vector<1x1x16xf32>,
        %get3A_594 = arith.constant 1 : i32
        %get3A_595 = arith.index_cast %get3A_594 : i32 to index
        %get3A_596 = arith.index_cast %add3A_530 : i32 to index
        %get3A_597 = arith.constant 48 : index
        %get3A_598 = tpu.vector_load %arg7[%get3A_595, %get3A_596, %get3A_597] {strides = array<i32>} : memref<3x400x64xf32, #tpu.memory_space<vmem>>, vector<1x1x16xf32>,
        %get3A_599 = vector.shape_cast %get3A_598 : vector<1x1x16xf32> to vector<16xf32>
        %mul3A_600 = arith.constant 8.000000e+00 : f32
        %mul3A_601 = vector.broadcast %mul3A_600 : f32 to vector<16xf32>
        %mul3A_602 = arith.mulf %get3A_599, %mul3A_601 : vector<16xf32>
        %get3A_603 = arith.index_cast %add3A_530 : i32 to index
        %get3A_604 = arith.constant 48 : index
        %get3A_605 = tpu.vector_load %arg8[%get3A_603, %get3A_604] {strides = array<i32>} : memref<400x64xf32, #tpu.memory_space<vmem>>, vector<1x16xf32>,
        %get3A_606 = vector.shape_cast %get3A_605 : vector<1x16xf32> to vector<16xf32>
        %add3A_607 = arith.addf %mul3A_602, %get3A_606 : vector<16xf32>
        %swap3A_608 = arith.constant 1 : i32
        %swap3A_609 = arith.index_cast %swap3A_608 : i32 to index
        %swap3A_610 = arith.index_cast %add3A_530 : i32 to index
        %swap3A_611 = arith.constant 48 : index
        %swap3A_612 = tpu.vector_load %arg7[%swap3A_609, %swap3A_610, %swap3A_611] {strides = array<i32>} : memref<3x400x64xf32, #tpu.memory_space<vmem>>, vector<1x1x16xf32>,
        %swap3A_613 = vector.shape_cast %swap3A_612 : vector<1x1x16xf32> to vector<16xf32>
        %swap3A_614 = vector.shape_cast %add3A_607 : vector<16xf32> to vector<1x1x16xf32>
        tpu.vector_store %arg7[%swap3A_609, %swap3A_610, %swap3A_611], %swap3A_614 {strides = array<i32>} : memref<3x400x64xf32, #tpu.memory_space<vmem>>, vector<1x1x16xf32>,
        %mul3A_615 = arith.constant 4 : i32
        %mul3A_616 = arith.muli %scan3A_440, %mul3A_615 : i32
        %add3A_617 = arith.constant 2 : i32
        %add3A_618 = arith.addi %mul3A_616, %add3A_617 : i32
        %get3A_619 = arith.constant 1 : i32
        %get3A_620 = arith.index_cast %get3A_619 : i32 to index
        %get3A_621 = arith.index_cast %add3A_618 : i32 to index
        %get3A_622 = arith.constant 0 : index
        %get3A_623 = tpu.vector_load %arg7[%get3A_620, %get3A_621, %get3A_622] {strides = array<i32>} : memref<3x400x64xf32, #tpu.memory_space<vmem>>, vector<1x1x16xf32>,
        %get3A_624 = vector.shape_cast %get3A_623 : vector<1x1x16xf32> to vector<16xf32>
        %mul3A_625 = arith.constant 8.000000e+00 : f32
        %mul3A_626 = vector.broadcast %mul3A_625 : f32 to vector<16xf32>
        %mul3A_627 = arith.mulf %get3A_624, %mul3A_626 : vector<16xf32>
        %get3A_628 = arith.index_cast %add3A_618 : i32 to index
        %get3A_629 = arith.constant 0 : index
        %get3A_630 = tpu.vector_load %arg8[%get3A_628, %get3A_629] {strides = array<i32>} : memref<400x64xf32, #tpu.memory_space<vmem>>, vector<1x16xf32>,
        %get3A_631 = vector.shape_cast %get3A_630 : vector<1x16xf32> to vector<16xf32>
        %add3A_632 = arith.addf %mul3A_627, %get3A_631 : vector<16xf32>
        %swap3A_633 = arith.constant 1 : i32
        %swap3A_634 = arith.index_cast %swap3A_633 : i32 to index
        %swap3A_635 = arith.index_cast %add3A_618 : i32 to index
        %swap3A_636 = arith.constant 0 : index
        %swap3A_637 = tpu.vector_load %arg7[%swap3A_634, %swap3A_635, %swap3A_636] {strides = array<i32>} : memref<3x400x64xf32, #tpu.memory_space<vmem>>, vector<1x1x16xf32>,
        %swap3A_638 = vector.shape_cast %swap3A_637 : vector<1x1x16xf32> to vector<16xf32>
        %swap3A_639 = vector.shape_cast %add3A_632 : vector<16xf32> to vector<1x1x16xf32>
        tpu.vector_store %arg7[%swap3A_634, %swap3A_635, %swap3A_636], %swap3A_639 {strides = array<i32>} : memref<3x400x64xf32, #tpu.memory_space<vmem>>, vector<1x1x16xf32>,
        %get3A_640 = arith.constant 1 : i32
        %get3A_641 = arith.index_cast %get3A_640 : i32 to index
        %get3A_642 = arith.index_cast %add3A_618 : i32 to index
        %get3A_643 = arith.constant 16 : index
        %get3A_644 = tpu.vector_load %arg7[%get3A_641, %get3A_642, %get3A_643] {strides = array<i32>} : memref<3x400x64xf32, #tpu.memory_space<vmem>>, vector<1x1x16xf32>,
        %get3A_645 = vector.shape_cast %get3A_644 : vector<1x1x16xf32> to vector<16xf32>
        %mul3A_646 = arith.constant 8.000000e+00 : f32
        %mul3A_647 = vector.broadcast %mul3A_646 : f32 to vector<16xf32>
        %mul3A_648 = arith.mulf %get3A_645, %mul3A_647 : vector<16xf32>
        %get3A_649 = arith.index_cast %add3A_618 : i32 to index
        %get3A_650 = arith.constant 16 : index
        %get3A_651 = tpu.vector_load %arg8[%get3A_649, %get3A_650] {strides = array<i32>} : memref<400x64xf32, #tpu.memory_space<vmem>>, vector<1x16xf32>,
        %get3A_652 = vector.shape_cast %get3A_651 : vector<1x16xf32> to vector<16xf32>
        %add3A_653 = arith.addf %mul3A_648, %get3A_652 : vector<16xf32>
        %swap3A_654 = arith.constant 1 : i32
        %swap3A_655 = arith.index_cast %swap3A_654 : i32 to index
        %swap3A_656 = arith.index_cast %add3A_618 : i32 to index
        %swap3A_657 = arith.constant 16 : index
        %swap3A_658 = tpu.vector_load %arg7[%swap3A_655, %swap3A_656, %swap3A_657] {strides = array<i32>} : memref<3x400x64xf32, #tpu.memory_space<vmem>>, vector<1x1x16xf32>,
        %swap3A_659 = vector.shape_cast %swap3A_658 : vector<1x1x16xf32> to vector<16xf32>
        %swap3A_660 = vector.shape_cast %add3A_653 : vector<16xf32> to vector<1x1x16xf32>
        tpu.vector_store %arg7[%swap3A_655, %swap3A_656, %swap3A_657], %swap3A_660 {strides = array<i32>} : memref<3x400x64xf32, #tpu.memory_space<vmem>>, vector<1x1x16xf32>,
        %get3A_661 = arith.constant 1 : i32
        %get3A_662 = arith.index_cast %get3A_661 : i32 to index
        %get3A_663 = arith.index_cast %add3A_618 : i32 to index
        %get3A_664 = arith.constant 32 : index
        %get3A_665 = tpu.vector_load %arg7[%get3A_662, %get3A_663, %get3A_664] {strides = array<i32>} : memref<3x400x64xf32, #tpu.memory_space<vmem>>, vector<1x1x16xf32>,
        %get3A_666 = vector.shape_cast %get3A_665 : vector<1x1x16xf32> to vector<16xf32>
        %mul3A_667 = arith.constant 8.000000e+00 : f32
        %mul3A_668 = vector.broadcast %mul3A_667 : f32 to vector<16xf32>
        %mul3A_669 = arith.mulf %get3A_666, %mul3A_668 : vector<16xf32>
        %get3A_670 = arith.index_cast %add3A_618 : i32 to index
        %get3A_671 = arith.constant 32 : index
        %get3A_672 = tpu.vector_load %arg8[%get3A_670, %get3A_671] {strides = array<i32>} : memref<400x64xf32, #tpu.memory_space<vmem>>, vector<1x16xf32>,
        %get3A_673 = vector.shape_cast %get3A_672 : vector<1x16xf32> to vector<16xf32>
        %add3A_674 = arith.addf %mul3A_669, %get3A_673 : vector<16xf32>
        %swap3A_675 = arith.constant 1 : i32
        %swap3A_676 = arith.index_cast %swap3A_675 : i32 to index
        %swap3A_677 = arith.index_cast %add3A_618 : i32 to index
        %swap3A_678 = arith.constant 32 : index
        %swap3A_679 = tpu.vector_load %arg7[%swap3A_676, %swap3A_677, %swap3A_678] {strides = array<i32>} : memref<3x400x64xf32, #tpu.memory_space<vmem>>, vector<1x1x16xf32>,
        %swap3A_680 = vector.shape_cast %swap3A_679 : vector<1x1x16xf32> to vector<16xf32>
        %swap3A_681 = vector.shape_cast %add3A_674 : vector<16xf32> to vector<1x1x16xf32>
        tpu.vector_store %arg7[%swap3A_676, %swap3A_677, %swap3A_678], %swap3A_681 {strides = array<i32>} : memref<3x400x64xf32, #tpu.memory_space<vmem>>, vector<1x1x16xf32>,
        %get3A_682 = arith.constant 1 : i32
        %get3A_683 = arith.index_cast %get3A_682 : i32 to index
        %get3A_684 = arith.index_cast %add3A_618 : i32 to index
        %get3A_685 = arith.constant 48 : index
        %get3A_686 = tpu.vector_load %arg7[%get3A_683, %get3A_684, %get3A_685] {strides = array<i32>} : memref<3x400x64xf32, #tpu.memory_space<vmem>>, vector<1x1x16xf32>,
        %get3A_687 = vector.shape_cast %get3A_686 : vector<1x1x16xf32> to vector<16xf32>
        %mul3A_688 = arith.constant 8.000000e+00 : f32
        %mul3A_689 = vector.broadcast %mul3A_688 : f32 to vector<16xf32>
        %mul3A_690 = arith.mulf %get3A_687, %mul3A_689 : vector<16xf32>
        %get3A_691 = arith.index_cast %add3A_618 : i32 to index
        %get3A_692 = arith.constant 48 : index
        %get3A_693 = tpu.vector_load %arg8[%get3A_691, %get3A_692] {strides = array<i32>} : memref<400x64xf32, #tpu.memory_space<vmem>>, vector<1x16xf32>,
        %get3A_694 = vector.shape_cast %get3A_693 : vector<1x16xf32> to vector<16xf32>
        %add3A_695 = arith.addf %mul3A_690, %get3A_694 : vector<16xf32>
        %swap3A_696 = arith.constant 1 : i32
        %swap3A_697 = arith.index_cast %swap3A_696 : i32 to index
        %swap3A_698 = arith.index_cast %add3A_618 : i32 to index
        %swap3A_699 = arith.constant 48 : index
        %swap3A_700 = tpu.vector_load %arg7[%swap3A_697, %swap3A_698, %swap3A_699] {strides = array<i32>} : memref<3x400x64xf32, #tpu.memory_space<vmem>>, vector<1x1x16xf32>,
        %swap3A_701 = vector.shape_cast %swap3A_700 : vector<1x1x16xf32> to vector<16xf32>
        %swap3A_702 = vector.shape_cast %add3A_695 : vector<16xf32> to vector<1x1x16xf32>
        tpu.vector_store %arg7[%swap3A_697, %swap3A_698, %swap3A_699], %swap3A_702 {strides = array<i32>} : memref<3x400x64xf32, #tpu.memory_space<vmem>>, vector<1x1x16xf32>,
        %mul3A_703 = arith.constant 4 : i32
        %mul3A_704 = arith.muli %scan3A_440, %mul3A_703 : i32
        %add3A_705 = arith.constant 3 : i32
        %add3A_706 = arith.addi %mul3A_704, %add3A_705 : i32
        %get3A_707 = arith.constant 1 : i32
        %get3A_708 = arith.index_cast %get3A_707 : i32 to index
        %get3A_709 = arith.index_cast %add3A_706 : i32 to index
        %get3A_710 = arith.constant 0 : index
        %get3A_711 = tpu.vector_load %arg7[%get3A_708, %get3A_709, %get3A_710] {strides = array<i32>} : memref<3x400x64xf32, #tpu.memory_space<vmem>>, vector<1x1x16xf32>,
        %get3A_712 = vector.shape_cast %get3A_711 : vector<1x1x16xf32> to vector<16xf32>
        %mul3A_713 = arith.constant 8.000000e+00 : f32
        %mul3A_714 = vector.broadcast %mul3A_713 : f32 to vector<16xf32>
        %mul3A_715 = arith.mulf %get3A_712, %mul3A_714 : vector<16xf32>
        %get3A_716 = arith.index_cast %add3A_706 : i32 to index
        %get3A_717 = arith.constant 0 : index
        %get3A_718 = tpu.vector_load %arg8[%get3A_716, %get3A_717] {strides = array<i32>} : memref<400x64xf32, #tpu.memory_space<vmem>>, vector<1x16xf32>,
        %get3A_719 = vector.shape_cast %get3A_718 : vector<1x16xf32> to vector<16xf32>
        %add3A_720 = arith.addf %mul3A_715, %get3A_719 : vector<16xf32>
        %swap3A_721 = arith.constant 1 : i32
        %swap3A_722 = arith.index_cast %swap3A_721 : i32 to index
        %swap3A_723 = arith.index_cast %add3A_706 : i32 to index
        %swap3A_724 = arith.constant 0 : index
        %swap3A_725 = tpu.vector_load %arg7[%swap3A_722, %swap3A_723, %swap3A_724] {strides = array<i32>} : memref<3x400x64xf32, #tpu.memory_space<vmem>>, vector<1x1x16xf32>,
        %swap3A_726 = vector.shape_cast %swap3A_725 : vector<1x1x16xf32> to vector<16xf32>
        %swap3A_727 = vector.shape_cast %add3A_720 : vector<16xf32> to vector<1x1x16xf32>
        tpu.vector_store %arg7[%swap3A_722, %swap3A_723, %swap3A_724], %swap3A_727 {strides = array<i32>} : memref<3x400x64xf32, #tpu.memory_space<vmem>>, vector<1x1x16xf32>,
        %get3A_728 = arith.constant 1 : i32
        %get3A_729 = arith.index_cast %get3A_728 : i32 to index
        %get3A_730 = arith.index_cast %add3A_706 : i32 to index
        %get3A_731 = arith.constant 16 : index
        %get3A_732 = tpu.vector_load %arg7[%get3A_729, %get3A_730, %get3A_731] {strides = array<i32>} : memref<3x400x64xf32, #tpu.memory_space<vmem>>, vector<1x1x16xf32>,
        %get3A_733 = vector.shape_cast %get3A_732 : vector<1x1x16xf32> to vector<16xf32>
        %mul3A_734 = arith.constant 8.000000e+00 : f32
        %mul3A_735 = vector.broadcast %mul3A_734 : f32 to vector<16xf32>
        %mul3A_736 = arith.mulf %get3A_733, %mul3A_735 : vector<16xf32>
        %get3A_737 = arith.index_cast %add3A_706 : i32 to index
        %get3A_738 = arith.constant 16 : index
        %get3A_739 = tpu.vector_load %arg8[%get3A_737, %get3A_738] {strides = array<i32>} : memref<400x64xf32, #tpu.memory_space<vmem>>, vector<1x16xf32>,
        %get3A_740 = vector.shape_cast %get3A_739 : vector<1x16xf32> to vector<16xf32>
        %add3A_741 = arith.addf %mul3A_736, %get3A_740 : vector<16xf32>
        %swap3A_742 = arith.constant 1 : i32
        %swap3A_743 = arith.index_cast %swap3A_742 : i32 to index
        %swap3A_744 = arith.index_cast %add3A_706 : i32 to index
        %swap3A_745 = arith.constant 16 : index
        %swap3A_746 = tpu.vector_load %arg7[%swap3A_743, %swap3A_744, %swap3A_745] {strides = array<i32>} : memref<3x400x64xf32, #tpu.memory_space<vmem>>, vector<1x1x16xf32>,
        %swap3A_747 = vector.shape_cast %swap3A_746 : vector<1x1x16xf32> to vector<16xf32>
        %swap3A_748 = vector.shape_cast %add3A_741 : vector<16xf32> to vector<1x1x16xf32>
        tpu.vector_store %arg7[%swap3A_743, %swap3A_744, %swap3A_745], %swap3A_748 {strides = array<i32>} : memref<3x400x64xf32, #tpu.memory_space<vmem>>, vector<1x1x16xf32>,
        %get3A_749 = arith.constant 1 : i32
        %get3A_750 = arith.index_cast %get3A_749 : i32 to index
        %get3A_751 = arith.index_cast %add3A_706 : i32 to index
        %get3A_752 = arith.constant 32 : index
        %get3A_753 = tpu.vector_load %arg7[%get3A_750, %get3A_751, %get3A_752] {strides = array<i32>} : memref<3x400x64xf32, #tpu.memory_space<vmem>>, vector<1x1x16xf32>,
        %get3A_754 = vector.shape_cast %get3A_753 : vector<1x1x16xf32> to vector<16xf32>
        %mul3A_755 = arith.constant 8.000000e+00 : f32
        %mul3A_756 = vector.broadcast %mul3A_755 : f32 to vector<16xf32>
        %mul3A_757 = arith.mulf %get3A_754, %mul3A_756 : vector<16xf32>
        %get3A_758 = arith.index_cast %add3A_706 : i32 to index
        %get3A_759 = arith.constant 32 : index
        %get3A_760 = tpu.vector_load %arg8[%get3A_758, %get3A_759] {strides = array<i32>} : memref<400x64xf32, #tpu.memory_space<vmem>>, vector<1x16xf32>,
        %get3A_761 = vector.shape_cast %get3A_760 : vector<1x16xf32> to vector<16xf32>
        %add3A_762 = arith.addf %mul3A_757, %get3A_761 : vector<16xf32>
        %swap3A_763 = arith.constant 1 : i32
        %swap3A_764 = arith.index_cast %swap3A_763 : i32 to index
        %swap3A_765 = arith.index_cast %add3A_706 : i32 to index
        %swap3A_766 = arith.constant 32 : index
        %swap3A_767 = tpu.vector_load %arg7[%swap3A_764, %swap3A_765, %swap3A_766] {strides = array<i32>} : memref<3x400x64xf32, #tpu.memory_space<vmem>>, vector<1x1x16xf32>,
        %swap3A_768 = vector.shape_cast %swap3A_767 : vector<1x1x16xf32> to vector<16xf32>
        %swap3A_769 = vector.shape_cast %add3A_762 : vector<16xf32> to vector<1x1x16xf32>
        tpu.vector_store %arg7[%swap3A_764, %swap3A_765, %swap3A_766], %swap3A_769 {strides = array<i32>} : memref<3x400x64xf32, #tpu.memory_space<vmem>>, vector<1x1x16xf32>,
        %get3A_770 = arith.constant 1 : i32
        %get3A_771 = arith.index_cast %get3A_770 : i32 to index
        %get3A_772 = arith.index_cast %add3A_706 : i32 to index
        %get3A_773 = arith.constant 48 : index
        %get3A_774 = tpu.vector_load %arg7[%get3A_771, %get3A_772, %get3A_773] {strides = array<i32>} : memref<3x400x64xf32, #tpu.memory_space<vmem>>, vector<1x1x16xf32>,
        %get3A_775 = vector.shape_cast %get3A_774 : vector<1x1x16xf32> to vector<16xf32>
        %mul3A_776 = arith.constant 8.000000e+00 : f32
        %mul3A_777 = vector.broadcast %mul3A_776 : f32 to vector<16xf32>
        %mul3A_778 = arith.mulf %get3A_775, %mul3A_777 : vector<16xf32>
        %get3A_779 = arith.index_cast %add3A_706 : i32 to index
        %get3A_780 = arith.constant 48 : index
        %get3A_781 = tpu.vector_load %arg8[%get3A_779, %get3A_780] {strides = array<i32>} : memref<400x64xf32, #tpu.memory_space<vmem>>, vector<1x16xf32>,
        %get3A_782 = vector.shape_cast %get3A_781 : vector<1x16xf32> to vector<16xf32>
        %add3A_783 = arith.addf %mul3A_778, %get3A_782 : vector<16xf32>
        %swap3A_784 = arith.constant 1 : i32
        %swap3A_785 = arith.index_cast %swap3A_784 : i32 to index
        %swap3A_786 = arith.index_cast %add3A_706 : i32 to index
        %swap3A_787 = arith.constant 48 : index
        %swap3A_788 = tpu.vector_load %arg7[%swap3A_785, %swap3A_786, %swap3A_787] {strides = array<i32>} : memref<3x400x64xf32, #tpu.memory_space<vmem>>, vector<1x1x16xf32>,
        %swap3A_789 = vector.shape_cast %swap3A_788 : vector<1x1x16xf32> to vector<16xf32>
        %swap3A_790 = vector.shape_cast %add3A_783 : vector<16xf32> to vector<1x1x16xf32>
        tpu.vector_store %arg7[%swap3A_785, %swap3A_786, %swap3A_787], %swap3A_790 {strides = array<i32>} : memref<3x400x64xf32, #tpu.memory_space<vmem>>, vector<1x1x16xf32>,
      }
      %scan3A_423 = arith.constant 100 : i32
      %mul3A_424 = arith.constant 400 : i32
      %mul3A_425 = arith.muli %add3A_375, %mul3A_424 : i32
      %add3A_426 = arith.addi %mul3A_2, %mul3A_425 : i32
      %dma_start3A_427 = arith.constant 1 : i32
      %dma_start3A_428 = arith.constant 0 : i32
      %dma_start3A_429 = arith.constant 0 : i32
      %dma_start3A_430 = tpu.memref_slice %arg7[%dma_start3A_427, %dma_start3A_428, %dma_start3A_429] : memref<3x400x64xf32, #tpu.memory_space<vmem>> -> memref<1x400x64xf32, #tpu.memory_space<vmem>>
      %dma_start3A_431 = tpu.memref_squeeze %dma_start3A_430 : memref<1x400x64xf32, #tpu.memory_space<vmem>> -> memref<400x64xf32, #tpu.memory_space<vmem>>
      %dma_start3A_432 = arith.constant 0 : i32
      %dma_start3A_433 = tpu.memref_slice %arg5[%add3A_426, %dma_start3A_432] : memref<819200x64xf32, #tpu.memory_space<hbm>> -> memref<400x64xf32, #tpu.memory_space<hbm>>
      %dma_start3A_434 = arith.constant 0 : i32
      %dma_start3A_435 = tpu.memref_slice %arg5[%add3A_426, %dma_start3A_434] : memref<819200x64xf32, #tpu.memory_space<hbm>> -> memref<400x64xf32, #tpu.memory_space<hbm>>
      %dma_start3A_436 = arith.constant 0 : i32
      %dma_start3A_437 = arith.constant 0 : i32
      %dma_start3A_438 = tpu.memref_slice %arg7[%dma_start3A_427, %dma_start3A_436, %dma_start3A_437] : memref<3x400x64xf32, #tpu.memory_space<vmem>> -> memref<1x400x64xf32, #tpu.memory_space<vmem>>
      %dma_start3A_439 = tpu.memref_squeeze %dma_start3A_438 : memref<1x400x64xf32, #tpu.memory_space<vmem>> -> memref<400x64xf32, #tpu.memory_space<vmem>>
      tpu.enqueue_dma source(%dma_start3A_439 : memref<400x64xf32, #tpu.memory_space<vmem>>) target(%dma_start3A_435 : memref<400x64xf32, #tpu.memory_space<hbm>>) target_semaphore(%arg13 : memref<!tpu.dma_semaphore, #tpu.memory_space<semaphore_mem>>)
    }
    %scan3A_97 = arith.constant 20 : i32
    %add3A_98 = arith.constant 24000 : i32
    %add3A_99 = arith.addi %mul3A_2, %add3A_98 : i32
    %dma_wait3A_100 = arith.constant 0 : i32
    %dma_wait3A_101 = arith.constant 0 : i32
    %dma_wait3A_102 = arith.constant 0 : i32
    %dma_wait3A_103 = tpu.memref_slice %arg7[%dma_wait3A_100, %dma_wait3A_101, %dma_wait3A_102] : memref<3x400x64xf32, #tpu.memory_space<vmem>> -> memref<1x400x64xf32, #tpu.memory_space<vmem>>
    %dma_wait3A_104 = tpu.memref_squeeze %dma_wait3A_103 : memref<1x400x64xf32, #tpu.memory_space<vmem>> -> memref<400x64xf32, #tpu.memory_space<vmem>>
    %dma_wait3A_105 = arith.constant 0 : i32
    %dma_wait3A_106 = tpu.memref_slice %arg5[%add3A_99, %dma_wait3A_105] : memref<819200x64xf32, #tpu.memory_space<hbm>> -> memref<400x64xf32, #tpu.memory_space<hbm>>
    %dma_wait3A_107 = arith.constant 0 : i32
    %dma_wait3A_108 = tpu.memref_slice %arg5[%add3A_99, %dma_wait3A_107] : memref<819200x64xf32, #tpu.memory_space<hbm>> -> memref<400x64xf32, #tpu.memory_space<hbm>>
    %dma_wait3A_109 = arith.constant 0 : i32
    %dma_wait3A_110 = arith.constant 0 : i32
    %dma_wait3A_111 = tpu.memref_slice %arg7[%dma_wait3A_100, %dma_wait3A_109, %dma_wait3A_110] : memref<3x400x64xf32, #tpu.memory_space<vmem>> -> memref<1x400x64xf32, #tpu.memory_space<vmem>>
    %dma_wait3A_112 = tpu.memref_squeeze %dma_wait3A_111 : memref<1x400x64xf32, #tpu.memory_space<vmem>> -> memref<400x64xf32, #tpu.memory_space<vmem>>
    tpu.wait_dma2 semaphore(%arg12 : memref<!tpu.dma_semaphore, #tpu.memory_space<semaphore_mem>>) src(%dma_wait3A_112 : memref<400x64xf32, #tpu.memory_space<vmem>>) dst(%dma_wait3A_108 : memref<400x64xf32, #tpu.memory_space<hbm>>)
    %dma_start3A_113 = arith.constant 0 : i32
    %dma_start3A_114 = arith.constant 0 : i32
    %dma_start3A_115 = arith.constant 0 : i32
    %dma_start3A_116 = tpu.memref_slice %arg7[%dma_start3A_113, %dma_start3A_114, %dma_start3A_115] : memref<3x400x64xf32, #tpu.memory_space<vmem>> -> memref<1x400x64xf32, #tpu.memory_space<vmem>>
    %dma_start3A_117 = tpu.memref_squeeze %dma_start3A_116 : memref<1x400x64xf32, #tpu.memory_space<vmem>> -> memref<400x64xf32, #tpu.memory_space<vmem>>
    %dma_start3A_118 = arith.constant 25200 : i32
    %dma_start3A_119 = tpu.memref_slice %arg6[%dma_start3A_118] : memref<25600xi32, #tpu.memory_space<vmem>> -> memref<400xi32, #tpu.memory_space<vmem>>
    %dma_start3A_120 = arith.constant 0 : i32
    %dma_start3A_121 = arith.constant 0 : i32
    %dma_start3A_122 = tpu.memref_slice %arg3[%dma_start3A_120, %dma_start3A_121] : memref<1000000x64xf32, #tpu.memory_space<hbm>> -> memref<1000000x64xf32, #tpu.memory_space<hbm>>
    tpu.enqueue_indirect_dma source(%dma_start3A_122 : memref<1000000x64xf32, #tpu.memory_space<hbm>>) target(%dma_start3A_117 : memref<400x64xf32, #tpu.memory_space<vmem>>) offsets(%dma_start3A_119 : memref<400xi32, #tpu.memory_space<vmem>>) semaphore(%arg9 : memref<!tpu.dma_semaphore, #tpu.memory_space<semaphore_mem>>)
    %dma_wait3A_123 = arith.constant 2 : i32
    %dma_wait3A_124 = arith.constant 0 : i32
    %dma_wait3A_125 = arith.constant 0 : i32
    %dma_wait3A_126 = tpu.memref_slice %arg7[%dma_wait3A_123, %dma_wait3A_124, %dma_wait3A_125] : memref<3x400x64xf32, #tpu.memory_space<vmem>> -> memref<1x400x64xf32, #tpu.memory_space<vmem>>
    %dma_wait3A_127 = tpu.memref_squeeze %dma_wait3A_126 : memref<1x400x64xf32, #tpu.memory_space<vmem>> -> memref<400x64xf32, #tpu.memory_space<vmem>>
    %dma_wait3A_128 = arith.constant 24800 : i32
    %dma_wait3A_129 = tpu.memref_slice %arg6[%dma_wait3A_128] : memref<25600xi32, #tpu.memory_space<vmem>> -> memref<400xi32, #tpu.memory_space<vmem>>
    %dma_wait3A_130 = arith.constant 0 : i32
    %dma_wait3A_131 = arith.constant 0 : i32
    %dma_wait3A_132 = tpu.memref_slice %arg3[%dma_wait3A_130, %dma_wait3A_131] : memref<1000000x64xf32, #tpu.memory_space<hbm>> -> memref<1000000x64xf32, #tpu.memory_space<hbm>>
    tpu.wait_indirect_dma semaphore(%arg11 : memref<!tpu.dma_semaphore, #tpu.memory_space<semaphore_mem>>) src(%dma_wait3A_132 : memref<1000000x64xf32, #tpu.memory_space<hbm>>) dst(%dma_wait3A_127 : memref<400x64xf32, #tpu.memory_space<vmem>>)
    %scan3A_133 = arith.constant 0 : i32
    %scan3A_134 = arith.constant 0 : i32
    %scan3A_135 = arith.constant 100 : i32
    %scan3A_136 = arith.addi %scan3A_134, %scan3A_135 : i32
    %scan3A_137 = arith.constant 1 : i32
    scf.for %scan3A_230 = %scan3A_134 to %scan3A_136 step %scan3A_137  : i32 {
      %mul3A_231 = arith.constant 4 : i32
      %mul3A_232 = arith.muli %scan3A_230, %mul3A_231 : i32
      %add3A_233 = arith.constant 0 : i32
      %add3A_234 = arith.addi %mul3A_232, %add3A_233 : i32
      %get3A = arith.constant 2 : i32
      %get3A_235 = arith.index_cast %get3A : i32 to index
      %get3A_236 = arith.index_cast %add3A_234 : i32 to index
      %get3A_237 = arith.constant 0 : index
      %get3A_238 = tpu.vector_load %arg7[%get3A_235, %get3A_236, %get3A_237] {strides = array<i32>} : memref<3x400x64xf32, #tpu.memory_space<vmem>>, vector<1x1x16xf32>,
      %get3A_239 = vector.shape_cast %get3A_238 : vector<1x1x16xf32> to vector<16xf32>
      %mul3A_240 = arith.constant 8.000000e+00 : f32
      %mul3A_241 = vector.broadcast %mul3A_240 : f32 to vector<16xf32>
      %mul3A_242 = arith.mulf %get3A_239, %mul3A_241 : vector<16xf32>
      %get3A_243 = arith.index_cast %add3A_234 : i32 to index
      %get3A_244 = arith.constant 0 : index
      %get3A_245 = tpu.vector_load %arg8[%get3A_243, %get3A_244] {strides = array<i32>} : memref<400x64xf32, #tpu.memory_space<vmem>>, vector<1x16xf32>,
      %get3A_246 = vector.shape_cast %get3A_245 : vector<1x16xf32> to vector<16xf32>
      %add3A_247 = arith.addf %mul3A_242, %get3A_246 : vector<16xf32>
      %swap3A = arith.constant 2 : i32
      %swap3A_248 = arith.index_cast %swap3A : i32 to index
      %swap3A_249 = arith.index_cast %add3A_234 : i32 to index
      %swap3A_250 = arith.constant 0 : index
      %swap3A_251 = tpu.vector_load %arg7[%swap3A_248, %swap3A_249, %swap3A_250] {strides = array<i32>} : memref<3x400x64xf32, #tpu.memory_space<vmem>>, vector<1x1x16xf32>,
      %swap3A_252 = vector.shape_cast %swap3A_251 : vector<1x1x16xf32> to vector<16xf32>
      %swap3A_253 = vector.shape_cast %add3A_247 : vector<16xf32> to vector<1x1x16xf32>
      tpu.vector_store %arg7[%swap3A_248, %swap3A_249, %swap3A_250], %swap3A_253 {strides = array<i32>} : memref<3x400x64xf32, #tpu.memory_space<vmem>>, vector<1x1x16xf32>,
      %get3A_254 = arith.constant 2 : i32
      %get3A_255 = arith.index_cast %get3A_254 : i32 to index
      %get3A_256 = arith.index_cast %add3A_234 : i32 to index
      %get3A_257 = arith.constant 16 : index
      %get3A_258 = tpu.vector_load %arg7[%get3A_255, %get3A_256, %get3A_257] {strides = array<i32>} : memref<3x400x64xf32, #tpu.memory_space<vmem>>, vector<1x1x16xf32>,
      %get3A_259 = vector.shape_cast %get3A_258 : vector<1x1x16xf32> to vector<16xf32>
      %mul3A_260 = arith.constant 8.000000e+00 : f32
      %mul3A_261 = vector.broadcast %mul3A_260 : f32 to vector<16xf32>
      %mul3A_262 = arith.mulf %get3A_259, %mul3A_261 : vector<16xf32>
      %get3A_263 = arith.index_cast %add3A_234 : i32 to index
      %get3A_264 = arith.constant 16 : index
      %get3A_265 = tpu.vector_load %arg8[%get3A_263, %get3A_264] {strides = array<i32>} : memref<400x64xf32, #tpu.memory_space<vmem>>, vector<1x16xf32>,
      %get3A_266 = vector.shape_cast %get3A_265 : vector<1x16xf32> to vector<16xf32>
      %add3A_267 = arith.addf %mul3A_262, %get3A_266 : vector<16xf32>
      %swap3A_268 = arith.constant 2 : i32
      %swap3A_269 = arith.index_cast %swap3A_268 : i32 to index
      %swap3A_270 = arith.index_cast %add3A_234 : i32 to index
      %swap3A_271 = arith.constant 16 : index
      %swap3A_272 = tpu.vector_load %arg7[%swap3A_269, %swap3A_270, %swap3A_271] {strides = array<i32>} : memref<3x400x64xf32, #tpu.memory_space<vmem>>, vector<1x1x16xf32>,
      %swap3A_273 = vector.shape_cast %swap3A_272 : vector<1x1x16xf32> to vector<16xf32>
      %swap3A_274 = vector.shape_cast %add3A_267 : vector<16xf32> to vector<1x1x16xf32>
      tpu.vector_store %arg7[%swap3A_269, %swap3A_270, %swap3A_271], %swap3A_274 {strides = array<i32>} : memref<3x400x64xf32, #tpu.memory_space<vmem>>, vector<1x1x16xf32>,
      %get3A_275 = arith.constant 2 : i32
      %get3A_276 = arith.index_cast %get3A_275 : i32 to index
      %get3A_277 = arith.index_cast %add3A_234 : i32 to index
      %get3A_278 = arith.constant 32 : index
      %get3A_279 = tpu.vector_load %arg7[%get3A_276, %get3A_277, %get3A_278] {strides = array<i32>} : memref<3x400x64xf32, #tpu.memory_space<vmem>>, vector<1x1x16xf32>,
      %get3A_280 = vector.shape_cast %get3A_279 : vector<1x1x16xf32> to vector<16xf32>
      %mul3A_281 = arith.constant 8.000000e+00 : f32
      %mul3A_282 = vector.broadcast %mul3A_281 : f32 to vector<16xf32>
      %mul3A_283 = arith.mulf %get3A_280, %mul3A_282 : vector<16xf32>
      %get3A_284 = arith.index_cast %add3A_234 : i32 to index
      %get3A_285 = arith.constant 32 : index
      %get3A_286 = tpu.vector_load %arg8[%get3A_284, %get3A_285] {strides = array<i32>} : memref<400x64xf32, #tpu.memory_space<vmem>>, vector<1x16xf32>,
      %get3A_287 = vector.shape_cast %get3A_286 : vector<1x16xf32> to vector<16xf32>
      %add3A_288 = arith.addf %mul3A_283, %get3A_287 : vector<16xf32>
      %swap3A_289 = arith.constant 2 : i32
      %swap3A_290 = arith.index_cast %swap3A_289 : i32 to index
      %swap3A_291 = arith.index_cast %add3A_234 : i32 to index
      %swap3A_292 = arith.constant 32 : index
      %swap3A_293 = tpu.vector_load %arg7[%swap3A_290, %swap3A_291, %swap3A_292] {strides = array<i32>} : memref<3x400x64xf32, #tpu.memory_space<vmem>>, vector<1x1x16xf32>,
      %swap3A_294 = vector.shape_cast %swap3A_293 : vector<1x1x16xf32> to vector<16xf32>
      %swap3A_295 = vector.shape_cast %add3A_288 : vector<16xf32> to vector<1x1x16xf32>
      tpu.vector_store %arg7[%swap3A_290, %swap3A_291, %swap3A_292], %swap3A_295 {strides = array<i32>} : memref<3x400x64xf32, #tpu.memory_space<vmem>>, vector<1x1x16xf32>,
      %get3A_296 = arith.constant 2 : i32
      %get3A_297 = arith.index_cast %get3A_296 : i32 to index
      %get3A_298 = arith.index_cast %add3A_234 : i32 to index
      %get3A_299 = arith.constant 48 : index
      %get3A_300 = tpu.vector_load %arg7[%get3A_297, %get3A_298, %get3A_299] {strides = array<i32>} : memref<3x400x64xf32, #tpu.memory_space<vmem>>, vector<1x1x16xf32>,
      %get3A_301 = vector.shape_cast %get3A_300 : vector<1x1x16xf32> to vector<16xf32>
      %mul3A_302 = arith.constant 8.000000e+00 : f32
      %mul3A_303 = vector.broadcast %mul3A_302 : f32 to vector<16xf32>
      %mul3A_304 = arith.mulf %get3A_301, %mul3A_303 : vector<16xf32>
      %get3A_305 = arith.index_cast %add3A_234 : i32 to index
      %get3A_306 = arith.constant 48 : index
      %get3A_307 = tpu.vector_load %arg8[%get3A_305, %get3A_306] {strides = array<i32>} : memref<400x64xf32, #tpu.memory_space<vmem>>, vector<1x16xf32>,
      %get3A_308 = vector.shape_cast %get3A_307 : vector<1x16xf32> to vector<16xf32>
      %add3A_309 = arith.addf %mul3A_304, %get3A_308 : vector<16xf32>
      %swap3A_310 = arith.constant 2 : i32
      %swap3A_311 = arith.index_cast %swap3A_310 : i32 to index
      %swap3A_312 = arith.index_cast %add3A_234 : i32 to index
      %swap3A_313 = arith.constant 48 : index
      %swap3A_314 = tpu.vector_load %arg7[%swap3A_311, %swap3A_312, %swap3A_313] {strides = array<i32>} : memref<3x400x64xf32, #tpu.memory_space<vmem>>, vector<1x1x16xf32>,
      %swap3A_315 = vector.shape_cast %swap3A_314 : vector<1x1x16xf32> to vector<16xf32>
      %swap3A_316 = vector.shape_cast %add3A_309 : vector<16xf32> to vector<1x1x16xf32>
      tpu.vector_store %arg7[%swap3A_311, %swap3A_312, %swap3A_313], %swap3A_316 {strides = array<i32>} : memref<3x400x64xf32, #tpu.memory_space<vmem>>, vector<1x1x16xf32>,
      %mul3A_317 = arith.constant 4 : i32
      %mul3A_318 = arith.muli %scan3A_230, %mul3A_317 : i32
      %add3A_319 = arith.constant 1 : i32
      %add3A_320 = arith.addi %mul3A_318, %add3A_319 : i32
      %get3A_321 = arith.constant 2 : i32
      %get3A_322 = arith.index_cast %get3A_321 : i32 to index
      %get3A_323 = arith.index_cast %add3A_320 : i32 to index
      %get3A_324 = arith.constant 0 : index
      %get3A_325 = tpu.vector_load %arg7[%get3A_322, %get3A_323, %get3A_324] {strides = array<i32>} : memref<3x400x64xf32, #tpu.memory_space<vmem>>, vector<1x1x16xf32>,
      %get3A_326 = vector.shape_cast %get3A_325 : vector<1x1x16xf32> to vector<16xf32>
      %mul3A_327 = arith.constant 8.000000e+00 : f32
      %mul3A_328 = vector.broadcast %mul3A_327 : f32 to vector<16xf32>
      %mul3A_329 = arith.mulf %get3A_326, %mul3A_328 : vector<16xf32>
      %get3A_330 = arith.index_cast %add3A_320 : i32 to index
      %get3A_331 = arith.constant 0 : index
      %get3A_332 = tpu.vector_load %arg8[%get3A_330, %get3A_331] {strides = array<i32>} : memref<400x64xf32, #tpu.memory_space<vmem>>, vector<1x16xf32>,
      %get3A_333 = vector.shape_cast %get3A_332 : vector<1x16xf32> to vector<16xf32>
      %add3A_334 = arith.addf %mul3A_329, %get3A_333 : vector<16xf32>
      %swap3A_335 = arith.constant 2 : i32
      %swap3A_336 = arith.index_cast %swap3A_335 : i32 to index
      %swap3A_337 = arith.index_cast %add3A_320 : i32 to index
      %swap3A_338 = arith.constant 0 : index
      %swap3A_339 = tpu.vector_load %arg7[%swap3A_336, %swap3A_337, %swap3A_338] {strides = array<i32>} : memref<3x400x64xf32, #tpu.memory_space<vmem>>, vector<1x1x16xf32>,
      %swap3A_340 = vector.shape_cast %swap3A_339 : vector<1x1x16xf32> to vector<16xf32>
      %swap3A_341 = vector.shape_cast %add3A_334 : vector<16xf32> to vector<1x1x16xf32>
      tpu.vector_store %arg7[%swap3A_336, %swap3A_337, %swap3A_338], %swap3A_341 {strides = array<i32>} : memref<3x400x64xf32, #tpu.memory_space<vmem>>, vector<1x1x16xf32>,
      %get3A_342 = arith.constant 2 : i32
      %get3A_343 = arith.index_cast %get3A_342 : i32 to index
      %get3A_344 = arith.index_cast %add3A_320 : i32 to index
      %get3A_345 = arith.constant 16 : index
      %get3A_346 = tpu.vector_load %arg7[%get3A_343, %get3A_344, %get3A_345] {strides = array<i32>} : memref<3x400x64xf32, #tpu.memory_space<vmem>>, vector<1x1x16xf32>,
      %get3A_347 = vector.shape_cast %get3A_346 : vector<1x1x16xf32> to vector<16xf32>
      %mul3A_348 = arith.constant 8.000000e+00 : f32
      %mul3A_349 = vector.broadcast %mul3A_348 : f32 to vector<16xf32>
      %mul3A_350 = arith.mulf %get3A_347, %mul3A_349 : vector<16xf32>
      %get3A_351 = arith.index_cast %add3A_320 : i32 to index
      %get3A_352 = arith.constant 16 : index
      %get3A_353 = tpu.vector_load %arg8[%get3A_351, %get3A_352] {strides = array<i32>} : memref<400x64xf32, #tpu.memory_space<vmem>>, vector<1x16xf32>,
      %get3A_354 = vector.shape_cast %get3A_353 : vector<1x16xf32> to vector<16xf32>
      %add3A_355 = arith.addf %mul3A_350, %get3A_354 : vector<16xf32>
      %swap3A_356 = arith.constant 2 : i32
      %swap3A_357 = arith.index_cast %swap3A_356 : i32 to index
      %swap3A_358 = arith.index_cast %add3A_320 : i32 to index
      %swap3A_359 = arith.constant 16 : index
      %swap3A_360 = tpu.vector_load %arg7[%swap3A_357, %swap3A_358, %swap3A_359] {strides = array<i32>} : memref<3x400x64xf32, #tpu.memory_space<vmem>>, vector<1x1x16xf32>,
      %swap3A_361 = vector.shape_cast %swap3A_360 : vector<1x1x16xf32> to vector<16xf32>
      %swap3A_362 = vector.shape_cast %add3A_355 : vector<16xf32> to vector<1x1x16xf32>
      tpu.vector_store %arg7[%swap3A_357, %swap3A_358, %swap3A_359], %swap3A_362 {strides = array<i32>} : memref<3x400x64xf32, #tpu.memory_space<vmem>>, vector<1x1x16xf32>,
      %get3A_363 = arith.constant 2 : i32
      %get3A_364 = arith.index_cast %get3A_363 : i32 to index
      %get3A_365 = arith.index_cast %add3A_320 : i32 to index
      %get3A_366 = arith.constant 32 : index
      %get3A_367 = tpu.vector_load %arg7[%get3A_364, %get3A_365, %get3A_366] {strides = array<i32>} : memref<3x400x64xf32, #tpu.memory_space<vmem>>, vector<1x1x16xf32>,
      %get3A_368 = vector.shape_cast %get3A_367 : vector<1x1x16xf32> to vector<16xf32>
      %mul3A_369 = arith.constant 8.000000e+00 : f32
      %mul3A_370 = vector.broadcast %mul3A_369 : f32 to vector<16xf32>
      %mul3A_371 = arith.mulf %get3A_368, %mul3A_370 : vector<16xf32>
      %get3A_372 = arith.index_cast %add3A_320 : i32 to index
      %get3A_373 = arith.constant 32 : index
      %get3A_374 = tpu.vector_load %arg8[%get3A_372, %get3A_373] {strides = array<i32>} : memref<400x64xf32, #tpu.memory_space<vmem>>, vector<1x16xf32>,
      %get3A_375 = vector.shape_cast %get3A_374 : vector<1x16xf32> to vector<16xf32>
      %add3A_376 = arith.addf %mul3A_371, %get3A_375 : vector<16xf32>
      %swap3A_377 = arith.constant 2 : i32
      %swap3A_378 = arith.index_cast %swap3A_377 : i32 to index
      %swap3A_379 = arith.index_cast %add3A_320 : i32 to index
      %swap3A_380 = arith.constant 32 : index
      %swap3A_381 = tpu.vector_load %arg7[%swap3A_378, %swap3A_379, %swap3A_380] {strides = array<i32>} : memref<3x400x64xf32, #tpu.memory_space<vmem>>, vector<1x1x16xf32>,
      %swap3A_382 = vector.shape_cast %swap3A_381 : vector<1x1x16xf32> to vector<16xf32>
      %swap3A_383 = vector.shape_cast %add3A_376 : vector<16xf32> to vector<1x1x16xf32>
      tpu.vector_store %arg7[%swap3A_378, %swap3A_379, %swap3A_380], %swap3A_383 {strides = array<i32>} : memref<3x400x64xf32, #tpu.memory_space<vmem>>, vector<1x1x16xf32>,
      %get3A_384 = arith.constant 2 : i32
      %get3A_385 = arith.index_cast %get3A_384 : i32 to index
      %get3A_386 = arith.index_cast %add3A_320 : i32 to index
      %get3A_387 = arith.constant 48 : index
      %get3A_388 = tpu.vector_load %arg7[%get3A_385, %get3A_386, %get3A_387] {strides = array<i32>} : memref<3x400x64xf32, #tpu.memory_space<vmem>>, vector<1x1x16xf32>,
      %get3A_389 = vector.shape_cast %get3A_388 : vector<1x1x16xf32> to vector<16xf32>
      %mul3A_390 = arith.constant 8.000000e+00 : f32
      %mul3A_391 = vector.broadcast %mul3A_390 : f32 to vector<16xf32>
      %mul3A_392 = arith.mulf %get3A_389, %mul3A_391 : vector<16xf32>
      %get3A_393 = arith.index_cast %add3A_320 : i32 to index
      %get3A_394 = arith.constant 48 : index
      %get3A_395 = tpu.vector_load %arg8[%get3A_393, %get3A_394] {strides = array<i32>} : memref<400x64xf32, #tpu.memory_space<vmem>>, vector<1x16xf32>,
      %get3A_396 = vector.shape_cast %get3A_395 : vector<1x16xf32> to vector<16xf32>
      %add3A_397 = arith.addf %mul3A_392, %get3A_396 : vector<16xf32>
      %swap3A_398 = arith.constant 2 : i32
      %swap3A_399 = arith.index_cast %swap3A_398 : i32 to index
      %swap3A_400 = arith.index_cast %add3A_320 : i32 to index
      %swap3A_401 = arith.constant 48 : index
      %swap3A_402 = tpu.vector_load %arg7[%swap3A_399, %swap3A_400, %swap3A_401] {strides = array<i32>} : memref<3x400x64xf32, #tpu.memory_space<vmem>>, vector<1x1x16xf32>,
      %swap3A_403 = vector.shape_cast %swap3A_402 : vector<1x1x16xf32> to vector<16xf32>
      %swap3A_404 = vector.shape_cast %add3A_397 : vector<16xf32> to vector<1x1x16xf32>
      tpu.vector_store %arg7[%swap3A_399, %swap3A_400, %swap3A_401], %swap3A_404 {strides = array<i32>} : memref<3x400x64xf32, #tpu.memory_space<vmem>>, vector<1x1x16xf32>,
      %mul3A_405 = arith.constant 4 : i32
      %mul3A_406 = arith.muli %scan3A_230, %mul3A_405 : i32
      %add3A_407 = arith.constant 2 : i32
      %add3A_408 = arith.addi %mul3A_406, %add3A_407 : i32
      %get3A_409 = arith.constant 2 : i32
      %get3A_410 = arith.index_cast %get3A_409 : i32 to index
      %get3A_411 = arith.index_cast %add3A_408 : i32 to index
      %get3A_412 = arith.constant 0 : index
      %get3A_413 = tpu.vector_load %arg7[%get3A_410, %get3A_411, %get3A_412] {strides = array<i32>} : memref<3x400x64xf32, #tpu.memory_space<vmem>>, vector<1x1x16xf32>,
      %get3A_414 = vector.shape_cast %get3A_413 : vector<1x1x16xf32> to vector<16xf32>
      %mul3A_415 = arith.constant 8.000000e+00 : f32
      %mul3A_416 = vector.broadcast %mul3A_415 : f32 to vector<16xf32>
      %mul3A_417 = arith.mulf %get3A_414, %mul3A_416 : vector<16xf32>
      %get3A_418 = arith.index_cast %add3A_408 : i32 to index
      %get3A_419 = arith.constant 0 : index
      %get3A_420 = tpu.vector_load %arg8[%get3A_418, %get3A_419] {strides = array<i32>} : memref<400x64xf32, #tpu.memory_space<vmem>>, vector<1x16xf32>,
      %get3A_421 = vector.shape_cast %get3A_420 : vector<1x16xf32> to vector<16xf32>
      %add3A_422 = arith.addf %mul3A_417, %get3A_421 : vector<16xf32>
      %swap3A_423 = arith.constant 2 : i32
      %swap3A_424 = arith.index_cast %swap3A_423 : i32 to index
      %swap3A_425 = arith.index_cast %add3A_408 : i32 to index
      %swap3A_426 = arith.constant 0 : index
      %swap3A_427 = tpu.vector_load %arg7[%swap3A_424, %swap3A_425, %swap3A_426] {strides = array<i32>} : memref<3x400x64xf32, #tpu.memory_space<vmem>>, vector<1x1x16xf32>,
      %swap3A_428 = vector.shape_cast %swap3A_427 : vector<1x1x16xf32> to vector<16xf32>
      %swap3A_429 = vector.shape_cast %add3A_422 : vector<16xf32> to vector<1x1x16xf32>
      tpu.vector_store %arg7[%swap3A_424, %swap3A_425, %swap3A_426], %swap3A_429 {strides = array<i32>} : memref<3x400x64xf32, #tpu.memory_space<vmem>>, vector<1x1x16xf32>,
      %get3A_430 = arith.constant 2 : i32
      %get3A_431 = arith.index_cast %get3A_430 : i32 to index
      %get3A_432 = arith.index_cast %add3A_408 : i32 to index
      %get3A_433 = arith.constant 16 : index
      %get3A_434 = tpu.vector_load %arg7[%get3A_431, %get3A_432, %get3A_433] {strides = array<i32>} : memref<3x400x64xf32, #tpu.memory_space<vmem>>, vector<1x1x16xf32>,
      %get3A_435 = vector.shape_cast %get3A_434 : vector<1x1x16xf32> to vector<16xf32>
      %mul3A_436 = arith.constant 8.000000e+00 : f32
      %mul3A_437 = vector.broadcast %mul3A_436 : f32 to vector<16xf32>
      %mul3A_438 = arith.mulf %get3A_435, %mul3A_437 : vector<16xf32>
      %get3A_439 = arith.index_cast %add3A_408 : i32 to index
      %get3A_440 = arith.constant 16 : index
      %get3A_441 = tpu.vector_load %arg8[%get3A_439, %get3A_440] {strides = array<i32>} : memref<400x64xf32, #tpu.memory_space<vmem>>, vector<1x16xf32>,
      %get3A_442 = vector.shape_cast %get3A_441 : vector<1x16xf32> to vector<16xf32>
      %add3A_443 = arith.addf %mul3A_438, %get3A_442 : vector<16xf32>
      %swap3A_444 = arith.constant 2 : i32
      %swap3A_445 = arith.index_cast %swap3A_444 : i32 to index
      %swap3A_446 = arith.index_cast %add3A_408 : i32 to index
      %swap3A_447 = arith.constant 16 : index
      %swap3A_448 = tpu.vector_load %arg7[%swap3A_445, %swap3A_446, %swap3A_447] {strides = array<i32>} : memref<3x400x64xf32, #tpu.memory_space<vmem>>, vector<1x1x16xf32>,
      %swap3A_449 = vector.shape_cast %swap3A_448 : vector<1x1x16xf32> to vector<16xf32>
      %swap3A_450 = vector.shape_cast %add3A_443 : vector<16xf32> to vector<1x1x16xf32>
      tpu.vector_store %arg7[%swap3A_445, %swap3A_446, %swap3A_447], %swap3A_450 {strides = array<i32>} : memref<3x400x64xf32, #tpu.memory_space<vmem>>, vector<1x1x16xf32>,
      %get3A_451 = arith.constant 2 : i32
      %get3A_452 = arith.index_cast %get3A_451 : i32 to index
      %get3A_453 = arith.index_cast %add3A_408 : i32 to index
      %get3A_454 = arith.constant 32 : index
      %get3A_455 = tpu.vector_load %arg7[%get3A_452, %get3A_453, %get3A_454] {strides = array<i32>} : memref<3x400x64xf32, #tpu.memory_space<vmem>>, vector<1x1x16xf32>,
      %get3A_456 = vector.shape_cast %get3A_455 : vector<1x1x16xf32> to vector<16xf32>
      %mul3A_457 = arith.constant 8.000000e+00 : f32
      %mul3A_458 = vector.broadcast %mul3A_457 : f32 to vector<16xf32>
      %mul3A_459 = arith.mulf %get3A_456, %mul3A_458 : vector<16xf32>
      %get3A_460 = arith.index_cast %add3A_408 : i32 to index
      %get3A_461 = arith.constant 32 : index
      %get3A_462 = tpu.vector_load %arg8[%get3A_460, %get3A_461] {strides = array<i32>} : memref<400x64xf32, #tpu.memory_space<vmem>>, vector<1x16xf32>,
      %get3A_463 = vector.shape_cast %get3A_462 : vector<1x16xf32> to vector<16xf32>
      %add3A_464 = arith.addf %mul3A_459, %get3A_463 : vector<16xf32>
      %swap3A_465 = arith.constant 2 : i32
      %swap3A_466 = arith.index_cast %swap3A_465 : i32 to index
      %swap3A_467 = arith.index_cast %add3A_408 : i32 to index
      %swap3A_468 = arith.constant 32 : index
      %swap3A_469 = tpu.vector_load %arg7[%swap3A_466, %swap3A_467, %swap3A_468] {strides = array<i32>} : memref<3x400x64xf32, #tpu.memory_space<vmem>>, vector<1x1x16xf32>,
      %swap3A_470 = vector.shape_cast %swap3A_469 : vector<1x1x16xf32> to vector<16xf32>
      %swap3A_471 = vector.shape_cast %add3A_464 : vector<16xf32> to vector<1x1x16xf32>
      tpu.vector_store %arg7[%swap3A_466, %swap3A_467, %swap3A_468], %swap3A_471 {strides = array<i32>} : memref<3x400x64xf32, #tpu.memory_space<vmem>>, vector<1x1x16xf32>,
      %get3A_472 = arith.constant 2 : i32
      %get3A_473 = arith.index_cast %get3A_472 : i32 to index
      %get3A_474 = arith.index_cast %add3A_408 : i32 to index
      %get3A_475 = arith.constant 48 : index
      %get3A_476 = tpu.vector_load %arg7[%get3A_473, %get3A_474, %get3A_475] {strides = array<i32>} : memref<3x400x64xf32, #tpu.memory_space<vmem>>, vector<1x1x16xf32>,
      %get3A_477 = vector.shape_cast %get3A_476 : vector<1x1x16xf32> to vector<16xf32>
      %mul3A_478 = arith.constant 8.000000e+00 : f32
      %mul3A_479 = vector.broadcast %mul3A_478 : f32 to vector<16xf32>
      %mul3A_480 = arith.mulf %get3A_477, %mul3A_479 : vector<16xf32>
      %get3A_481 = arith.index_cast %add3A_408 : i32 to index
      %get3A_482 = arith.constant 48 : index
      %get3A_483 = tpu.vector_load %arg8[%get3A_481, %get3A_482] {strides = array<i32>} : memref<400x64xf32, #tpu.memory_space<vmem>>, vector<1x16xf32>,
      %get3A_484 = vector.shape_cast %get3A_483 : vector<1x16xf32> to vector<16xf32>
      %add3A_485 = arith.addf %mul3A_480, %get3A_484 : vector<16xf32>
      %swap3A_486 = arith.constant 2 : i32
      %swap3A_487 = arith.index_cast %swap3A_486 : i32 to index
      %swap3A_488 = arith.index_cast %add3A_408 : i32 to index
      %swap3A_489 = arith.constant 48 : index
      %swap3A_490 = tpu.vector_load %arg7[%swap3A_487, %swap3A_488, %swap3A_489] {strides = array<i32>} : memref<3x400x64xf32, #tpu.memory_space<vmem>>, vector<1x1x16xf32>,
      %swap3A_491 = vector.shape_cast %swap3A_490 : vector<1x1x16xf32> to vector<16xf32>
      %swap3A_492 = vector.shape_cast %add3A_485 : vector<16xf32> to vector<1x1x16xf32>
      tpu.vector_store %arg7[%swap3A_487, %swap3A_488, %swap3A_489], %swap3A_492 {strides = array<i32>} : memref<3x400x64xf32, #tpu.memory_space<vmem>>, vector<1x1x16xf32>,
      %mul3A_493 = arith.constant 4 : i32
      %mul3A_494 = arith.muli %scan3A_230, %mul3A_493 : i32
      %add3A_495 = arith.constant 3 : i32
      %add3A_496 = arith.addi %mul3A_494, %add3A_495 : i32
      %get3A_497 = arith.constant 2 : i32
      %get3A_498 = arith.index_cast %get3A_497 : i32 to index
      %get3A_499 = arith.index_cast %add3A_496 : i32 to index
      %get3A_500 = arith.constant 0 : index
      %get3A_501 = tpu.vector_load %arg7[%get3A_498, %get3A_499, %get3A_500] {strides = array<i32>} : memref<3x400x64xf32, #tpu.memory_space<vmem>>, vector<1x1x16xf32>,
      %get3A_502 = vector.shape_cast %get3A_501 : vector<1x1x16xf32> to vector<16xf32>
      %mul3A_503 = arith.constant 8.000000e+00 : f32
      %mul3A_504 = vector.broadcast %mul3A_503 : f32 to vector<16xf32>
      %mul3A_505 = arith.mulf %get3A_502, %mul3A_504 : vector<16xf32>
      %get3A_506 = arith.index_cast %add3A_496 : i32 to index
      %get3A_507 = arith.constant 0 : index
      %get3A_508 = tpu.vector_load %arg8[%get3A_506, %get3A_507] {strides = array<i32>} : memref<400x64xf32, #tpu.memory_space<vmem>>, vector<1x16xf32>,
      %get3A_509 = vector.shape_cast %get3A_508 : vector<1x16xf32> to vector<16xf32>
      %add3A_510 = arith.addf %mul3A_505, %get3A_509 : vector<16xf32>
      %swap3A_511 = arith.constant 2 : i32
      %swap3A_512 = arith.index_cast %swap3A_511 : i32 to index
      %swap3A_513 = arith.index_cast %add3A_496 : i32 to index
      %swap3A_514 = arith.constant 0 : index
      %swap3A_515 = tpu.vector_load %arg7[%swap3A_512, %swap3A_513, %swap3A_514] {strides = array<i32>} : memref<3x400x64xf32, #tpu.memory_space<vmem>>, vector<1x1x16xf32>,
      %swap3A_516 = vector.shape_cast %swap3A_515 : vector<1x1x16xf32> to vector<16xf32>
      %swap3A_517 = vector.shape_cast %add3A_510 : vector<16xf32> to vector<1x1x16xf32>
      tpu.vector_store %arg7[%swap3A_512, %swap3A_513, %swap3A_514], %swap3A_517 {strides = array<i32>} : memref<3x400x64xf32, #tpu.memory_space<vmem>>, vector<1x1x16xf32>,
      %get3A_518 = arith.constant 2 : i32
      %get3A_519 = arith.index_cast %get3A_518 : i32 to index
      %get3A_520 = arith.index_cast %add3A_496 : i32 to index
      %get3A_521 = arith.constant 16 : index
      %get3A_522 = tpu.vector_load %arg7[%get3A_519, %get3A_520, %get3A_521] {strides = array<i32>} : memref<3x400x64xf32, #tpu.memory_space<vmem>>, vector<1x1x16xf32>,
      %get3A_523 = vector.shape_cast %get3A_522 : vector<1x1x16xf32> to vector<16xf32>
      %mul3A_524 = arith.constant 8.000000e+00 : f32
      %mul3A_525 = vector.broadcast %mul3A_524 : f32 to vector<16xf32>
      %mul3A_526 = arith.mulf %get3A_523, %mul3A_525 : vector<16xf32>
      %get3A_527 = arith.index_cast %add3A_496 : i32 to index
      %get3A_528 = arith.constant 16 : index
      %get3A_529 = tpu.vector_load %arg8[%get3A_527, %get3A_528] {strides = array<i32>} : memref<400x64xf32, #tpu.memory_space<vmem>>, vector<1x16xf32>,
      %get3A_530 = vector.shape_cast %get3A_529 : vector<1x16xf32> to vector<16xf32>
      %add3A_531 = arith.addf %mul3A_526, %get3A_530 : vector<16xf32>
      %swap3A_532 = arith.constant 2 : i32
      %swap3A_533 = arith.index_cast %swap3A_532 : i32 to index
      %swap3A_534 = arith.index_cast %add3A_496 : i32 to index
      %swap3A_535 = arith.constant 16 : index
      %swap3A_536 = tpu.vector_load %arg7[%swap3A_533, %swap3A_534, %swap3A_535] {strides = array<i32>} : memref<3x400x64xf32, #tpu.memory_space<vmem>>, vector<1x1x16xf32>,
      %swap3A_537 = vector.shape_cast %swap3A_536 : vector<1x1x16xf32> to vector<16xf32>
      %swap3A_538 = vector.shape_cast %add3A_531 : vector<16xf32> to vector<1x1x16xf32>
      tpu.vector_store %arg7[%swap3A_533, %swap3A_534, %swap3A_535], %swap3A_538 {strides = array<i32>} : memref<3x400x64xf32, #tpu.memory_space<vmem>>, vector<1x1x16xf32>,
      %get3A_539 = arith.constant 2 : i32
      %get3A_540 = arith.index_cast %get3A_539 : i32 to index
      %get3A_541 = arith.index_cast %add3A_496 : i32 to index
      %get3A_542 = arith.constant 32 : index
      %get3A_543 = tpu.vector_load %arg7[%get3A_540, %get3A_541, %get3A_542] {strides = array<i32>} : memref<3x400x64xf32, #tpu.memory_space<vmem>>, vector<1x1x16xf32>,
      %get3A_544 = vector.shape_cast %get3A_543 : vector<1x1x16xf32> to vector<16xf32>
      %mul3A_545 = arith.constant 8.000000e+00 : f32
      %mul3A_546 = vector.broadcast %mul3A_545 : f32 to vector<16xf32>
      %mul3A_547 = arith.mulf %get3A_544, %mul3A_546 : vector<16xf32>
      %get3A_548 = arith.index_cast %add3A_496 : i32 to index
      %get3A_549 = arith.constant 32 : index
      %get3A_550 = tpu.vector_load %arg8[%get3A_548, %get3A_549] {strides = array<i32>} : memref<400x64xf32, #tpu.memory_space<vmem>>, vector<1x16xf32>,
      %get3A_551 = vector.shape_cast %get3A_550 : vector<1x16xf32> to vector<16xf32>
      %add3A_552 = arith.addf %mul3A_547, %get3A_551 : vector<16xf32>
      %swap3A_553 = arith.constant 2 : i32
      %swap3A_554 = arith.index_cast %swap3A_553 : i32 to index
      %swap3A_555 = arith.index_cast %add3A_496 : i32 to index
      %swap3A_556 = arith.constant 32 : index
      %swap3A_557 = tpu.vector_load %arg7[%swap3A_554, %swap3A_555, %swap3A_556] {strides = array<i32>} : memref<3x400x64xf32, #tpu.memory_space<vmem>>, vector<1x1x16xf32>,
      %swap3A_558 = vector.shape_cast %swap3A_557 : vector<1x1x16xf32> to vector<16xf32>
      %swap3A_559 = vector.shape_cast %add3A_552 : vector<16xf32> to vector<1x1x16xf32>
      tpu.vector_store %arg7[%swap3A_554, %swap3A_555, %swap3A_556], %swap3A_559 {strides = array<i32>} : memref<3x400x64xf32, #tpu.memory_space<vmem>>, vector<1x1x16xf32>,
      %get3A_560 = arith.constant 2 : i32
      %get3A_561 = arith.index_cast %get3A_560 : i32 to index
      %get3A_562 = arith.index_cast %add3A_496 : i32 to index
      %get3A_563 = arith.constant 48 : index
      %get3A_564 = tpu.vector_load %arg7[%get3A_561, %get3A_562, %get3A_563] {strides = array<i32>} : memref<3x400x64xf32, #tpu.memory_space<vmem>>, vector<1x1x16xf32>,
      %get3A_565 = vector.shape_cast %get3A_564 : vector<1x1x16xf32> to vector<16xf32>
      %mul3A_566 = arith.constant 8.000000e+00 : f32
      %mul3A_567 = vector.broadcast %mul3A_566 : f32 to vector<16xf32>
      %mul3A_568 = arith.mulf %get3A_565, %mul3A_567 : vector<16xf32>
      %get3A_569 = arith.index_cast %add3A_496 : i32 to index
      %get3A_570 = arith.constant 48 : index
      %get3A_571 = tpu.vector_load %arg8[%get3A_569, %get3A_570] {strides = array<i32>} : memref<400x64xf32, #tpu.memory_space<vmem>>, vector<1x16xf32>,
      %get3A_572 = vector.shape_cast %get3A_571 : vector<1x16xf32> to vector<16xf32>
      %add3A_573 = arith.addf %mul3A_568, %get3A_572 : vector<16xf32>
      %swap3A_574 = arith.constant 2 : i32
      %swap3A_575 = arith.index_cast %swap3A_574 : i32 to index
      %swap3A_576 = arith.index_cast %add3A_496 : i32 to index
      %swap3A_577 = arith.constant 48 : index
      %swap3A_578 = tpu.vector_load %arg7[%swap3A_575, %swap3A_576, %swap3A_577] {strides = array<i32>} : memref<3x400x64xf32, #tpu.memory_space<vmem>>, vector<1x1x16xf32>,
      %swap3A_579 = vector.shape_cast %swap3A_578 : vector<1x1x16xf32> to vector<16xf32>
      %swap3A_580 = vector.shape_cast %add3A_573 : vector<16xf32> to vector<1x1x16xf32>
      tpu.vector_store %arg7[%swap3A_575, %swap3A_576, %swap3A_577], %swap3A_580 {strides = array<i32>} : memref<3x400x64xf32, #tpu.memory_space<vmem>>, vector<1x1x16xf32>,
    }
    %scan3A_138 = arith.constant 100 : i32
    %add3A_139 = arith.constant 24800 : i32
    %add3A_140 = arith.addi %mul3A_2, %add3A_139 : i32
    %dma_start3A_141 = arith.constant 2 : i32
    %dma_start3A_142 = arith.constant 0 : i32
    %dma_start3A_143 = arith.constant 0 : i32
    %dma_start3A_144 = tpu.memref_slice %arg7[%dma_start3A_141, %dma_start3A_142, %dma_start3A_143] : memref<3x400x64xf32, #tpu.memory_space<vmem>> -> memref<1x400x64xf32, #tpu.memory_space<vmem>>
    %dma_start3A_145 = tpu.memref_squeeze %dma_start3A_144 : memref<1x400x64xf32, #tpu.memory_space<vmem>> -> memref<400x64xf32, #tpu.memory_space<vmem>>
    %dma_start3A_146 = arith.constant 0 : i32
    %dma_start3A_147 = tpu.memref_slice %arg5[%add3A_140, %dma_start3A_146] : memref<819200x64xf32, #tpu.memory_space<hbm>> -> memref<400x64xf32, #tpu.memory_space<hbm>>
    %dma_start3A_148 = arith.constant 0 : i32
    %dma_start3A_149 = tpu.memref_slice %arg5[%add3A_140, %dma_start3A_148] : memref<819200x64xf32, #tpu.memory_space<hbm>> -> memref<400x64xf32, #tpu.memory_space<hbm>>
    %dma_start3A_150 = arith.constant 0 : i32
    %dma_start3A_151 = arith.constant 0 : i32
    %dma_start3A_152 = tpu.memref_slice %arg7[%dma_start3A_141, %dma_start3A_150, %dma_start3A_151] : memref<3x400x64xf32, #tpu.memory_space<vmem>> -> memref<1x400x64xf32, #tpu.memory_space<vmem>>
    %dma_start3A_153 = tpu.memref_squeeze %dma_start3A_152 : memref<1x400x64xf32, #tpu.memory_space<vmem>> -> memref<400x64xf32, #tpu.memory_space<vmem>>
    tpu.enqueue_dma source(%dma_start3A_153 : memref<400x64xf32, #tpu.memory_space<vmem>>) target(%dma_start3A_149 : memref<400x64xf32, #tpu.memory_space<hbm>>) target_semaphore(%arg14 : memref<!tpu.dma_semaphore, #tpu.memory_space<semaphore_mem>>)
    %dma_wait3A_154 = arith.constant 0 : i32
    %dma_wait3A_155 = arith.constant 0 : i32
    %dma_wait3A_156 = arith.constant 0 : i32
    %dma_wait3A_157 = tpu.memref_slice %arg7[%dma_wait3A_154, %dma_wait3A_155, %dma_wait3A_156] : memref<3x400x64xf32, #tpu.memory_space<vmem>> -> memref<1x400x64xf32, #tpu.memory_space<vmem>>
    %dma_wait3A_158 = tpu.memref_squeeze %dma_wait3A_157 : memref<1x400x64xf32, #tpu.memory_space<vmem>> -> memref<400x64xf32, #tpu.memory_space<vmem>>
    %dma_wait3A_159 = arith.constant 25200 : i32
    %dma_wait3A_160 = tpu.memref_slice %arg6[%dma_wait3A_159] : memref<25600xi32, #tpu.memory_space<vmem>> -> memref<400xi32, #tpu.memory_space<vmem>>
    %dma_wait3A_161 = arith.constant 0 : i32
    %dma_wait3A_162 = arith.constant 0 : i32
    %dma_wait3A_163 = tpu.memref_slice %arg3[%dma_wait3A_161, %dma_wait3A_162] : memref<1000000x64xf32, #tpu.memory_space<hbm>> -> memref<1000000x64xf32, #tpu.memory_space<hbm>>
    tpu.wait_indirect_dma semaphore(%arg9 : memref<!tpu.dma_semaphore, #tpu.memory_space<semaphore_mem>>) src(%dma_wait3A_163 : memref<1000000x64xf32, #tpu.memory_space<hbm>>) dst(%dma_wait3A_158 : memref<400x64xf32, #tpu.memory_space<vmem>>)
    %scan3A_164 = arith.constant 0 : i32
    %scan3A_165 = arith.constant 0 : i32
    %scan3A_166 = arith.constant 100 : i32
    %scan3A_167 = arith.addi %scan3A_165, %scan3A_166 : i32
    %scan3A_168 = arith.constant 1 : i32
    scf.for %scan3A_230 = %scan3A_165 to %scan3A_167 step %scan3A_168  : i32 {
      %mul3A_231 = arith.constant 4 : i32
      %mul3A_232 = arith.muli %scan3A_230, %mul3A_231 : i32
      %add3A_233 = arith.constant 0 : i32
      %add3A_234 = arith.addi %mul3A_232, %add3A_233 : i32
      %get3A = arith.constant 0 : i32
      %get3A_235 = arith.index_cast %get3A : i32 to index
      %get3A_236 = arith.index_cast %add3A_234 : i32 to index
      %get3A_237 = arith.constant 0 : index
      %get3A_238 = tpu.vector_load %arg7[%get3A_235, %get3A_236, %get3A_237] {strides = array<i32>} : memref<3x400x64xf32, #tpu.memory_space<vmem>>, vector<1x1x16xf32>,
      %get3A_239 = vector.shape_cast %get3A_238 : vector<1x1x16xf32> to vector<16xf32>
      %mul3A_240 = arith.constant 8.000000e+00 : f32
      %mul3A_241 = vector.broadcast %mul3A_240 : f32 to vector<16xf32>
      %mul3A_242 = arith.mulf %get3A_239, %mul3A_241 : vector<16xf32>
      %get3A_243 = arith.index_cast %add3A_234 : i32 to index
      %get3A_244 = arith.constant 0 : index
      %get3A_245 = tpu.vector_load %arg8[%get3A_243, %get3A_244] {strides = array<i32>} : memref<400x64xf32, #tpu.memory_space<vmem>>, vector<1x16xf32>,
      %get3A_246 = vector.shape_cast %get3A_245 : vector<1x16xf32> to vector<16xf32>
      %add3A_247 = arith.addf %mul3A_242, %get3A_246 : vector<16xf32>
      %swap3A = arith.constant 0 : i32
      %swap3A_248 = arith.index_cast %swap3A : i32 to index
      %swap3A_249 = arith.index_cast %add3A_234 : i32 to index
      %swap3A_250 = arith.constant 0 : index
      %swap3A_251 = tpu.vector_load %arg7[%swap3A_248, %swap3A_249, %swap3A_250] {strides = array<i32>} : memref<3x400x64xf32, #tpu.memory_space<vmem>>, vector<1x1x16xf32>,
      %swap3A_252 = vector.shape_cast %swap3A_251 : vector<1x1x16xf32> to vector<16xf32>
      %swap3A_253 = vector.shape_cast %add3A_247 : vector<16xf32> to vector<1x1x16xf32>
      tpu.vector_store %arg7[%swap3A_248, %swap3A_249, %swap3A_250], %swap3A_253 {strides = array<i32>} : memref<3x400x64xf32, #tpu.memory_space<vmem>>, vector<1x1x16xf32>,
      %get3A_254 = arith.constant 0 : i32
      %get3A_255 = arith.index_cast %get3A_254 : i32 to index
      %get3A_256 = arith.index_cast %add3A_234 : i32 to index
      %get3A_257 = arith.constant 16 : index
      %get3A_258 = tpu.vector_load %arg7[%get3A_255, %get3A_256, %get3A_257] {strides = array<i32>} : memref<3x400x64xf32, #tpu.memory_space<vmem>>, vector<1x1x16xf32>,
      %get3A_259 = vector.shape_cast %get3A_258 : vector<1x1x16xf32> to vector<16xf32>
      %mul3A_260 = arith.constant 8.000000e+00 : f32
      %mul3A_261 = vector.broadcast %mul3A_260 : f32 to vector<16xf32>
      %mul3A_262 = arith.mulf %get3A_259, %mul3A_261 : vector<16xf32>
      %get3A_263 = arith.index_cast %add3A_234 : i32 to index
      %get3A_264 = arith.constant 16 : index
      %get3A_265 = tpu.vector_load %arg8[%get3A_263, %get3A_264] {strides = array<i32>} : memref<400x64xf32, #tpu.memory_space<vmem>>, vector<1x16xf32>,
      %get3A_266 = vector.shape_cast %get3A_265 : vector<1x16xf32> to vector<16xf32>
      %add3A_267 = arith.addf %mul3A_262, %get3A_266 : vector<16xf32>
      %swap3A_268 = arith.constant 0 : i32
      %swap3A_269 = arith.index_cast %swap3A_268 : i32 to index
      %swap3A_270 = arith.index_cast %add3A_234 : i32 to index
      %swap3A_271 = arith.constant 16 : index
      %swap3A_272 = tpu.vector_load %arg7[%swap3A_269, %swap3A_270, %swap3A_271] {strides = array<i32>} : memref<3x400x64xf32, #tpu.memory_space<vmem>>, vector<1x1x16xf32>,
      %swap3A_273 = vector.shape_cast %swap3A_272 : vector<1x1x16xf32> to vector<16xf32>
      %swap3A_274 = vector.shape_cast %add3A_267 : vector<16xf32> to vector<1x1x16xf32>
      tpu.vector_store %arg7[%swap3A_269, %swap3A_270, %swap3A_271], %swap3A_274 {strides = array<i32>} : memref<3x400x64xf32, #tpu.memory_space<vmem>>, vector<1x1x16xf32>,
      %get3A_275 = arith.constant 0 : i32
      %get3A_276 = arith.index_cast %get3A_275 : i32 to index
      %get3A_277 = arith.index_cast %add3A_234 : i32 to index
      %get3A_278 = arith.constant 32 : index
      %get3A_279 = tpu.vector_load %arg7[%get3A_276, %get3A_277, %get3A_278] {strides = array<i32>} : memref<3x400x64xf32, #tpu.memory_space<vmem>>, vector<1x1x16xf32>,
      %get3A_280 = vector.shape_cast %get3A_279 : vector<1x1x16xf32> to vector<16xf32>
      %mul3A_281 = arith.constant 8.000000e+00 : f32
      %mul3A_282 = vector.broadcast %mul3A_281 : f32 to vector<16xf32>
      %mul3A_283 = arith.mulf %get3A_280, %mul3A_282 : vector<16xf32>
      %get3A_284 = arith.index_cast %add3A_234 : i32 to index
      %get3A_285 = arith.constant 32 : index
      %get3A_286 = tpu.vector_load %arg8[%get3A_284, %get3A_285] {strides = array<i32>} : memref<400x64xf32, #tpu.memory_space<vmem>>, vector<1x16xf32>,
      %get3A_287 = vector.shape_cast %get3A_286 : vector<1x16xf32> to vector<16xf32>
      %add3A_288 = arith.addf %mul3A_283, %get3A_287 : vector<16xf32>
      %swap3A_289 = arith.constant 0 : i32
      %swap3A_290 = arith.index_cast %swap3A_289 : i32 to index
      %swap3A_291 = arith.index_cast %add3A_234 : i32 to index
      %swap3A_292 = arith.constant 32 : index
      %swap3A_293 = tpu.vector_load %arg7[%swap3A_290, %swap3A_291, %swap3A_292] {strides = array<i32>} : memref<3x400x64xf32, #tpu.memory_space<vmem>>, vector<1x1x16xf32>,
      %swap3A_294 = vector.shape_cast %swap3A_293 : vector<1x1x16xf32> to vector<16xf32>
      %swap3A_295 = vector.shape_cast %add3A_288 : vector<16xf32> to vector<1x1x16xf32>
      tpu.vector_store %arg7[%swap3A_290, %swap3A_291, %swap3A_292], %swap3A_295 {strides = array<i32>} : memref<3x400x64xf32, #tpu.memory_space<vmem>>, vector<1x1x16xf32>,
      %get3A_296 = arith.constant 0 : i32
      %get3A_297 = arith.index_cast %get3A_296 : i32 to index
      %get3A_298 = arith.index_cast %add3A_234 : i32 to index
      %get3A_299 = arith.constant 48 : index
      %get3A_300 = tpu.vector_load %arg7[%get3A_297, %get3A_298, %get3A_299] {strides = array<i32>} : memref<3x400x64xf32, #tpu.memory_space<vmem>>, vector<1x1x16xf32>,
      %get3A_301 = vector.shape_cast %get3A_300 : vector<1x1x16xf32> to vector<16xf32>
      %mul3A_302 = arith.constant 8.000000e+00 : f32
      %mul3A_303 = vector.broadcast %mul3A_302 : f32 to vector<16xf32>
      %mul3A_304 = arith.mulf %get3A_301, %mul3A_303 : vector<16xf32>
      %get3A_305 = arith.index_cast %add3A_234 : i32 to index
      %get3A_306 = arith.constant 48 : index
      %get3A_307 = tpu.vector_load %arg8[%get3A_305, %get3A_306] {strides = array<i32>} : memref<400x64xf32, #tpu.memory_space<vmem>>, vector<1x16xf32>,
      %get3A_308 = vector.shape_cast %get3A_307 : vector<1x16xf32> to vector<16xf32>
      %add3A_309 = arith.addf %mul3A_304, %get3A_308 : vector<16xf32>
      %swap3A_310 = arith.constant 0 : i32
      %swap3A_311 = arith.index_cast %swap3A_310 : i32 to index
      %swap3A_312 = arith.index_cast %add3A_234 : i32 to index
      %swap3A_313 = arith.constant 48 : index
      %swap3A_314 = tpu.vector_load %arg7[%swap3A_311, %swap3A_312, %swap3A_313] {strides = array<i32>} : memref<3x400x64xf32, #tpu.memory_space<vmem>>, vector<1x1x16xf32>,
      %swap3A_315 = vector.shape_cast %swap3A_314 : vector<1x1x16xf32> to vector<16xf32>
      %swap3A_316 = vector.shape_cast %add3A_309 : vector<16xf32> to vector<1x1x16xf32>
      tpu.vector_store %arg7[%swap3A_311, %swap3A_312, %swap3A_313], %swap3A_316 {strides = array<i32>} : memref<3x400x64xf32, #tpu.memory_space<vmem>>, vector<1x1x16xf32>,
      %mul3A_317 = arith.constant 4 : i32
      %mul3A_318 = arith.muli %scan3A_230, %mul3A_317 : i32
      %add3A_319 = arith.constant 1 : i32
      %add3A_320 = arith.addi %mul3A_318, %add3A_319 : i32
      %get3A_321 = arith.constant 0 : i32
      %get3A_322 = arith.index_cast %get3A_321 : i32 to index
      %get3A_323 = arith.index_cast %add3A_320 : i32 to index
      %get3A_324 = arith.constant 0 : index
      %get3A_325 = tpu.vector_load %arg7[%get3A_322, %get3A_323, %get3A_324] {strides = array<i32>} : memref<3x400x64xf32, #tpu.memory_space<vmem>>, vector<1x1x16xf32>,
      %get3A_326 = vector.shape_cast %get3A_325 : vector<1x1x16xf32> to vector<16xf32>
      %mul3A_327 = arith.constant 8.000000e+00 : f32
      %mul3A_328 = vector.broadcast %mul3A_327 : f32 to vector<16xf32>
      %mul3A_329 = arith.mulf %get3A_326, %mul3A_328 : vector<16xf32>
      %get3A_330 = arith.index_cast %add3A_320 : i32 to index
      %get3A_331 = arith.constant 0 : index
      %get3A_332 = tpu.vector_load %arg8[%get3A_330, %get3A_331] {strides = array<i32>} : memref<400x64xf32, #tpu.memory_space<vmem>>, vector<1x16xf32>,
      %get3A_333 = vector.shape_cast %get3A_332 : vector<1x16xf32> to vector<16xf32>
      %add3A_334 = arith.addf %mul3A_329, %get3A_333 : vector<16xf32>
      %swap3A_335 = arith.constant 0 : i32
      %swap3A_336 = arith.index_cast %swap3A_335 : i32 to index
      %swap3A_337 = arith.index_cast %add3A_320 : i32 to index
      %swap3A_338 = arith.constant 0 : index
      %swap3A_339 = tpu.vector_load %arg7[%swap3A_336, %swap3A_337, %swap3A_338] {strides = array<i32>} : memref<3x400x64xf32, #tpu.memory_space<vmem>>, vector<1x1x16xf32>,
      %swap3A_340 = vector.shape_cast %swap3A_339 : vector<1x1x16xf32> to vector<16xf32>
      %swap3A_341 = vector.shape_cast %add3A_334 : vector<16xf32> to vector<1x1x16xf32>
      tpu.vector_store %arg7[%swap3A_336, %swap3A_337, %swap3A_338], %swap3A_341 {strides = array<i32>} : memref<3x400x64xf32, #tpu.memory_space<vmem>>, vector<1x1x16xf32>,
      %get3A_342 = arith.constant 0 : i32
      %get3A_343 = arith.index_cast %get3A_342 : i32 to index
      %get3A_344 = arith.index_cast %add3A_320 : i32 to index
      %get3A_345 = arith.constant 16 : index
      %get3A_346 = tpu.vector_load %arg7[%get3A_343, %get3A_344, %get3A_345] {strides = array<i32>} : memref<3x400x64xf32, #tpu.memory_space<vmem>>, vector<1x1x16xf32>,
      %get3A_347 = vector.shape_cast %get3A_346 : vector<1x1x16xf32> to vector<16xf32>
      %mul3A_348 = arith.constant 8.000000e+00 : f32
      %mul3A_349 = vector.broadcast %mul3A_348 : f32 to vector<16xf32>
      %mul3A_350 = arith.mulf %get3A_347, %mul3A_349 : vector<16xf32>
      %get3A_351 = arith.index_cast %add3A_320 : i32 to index
      %get3A_352 = arith.constant 16 : index
      %get3A_353 = tpu.vector_load %arg8[%get3A_351, %get3A_352] {strides = array<i32>} : memref<400x64xf32, #tpu.memory_space<vmem>>, vector<1x16xf32>,
      %get3A_354 = vector.shape_cast %get3A_353 : vector<1x16xf32> to vector<16xf32>
      %add3A_355 = arith.addf %mul3A_350, %get3A_354 : vector<16xf32>
      %swap3A_356 = arith.constant 0 : i32
      %swap3A_357 = arith.index_cast %swap3A_356 : i32 to index
      %swap3A_358 = arith.index_cast %add3A_320 : i32 to index
      %swap3A_359 = arith.constant 16 : index
      %swap3A_360 = tpu.vector_load %arg7[%swap3A_357, %swap3A_358, %swap3A_359] {strides = array<i32>} : memref<3x400x64xf32, #tpu.memory_space<vmem>>, vector<1x1x16xf32>,
      %swap3A_361 = vector.shape_cast %swap3A_360 : vector<1x1x16xf32> to vector<16xf32>
      %swap3A_362 = vector.shape_cast %add3A_355 : vector<16xf32> to vector<1x1x16xf32>
      tpu.vector_store %arg7[%swap3A_357, %swap3A_358, %swap3A_359], %swap3A_362 {strides = array<i32>} : memref<3x400x64xf32, #tpu.memory_space<vmem>>, vector<1x1x16xf32>,
      %get3A_363 = arith.constant 0 : i32
      %get3A_364 = arith.index_cast %get3A_363 : i32 to index
      %get3A_365 = arith.index_cast %add3A_320 : i32 to index
      %get3A_366 = arith.constant 32 : index
      %get3A_367 = tpu.vector_load %arg7[%get3A_364, %get3A_365, %get3A_366] {strides = array<i32>} : memref<3x400x64xf32, #tpu.memory_space<vmem>>, vector<1x1x16xf32>,
      %get3A_368 = vector.shape_cast %get3A_367 : vector<1x1x16xf32> to vector<16xf32>
      %mul3A_369 = arith.constant 8.000000e+00 : f32
      %mul3A_370 = vector.broadcast %mul3A_369 : f32 to vector<16xf32>
      %mul3A_371 = arith.mulf %get3A_368, %mul3A_370 : vector<16xf32>
      %get3A_372 = arith.index_cast %add3A_320 : i32 to index
      %get3A_373 = arith.constant 32 : index
      %get3A_374 = tpu.vector_load %arg8[%get3A_372, %get3A_373] {strides = array<i32>} : memref<400x64xf32, #tpu.memory_space<vmem>>, vector<1x16xf32>,
      %get3A_375 = vector.shape_cast %get3A_374 : vector<1x16xf32> to vector<16xf32>
      %add3A_376 = arith.addf %mul3A_371, %get3A_375 : vector<16xf32>
      %swap3A_377 = arith.constant 0 : i32
      %swap3A_378 = arith.index_cast %swap3A_377 : i32 to index
      %swap3A_379 = arith.index_cast %add3A_320 : i32 to index
      %swap3A_380 = arith.constant 32 : index
      %swap3A_381 = tpu.vector_load %arg7[%swap3A_378, %swap3A_379, %swap3A_380] {strides = array<i32>} : memref<3x400x64xf32, #tpu.memory_space<vmem>>, vector<1x1x16xf32>,
      %swap3A_382 = vector.shape_cast %swap3A_381 : vector<1x1x16xf32> to vector<16xf32>
      %swap3A_383 = vector.shape_cast %add3A_376 : vector<16xf32> to vector<1x1x16xf32>
      tpu.vector_store %arg7[%swap3A_378, %swap3A_379, %swap3A_380], %swap3A_383 {strides = array<i32>} : memref<3x400x64xf32, #tpu.memory_space<vmem>>, vector<1x1x16xf32>,
      %get3A_384 = arith.constant 0 : i32
      %get3A_385 = arith.index_cast %get3A_384 : i32 to index
      %get3A_386 = arith.index_cast %add3A_320 : i32 to index
      %get3A_387 = arith.constant 48 : index
      %get3A_388 = tpu.vector_load %arg7[%get3A_385, %get3A_386, %get3A_387] {strides = array<i32>} : memref<3x400x64xf32, #tpu.memory_space<vmem>>, vector<1x1x16xf32>,
      %get3A_389 = vector.shape_cast %get3A_388 : vector<1x1x16xf32> to vector<16xf32>
      %mul3A_390 = arith.constant 8.000000e+00 : f32
      %mul3A_391 = vector.broadcast %mul3A_390 : f32 to vector<16xf32>
      %mul3A_392 = arith.mulf %get3A_389, %mul3A_391 : vector<16xf32>
      %get3A_393 = arith.index_cast %add3A_320 : i32 to index
      %get3A_394 = arith.constant 48 : index
      %get3A_395 = tpu.vector_load %arg8[%get3A_393, %get3A_394] {strides = array<i32>} : memref<400x64xf32, #tpu.memory_space<vmem>>, vector<1x16xf32>,
      %get3A_396 = vector.shape_cast %get3A_395 : vector<1x16xf32> to vector<16xf32>
      %add3A_397 = arith.addf %mul3A_392, %get3A_396 : vector<16xf32>
      %swap3A_398 = arith.constant 0 : i32
      %swap3A_399 = arith.index_cast %swap3A_398 : i32 to index
      %swap3A_400 = arith.index_cast %add3A_320 : i32 to index
      %swap3A_401 = arith.constant 48 : index
      %swap3A_402 = tpu.vector_load %arg7[%swap3A_399, %swap3A_400, %swap3A_401] {strides = array<i32>} : memref<3x400x64xf32, #tpu.memory_space<vmem>>, vector<1x1x16xf32>,
      %swap3A_403 = vector.shape_cast %swap3A_402 : vector<1x1x16xf32> to vector<16xf32>
      %swap3A_404 = vector.shape_cast %add3A_397 : vector<16xf32> to vector<1x1x16xf32>
      tpu.vector_store %arg7[%swap3A_399, %swap3A_400, %swap3A_401], %swap3A_404 {strides = array<i32>} : memref<3x400x64xf32, #tpu.memory_space<vmem>>, vector<1x1x16xf32>,
      %mul3A_405 = arith.constant 4 : i32
      %mul3A_406 = arith.muli %scan3A_230, %mul3A_405 : i32
      %add3A_407 = arith.constant 2 : i32
      %add3A_408 = arith.addi %mul3A_406, %add3A_407 : i32
      %get3A_409 = arith.constant 0 : i32
      %get3A_410 = arith.index_cast %get3A_409 : i32 to index
      %get3A_411 = arith.index_cast %add3A_408 : i32 to index
      %get3A_412 = arith.constant 0 : index
      %get3A_413 = tpu.vector_load %arg7[%get3A_410, %get3A_411, %get3A_412] {strides = array<i32>} : memref<3x400x64xf32, #tpu.memory_space<vmem>>, vector<1x1x16xf32>,
      %get3A_414 = vector.shape_cast %get3A_413 : vector<1x1x16xf32> to vector<16xf32>
      %mul3A_415 = arith.constant 8.000000e+00 : f32
      %mul3A_416 = vector.broadcast %mul3A_415 : f32 to vector<16xf32>
      %mul3A_417 = arith.mulf %get3A_414, %mul3A_416 : vector<16xf32>
      %get3A_418 = arith.index_cast %add3A_408 : i32 to index
      %get3A_419 = arith.constant 0 : index
      %get3A_420 = tpu.vector_load %arg8[%get3A_418, %get3A_419] {strides = array<i32>} : memref<400x64xf32, #tpu.memory_space<vmem>>, vector<1x16xf32>,
      %get3A_421 = vector.shape_cast %get3A_420 : vector<1x16xf32> to vector<16xf32>
      %add3A_422 = arith.addf %mul3A_417, %get3A_421 : vector<16xf32>
      %swap3A_423 = arith.constant 0 : i32
      %swap3A_424 = arith.index_cast %swap3A_423 : i32 to index
      %swap3A_425 = arith.index_cast %add3A_408 : i32 to index
      %swap3A_426 = arith.constant 0 : index
      %swap3A_427 = tpu.vector_load %arg7[%swap3A_424, %swap3A_425, %swap3A_426] {strides = array<i32>} : memref<3x400x64xf32, #tpu.memory_space<vmem>>, vector<1x1x16xf32>,
      %swap3A_428 = vector.shape_cast %swap3A_427 : vector<1x1x16xf32> to vector<16xf32>
      %swap3A_429 = vector.shape_cast %add3A_422 : vector<16xf32> to vector<1x1x16xf32>
      tpu.vector_store %arg7[%swap3A_424, %swap3A_425, %swap3A_426], %swap3A_429 {strides = array<i32>} : memref<3x400x64xf32, #tpu.memory_space<vmem>>, vector<1x1x16xf32>,
      %get3A_430 = arith.constant 0 : i32
      %get3A_431 = arith.index_cast %get3A_430 : i32 to index
      %get3A_432 = arith.index_cast %add3A_408 : i32 to index
      %get3A_433 = arith.constant 16 : index
      %get3A_434 = tpu.vector_load %arg7[%get3A_431, %get3A_432, %get3A_433] {strides = array<i32>} : memref<3x400x64xf32, #tpu.memory_space<vmem>>, vector<1x1x16xf32>,
      %get3A_435 = vector.shape_cast %get3A_434 : vector<1x1x16xf32> to vector<16xf32>
      %mul3A_436 = arith.constant 8.000000e+00 : f32
      %mul3A_437 = vector.broadcast %mul3A_436 : f32 to vector<16xf32>
      %mul3A_438 = arith.mulf %get3A_435, %mul3A_437 : vector<16xf32>
      %get3A_439 = arith.index_cast %add3A_408 : i32 to index
      %get3A_440 = arith.constant 16 : index
      %get3A_441 = tpu.vector_load %arg8[%get3A_439, %get3A_440] {strides = array<i32>} : memref<400x64xf32, #tpu.memory_space<vmem>>, vector<1x16xf32>,
      %get3A_442 = vector.shape_cast %get3A_441 : vector<1x16xf32> to vector<16xf32>
      %add3A_443 = arith.addf %mul3A_438, %get3A_442 : vector<16xf32>
      %swap3A_444 = arith.constant 0 : i32
      %swap3A_445 = arith.index_cast %swap3A_444 : i32 to index
      %swap3A_446 = arith.index_cast %add3A_408 : i32 to index
      %swap3A_447 = arith.constant 16 : index
      %swap3A_448 = tpu.vector_load %arg7[%swap3A_445, %swap3A_446, %swap3A_447] {strides = array<i32>} : memref<3x400x64xf32, #tpu.memory_space<vmem>>, vector<1x1x16xf32>,
      %swap3A_449 = vector.shape_cast %swap3A_448 : vector<1x1x16xf32> to vector<16xf32>
      %swap3A_450 = vector.shape_cast %add3A_443 : vector<16xf32> to vector<1x1x16xf32>
      tpu.vector_store %arg7[%swap3A_445, %swap3A_446, %swap3A_447], %swap3A_450 {strides = array<i32>} : memref<3x400x64xf32, #tpu.memory_space<vmem>>, vector<1x1x16xf32>,
      %get3A_451 = arith.constant 0 : i32
      %get3A_452 = arith.index_cast %get3A_451 : i32 to index
      %get3A_453 = arith.index_cast %add3A_408 : i32 to index
      %get3A_454 = arith.constant 32 : index
      %get3A_455 = tpu.vector_load %arg7[%get3A_452, %get3A_453, %get3A_454] {strides = array<i32>} : memref<3x400x64xf32, #tpu.memory_space<vmem>>, vector<1x1x16xf32>,
      %get3A_456 = vector.shape_cast %get3A_455 : vector<1x1x16xf32> to vector<16xf32>
      %mul3A_457 = arith.constant 8.000000e+00 : f32
      %mul3A_458 = vector.broadcast %mul3A_457 : f32 to vector<16xf32>
      %mul3A_459 = arith.mulf %get3A_456, %mul3A_458 : vector<16xf32>
      %get3A_460 = arith.index_cast %add3A_408 : i32 to index
      %get3A_461 = arith.constant 32 : index
      %get3A_462 = tpu.vector_load %arg8[%get3A_460, %get3A_461] {strides = array<i32>} : memref<400x64xf32, #tpu.memory_space<vmem>>, vector<1x16xf32>,
      %get3A_463 = vector.shape_cast %get3A_462 : vector<1x16xf32> to vector<16xf32>
      %add3A_464 = arith.addf %mul3A_459, %get3A_463 : vector<16xf32>
      %swap3A_465 = arith.constant 0 : i32
      %swap3A_466 = arith.index_cast %swap3A_465 : i32 to index
      %swap3A_467 = arith.index_cast %add3A_408 : i32 to index
      %swap3A_468 = arith.constant 32 : index
      %swap3A_469 = tpu.vector_load %arg7[%swap3A_466, %swap3A_467, %swap3A_468] {strides = array<i32>} : memref<3x400x64xf32, #tpu.memory_space<vmem>>, vector<1x1x16xf32>,
      %swap3A_470 = vector.shape_cast %swap3A_469 : vector<1x1x16xf32> to vector<16xf32>
      %swap3A_471 = vector.shape_cast %add3A_464 : vector<16xf32> to vector<1x1x16xf32>
      tpu.vector_store %arg7[%swap3A_466, %swap3A_467, %swap3A_468], %swap3A_471 {strides = array<i32>} : memref<3x400x64xf32, #tpu.memory_space<vmem>>, vector<1x1x16xf32>,
      %get3A_472 = arith.constant 0 : i32
      %get3A_473 = arith.index_cast %get3A_472 : i32 to index
      %get3A_474 = arith.index_cast %add3A_408 : i32 to index
      %get3A_475 = arith.constant 48 : index
      %get3A_476 = tpu.vector_load %arg7[%get3A_473, %get3A_474, %get3A_475] {strides = array<i32>} : memref<3x400x64xf32, #tpu.memory_space<vmem>>, vector<1x1x16xf32>,
      %get3A_477 = vector.shape_cast %get3A_476 : vector<1x1x16xf32> to vector<16xf32>
      %mul3A_478 = arith.constant 8.000000e+00 : f32
      %mul3A_479 = vector.broadcast %mul3A_478 : f32 to vector<16xf32>
      %mul3A_480 = arith.mulf %get3A_477, %mul3A_479 : vector<16xf32>
      %get3A_481 = arith.index_cast %add3A_408 : i32 to index
      %get3A_482 = arith.constant 48 : index
      %get3A_483 = tpu.vector_load %arg8[%get3A_481, %get3A_482] {strides = array<i32>} : memref<400x64xf32, #tpu.memory_space<vmem>>, vector<1x16xf32>,
      %get3A_484 = vector.shape_cast %get3A_483 : vector<1x16xf32> to vector<16xf32>
      %add3A_485 = arith.addf %mul3A_480, %get3A_484 : vector<16xf32>
      %swap3A_486 = arith.constant 0 : i32
      %swap3A_487 = arith.index_cast %swap3A_486 : i32 to index
      %swap3A_488 = arith.index_cast %add3A_408 : i32 to index
      %swap3A_489 = arith.constant 48 : index
      %swap3A_490 = tpu.vector_load %arg7[%swap3A_487, %swap3A_488, %swap3A_489] {strides = array<i32>} : memref<3x400x64xf32, #tpu.memory_space<vmem>>, vector<1x1x16xf32>,
      %swap3A_491 = vector.shape_cast %swap3A_490 : vector<1x1x16xf32> to vector<16xf32>
      %swap3A_492 = vector.shape_cast %add3A_485 : vector<16xf32> to vector<1x1x16xf32>
      tpu.vector_store %arg7[%swap3A_487, %swap3A_488, %swap3A_489], %swap3A_492 {strides = array<i32>} : memref<3x400x64xf32, #tpu.memory_space<vmem>>, vector<1x1x16xf32>,
      %mul3A_493 = arith.constant 4 : i32
      %mul3A_494 = arith.muli %scan3A_230, %mul3A_493 : i32
      %add3A_495 = arith.constant 3 : i32
      %add3A_496 = arith.addi %mul3A_494, %add3A_495 : i32
      %get3A_497 = arith.constant 0 : i32
      %get3A_498 = arith.index_cast %get3A_497 : i32 to index
      %get3A_499 = arith.index_cast %add3A_496 : i32 to index
      %get3A_500 = arith.constant 0 : index
      %get3A_501 = tpu.vector_load %arg7[%get3A_498, %get3A_499, %get3A_500] {strides = array<i32>} : memref<3x400x64xf32, #tpu.memory_space<vmem>>, vector<1x1x16xf32>,
      %get3A_502 = vector.shape_cast %get3A_501 : vector<1x1x16xf32> to vector<16xf32>
      %mul3A_503 = arith.constant 8.000000e+00 : f32
      %mul3A_504 = vector.broadcast %mul3A_503 : f32 to vector<16xf32>
      %mul3A_505 = arith.mulf %get3A_502, %mul3A_504 : vector<16xf32>
      %get3A_506 = arith.index_cast %add3A_496 : i32 to index
      %get3A_507 = arith.constant 0 : index
      %get3A_508 = tpu.vector_load %arg8[%get3A_506, %get3A_507] {strides = array<i32>} : memref<400x64xf32, #tpu.memory_space<vmem>>, vector<1x16xf32>,
      %get3A_509 = vector.shape_cast %get3A_508 : vector<1x16xf32> to vector<16xf32>
      %add3A_510 = arith.addf %mul3A_505, %get3A_509 : vector<16xf32>
      %swap3A_511 = arith.constant 0 : i32
      %swap3A_512 = arith.index_cast %swap3A_511 : i32 to index
      %swap3A_513 = arith.index_cast %add3A_496 : i32 to index
      %swap3A_514 = arith.constant 0 : index
      %swap3A_515 = tpu.vector_load %arg7[%swap3A_512, %swap3A_513, %swap3A_514] {strides = array<i32>} : memref<3x400x64xf32, #tpu.memory_space<vmem>>, vector<1x1x16xf32>,
      %swap3A_516 = vector.shape_cast %swap3A_515 : vector<1x1x16xf32> to vector<16xf32>
      %swap3A_517 = vector.shape_cast %add3A_510 : vector<16xf32> to vector<1x1x16xf32>
      tpu.vector_store %arg7[%swap3A_512, %swap3A_513, %swap3A_514], %swap3A_517 {strides = array<i32>} : memref<3x400x64xf32, #tpu.memory_space<vmem>>, vector<1x1x16xf32>,
      %get3A_518 = arith.constant 0 : i32
      %get3A_519 = arith.index_cast %get3A_518 : i32 to index
      %get3A_520 = arith.index_cast %add3A_496 : i32 to index
      %get3A_521 = arith.constant 16 : index
      %get3A_522 = tpu.vector_load %arg7[%get3A_519, %get3A_520, %get3A_521] {strides = array<i32>} : memref<3x400x64xf32, #tpu.memory_space<vmem>>, vector<1x1x16xf32>,
      %get3A_523 = vector.shape_cast %get3A_522 : vector<1x1x16xf32> to vector<16xf32>
      %mul3A_524 = arith.constant 8.000000e+00 : f32
      %mul3A_525 = vector.broadcast %mul3A_524 : f32 to vector<16xf32>
      %mul3A_526 = arith.mulf %get3A_523, %mul3A_525 : vector<16xf32>
      %get3A_527 = arith.index_cast %add3A_496 : i32 to index
      %get3A_528 = arith.constant 16 : index
      %get3A_529 = tpu.vector_load %arg8[%get3A_527, %get3A_528] {strides = array<i32>} : memref<400x64xf32, #tpu.memory_space<vmem>>, vector<1x16xf32>,
      %get3A_530 = vector.shape_cast %get3A_529 : vector<1x16xf32> to vector<16xf32>
      %add3A_531 = arith.addf %mul3A_526, %get3A_530 : vector<16xf32>
      %swap3A_532 = arith.constant 0 : i32
      %swap3A_533 = arith.index_cast %swap3A_532 : i32 to index
      %swap3A_534 = arith.index_cast %add3A_496 : i32 to index
      %swap3A_535 = arith.constant 16 : index
      %swap3A_536 = tpu.vector_load %arg7[%swap3A_533, %swap3A_534, %swap3A_535] {strides = array<i32>} : memref<3x400x64xf32, #tpu.memory_space<vmem>>, vector<1x1x16xf32>,
      %swap3A_537 = vector.shape_cast %swap3A_536 : vector<1x1x16xf32> to vector<16xf32>
      %swap3A_538 = vector.shape_cast %add3A_531 : vector<16xf32> to vector<1x1x16xf32>
      tpu.vector_store %arg7[%swap3A_533, %swap3A_534, %swap3A_535], %swap3A_538 {strides = array<i32>} : memref<3x400x64xf32, #tpu.memory_space<vmem>>, vector<1x1x16xf32>,
      %get3A_539 = arith.constant 0 : i32
      %get3A_540 = arith.index_cast %get3A_539 : i32 to index
      %get3A_541 = arith.index_cast %add3A_496 : i32 to index
      %get3A_542 = arith.constant 32 : index
      %get3A_543 = tpu.vector_load %arg7[%get3A_540, %get3A_541, %get3A_542] {strides = array<i32>} : memref<3x400x64xf32, #tpu.memory_space<vmem>>, vector<1x1x16xf32>,
      %get3A_544 = vector.shape_cast %get3A_543 : vector<1x1x16xf32> to vector<16xf32>
      %mul3A_545 = arith.constant 8.000000e+00 : f32
      %mul3A_546 = vector.broadcast %mul3A_545 : f32 to vector<16xf32>
      %mul3A_547 = arith.mulf %get3A_544, %mul3A_546 : vector<16xf32>
      %get3A_548 = arith.index_cast %add3A_496 : i32 to index
      %get3A_549 = arith.constant 32 : index
      %get3A_550 = tpu.vector_load %arg8[%get3A_548, %get3A_549] {strides = array<i32>} : memref<400x64xf32, #tpu.memory_space<vmem>>, vector<1x16xf32>,
      %get3A_551 = vector.shape_cast %get3A_550 : vector<1x16xf32> to vector<16xf32>
      %add3A_552 = arith.addf %mul3A_547, %get3A_551 : vector<16xf32>
      %swap3A_553 = arith.constant 0 : i32
      %swap3A_554 = arith.index_cast %swap3A_553 : i32 to index
      %swap3A_555 = arith.index_cast %add3A_496 : i32 to index
      %swap3A_556 = arith.constant 32 : index
      %swap3A_557 = tpu.vector_load %arg7[%swap3A_554, %swap3A_555, %swap3A_556] {strides = array<i32>} : memref<3x400x64xf32, #tpu.memory_space<vmem>>, vector<1x1x16xf32>,
      %swap3A_558 = vector.shape_cast %swap3A_557 : vector<1x1x16xf32> to vector<16xf32>
      %swap3A_559 = vector.shape_cast %add3A_552 : vector<16xf32> to vector<1x1x16xf32>
      tpu.vector_store %arg7[%swap3A_554, %swap3A_555, %swap3A_556], %swap3A_559 {strides = array<i32>} : memref<3x400x64xf32, #tpu.memory_space<vmem>>, vector<1x1x16xf32>,
      %get3A_560 = arith.constant 0 : i32
      %get3A_561 = arith.index_cast %get3A_560 : i32 to index
      %get3A_562 = arith.index_cast %add3A_496 : i32 to index
      %get3A_563 = arith.constant 48 : index
      %get3A_564 = tpu.vector_load %arg7[%get3A_561, %get3A_562, %get3A_563] {strides = array<i32>} : memref<3x400x64xf32, #tpu.memory_space<vmem>>, vector<1x1x16xf32>,
      %get3A_565 = vector.shape_cast %get3A_564 : vector<1x1x16xf32> to vector<16xf32>
      %mul3A_566 = arith.constant 8.000000e+00 : f32
      %mul3A_567 = vector.broadcast %mul3A_566 : f32 to vector<16xf32>
      %mul3A_568 = arith.mulf %get3A_565, %mul3A_567 : vector<16xf32>
      %get3A_569 = arith.index_cast %add3A_496 : i32 to index
      %get3A_570 = arith.constant 48 : index
      %get3A_571 = tpu.vector_load %arg8[%get3A_569, %get3A_570] {strides = array<i32>} : memref<400x64xf32, #tpu.memory_space<vmem>>, vector<1x16xf32>,
      %get3A_572 = vector.shape_cast %get3A_571 : vector<1x16xf32> to vector<16xf32>
      %add3A_573 = arith.addf %mul3A_568, %get3A_572 : vector<16xf32>
      %swap3A_574 = arith.constant 0 : i32
      %swap3A_575 = arith.index_cast %swap3A_574 : i32 to index
      %swap3A_576 = arith.index_cast %add3A_496 : i32 to index
      %swap3A_577 = arith.constant 48 : index
      %swap3A_578 = tpu.vector_load %arg7[%swap3A_575, %swap3A_576, %swap3A_577] {strides = array<i32>} : memref<3x400x64xf32, #tpu.memory_space<vmem>>, vector<1x1x16xf32>,
      %swap3A_579 = vector.shape_cast %swap3A_578 : vector<1x1x16xf32> to vector<16xf32>
      %swap3A_580 = vector.shape_cast %add3A_573 : vector<16xf32> to vector<1x1x16xf32>
      tpu.vector_store %arg7[%swap3A_575, %swap3A_576, %swap3A_577], %swap3A_580 {strides = array<i32>} : memref<3x400x64xf32, #tpu.memory_space<vmem>>, vector<1x1x16xf32>,
    }
    %scan3A_169 = arith.constant 100 : i32
    %add3A_170 = arith.constant 25200 : i32
    %add3A_171 = arith.addi %mul3A_2, %add3A_170 : i32
    %dma_start3A_172 = arith.constant 0 : i32
    %dma_start3A_173 = arith.constant 0 : i32
    %dma_start3A_174 = arith.constant 0 : i32
    %dma_start3A_175 = tpu.memref_slice %arg7[%dma_start3A_172, %dma_start3A_173, %dma_start3A_174] : memref<3x400x64xf32, #tpu.memory_space<vmem>> -> memref<1x400x64xf32, #tpu.memory_space<vmem>>
    %dma_start3A_176 = tpu.memref_squeeze %dma_start3A_175 : memref<1x400x64xf32, #tpu.memory_space<vmem>> -> memref<400x64xf32, #tpu.memory_space<vmem>>
    %dma_start3A_177 = arith.constant 0 : i32
    %dma_start3A_178 = tpu.memref_slice %arg5[%add3A_171, %dma_start3A_177] : memref<819200x64xf32, #tpu.memory_space<hbm>> -> memref<400x64xf32, #tpu.memory_space<hbm>>
    %dma_start3A_179 = arith.constant 0 : i32
    %dma_start3A_180 = tpu.memref_slice %arg5[%add3A_171, %dma_start3A_179] : memref<819200x64xf32, #tpu.memory_space<hbm>> -> memref<400x64xf32, #tpu.memory_space<hbm>>
    %dma_start3A_181 = arith.constant 0 : i32
    %dma_start3A_182 = arith.constant 0 : i32
    %dma_start3A_183 = tpu.memref_slice %arg7[%dma_start3A_172, %dma_start3A_181, %dma_start3A_182] : memref<3x400x64xf32, #tpu.memory_space<vmem>> -> memref<1x400x64xf32, #tpu.memory_space<vmem>>
    %dma_start3A_184 = tpu.memref_squeeze %dma_start3A_183 : memref<1x400x64xf32, #tpu.memory_space<vmem>> -> memref<400x64xf32, #tpu.memory_space<vmem>>
    tpu.enqueue_dma source(%dma_start3A_184 : memref<400x64xf32, #tpu.memory_space<vmem>>) target(%dma_start3A_180 : memref<400x64xf32, #tpu.memory_space<hbm>>) target_semaphore(%arg12 : memref<!tpu.dma_semaphore, #tpu.memory_space<semaphore_mem>>)
    %add3A_185 = arith.constant 24400 : i32
    %add3A_186 = arith.addi %mul3A_2, %add3A_185 : i32
    %dma_wait3A_187 = arith.constant 1 : i32
    %dma_wait3A_188 = arith.constant 0 : i32
    %dma_wait3A_189 = arith.constant 0 : i32
    %dma_wait3A_190 = tpu.memref_slice %arg7[%dma_wait3A_187, %dma_wait3A_188, %dma_wait3A_189] : memref<3x400x64xf32, #tpu.memory_space<vmem>> -> memref<1x400x64xf32, #tpu.memory_space<vmem>>
    %dma_wait3A_191 = tpu.memref_squeeze %dma_wait3A_190 : memref<1x400x64xf32, #tpu.memory_space<vmem>> -> memref<400x64xf32, #tpu.memory_space<vmem>>
    %dma_wait3A_192 = arith.constant 0 : i32
    %dma_wait3A_193 = tpu.memref_slice %arg5[%add3A_186, %dma_wait3A_192] : memref<819200x64xf32, #tpu.memory_space<hbm>> -> memref<400x64xf32, #tpu.memory_space<hbm>>
    %dma_wait3A_194 = arith.constant 0 : i32
    %dma_wait3A_195 = tpu.memref_slice %arg5[%add3A_186, %dma_wait3A_194] : memref<819200x64xf32, #tpu.memory_space<hbm>> -> memref<400x64xf32, #tpu.memory_space<hbm>>
    %dma_wait3A_196 = arith.constant 0 : i32
    %dma_wait3A_197 = arith.constant 0 : i32
    %dma_wait3A_198 = tpu.memref_slice %arg7[%dma_wait3A_187, %dma_wait3A_196, %dma_wait3A_197] : memref<3x400x64xf32, #tpu.memory_space<vmem>> -> memref<1x400x64xf32, #tpu.memory_space<vmem>>
    %dma_wait3A_199 = tpu.memref_squeeze %dma_wait3A_198 : memref<1x400x64xf32, #tpu.memory_space<vmem>> -> memref<400x64xf32, #tpu.memory_space<vmem>>
    tpu.wait_dma2 semaphore(%arg13 : memref<!tpu.dma_semaphore, #tpu.memory_space<semaphore_mem>>) src(%dma_wait3A_199 : memref<400x64xf32, #tpu.memory_space<vmem>>) dst(%dma_wait3A_195 : memref<400x64xf32, #tpu.memory_space<hbm>>)
    %add3A_200 = arith.constant 24800 : i32
    %add3A_201 = arith.addi %mul3A_2, %add3A_200 : i32
    %dma_wait3A_202 = arith.constant 2 : i32
    %dma_wait3A_203 = arith.constant 0 : i32
    %dma_wait3A_204 = arith.constant 0 : i32
    %dma_wait3A_205 = tpu.memref_slice %arg7[%dma_wait3A_202, %dma_wait3A_203, %dma_wait3A_204] : memref<3x400x64xf32, #tpu.memory_space<vmem>> -> memref<1x400x64xf32, #tpu.memory_space<vmem>>
    %dma_wait3A_206 = tpu.memref_squeeze %dma_wait3A_205 : memref<1x400x64xf32, #tpu.memory_space<vmem>> -> memref<400x64xf32, #tpu.memory_space<vmem>>
    %dma_wait3A_207 = arith.constant 0 : i32
    %dma_wait3A_208 = tpu.memref_slice %arg5[%add3A_201, %dma_wait3A_207] : memref<819200x64xf32, #tpu.memory_space<hbm>> -> memref<400x64xf32, #tpu.memory_space<hbm>>
    %dma_wait3A_209 = arith.constant 0 : i32
    %dma_wait3A_210 = tpu.memref_slice %arg5[%add3A_201, %dma_wait3A_209] : memref<819200x64xf32, #tpu.memory_space<hbm>> -> memref<400x64xf32, #tpu.memory_space<hbm>>
    %dma_wait3A_211 = arith.constant 0 : i32
    %dma_wait3A_212 = arith.constant 0 : i32
    %dma_wait3A_213 = tpu.memref_slice %arg7[%dma_wait3A_202, %dma_wait3A_211, %dma_wait3A_212] : memref<3x400x64xf32, #tpu.memory_space<vmem>> -> memref<1x400x64xf32, #tpu.memory_space<vmem>>
    %dma_wait3A_214 = tpu.memref_squeeze %dma_wait3A_213 : memref<1x400x64xf32, #tpu.memory_space<vmem>> -> memref<400x64xf32, #tpu.memory_space<vmem>>
    tpu.wait_dma2 semaphore(%arg14 : memref<!tpu.dma_semaphore, #tpu.memory_space<semaphore_mem>>) src(%dma_wait3A_214 : memref<400x64xf32, #tpu.memory_space<vmem>>) dst(%dma_wait3A_210 : memref<400x64xf32, #tpu.memory_space<hbm>>)
    %add3A_215 = arith.constant 25200 : i32
    %add3A_216 = arith.addi %mul3A_2, %add3A_215 : i32
    %dma_wait3A_217 = arith.constant 0 : i32
    %dma_wait3A_218 = arith.constant 0 : i32
    %dma_wait3A_219 = arith.constant 0 : i32
    %dma_wait3A_220 = tpu.memref_slice %arg7[%dma_wait3A_217, %dma_wait3A_218, %dma_wait3A_219] : memref<3x400x64xf32, #tpu.memory_space<vmem>> -> memref<1x400x64xf32, #tpu.memory_space<vmem>>
    %dma_wait3A_221 = tpu.memref_squeeze %dma_wait3A_220 : memref<1x400x64xf32, #tpu.memory_space<vmem>> -> memref<400x64xf32, #tpu.memory_space<vmem>>
    %dma_wait3A_222 = arith.constant 0 : i32
    %dma_wait3A_223 = tpu.memref_slice %arg5[%add3A_216, %dma_wait3A_222] : memref<819200x64xf32, #tpu.memory_space<hbm>> -> memref<400x64xf32, #tpu.memory_space<hbm>>
    %dma_wait3A_224 = arith.constant 0 : i32
    %dma_wait3A_225 = tpu.memref_slice %arg5[%add3A_216, %dma_wait3A_224] : memref<819200x64xf32, #tpu.memory_space<hbm>> -> memref<400x64xf32, #tpu.memory_space<hbm>>
    %dma_wait3A_226 = arith.constant 0 : i32
    %dma_wait3A_227 = arith.constant 0 : i32
    %dma_wait3A_228 = tpu.memref_slice %arg7[%dma_wait3A_217, %dma_wait3A_226, %dma_wait3A_227] : memref<3x400x64xf32, #tpu.memory_space<vmem>> -> memref<1x400x64xf32, #tpu.memory_space<vmem>>
    %dma_wait3A_229 = tpu.memref_squeeze %dma_wait3A_228 : memref<1x400x64xf32, #tpu.memory_space<vmem>> -> memref<400x64xf32, #tpu.memory_space<vmem>>
    tpu.wait_dma2 semaphore(%arg12 : memref<!tpu.dma_semaphore, #tpu.memory_space<semaphore_mem>>) src(%dma_wait3A_229 : memref<400x64xf32, #tpu.memory_space<vmem>>) dst(%dma_wait3A_225 : memref<400x64xf32, #tpu.memory_space<hbm>>)
    return
  }
}

</mosaic_0001>

<sc_bundles>
// kernel: kernel.3.cloned.1.call-start
scs
__scs_entry_jumppad:
0x0: {  	(pc) =	sbr.rel $0x88, $3  }
0x1: {  	(tag) =	ssettag $0x0;
	lr =	simm.s32 $0x1  }
0x2: {  	[smem:$0x3F9E] =	sst lr;
	_ =	strace $0xD0000000  }
0x3: {  	_ = 	snop  }
0x4: {  	_ = 	snop  }
0x5: {  	_ = 	snop  }
0x6: {  	_ = 	snop  }
0x7: {  	_ = 	snop  }
__scs_overlays_trampoline_lowered:
0x8: {  	[smem:$0x3FAD] =	sst s0  }
0x9: {  	[smem:$0x3FAE] =	sst s1  }
0xa: {  	[smem:$0x3FAF] =	sst s2  }
0xb: {  	[smem:$0x3FB0] =	sst s3  }
0xc: {  	[smem:$0x3FB1] =	sst s4  }
0xd: {  	[smem:$0x3FB2] =	sst s5  }
0xe: {  	[smem:$0x3FB3] =	sst s6  }
0xf: {  	[smem:$0x3FB4] =	sst s7  }
0x10: {  	[smem:$0x3FB5] =	sst s8  }
0x11: {  	[smem:$0x3FB6] =	sst s9;
	s0 =	simm.s32 @!p0 $0x0  }
0x12: {  	s1 =	sld [smem:$0x3F9C];
	s0 =	simm.s32 @p0 $0x1  }
0x13: {  	[smem:$0x3FB7] =	sst s0;
	s0 =	simm.s32 @!p1 $0x0  }
0x14: {  	s2 =	sld [smem:$0x3F9B];
	s0 =	simm.s32 @p1 $0x1  }
0x15: {  	[smem:$0x3FB8] =	sst s0;
	s0 =	simm.s32 @!p2 $0x0  }
0x16: {  	s3 =	sld [smem:$0x3FDB];
	s0 =	simm.s32 @p2 $0x1  }
0x17: {  	s4 =	simm.s32 $0x1BF5;
	[smem:$0x3FBA] =	sst s0  }
0x18: {  	s0 =	sld [smem:$0x3F9D];
	_ =	swait.ge [sflag:s4], $0x0  }
0x19: {  	s7 =	sld [smem:$0x3F9E]  }
0x1a: {  	s8 =	sadd.s32 $0xFFFFE003, lr  }
0x1b: {  	s9 =	sadd.s32 $0xFFFFFEF7, lr;
	s5 =	simm.s32 $0xFFFFFFFF;
	p2 =	slt.u32 s8, $0xFFFFF086  }
0x1c: {  	p1 =	slt.u32 s9, $0xF7A;
	s5 =	simm.s32 @!p2 $0x0  }
0x1d: {  	s5 =	simm.s32 @p1 $0x1;
	p0 =	seq.s32 s7, s2  }
0x1e: {  	s7 =	smul.u32 @!p0 $0xF7A, s2;
	p2 =	seq.s32 @!p0 s5, $0x0  }
0x1f: {  	s9 =	smul.u32 $0xF7A, s1;
	s8 =	simm.s32 @!p0 $0x1BF5;
	p2 =	por !p2, p0  }
0x20: {  	[sflag:s8] =	ssyncset.s32 @!p0 $0xFFFFF086;
	s6 =	sadd.s32 @!p0 s3, s7;
	s7 =	simm.s32 @!p0 $0x108  }
0x21: {  	s3 =	sadd.s32 s3, s9;
	s6 =	sadd.s32 @!p0 $0x88, s6;
	s7 =	simm.s32 @p2 $0x1082  }
0x22: {  	[simem:s7], [sflag:s8] =	dma.local @!p0 [hbm:s6], $0xF7A  }
0x23: {  	s9 =	sor.u32 $0xD0000000, s2;
	s6 =	simm.s32 $0x108;
	_ =	swait.ge @!p0 [sflag:s8], $0x0  }
0x24: {  	s3 =	sadd.s32 $0x88, s3;
	s6 =	simm.s32 @!p1 $0x1082;
	[sflag:s4] =	ssyncset.s32 $0xFFFFF086  }
0x25: {  	[simem:s6], [sflag:s4] =	dma.local [hbm:s3], $0xF7A  }
0x26: {  	[smem:$0x3F9E] =	sst s1;
	(tag) =	ssettag s2;
	_ =	strace s9  }
0x27: {  	s1 =	sld [smem:$0x3FAE]  }
0x28: {  	s2 =	sld [smem:$0x3FAF]  }
0x29: {  	s4 =	sld [smem:$0x3FB1]  }
0x2a: {  	p0 =	seq.s32 s5, $0x0;
	s5 =	sld [smem:$0x3FB2]  }
0x2b: {  	s6 =	sld [smem:$0x3FB3]  }
0x2c: {  	s7 =	sld [smem:$0x3FB4]  }
0x2d: {  	s3 =	simm.s32 $0x108;
	s8 =	sld [smem:$0x3FB5]  }
0x2e: {  	s3 =	simm.s32 @!p0 $0x1082;
	s9 =	sld [smem:$0x3FB6]  }
0x2f: {  	lr =	sadd.s32 s0, s3;
	s0 =	sld [smem:$0x3FAD]  }
0x30: {  	s3 =	sld [smem:$0x3FB0]  }
0x31: {  	[smem:$0x3FB9] =	sst s10  }
0x32: {  	s10 =	sld [smem:$0x3FB7];
	_ =	sdelay $0x3  }
0x33: {  	p0 =	seq.s32 s10, $0x1;
	s10 =	sld [smem:$0x3FB9];
	_ =	sdelay $0x3  }
0x34: {  	[smem:$0x3FB9] =	sst s10  }
0x35: {  	s10 =	sld [smem:$0x3FB8];
	_ =	sdelay $0x3  }
0x36: {  	p1 =	seq.s32 s10, $0x1;
	s10 =	sld [smem:$0x3FB9];
	_ =	sdelay $0x3  }
0x37: {  	[smem:$0x3FB9] =	sst s10  }
0x38: {  	s10 =	sld [smem:$0x3FBA]  }
0x39: {  	_ = 	snop;
	(pc) =	sbr.ind lr, $3  }
0x3a: {  	_ = 	snop  }
0x3b: {  	_ = 	snop  }
0x3c: {  	p2 =	seq.s32 s10, $0x1;
	s10 =	sld [smem:$0x3FB9]  }
0x3d: {  	_ =	shalt  }
0x3e: {  	_ =	shalt  }
0x3f: {  	_ =	shalt  }
0x40: {  	_ =	shalt  }
0x41: {  	_ =	shalt  }
0x42: {  	_ =	shalt  }
0x43: {  	_ =	shalt  }
0x44: {  	_ =	shalt  }
0x45: {  	_ =	shalt  }
0x46: {  	_ =	shalt  }
0x47: {  	_ =	shalt  }
0x48: {  	_ =	shalt  }
0x49: {  	_ =	shalt  }
0x4a: {  	_ =	shalt  }
0x4b: {  	_ =	shalt  }
0x4c: {  	_ =	shalt  }
0x4d: {  	_ =	shalt  }
0x4e: {  	_ =	shalt  }
0x4f: {  	_ =	shalt  }
0x50: {  	_ =	shalt  }
0x51: {  	_ =	shalt  }
0x52: {  	_ =	shalt  }
0x53: {  	_ =	shalt  }
0x54: {  	_ =	shalt  }
0x55: {  	_ =	shalt  }
0x56: {  	_ =	shalt  }
0x57: {  	_ =	shalt  }
0x58: {  	_ =	shalt  }
0x59: {  	_ =	shalt  }
0x5a: {  	_ =	shalt  }
0x5b: {  	_ =	shalt  }
0x5c: {  	_ =	shalt  }
0x5d: {  	_ =	shalt  }
0x5e: {  	_ =	shalt  }
0x5f: {  	_ =	shalt  }
0x60: {  	_ =	shalt  }
0x61: {  	_ =	shalt  }
0x62: {  	_ =	shalt  }
0x63: {  	_ =	shalt  }
0x64: {  	_ =	shalt  }
0x65: {  	_ =	shalt  }
0x66: {  	_ =	shalt  }
0x67: {  	_ =	shalt  }
0x68: {  	_ =	shalt  }
0x69: {  	_ =	shalt  }
0x6a: {  	_ =	shalt  }
0x6b: {  	_ =	shalt  }
0x6c: {  	_ =	shalt  }
0x6d: {  	_ =	shalt  }
0x6e: {  	_ =	shalt  }
0x6f: {  	_ =	shalt  }
0x70: {  	_ =	shalt  }
0x71: {  	_ =	shalt  }
0x72: {  	_ =	shalt  }
0x73: {  	_ =	shalt  }
0x74: {  	_ =	shalt  }
0x75: {  	_ =	shalt  }
0x76: {  	_ =	shalt  }
0x77: {  	_ =	shalt  }
0x78: {  	_ =	shalt  }
0x79: {  	_ =	shalt  }
0x7a: {  	_ =	shalt  }
0x7b: {  	_ =	shalt  }
0x7c: {  	_ =	shalt  }
0x7d: {  	_ =	shalt  }
0x7e: {  	_ =	shalt  }
0x7f: {  	_ =	shalt  }
0x80: {  	_ =	shalt  }
0x81: {  	_ =	shalt  }
0x82: {  	_ =	shalt  }
0x83: {  	_ =	shalt  }
0x84: {  	_ =	shalt  }
0x85: {  	_ =	shalt  }
0x86: {  	_ =	shalt  }
0x87: {  	_ =	shalt  }
.Lfunc_end0:
.L_simem_size_0:
called_computation.1_lowered:
.L_overlay_start_0:
0x88: {  	s2 =	sld [smem:$0x3FD9]  }
0x89: {  	s3 =	sld [smem:$0x3FFE];
	_ =	sdelay $0x1  }
0x8a: {  	s1 =	srdreg.scid  }
0x8b: {  	s0 =	sand.u32 $0x1, s1  }
0x8c: {  	s17 =	sshll.u32 s0, $0xA;
	s2 =	sadd.s32 s3, s2  }
0x8d: {  	s2 =	sadd.s32 s2, s17  }
0x8e: {  	[smem:$0x3FC5] =	sst s2  }
0x8f: {  	_ = 	snop  }
0x90: {  	s2 =	sld [smem:$0x3FD0];
	(tm) =	ssettm $0x1  }
0x91: {  	s18 =	sld [smem:$0x3FFB];
	_ =	sdelay $0x3  }
0x92: {  	_ =	strace s18  }
0x93: {  	s3 =	sld [smem:$0x3FFC];
	_ =	sdelay $0x3  }
0x94: {  	_ =	strace s3  }
0x95: {  	s3 =	sld [smem:$0x3FFD];
	_ =	sdelay $0x3  }
0x96: {  	_ =	strace s3  }
0x97: {  	_ =	strace $0x8FFFFFFF  }
0x98: {  	s19 =	sld [smem:$0x3FDB];
	_ =	sdelay $0x1  }
0x99: {  	s4 =	simm.s32 $_scs_section_size  }
0x9a: {  	s5 =	simm.s32 $_size__tile_overlayer_lowered;
	s6 =	simm.s32 $_tile_overlayer_lowered  }
0x9b: {  	s22 =	simm.s32 $0x1BFF;
	s21 =	sshll.u32 s6, $0x1;
	s3 =	sadd.s32 s4, s19  }
0x9c: {  	s7 =	simm.s32 $0x0;
	s20 =	sshll.u32 s5, $0x1;
	s5 =	sadd.s32 s21, s3  }
0x9d: {  	[timem:s7], [sflag:s22] =	dma.local [hbm:s5], s20  }
0x9e: {  	_ =	swait.ge [sflag:s22], s20  }
0x9f: {  	s4 =	ssub.s32 $0x0, s20;
	[sflag:s22] =	ssyncset.done $0x0  }
0xa0: {  	[sflag:s22] =	ssyncadd.s32 s4;
	_ =	sdelay $0x1  }
0xa1: {  	s23 =	simm.s32 $0x1B8B  }
0xa2: {  	_ =	swait.ge [sflag:s23], $0x1  }
0xa3: {  	[sflag:s23] =	ssyncset.done $0x0  }
0xa4: {  	s25 =	simm.s32 $0x1B8E;
	s24 =	sld [smem:$0x3FFE];
	[sflag:s23] =	ssyncadd.s32 $0xFFFFFFFF  }
0xa5: {  	s26 =	simm.s32 $execute0_lowered;
	[smem:$0x3FD2] =	sst s25  }
0xa6: {  	s5 =	sshll.u32 s26, $0x1;
	_ =	strace $0x80000046;
	[dreg:$0x1] =	wrdreg $0xFFFFFFFF  }
0xa7: {  	s28 =	simm.s32 $_size_execute0_lowered;
	s3 =	sadd.s32 s3, s5;
	[dreg:$0x0] =	wrdreg $0x0  }
0xa8: {  	s5 =	sshll.u32 s28, $0x1;
	[dreg:$0x2] =	wrdreg s3  }
0xa9: {  	[dreg:$0x3] =	wrdreg s5  }
0xaa: {  	[dreg:$0x4] =	wrdreg $0xC0  }
0xab: {  	_ =	task [dreg:s7], $0x5FFFF  }
0xac: {  	[dreg:$0x1] =	wrdreg $0xFFFFFFFF  }
0xad: {  	[dreg:$0x0] =	wrdreg $0x60  }
0xae: {  	[dreg:$0x2] =	wrdreg s24  }
0xaf: {  	[dreg:$0x3] =	wrdreg s2  }
0xb0: {  	[dreg:$0x4] =	wrdreg $0x9  }
0xb1: {  	_ =	task.clear_ibuf [dreg:s7], $0x5FFFF;
	_ =	strace $0x90000046  }
0xb2: {  	s29 =	simm.s32 $0x9;
	_ =	strace $0x80000048  }
0xb3: {  	_ =	swait.ge [sflag:s29], $0x1  }
0xb4: {  	[sflag:s29] =	ssyncadd.s32 $0xFFFFFFFF  }
0xb5: {  	_ =	strace $0x90000048  }
0xb6: {  	_ =	sfence  }
0xb7: {  	s30 =	sld [smem:$0x0];
	_ =	sdelay $0x2  }
0xb8: {  	s31 =	sshll.u32 s1, $0xD;
	s1 =	sshrl.u32 s1, $0x2  }
0xb9: {  	s3 =	sand.u32 $0x4000, s31;
	s1 =	sadd.s32 s1, s30  }
0xba: {  	s0 =	sor.u32 s3, s0;
	s1 =	sshll.u32 s1, $0x11  }
0xbb: {  	s0 =	sor.u32 s1, s0  }
0xbc: {  	s0 =	sadd.s32 $0x8F2B, s0  }
0xbd: {  	[sflag:s0] =	ssyncadd.remote.s32 $0x1  }
0xbe: {  	_ =	sfence.sel $0xFFFF  }
0xbf: {  	[dreg:$0x0] =	wrdreg $0xFFFFFFFF;
	(pc) =	sbr.abs _section_cstart, $3  }
0xc0: {  	[dreg:$0x1] =	wrdreg $0xFFFFFFFF  }
0xc1: {  	_ =	task.clear_ibuf [dreg:s7], $0x2FFFF;
	_ =	strace $0x9FFFFFFF  }
0xc2: {  	(tm) =	ssettm $0x7FFFFFFF  }
0xc3: {  	_ =	shalt  }
tec
execute0_lowered:
.L_overlay_start_1:
0x0: {  	(tag) =	ssettag $0x1  }
0x1: {  	s0 =	srdreg.scid  }
0x2: {  	s2 =	stileid.u32;
	s1 =	rddreg [dreg:$0x0]  }
0x3: {  	s14 =	simm.s32 $0x7;
	s17 =	simm.s32 $0x190;
	s18 =	simm.s32 $0x6400  }
0x4: {  	s19 =	simm.s32 $0xC800;
	s20 =	simm.s32 $0x1;
	s22 =	simm.s32 $0x12C00  }
0x5: {  	s23 =	simm.s32 $0x2;
	s24 =	simm.s32 $0x4;
	s25 =	simm.s32 $0x3  }
0x6: {  	s26 =	simm.s32 $0x5;
	s0 =	sand.u32 $0x1, s0;
	s3 =	sshll.u32 s2, $0x1  }
0x7: {  	s28 =	simm.s32 $0x6;
	s29 =	simm.s32 $0x6270;
	s6 =	sor.u32 s0, s3  }
0x8: {  	s30 =	simm.s32 $0x0;
	s2 =	rddreg [dreg:$0x1];
	s4 =	smul.u32 $0x6400, s6  }
0x9: {  	s3 =	simm.s32 $0x0;
	s0 =	ssub.s32 $0x2, s0;
	s8 =	smul.u32 $0x190000, s6  }
0xa: {  	[smem:$0x7FF] =	sst s3;
	s9 =	sshrl.u32 s0, $0x1;
	s10 =	smul.u32 $0x32000, s6  }
0xb: {  	s6 =	sadd.s32 $0x19C00, s1;
	_ =	strace $0x80000047;
	s0 =	ssub.s32 s0, s9  }
0xc: {  	s5 =	sshrl.u32 s4, $0x3;
	s31 =	sshrl.u32 s8, $0x3;
	s8 =	sadd.s32 s2, s10  }
0xd: {  	s10 =	sor.u32 $0x320, s4;
	s13 =	smax.u32 s0, $0x1;
	s7 =	sadd.s32 s5, s1  }
0xe: {  	s5 =	sadd.s32 $0xF43000, s1;
	s1 =	sadd.s32 s2, s31;
	s9 =	sadd.s32 $0xC80, s8  }
0xf: {  	s7 =	sadd.s32 $0xC00, s7;
	s11 =	sadd.s32 $0x30700, s1;
	s12 =	sadd.s32 $0x31380, s1  }
.LBB2_1:
0x10: {  	[tilespmem:s3], [sflag:$0x7] =	stream.linear.gather [hbm4b:s7+s3], $0x6400, $0x38;
	[tilespmem:$0x1F400] =	vst v63  }
0x11: {  	_ =	swait.ge [sflag:s14], $0x6400  }
0x12: {  	[sflag:s14] =	ssyncset.done $0x0  }
0x13: {  	s0 =	simm.s32 $0x19000;
	[sflag:s14] =	ssyncadd.s32 $0xFFFF9C00  }
0x14: {  	[tilespmem:s0], [sflag:$0x7] =	stream.linear.gather [hbm4b:s6+s3], $0x3200, $0x38;
	[tilespmem:$0x1F400] =	vst v63  }
0x15: {  	_ =	swait.ge [sflag:s14], $0x3200  }
0x16: {  	[sflag:s14] =	ssyncset.done $0x0  }
0x17: {  	s31 =	simm.s32 $0x1C200;
	[sflag:s14] =	ssyncadd.s32 $0xFFFFCE00  }
0x18: {  	[tilespmem:s31], [sflag:$0x7] =	stream.linear.gather [hbm4b:s6+s3], $0x3200, $0x38;
	[tilespmem:$0x1F400] =	vst v63  }
0x19: {  	_ =	swait.ge [sflag:s14], $0x3200  }
0x1a: {  	[sflag:s14] =	ssyncset.done $0x0  }
0x1b: {  	[sflag:s14] =	ssyncadd.s32 $0xFFFFCE00  }
0x1c: {  	[tilespmem:s18], [sflag:$0x1] =	stream.indirect.gather [hbm4b:s5+s17], $0x40, s3, s17, $0xb8;
	[tilespmem:$0x1F400] =	vst v63  }
0x1d: {  	_ = 	snop  }
0x1e: {  	[tilespmem:s19], [sflag:$0x2] =	stream.indirect.gather [hbm4b:s5+s17], $0x40, s17, s17, $0xb8;
	[tilespmem:$0x1F400] =	vst v63  }
0x1f: {  	_ =	swait.ge [sflag:s20], $0x6400  }
0x20: {  	[sflag:s20] =	ssyncset.done $0x0  }
0x21: {  	s0 =	simm.s32 $0x0;
	[sflag:s20] =	ssyncadd.s32 $0xFFFF9C00  }
0x22: {  	v6 =	vld [tilespmem:s0+$0x19000]  }
0x23: {  	v7 =	vld [tilespmem:s0+$0x19010]  }
0x24: {  	v8 =	vld [tilespmem:s0+$0x19020]  }
0x25: {  	v9 =	vld [tilespmem:s0+$0x19030]  }
0x26: {  	v10 =	vld [tilespmem:s0+$0x19040]  }
0x27: {  	v11 =	vld [tilespmem:s0+$0x19050]  }
0x28: {  	v12 =	vld [tilespmem:s0+$0x19060]  }
0x29: {  	v14 =	vld [tilespmem:s0+$0x19070]  }
0x2a: {  	v5 =	vld [tilespmem:s0+$0x19080]  }
0x2b: {  	v4 =	vld [tilespmem:s0+$0x19090]  }
0x2c: {  	v3 =	vld [tilespmem:s0+$0x190A0]  }
0x2d: {  	v2 =	vld [tilespmem:s0+$0x190B0]  }
0x2e: {  	v1 =	vld [tilespmem:s0+$0x190C0]  }
0x2f: {  	v15 =	vld [tilespmem:s0+$0x6410]  }
0x30: {  	v13 =	vld [tilespmem:s0+$0x6400]  }
0x31: {  	v16 =	vld [tilespmem:s0+$0x6420]  }
0x32: {  	v0 =	vld [tilespmem:s0+$0x190D0]  }
0x33: {  	v18 =	vld [tilespmem:s0+$0x6440]  }
0x34: {  	v17 =	vld [tilespmem:s0+$0x6430];
	v15 =	vmul.f32 $8.000000000e+00, v15  }
0x35: {  	v19 =	vld [tilespmem:s0+$0x6450];
	v13 =	vmul.f32 $8.000000000e+00, v13  }
0x36: {  	v20 =	vld [tilespmem:s0+$0x6460];
	v7 =	vadd.f32 v7, v15;
	v15 =	vmul.f32 $8.000000000e+00, v16  }
0x37: {  	v6 =	vadd.f32 v6, v13;
	v13 =	vld [tilespmem:s0+$0x6470]  }
0x38: {  	v21 =	vld [tilespmem:s0+$0x6480];
	v8 =	vadd.f32 v8, v15;
	v15 =	vmul.f32 $8.000000000e+00, v18  }
0x39: {  	v62 =	vld [tilespmem:s0+$0x6490];
	v17 =	vmul.f32 $8.000000000e+00, v17;
	[tilespmem:s0+$0x6400] =	vst v6  }
0x3a: {  	v63 =	vmul.f32 $8.000000000e+00, v19;
	[tilespmem:s0+$0x6410] =	vst v7;
	v6 =	vld [tilespmem:s0+$0x64A0];
	v10 =	vadd.f32 v10, v15  }
0x3b: {  	v9 =	vadd.f32 v9, v17;
	v7 =	vld [tilespmem:s0+$0x64B0];
	[tilespmem:s0+$0x6420] =	vst v8;
	v15 =	vmul.f32 $8.000000000e+00, v20  }
0x3c: {  	v11 =	vadd.f32 v11, v63;
	v8 =	vld [tilespmem:s0+$0x64C0];
	[tilespmem:s0+$0x6440] =	vst v10;
	v10 =	vmul.f32 $8.000000000e+00, v13  }
0x3d: {  	[tilespmem:s0+$0x6430] =	vst v9;
	v9 =	vld [tilespmem:s0+$0x64D0];
	v12 =	vadd.f32 v12, v15;
	v13 =	vmul.f32 $8.000000000e+00, v21  }
0x3e: {  	s1 =	simm.s32 $0x400;
	[tilespmem:s0+$0x6450] =	vst v11;
	v11 =	vmul.f32 $8.000000000e+00, v62;
	v14 =	vadd.f32 v14, v10;
	v10 =	vld [tilespmem:s0+$0x64E0]  }
.LBB2_2:
0x3f: {  	p0 =	sne.s32 s1, $0x18C00;
	[tilespmem:s0+$0x6460] =	vst v12;
	v5 =	vadd.f32 v5, v13;
	v6 =	vmul.f32 $8.000000000e+00, v6;
	v12 =	vld [tilespmem:s0+$0x64F0]  }
0x40: {  	[tilespmem:s0+$0x6470] =	vst v14;
	v4 =	vadd.f32 v4, v11;
	v7 =	vmul.f32 $8.000000000e+00, v7;
	v11 =	vld [tilespmem:s0+$0x190E0]  }
0x41: {  	s15 =	sshra.s32 s1, $0x2;
	[tilespmem:s0+$0x6480] =	vst v5;
	v3 =	vadd.f32 v3, v6;
	v5 =	vmul.f32 $8.000000000e+00, v8;
	v6 =	vld [tilespmem:s0+$0x190F0]  }
0x42: {  	v8 =	vld [tilespmem:s15+$0x19000];
	[tilespmem:s0+$0x6490] =	vst v4;
	v2 =	vadd.f32 v2, v7;
	v4 =	vmul.f32 $8.000000000e+00, v9  }
0x43: {  	v7 =	vld [tilespmem:s15+$0x19010];
	[tilespmem:s0+$0x64A0] =	vst v3;
	v1 =	vadd.f32 v1, v5;
	v3 =	vmul.f32 $8.000000000e+00, v10  }
0x44: {  	v9 =	vld [tilespmem:s15+$0x19020];
	[tilespmem:s0+$0x64B0] =	vst v2;
	v0 =	vadd.f32 v0, v4;
	v2 =	vmul.f32 $8.000000000e+00, v12  }
0x45: {  	v10 =	vld [tilespmem:s15+$0x19030];
	[tilespmem:s0+$0x64C0] =	vst v1;
	v1 =	vadd.f32 v11, v3  }
0x46: {  	v11 =	vld [tilespmem:s15+$0x19040];
	[tilespmem:s0+$0x64D0] =	vst v0;
	v0 =	vadd.f32 v6, v2  }
0x47: {  	v12 =	vld [tilespmem:s15+$0x19050];
	[tilespmem:s0+$0x64E0] =	vst v1  }
0x48: {  	v13 =	vld [tilespmem:s15+$0x19060];
	[tilespmem:s0+$0x64F0] =	vst v0;
	s0 =	smov.u32 s15  }
0x49: {  	v14 =	vld [tilespmem:s0+$0x19070]  }
0x4a: {  	v5 =	vld [tilespmem:s0+$0x19080]  }
0x4b: {  	v4 =	vld [tilespmem:s0+$0x19090]  }
0x4c: {  	v3 =	vld [tilespmem:s0+$0x190A0]  }
0x4d: {  	v2 =	vld [tilespmem:s0+$0x190B0]  }
0x4e: {  	v1 =	vld [tilespmem:s0+$0x190C0]  }
0x4f: {  	v0 =	vld [tilespmem:s0+$0x190D0]  }
0x50: {  	v6 =	vld [tilespmem:s0+$0x6400]  }
0x51: {  	v15 =	vld [tilespmem:s0+$0x6410]  }
0x52: {  	v16 =	vld [tilespmem:s0+$0x6420]  }
0x53: {  	v17 =	vld [tilespmem:s0+$0x6430]  }
0x54: {  	v18 =	vld [tilespmem:s0+$0x6440]  }
0x55: {  	v6 =	vmul.f32 $8.000000000e+00, v6;
	v19 =	vld [tilespmem:s0+$0x6450]  }
0x56: {  	v15 =	vmul.f32 $8.000000000e+00, v15;
	v20 =	vld [tilespmem:s0+$0x6460]  }
0x57: {  	v6 =	vadd.f32 v8, v6;
	v8 =	vmul.f32 $8.000000000e+00, v16;
	v16 =	vld [tilespmem:s0+$0x6470]  }
0x58: {  	v7 =	vadd.f32 v7, v15;
	v15 =	vmul.f32 $8.000000000e+00, v17;
	v17 =	vld [tilespmem:s0+$0x6480]  }
0x59: {  	[tilespmem:s0+$0x6400] =	vst v6;
	v8 =	vadd.f32 v9, v8;
	v9 =	vmul.f32 $8.000000000e+00, v18;
	v18 =	vld [tilespmem:s0+$0x6490]  }
.Ltmp0:
0x5a: {  	[tilespmem:s0+$0x6410] =	vst v7;
	v10 =	vadd.f32 v10, v15;
	v15 =	vmul.f32 $8.000000000e+00, v19;
	v6 =	vld [tilespmem:s0+$0x64A0];
	(pc) =	sbr.rel @p0 .LBB2_2-.Ltmp0, $4  }
0x5b: {  	[tilespmem:s0+$0x6420] =	vst v8;
	v9 =	vadd.f32 v11, v9;
	v11 =	vmul.f32 $8.000000000e+00, v20;
	v7 =	vld [tilespmem:s0+$0x64B0]  }
0x5c: {  	[tilespmem:s0+$0x6430] =	vst v10;
	v10 =	vadd.f32 v12, v15;
	v15 =	vmul.f32 $8.000000000e+00, v16;
	v8 =	vld [tilespmem:s0+$0x64C0]  }
0x5d: {  	[tilespmem:s0+$0x6440] =	vst v9;
	v12 =	vadd.f32 v13, v11;
	v13 =	vmul.f32 $8.000000000e+00, v17;
	v9 =	vld [tilespmem:s0+$0x64D0]  }
0x5e: {  	s1 =	sadd.s32 $0x400, s1;
	[tilespmem:s0+$0x6450] =	vst v10;
	v14 =	vadd.f32 v14, v15;
	v11 =	vmul.f32 $8.000000000e+00, v18;
	v10 =	vld [tilespmem:s0+$0x64E0]  }
0x5f: {  	[tilespmem:s0+$0x6460] =	vst v12;
	v12 =	vld [tilespmem:s0+$0x64F0];
	v5 =	vadd.f32 v5, v13;
	v6 =	vmul.f32 $8.000000000e+00, v6  }
0x60: {  	v13 =	vld [tilespmem:s0+$0x190E0];
	[tilespmem:s0+$0x6470] =	vst v14;
	v4 =	vadd.f32 v4, v11;
	v7 =	vmul.f32 $8.000000000e+00, v7  }
0x61: {  	[tilespmem:s0+$0x6480] =	vst v5;
	v3 =	vadd.f32 v3, v6;
	v5 =	vmul.f32 $8.000000000e+00, v8;
	v6 =	vld [tilespmem:s0+$0x190F0]  }
0x62: {  	[tilespmem:s0+$0x6490] =	vst v4;
	v2 =	vadd.f32 v2, v7;
	v4 =	vmul.f32 $8.000000000e+00, v9  }
0x63: {  	[tilespmem:s0+$0x64A0] =	vst v3;
	v1 =	vadd.f32 v1, v5;
	v3 =	vmul.f32 $8.000000000e+00, v10  }
0x64: {  	[tilespmem:s0+$0x64B0] =	vst v2;
	v0 =	vadd.f32 v0, v4;
	v2 =	vmul.f32 $8.000000000e+00, v12  }
0x65: {  	[tilespmem:s0+$0x64C0] =	vst v1;
	v1 =	vadd.f32 v13, v3  }
0x66: {  	[tilespmem:s0+$0x64D0] =	vst v0;
	v0 =	vadd.f32 v6, v2  }
0x67: {  	[tilespmem:s0+$0x64E0] =	vst v1  }
0x68: {  	s21 =	simm.s32 $0x0;
	[tilespmem:s0+$0x64F0] =	vst v0  }
0x69: {  	[hbm4b:s8+s21] =	stream.linear.scatter [tilespmem:s18], [sflag:$0x4], $0x6400, $0x38;
	[tilespmem:$0x1F400] =	vst v63  }
0x6a: {  	s31 =	simm.s32 $0x320  }
0x6b: {  	[tilespmem:s22], [sflag:$0x3] =	stream.indirect.gather [hbm4b:s5+s17], $0x40, s31, s17, $0xb8;
	[tilespmem:$0x1F400] =	vst v63  }
0x6c: {  	_ =	swait.ge [sflag:s23], $0x6400  }
0x6d: {  	[sflag:s23] =	ssyncset.done $0x0  }
0x6e: {  	s0 =	simm.s32 $0x0;
	[sflag:s23] =	ssyncadd.s32 $0xFFFF9C00  }
0x6f: {  	v6 =	vld [tilespmem:s0+$0x19000]  }
0x70: {  	v7 =	vld [tilespmem:s0+$0x19010]  }
0x71: {  	v8 =	vld [tilespmem:s0+$0x19020]  }
0x72: {  	v9 =	vld [tilespmem:s0+$0x19030]  }
0x73: {  	v10 =	vld [tilespmem:s0+$0x19040]  }
0x74: {  	v11 =	vld [tilespmem:s0+$0x19050]  }
0x75: {  	v12 =	vld [tilespmem:s0+$0x19060]  }
0x76: {  	v14 =	vld [tilespmem:s0+$0x19070]  }
0x77: {  	v5 =	vld [tilespmem:s0+$0x19080]  }
0x78: {  	v4 =	vld [tilespmem:s0+$0x19090]  }
0x79: {  	v3 =	vld [tilespmem:s0+$0x190A0]  }
0x7a: {  	v2 =	vld [tilespmem:s0+$0x190B0]  }
0x7b: {  	v1 =	vld [tilespmem:s0+$0x190C0]  }
0x7c: {  	v15 =	vld [tilespmem:s0+$0xC810]  }
0x7d: {  	v13 =	vld [tilespmem:s0+$0xC800]  }
0x7e: {  	v16 =	vld [tilespmem:s0+$0xC820]  }
0x7f: {  	v0 =	vld [tilespmem:s0+$0x190D0]  }
0x80: {  	v18 =	vld [tilespmem:s0+$0xC840]  }
0x81: {  	v17 =	vld [tilespmem:s0+$0xC830];
	v15 =	vmul.f32 $8.000000000e+00, v15  }
0x82: {  	v19 =	vld [tilespmem:s0+$0xC850];
	v13 =	vmul.f32 $8.000000000e+00, v13  }
0x83: {  	v20 =	vld [tilespmem:s0+$0xC860];
	v7 =	vadd.f32 v7, v15;
	v15 =	vmul.f32 $8.000000000e+00, v16  }
0x84: {  	v6 =	vadd.f32 v6, v13;
	v13 =	vld [tilespmem:s0+$0xC870]  }
0x85: {  	v21 =	vld [tilespmem:s0+$0xC880];
	v8 =	vadd.f32 v8, v15;
	v15 =	vmul.f32 $8.000000000e+00, v18  }
0x86: {  	v62 =	vld [tilespmem:s0+$0xC890];
	v17 =	vmul.f32 $8.000000000e+00, v17;
	[tilespmem:s0+$0xC800] =	vst v6  }
0x87: {  	v63 =	vmul.f32 $8.000000000e+00, v19;
	[tilespmem:s0+$0xC810] =	vst v7;
	v6 =	vld [tilespmem:s0+$0xC8A0];
	v10 =	vadd.f32 v10, v15  }
0x88: {  	v9 =	vadd.f32 v9, v17;
	v7 =	vld [tilespmem:s0+$0xC8B0];
	[tilespmem:s0+$0xC820] =	vst v8;
	v15 =	vmul.f32 $8.000000000e+00, v20  }
0x89: {  	v11 =	vadd.f32 v11, v63;
	v8 =	vld [tilespmem:s0+$0xC8C0];
	[tilespmem:s0+$0xC840] =	vst v10;
	v10 =	vmul.f32 $8.000000000e+00, v13  }
0x8a: {  	[tilespmem:s0+$0xC830] =	vst v9;
	v9 =	vld [tilespmem:s0+$0xC8D0];
	v12 =	vadd.f32 v12, v15;
	v13 =	vmul.f32 $8.000000000e+00, v21  }
0x8b: {  	s1 =	simm.s32 $0x400;
	[tilespmem:s0+$0xC850] =	vst v11;
	v11 =	vmul.f32 $8.000000000e+00, v62;
	v14 =	vadd.f32 v14, v10;
	v10 =	vld [tilespmem:s0+$0xC8E0]  }
.LBB2_4:
0x8c: {  	p0 =	sne.s32 s1, $0x18C00;
	[tilespmem:s0+$0xC860] =	vst v12;
	v5 =	vadd.f32 v5, v13;
	v6 =	vmul.f32 $8.000000000e+00, v6;
	v12 =	vld [tilespmem:s0+$0xC8F0]  }
0x8d: {  	[tilespmem:s0+$0xC870] =	vst v14;
	v4 =	vadd.f32 v4, v11;
	v7 =	vmul.f32 $8.000000000e+00, v7;
	v11 =	vld [tilespmem:s0+$0x190E0]  }
0x8e: {  	s15 =	sshra.s32 s1, $0x2;
	[tilespmem:s0+$0xC880] =	vst v5;
	v3 =	vadd.f32 v3, v6;
	v5 =	vmul.f32 $8.000000000e+00, v8;
	v6 =	vld [tilespmem:s0+$0x190F0]  }
0x8f: {  	v8 =	vld [tilespmem:s15+$0x19000];
	[tilespmem:s0+$0xC890] =	vst v4;
	v2 =	vadd.f32 v2, v7;
	v4 =	vmul.f32 $8.000000000e+00, v9  }
0x90: {  	v7 =	vld [tilespmem:s15+$0x19010];
	[tilespmem:s0+$0xC8A0] =	vst v3;
	v1 =	vadd.f32 v1, v5;
	v3 =	vmul.f32 $8.000000000e+00, v10  }
0x91: {  	v9 =	vld [tilespmem:s15+$0x19020];
	[tilespmem:s0+$0xC8B0] =	vst v2;
	v0 =	vadd.f32 v0, v4;
	v2 =	vmul.f32 $8.000000000e+00, v12  }
0x92: {  	v10 =	vld [tilespmem:s15+$0x19030];
	[tilespmem:s0+$0xC8C0] =	vst v1;
	v1 =	vadd.f32 v11, v3  }
0x93: {  	v11 =	vld [tilespmem:s15+$0x19040];
	[tilespmem:s0+$0xC8D0] =	vst v0;
	v0 =	vadd.f32 v6, v2  }
0x94: {  	v12 =	vld [tilespmem:s15+$0x19050];
	[tilespmem:s0+$0xC8E0] =	vst v1  }
0x95: {  	v13 =	vld [tilespmem:s15+$0x19060];
	[tilespmem:s0+$0xC8F0] =	vst v0;
	s0 =	smov.u32 s15  }
0x96: {  	v14 =	vld [tilespmem:s0+$0x19070]  }
0x97: {  	v5 =	vld [tilespmem:s0+$0x19080]  }
0x98: {  	v4 =	vld [tilespmem:s0+$0x19090]  }
0x99: {  	v3 =	vld [tilespmem:s0+$0x190A0]  }
0x9a: {  	v2 =	vld [tilespmem:s0+$0x190B0]  }
0x9b: {  	v1 =	vld [tilespmem:s0+$0x190C0]  }
0x9c: {  	v0 =	vld [tilespmem:s0+$0x190D0]  }
0x9d: {  	v6 =	vld [tilespmem:s0+$0xC800]  }
0x9e: {  	v15 =	vld [tilespmem:s0+$0xC810]  }
0x9f: {  	v16 =	vld [tilespmem:s0+$0xC820]  }
0xa0: {  	v17 =	vld [tilespmem:s0+$0xC830]  }
0xa1: {  	v18 =	vld [tilespmem:s0+$0xC840]  }
0xa2: {  	v6 =	vmul.f32 $8.000000000e+00, v6;
	v19 =	vld [tilespmem:s0+$0xC850]  }
0xa3: {  	v15 =	vmul.f32 $8.000000000e+00, v15;
	v20 =	vld [tilespmem:s0+$0xC860]  }
0xa4: {  	v6 =	vadd.f32 v8, v6;
	v8 =	vmul.f32 $8.000000000e+00, v16;
	v16 =	vld [tilespmem:s0+$0xC870]  }
0xa5: {  	v7 =	vadd.f32 v7, v15;
	v15 =	vmul.f32 $8.000000000e+00, v17;
	v17 =	vld [tilespmem:s0+$0xC880]  }
0xa6: {  	[tilespmem:s0+$0xC800] =	vst v6;
	v8 =	vadd.f32 v9, v8;
	v9 =	vmul.f32 $8.000000000e+00, v18;
	v18 =	vld [tilespmem:s0+$0xC890]  }
.Ltmp1:
0xa7: {  	[tilespmem:s0+$0xC810] =	vst v7;
	v10 =	vadd.f32 v10, v15;
	v15 =	vmul.f32 $8.000000000e+00, v19;
	v6 =	vld [tilespmem:s0+$0xC8A0];
	(pc) =	sbr.rel @p0 .LBB2_4-.Ltmp1, $4  }
0xa8: {  	[tilespmem:s0+$0xC820] =	vst v8;
	v9 =	vadd.f32 v11, v9;
	v11 =	vmul.f32 $8.000000000e+00, v20;
	v7 =	vld [tilespmem:s0+$0xC8B0]  }
0xa9: {  	[tilespmem:s0+$0xC830] =	vst v10;
	v10 =	vadd.f32 v12, v15;
	v15 =	vmul.f32 $8.000000000e+00, v16;
	v8 =	vld [tilespmem:s0+$0xC8C0]  }
0xaa: {  	[tilespmem:s0+$0xC840] =	vst v9;
	v12 =	vadd.f32 v13, v11;
	v13 =	vmul.f32 $8.000000000e+00, v17;
	v9 =	vld [tilespmem:s0+$0xC8D0]  }
0xab: {  	s1 =	sadd.s32 $0x400, s1;
	[tilespmem:s0+$0xC850] =	vst v10;
	v14 =	vadd.f32 v14, v15;
	v11 =	vmul.f32 $8.000000000e+00, v18;
	v10 =	vld [tilespmem:s0+$0xC8E0]  }
0xac: {  	[tilespmem:s0+$0xC860] =	vst v12;
	v55 =	vld [tilespmem:s0+$0xC8F0];
	v5 =	vadd.f32 v5, v13;
	v6 =	vmul.f32 $8.000000000e+00, v6  }
0xad: {  	v56 =	vld [tilespmem:s0+$0x190E0];
	[tilespmem:s0+$0xC870] =	vst v14;
	v4 =	vadd.f32 v4, v11;
	v7 =	vmul.f32 $8.000000000e+00, v7  }
0xae: {  	v58 =	vld [tilespmem:s0+$0x190F0];
	[tilespmem:s0+$0xC880] =	vst v5;
	v3 =	vadd.f32 v3, v6;
	v57 =	vmul.f32 $8.000000000e+00, v8  }
0xaf: {  	[tilespmem:s0+$0xC890] =	vst v4;
	v2 =	vadd.f32 v2, v7;
	v59 =	vmul.f32 $8.000000000e+00, v9  }
0xb0: {  	[tilespmem:s0+$0xC8A0] =	vst v3;
	v1 =	vadd.f32 v1, v57;
	v60 =	vmul.f32 $8.000000000e+00, v10  }
0xb1: {  	[tilespmem:s0+$0xC8B0] =	vst v2;
	v0 =	vadd.f32 v0, v59;
	v61 =	vmul.f32 $8.000000000e+00, v55  }
0xb2: {  	[tilespmem:s0+$0xC8C0] =	vst v1;
	v62 =	vadd.f32 v56, v60  }
0xb3: {  	[tilespmem:s0+$0xC8D0] =	vst v0;
	v63 =	vadd.f32 v58, v61  }
0xb4: {  	[tilespmem:s0+$0xC8E0] =	vst v62  }
0xb5: {  	s31 =	simm.s32 $0x0;
	[tilespmem:s0+$0xC8F0] =	vst v63  }
0xb6: {  	[hbm4b:s9+s31] =	stream.linear.scatter [tilespmem:s19], [sflag:$0x5], $0x6400, $0x38;
	[tilespmem:$0x1F400] =	vst v63  }
.LBB2_6:
0xb7: {  	_ =	swait.ge [sflag:s24], $0x6400;
	s1 =	smul.u32 $0x4B0, s31  }
0xb8: {  	[sflag:s24] =	ssyncset.done $0x0  }
0xb9: {  	[sflag:s24] =	ssyncadd.s32 $0xFFFF9C00;
	s0 =	sadd.s32 $0x4B0, s1  }
0xba: {  	[tilespmem:s18], [sflag:$0x1] =	stream.indirect.gather [hbm4b:s5+s17], $0x40, s0, s17, $0xb8;
	[tilespmem:$0x1F400] =	vst v63  }
0xbb: {  	_ =	swait.ge [sflag:s25], $0x6400  }
0xbc: {  	[sflag:s25] =	ssyncset.done $0x0  }
0xbd: {  	s15 =	simm.s32 $0x0;
	[sflag:s25] =	ssyncadd.s32 $0xFFFF9C00  }
0xbe: {  	v6 =	vld [tilespmem:s15+$0x19000]  }
0xbf: {  	v7 =	vld [tilespmem:s15+$0x19010]  }
0xc0: {  	v8 =	vld [tilespmem:s15+$0x19020]  }
0xc1: {  	v9 =	vld [tilespmem:s15+$0x19030]  }
0xc2: {  	v10 =	vld [tilespmem:s15+$0x19040]  }
0xc3: {  	v11 =	vld [tilespmem:s15+$0x19050]  }
0xc4: {  	v12 =	vld [tilespmem:s15+$0x19060]  }
0xc5: {  	v14 =	vld [tilespmem:s15+$0x19070]  }
0xc6: {  	v5 =	vld [tilespmem:s15+$0x19080]  }
0xc7: {  	v4 =	vld [tilespmem:s15+$0x19090]  }
0xc8: {  	v3 =	vld [tilespmem:s15+$0x190A0]  }
0xc9: {  	v2 =	vld [tilespmem:s15+$0x190B0]  }
0xca: {  	v1 =	vld [tilespmem:s15+$0x190C0]  }
0xcb: {  	v15 =	vld [tilespmem:s15+$0x12C10]  }
0xcc: {  	v13 =	vld [tilespmem:s15+$0x12C00]  }
0xcd: {  	v16 =	vld [tilespmem:s15+$0x12C20]  }
0xce: {  	v0 =	vld [tilespmem:s15+$0x190D0]  }
0xcf: {  	v18 =	vld [tilespmem:s15+$0x12C40]  }
0xd0: {  	v17 =	vld [tilespmem:s15+$0x12C30];
	v15 =	vmul.f32 $8.000000000e+00, v15  }
0xd1: {  	v19 =	vld [tilespmem:s15+$0x12C50];
	v13 =	vmul.f32 $8.000000000e+00, v13  }
0xd2: {  	v20 =	vld [tilespmem:s15+$0x12C60];
	v7 =	vadd.f32 v7, v15;
	v15 =	vmul.f32 $8.000000000e+00, v16  }
0xd3: {  	v6 =	vadd.f32 v6, v13;
	v13 =	vld [tilespmem:s15+$0x12C70]  }
0xd4: {  	v21 =	vld [tilespmem:s15+$0x12C80];
	v8 =	vadd.f32 v8, v15;
	v15 =	vmul.f32 $8.000000000e+00, v18  }
0xd5: {  	v62 =	vld [tilespmem:s15+$0x12C90];
	v17 =	vmul.f32 $8.000000000e+00, v17;
	[tilespmem:s15+$0x12C00] =	vst v6  }
0xd6: {  	v63 =	vmul.f32 $8.000000000e+00, v19;
	[tilespmem:s15+$0x12C10] =	vst v7;
	v6 =	vld [tilespmem:s15+$0x12CA0];
	v10 =	vadd.f32 v10, v15  }
0xd7: {  	v9 =	vadd.f32 v9, v17;
	v7 =	vld [tilespmem:s15+$0x12CB0];
	[tilespmem:s15+$0x12C20] =	vst v8;
	v15 =	vmul.f32 $8.000000000e+00, v20  }
0xd8: {  	v11 =	vadd.f32 v11, v63;
	v8 =	vld [tilespmem:s15+$0x12CC0];
	[tilespmem:s15+$0x12C40] =	vst v10;
	v10 =	vmul.f32 $8.000000000e+00, v13  }
0xd9: {  	[tilespmem:s15+$0x12C30] =	vst v9;
	v9 =	vld [tilespmem:s15+$0x12CD0];
	v12 =	vadd.f32 v12, v15;
	v13 =	vmul.f32 $8.000000000e+00, v21  }
0xda: {  	s16 =	simm.s32 $0x400;
	[tilespmem:s15+$0x12C50] =	vst v11;
	v11 =	vmul.f32 $8.000000000e+00, v62;
	v14 =	vadd.f32 v14, v10;
	v10 =	vld [tilespmem:s15+$0x12CE0]  }
.LBB2_7:
0xdb: {  	p0 =	sne.s32 s16, $0x18C00;
	[tilespmem:s15+$0x12C60] =	vst v12;
	v5 =	vadd.f32 v5, v13;
	v6 =	vmul.f32 $8.000000000e+00, v6;
	v12 =	vld [tilespmem:s15+$0x12CF0]  }
0xdc: {  	[tilespmem:s15+$0x12C70] =	vst v14;
	v4 =	vadd.f32 v4, v11;
	v7 =	vmul.f32 $8.000000000e+00, v7;
	v11 =	vld [tilespmem:s15+$0x190E0]  }
0xdd: {  	s21 =	sshra.s32 s16, $0x2;
	[tilespmem:s15+$0x12C80] =	vst v5;
	v3 =	vadd.f32 v3, v6;
	v5 =	vmul.f32 $8.000000000e+00, v8;
	v6 =	vld [tilespmem:s15+$0x190F0]  }
0xde: {  	v8 =	vld [tilespmem:s21+$0x19000];
	[tilespmem:s15+$0x12C90] =	vst v4;
	v2 =	vadd.f32 v2, v7;
	v4 =	vmul.f32 $8.000000000e+00, v9  }
0xdf: {  	v7 =	vld [tilespmem:s21+$0x19010];
	[tilespmem:s15+$0x12CA0] =	vst v3;
	v1 =	vadd.f32 v1, v5;
	v3 =	vmul.f32 $8.000000000e+00, v10  }
0xe0: {  	v9 =	vld [tilespmem:s21+$0x19020];
	[tilespmem:s15+$0x12CB0] =	vst v2;
	v0 =	vadd.f32 v0, v4;
	v2 =	vmul.f32 $8.000000000e+00, v12  }
0xe1: {  	v10 =	vld [tilespmem:s21+$0x19030];
	[tilespmem:s15+$0x12CC0] =	vst v1;
	v1 =	vadd.f32 v11, v3  }
0xe2: {  	v11 =	vld [tilespmem:s21+$0x19040];
	[tilespmem:s15+$0x12CD0] =	vst v0;
	v0 =	vadd.f32 v6, v2  }
0xe3: {  	v12 =	vld [tilespmem:s21+$0x19050];
	[tilespmem:s15+$0x12CE0] =	vst v1  }
0xe4: {  	v13 =	vld [tilespmem:s21+$0x19060];
	[tilespmem:s15+$0x12CF0] =	vst v0;
	s15 =	smov.u32 s21  }
0xe5: {  	v14 =	vld [tilespmem:s15+$0x19070]  }
0xe6: {  	v5 =	vld [tilespmem:s15+$0x19080]  }
0xe7: {  	v4 =	vld [tilespmem:s15+$0x19090]  }
0xe8: {  	v3 =	vld [tilespmem:s15+$0x190A0]  }
0xe9: {  	v2 =	vld [tilespmem:s15+$0x190B0]  }
0xea: {  	v1 =	vld [tilespmem:s15+$0x190C0]  }
0xeb: {  	v0 =	vld [tilespmem:s15+$0x190D0]  }
0xec: {  	v6 =	vld [tilespmem:s15+$0x12C00]  }
0xed: {  	v15 =	vld [tilespmem:s15+$0x12C10]  }
0xee: {  	v16 =	vld [tilespmem:s15+$0x12C20]  }
0xef: {  	v17 =	vld [tilespmem:s15+$0x12C30]  }
0xf0: {  	v18 =	vld [tilespmem:s15+$0x12C40]  }
0xf1: {  	v6 =	vmul.f32 $8.000000000e+00, v6;
	v19 =	vld [tilespmem:s15+$0x12C50]  }
0xf2: {  	v15 =	vmul.f32 $8.000000000e+00, v15;
	v20 =	vld [tilespmem:s15+$0x12C60]  }
0xf3: {  	v6 =	vadd.f32 v8, v6;
	v8 =	vmul.f32 $8.000000000e+00, v16;
	v16 =	vld [tilespmem:s15+$0x12C70]  }
0xf4: {  	v7 =	vadd.f32 v7, v15;
	v15 =	vmul.f32 $8.000000000e+00, v17;
	v17 =	vld [tilespmem:s15+$0x12C80]  }
0xf5: {  	[tilespmem:s15+$0x12C00] =	vst v6;
	v8 =	vadd.f32 v9, v8;
	v9 =	vmul.f32 $8.000000000e+00, v18;
	v18 =	vld [tilespmem:s15+$0x12C90]  }
.Ltmp2:
0xf6: {  	[tilespmem:s15+$0x12C10] =	vst v7;
	v10 =	vadd.f32 v10, v15;
	v15 =	vmul.f32 $8.000000000e+00, v19;
	v6 =	vld [tilespmem:s15+$0x12CA0];
	(pc) =	sbr.rel @p0 .LBB2_7-.Ltmp2, $4  }
0xf7: {  	[tilespmem:s15+$0x12C20] =	vst v8;
	v9 =	vadd.f32 v11, v9;
	v11 =	vmul.f32 $8.000000000e+00, v20;
	v7 =	vld [tilespmem:s15+$0x12CB0]  }
0xf8: {  	[tilespmem:s15+$0x12C30] =	vst v10;
	v10 =	vadd.f32 v12, v15;
	v15 =	vmul.f32 $8.000000000e+00, v16;
	v8 =	vld [tilespmem:s15+$0x12CC0]  }
0xf9: {  	[tilespmem:s15+$0x12C40] =	vst v9;
	v12 =	vadd.f32 v13, v11;
	v13 =	vmul.f32 $8.000000000e+00, v17;
	v9 =	vld [tilespmem:s15+$0x12CD0]  }
0xfa: {  	s16 =	sadd.s32 $0x400, s16;
	[tilespmem:s15+$0x12C50] =	vst v10;
	v14 =	vadd.f32 v14, v15;
	v11 =	vmul.f32 $8.000000000e+00, v18;
	v10 =	vld [tilespmem:s15+$0x12CE0]  }
0xfb: {  	[tilespmem:s15+$0x12C60] =	vst v12;
	v12 =	vld [tilespmem:s15+$0x12CF0];
	v5 =	vadd.f32 v5, v13;
	v6 =	vmul.f32 $8.000000000e+00, v6  }
0xfc: {  	v13 =	vld [tilespmem:s15+$0x190E0];
	[tilespmem:s15+$0x12C70] =	vst v14;
	v4 =	vadd.f32 v4, v11;
	v7 =	vmul.f32 $8.000000000e+00, v7  }
0xfd: {  	[tilespmem:s15+$0x12C80] =	vst v5;
	v3 =	vadd.f32 v3, v6;
	v5 =	vmul.f32 $8.000000000e+00, v8;
	v6 =	vld [tilespmem:s15+$0x190F0]  }
0xfe: {  	[tilespmem:s15+$0x12C90] =	vst v4;
	v2 =	vadd.f32 v2, v7;
	v4 =	vmul.f32 $8.000000000e+00, v9  }
0xff: {  	[tilespmem:s15+$0x12CA0] =	vst v3;
	v1 =	vadd.f32 v1, v5;
	v3 =	vmul.f32 $8.000000000e+00, v10  }
0x100: {  	[tilespmem:s15+$0x12CB0] =	vst v2;
	v0 =	vadd.f32 v0, v4;
	v2 =	vmul.f32 $8.000000000e+00, v12  }
0x101: {  	s16 =	sadd.s32 s1, s10;
	[tilespmem:s15+$0x12CC0] =	vst v1;
	v1 =	vadd.f32 v13, v3  }
0x102: {  	s16 =	sshll.u32 s16, $0x3;
	[tilespmem:s15+$0x12CD0] =	vst v0;
	v0 =	vadd.f32 v6, v2  }
0x103: {  	s16 =	sand.u32 $0x1FFFFF80, s16;
	[tilespmem:s15+$0x12CE0] =	vst v1  }
0x104: {  	s21 =	simm.s32 $0x0;
	s16 =	sadd.s32 s2, s16;
	[tilespmem:s15+$0x12CF0] =	vst v0  }
0x105: {  	[hbm4b:s16+s21] =	stream.linear.scatter [tilespmem:s22], [sflag:$0x6], $0x6400, $0x38;
	[tilespmem:$0x1F400] =	vst v63  }
0x106: {  	_ =	swait.ge [sflag:s26], $0x6400  }
0x107: {  	[sflag:s26] =	ssyncset.done $0x0  }
0x108: {  	s1 =	sadd.s32 $0x640, s1;
	[sflag:s26] =	ssyncadd.s32 $0xFFFF9C00  }
0x109: {  	[tilespmem:s19], [sflag:$0x2] =	stream.indirect.gather [hbm4b:s5+s17], $0x40, s1, s17, $0xb8;
	[tilespmem:$0x1F400] =	vst v63  }
0x10a: {  	_ =	swait.ge [sflag:s20], $0x6400  }
0x10b: {  	[sflag:s20] =	ssyncset.done $0x0  }
0x10c: {  	s15 =	simm.s32 $0x0;
	[sflag:s20] =	ssyncadd.s32 $0xFFFF9C00  }
0x10d: {  	v6 =	vld [tilespmem:s15+$0x19000]  }
0x10e: {  	v7 =	vld [tilespmem:s15+$0x19010]  }
0x10f: {  	v8 =	vld [tilespmem:s15+$0x19020]  }
0x110: {  	v9 =	vld [tilespmem:s15+$0x19030]  }
0x111: {  	v10 =	vld [tilespmem:s15+$0x19040]  }
0x112: {  	v11 =	vld [tilespmem:s15+$0x19050]  }
0x113: {  	v12 =	vld [tilespmem:s15+$0x19060]  }
0x114: {  	v14 =	vld [tilespmem:s15+$0x19070]  }
0x115: {  	v5 =	vld [tilespmem:s15+$0x19080]  }
0x116: {  	v4 =	vld [tilespmem:s15+$0x19090]  }
0x117: {  	v3 =	vld [tilespmem:s15+$0x190A0]  }
0x118: {  	v2 =	vld [tilespmem:s15+$0x190B0]  }
0x119: {  	v1 =	vld [tilespmem:s15+$0x190C0]  }
0x11a: {  	v15 =	vld [tilespmem:s15+$0x6410]  }
0x11b: {  	v13 =	vld [tilespmem:s15+$0x6400]  }
0x11c: {  	v16 =	vld [tilespmem:s15+$0x6420]  }
0x11d: {  	v0 =	vld [tilespmem:s15+$0x190D0]  }
0x11e: {  	v18 =	vld [tilespmem:s15+$0x6440]  }
0x11f: {  	v17 =	vld [tilespmem:s15+$0x6430];
	v15 =	vmul.f32 $8.000000000e+00, v15  }
0x120: {  	v19 =	vld [tilespmem:s15+$0x6450];
	v13 =	vmul.f32 $8.000000000e+00, v13  }
0x121: {  	v20 =	vld [tilespmem:s15+$0x6460];
	v7 =	vadd.f32 v7, v15;
	v15 =	vmul.f32 $8.000000000e+00, v16  }
0x122: {  	v6 =	vadd.f32 v6, v13;
	v13 =	vld [tilespmem:s15+$0x6470]  }
0x123: {  	v21 =	vld [tilespmem:s15+$0x6480];
	v8 =	vadd.f32 v8, v15;
	v15 =	vmul.f32 $8.000000000e+00, v18  }
0x124: {  	v62 =	vld [tilespmem:s15+$0x6490];
	v17 =	vmul.f32 $8.000000000e+00, v17;
	[tilespmem:s15+$0x6400] =	vst v6  }
0x125: {  	v63 =	vmul.f32 $8.000000000e+00, v19;
	[tilespmem:s15+$0x6410] =	vst v7;
	v6 =	vld [tilespmem:s15+$0x64A0];
	v10 =	vadd.f32 v10, v15  }
0x126: {  	v9 =	vadd.f32 v9, v17;
	v7 =	vld [tilespmem:s15+$0x64B0];
	[tilespmem:s15+$0x6420] =	vst v8;
	v15 =	vmul.f32 $8.000000000e+00, v20  }
0x127: {  	v11 =	vadd.f32 v11, v63;
	v8 =	vld [tilespmem:s15+$0x64C0];
	[tilespmem:s15+$0x6440] =	vst v10;
	v10 =	vmul.f32 $8.000000000e+00, v13  }
0x128: {  	[tilespmem:s15+$0x6430] =	vst v9;
	v9 =	vld [tilespmem:s15+$0x64D0];
	v12 =	vadd.f32 v12, v15;
	v13 =	vmul.f32 $8.000000000e+00, v21  }
0x129: {  	s16 =	simm.s32 $0x400;
	[tilespmem:s15+$0x6450] =	vst v11;
	v11 =	vmul.f32 $8.000000000e+00, v62;
	v14 =	vadd.f32 v14, v10;
	v10 =	vld [tilespmem:s15+$0x64E0]  }
.LBB2_9:
0x12a: {  	p0 =	sne.s32 s16, $0x18C00;
	[tilespmem:s15+$0x6460] =	vst v12;
	v5 =	vadd.f32 v5, v13;
	v6 =	vmul.f32 $8.000000000e+00, v6;
	v12 =	vld [tilespmem:s15+$0x64F0]  }
0x12b: {  	[tilespmem:s15+$0x6470] =	vst v14;
	v4 =	vadd.f32 v4, v11;
	v7 =	vmul.f32 $8.000000000e+00, v7;
	v11 =	vld [tilespmem:s15+$0x190E0]  }
0x12c: {  	s21 =	sshra.s32 s16, $0x2;
	[tilespmem:s15+$0x6480] =	vst v5;
	v3 =	vadd.f32 v3, v6;
	v5 =	vmul.f32 $8.000000000e+00, v8;
	v6 =	vld [tilespmem:s15+$0x190F0]  }
0x12d: {  	v8 =	vld [tilespmem:s21+$0x19000];
	[tilespmem:s15+$0x6490] =	vst v4;
	v2 =	vadd.f32 v2, v7;
	v4 =	vmul.f32 $8.000000000e+00, v9  }
0x12e: {  	v7 =	vld [tilespmem:s21+$0x19010];
	[tilespmem:s15+$0x64A0] =	vst v3;
	v1 =	vadd.f32 v1, v5;
	v3 =	vmul.f32 $8.000000000e+00, v10  }
0x12f: {  	v9 =	vld [tilespmem:s21+$0x19020];
	[tilespmem:s15+$0x64B0] =	vst v2;
	v0 =	vadd.f32 v0, v4;
	v2 =	vmul.f32 $8.000000000e+00, v12  }
0x130: {  	v10 =	vld [tilespmem:s21+$0x19030];
	[tilespmem:s15+$0x64C0] =	vst v1;
	v1 =	vadd.f32 v11, v3  }
0x131: {  	v11 =	vld [tilespmem:s21+$0x19040];
	[tilespmem:s15+$0x64D0] =	vst v0;
	v0 =	vadd.f32 v6, v2  }
0x132: {  	v12 =	vld [tilespmem:s21+$0x19050];
	[tilespmem:s15+$0x64E0] =	vst v1  }
0x133: {  	v13 =	vld [tilespmem:s21+$0x19060];
	[tilespmem:s15+$0x64F0] =	vst v0;
	s15 =	smov.u32 s21  }
0x134: {  	v14 =	vld [tilespmem:s15+$0x19070]  }
0x135: {  	v5 =	vld [tilespmem:s15+$0x19080]  }
0x136: {  	v4 =	vld [tilespmem:s15+$0x19090]  }
0x137: {  	v3 =	vld [tilespmem:s15+$0x190A0]  }
0x138: {  	v2 =	vld [tilespmem:s15+$0x190B0]  }
0x139: {  	v1 =	vld [tilespmem:s15+$0x190C0]  }
0x13a: {  	v0 =	vld [tilespmem:s15+$0x190D0]  }
0x13b: {  	v6 =	vld [tilespmem:s15+$0x6400]  }
0x13c: {  	v15 =	vld [tilespmem:s15+$0x6410]  }
0x13d: {  	v16 =	vld [tilespmem:s15+$0x6420]  }
0x13e: {  	v17 =	vld [tilespmem:s15+$0x6430]  }
0x13f: {  	v18 =	vld [tilespmem:s15+$0x6440]  }
0x140: {  	v6 =	vmul.f32 $8.000000000e+00, v6;
	v19 =	vld [tilespmem:s15+$0x6450]  }
0x141: {  	v15 =	vmul.f32 $8.000000000e+00, v15;
	v20 =	vld [tilespmem:s15+$0x6460]  }
0x142: {  	v6 =	vadd.f32 v8, v6;
	v8 =	vmul.f32 $8.000000000e+00, v16;
	v16 =	vld [tilespmem:s15+$0x6470]  }
0x143: {  	v7 =	vadd.f32 v7, v15;
	v15 =	vmul.f32 $8.000000000e+00, v17;
	v17 =	vld [tilespmem:s15+$0x6480]  }
0x144: {  	[tilespmem:s15+$0x6400] =	vst v6;
	v8 =	vadd.f32 v9, v8;
	v9 =	vmul.f32 $8.000000000e+00, v18;
	v18 =	vld [tilespmem:s15+$0x6490]  }
.Ltmp3:
0x145: {  	[tilespmem:s15+$0x6410] =	vst v7;
	v10 =	vadd.f32 v10, v15;
	v15 =	vmul.f32 $8.000000000e+00, v19;
	v6 =	vld [tilespmem:s15+$0x64A0];
	(pc) =	sbr.rel @p0 .LBB2_9-.Ltmp3, $4  }
0x146: {  	[tilespmem:s15+$0x6420] =	vst v8;
	v9 =	vadd.f32 v11, v9;
	v11 =	vmul.f32 $8.000000000e+00, v20;
	v7 =	vld [tilespmem:s15+$0x64B0]  }
0x147: {  	[tilespmem:s15+$0x6430] =	vst v10;
	v10 =	vadd.f32 v12, v15;
	v15 =	vmul.f32 $8.000000000e+00, v16;
	v8 =	vld [tilespmem:s15+$0x64C0]  }
0x148: {  	[tilespmem:s15+$0x6440] =	vst v9;
	v12 =	vadd.f32 v13, v11;
	v13 =	vmul.f32 $8.000000000e+00, v17;
	v9 =	vld [tilespmem:s15+$0x64D0]  }
0x149: {  	s16 =	sadd.s32 $0x400, s16;
	[tilespmem:s15+$0x6450] =	vst v10;
	v14 =	vadd.f32 v14, v15;
	v11 =	vmul.f32 $8.000000000e+00, v18;
	v10 =	vld [tilespmem:s15+$0x64E0]  }
0x14a: {  	[tilespmem:s15+$0x6460] =	vst v12;
	v12 =	vld [tilespmem:s15+$0x64F0];
	v5 =	vadd.f32 v5, v13;
	v6 =	vmul.f32 $8.000000000e+00, v6  }
0x14b: {  	v13 =	vld [tilespmem:s15+$0x190E0];
	[tilespmem:s15+$0x6470] =	vst v14;
	v4 =	vadd.f32 v4, v11;
	v7 =	vmul.f32 $8.000000000e+00, v7  }
0x14c: {  	[tilespmem:s15+$0x6480] =	vst v5;
	v3 =	vadd.f32 v3, v6;
	v5 =	vmul.f32 $8.000000000e+00, v8;
	v6 =	vld [tilespmem:s15+$0x190F0]  }
0x14d: {  	[tilespmem:s15+$0x6490] =	vst v4;
	v2 =	vadd.f32 v2, v7;
	v4 =	vmul.f32 $8.000000000e+00, v9  }
0x14e: {  	[tilespmem:s15+$0x64A0] =	vst v3;
	v1 =	vadd.f32 v1, v5;
	v3 =	vmul.f32 $8.000000000e+00, v10  }
0x14f: {  	[tilespmem:s15+$0x64B0] =	vst v2;
	v0 =	vadd.f32 v0, v4;
	v2 =	vmul.f32 $8.000000000e+00, v12  }
0x150: {  	s0 =	sadd.s32 s4, s0;
	[tilespmem:s15+$0x64C0] =	vst v1;
	v1 =	vadd.f32 v13, v3  }
0x151: {  	s0 =	sshll.u32 s0, $0x3;
	[tilespmem:s15+$0x64D0] =	vst v0;
	v0 =	vadd.f32 v6, v2  }
0x152: {  	s0 =	sand.u32 $0x1FFFFF80, s0;
	[tilespmem:s15+$0x64E0] =	vst v1  }
0x153: {  	s16 =	simm.s32 $0x0;
	s21 =	smul.u32 $0x12C0, s31;
	s0 =	sadd.s32 s2, s0;
	[tilespmem:s15+$0x64F0] =	vst v0  }
0x154: {  	[hbm4b:s0+s16] =	stream.linear.scatter [tilespmem:s18], [sflag:$0x4], $0x6400, $0x38;
	[tilespmem:$0x1F400] =	vst v63  }
0x155: {  	_ =	swait.ge [sflag:s28], $0x6400  }
0x156: {  	s0 =	sshra.s32 s21, $0x2;
	[sflag:s28] =	ssyncset.done $0x0  }
0x157: {  	s0 =	sadd.s32 $0x7D0, s0;
	[sflag:s28] =	ssyncadd.s32 $0xFFFF9C00  }
0x158: {  	[tilespmem:s22], [sflag:$0x3] =	stream.indirect.gather [hbm4b:s5+s17], $0x40, s0, s17, $0xb8;
	[tilespmem:$0x1F400] =	vst v63  }
0x159: {  	_ =	swait.ge [sflag:s23], $0x6400  }
0x15a: {  	[sflag:s23] =	ssyncset.done $0x0  }
0x15b: {  	s0 =	simm.s32 $0x0;
	[sflag:s23] =	ssyncadd.s32 $0xFFFF9C00  }
0x15c: {  	v6 =	vld [tilespmem:s0+$0x19000]  }
0x15d: {  	v7 =	vld [tilespmem:s0+$0x19010]  }
0x15e: {  	v8 =	vld [tilespmem:s0+$0x19020]  }
0x15f: {  	v9 =	vld [tilespmem:s0+$0x19030]  }
0x160: {  	v10 =	vld [tilespmem:s0+$0x19040]  }
0x161: {  	v11 =	vld [tilespmem:s0+$0x19050]  }
0x162: {  	v12 =	vld [tilespmem:s0+$0x19060]  }
0x163: {  	v14 =	vld [tilespmem:s0+$0x19070]  }
0x164: {  	v5 =	vld [tilespmem:s0+$0x19080]  }
0x165: {  	v4 =	vld [tilespmem:s0+$0x19090]  }
0x166: {  	v3 =	vld [tilespmem:s0+$0x190A0]  }
0x167: {  	v2 =	vld [tilespmem:s0+$0x190B0]  }
0x168: {  	v1 =	vld [tilespmem:s0+$0x190C0]  }
0x169: {  	v15 =	vld [tilespmem:s0+$0xC810]  }
0x16a: {  	v13 =	vld [tilespmem:s0+$0xC800]  }
0x16b: {  	v16 =	vld [tilespmem:s0+$0xC820]  }
0x16c: {  	v0 =	vld [tilespmem:s0+$0x190D0]  }
0x16d: {  	v18 =	vld [tilespmem:s0+$0xC840]  }
0x16e: {  	v17 =	vld [tilespmem:s0+$0xC830];
	v15 =	vmul.f32 $8.000000000e+00, v15  }
0x16f: {  	v19 =	vld [tilespmem:s0+$0xC850];
	v13 =	vmul.f32 $8.000000000e+00, v13  }
0x170: {  	v20 =	vld [tilespmem:s0+$0xC860];
	v7 =	vadd.f32 v7, v15;
	v15 =	vmul.f32 $8.000000000e+00, v16  }
0x171: {  	v6 =	vadd.f32 v6, v13;
	v13 =	vld [tilespmem:s0+$0xC870]  }
0x172: {  	v21 =	vld [tilespmem:s0+$0xC880];
	v8 =	vadd.f32 v8, v15;
	v15 =	vmul.f32 $8.000000000e+00, v18  }
0x173: {  	v62 =	vld [tilespmem:s0+$0xC890];
	v17 =	vmul.f32 $8.000000000e+00, v17;
	[tilespmem:s0+$0xC800] =	vst v6  }
0x174: {  	v63 =	vmul.f32 $8.000000000e+00, v19;
	[tilespmem:s0+$0xC810] =	vst v7;
	v6 =	vld [tilespmem:s0+$0xC8A0];
	v10 =	vadd.f32 v10, v15  }
0x175: {  	v9 =	vadd.f32 v9, v17;
	v7 =	vld [tilespmem:s0+$0xC8B0];
	[tilespmem:s0+$0xC820] =	vst v8;
	v15 =	vmul.f32 $8.000000000e+00, v20  }
0x176: {  	v11 =	vadd.f32 v11, v63;
	v8 =	vld [tilespmem:s0+$0xC8C0];
	[tilespmem:s0+$0xC840] =	vst v10;
	v10 =	vmul.f32 $8.000000000e+00, v13  }
0x177: {  	[tilespmem:s0+$0xC830] =	vst v9;
	v9 =	vld [tilespmem:s0+$0xC8D0];
	v12 =	vadd.f32 v12, v15;
	v13 =	vmul.f32 $8.000000000e+00, v21  }
0x178: {  	s15 =	simm.s32 $0x400;
	[tilespmem:s0+$0xC850] =	vst v11;
	v11 =	vmul.f32 $8.000000000e+00, v62;
	v14 =	vadd.f32 v14, v10;
	v10 =	vld [tilespmem:s0+$0xC8E0]  }
.LBB2_11:
0x179: {  	p0 =	sne.s32 s15, $0x18C00;
	[tilespmem:s0+$0xC860] =	vst v12;
	v5 =	vadd.f32 v5, v13;
	v6 =	vmul.f32 $8.000000000e+00, v6;
	v12 =	vld [tilespmem:s0+$0xC8F0]  }
0x17a: {  	[tilespmem:s0+$0xC870] =	vst v14;
	v4 =	vadd.f32 v4, v11;
	v7 =	vmul.f32 $8.000000000e+00, v7;
	v11 =	vld [tilespmem:s0+$0x190E0]  }
0x17b: {  	s16 =	sshra.s32 s15, $0x2;
	[tilespmem:s0+$0xC880] =	vst v5;
	v3 =	vadd.f32 v3, v6;
	v5 =	vmul.f32 $8.000000000e+00, v8;
	v6 =	vld [tilespmem:s0+$0x190F0]  }
0x17c: {  	v8 =	vld [tilespmem:s16+$0x19000];
	[tilespmem:s0+$0xC890] =	vst v4;
	v2 =	vadd.f32 v2, v7;
	v4 =	vmul.f32 $8.000000000e+00, v9  }
0x17d: {  	v7 =	vld [tilespmem:s16+$0x19010];
	[tilespmem:s0+$0xC8A0] =	vst v3;
	v1 =	vadd.f32 v1, v5;
	v3 =	vmul.f32 $8.000000000e+00, v10  }
0x17e: {  	v9 =	vld [tilespmem:s16+$0x19020];
	[tilespmem:s0+$0xC8B0] =	vst v2;
	v0 =	vadd.f32 v0, v4;
	v2 =	vmul.f32 $8.000000000e+00, v12  }
0x17f: {  	v10 =	vld [tilespmem:s16+$0x19030];
	[tilespmem:s0+$0xC8C0] =	vst v1;
	v1 =	vadd.f32 v11, v3  }
0x180: {  	v11 =	vld [tilespmem:s16+$0x19040];
	[tilespmem:s0+$0xC8D0] =	vst v0;
	v0 =	vadd.f32 v6, v2  }
0x181: {  	v12 =	vld [tilespmem:s16+$0x19050];
	[tilespmem:s0+$0xC8E0] =	vst v1  }
0x182: {  	v13 =	vld [tilespmem:s16+$0x19060];
	[tilespmem:s0+$0xC8F0] =	vst v0;
	s0 =	smov.u32 s16  }
0x183: {  	v14 =	vld [tilespmem:s0+$0x19070]  }
0x184: {  	v5 =	vld [tilespmem:s0+$0x19080]  }
0x185: {  	v4 =	vld [tilespmem:s0+$0x19090]  }
0x186: {  	v3 =	vld [tilespmem:s0+$0x190A0]  }
0x187: {  	v2 =	vld [tilespmem:s0+$0x190B0]  }
0x188: {  	v1 =	vld [tilespmem:s0+$0x190C0]  }
0x189: {  	v0 =	vld [tilespmem:s0+$0x190D0]  }
0x18a: {  	v6 =	vld [tilespmem:s0+$0xC800]  }
0x18b: {  	v15 =	vld [tilespmem:s0+$0xC810]  }
0x18c: {  	v16 =	vld [tilespmem:s0+$0xC820]  }
0x18d: {  	v17 =	vld [tilespmem:s0+$0xC830]  }
0x18e: {  	v18 =	vld [tilespmem:s0+$0xC840]  }
0x18f: {  	v6 =	vmul.f32 $8.000000000e+00, v6;
	v19 =	vld [tilespmem:s0+$0xC850]  }
0x190: {  	v15 =	vmul.f32 $8.000000000e+00, v15;
	v20 =	vld [tilespmem:s0+$0xC860]  }
0x191: {  	v6 =	vadd.f32 v8, v6;
	v8 =	vmul.f32 $8.000000000e+00, v16;
	v16 =	vld [tilespmem:s0+$0xC870]  }
0x192: {  	v7 =	vadd.f32 v7, v15;
	v15 =	vmul.f32 $8.000000000e+00, v17;
	v17 =	vld [tilespmem:s0+$0xC880]  }
0x193: {  	[tilespmem:s0+$0xC800] =	vst v6;
	v8 =	vadd.f32 v9, v8;
	v9 =	vmul.f32 $8.000000000e+00, v18;
	v18 =	vld [tilespmem:s0+$0xC890]  }
.Ltmp4:
0x194: {  	[tilespmem:s0+$0xC810] =	vst v7;
	v10 =	vadd.f32 v10, v15;
	v15 =	vmul.f32 $8.000000000e+00, v19;
	v6 =	vld [tilespmem:s0+$0xC8A0];
	(pc) =	sbr.rel @p0 .LBB2_11-.Ltmp4, $4  }
0x195: {  	[tilespmem:s0+$0xC820] =	vst v8;
	v9 =	vadd.f32 v11, v9;
	v11 =	vmul.f32 $8.000000000e+00, v20;
	v7 =	vld [tilespmem:s0+$0xC8B0]  }
0x196: {  	[tilespmem:s0+$0xC830] =	vst v10;
	v10 =	vadd.f32 v12, v15;
	v15 =	vmul.f32 $8.000000000e+00, v16;
	v8 =	vld [tilespmem:s0+$0xC8C0]  }
0x197: {  	[tilespmem:s0+$0xC840] =	vst v9;
	v12 =	vadd.f32 v13, v11;
	v13 =	vmul.f32 $8.000000000e+00, v17;
	v9 =	vld [tilespmem:s0+$0xC8D0]  }
0x198: {  	s15 =	sadd.s32 $0x400, s15;
	[tilespmem:s0+$0xC850] =	vst v10;
	v14 =	vadd.f32 v14, v15;
	v11 =	vmul.f32 $8.000000000e+00, v18;
	v10 =	vld [tilespmem:s0+$0xC8E0]  }
0x199: {  	[tilespmem:s0+$0xC860] =	vst v12;
	v55 =	vld [tilespmem:s0+$0xC8F0];
	v5 =	vadd.f32 v5, v13;
	v6 =	vmul.f32 $8.000000000e+00, v6  }
0x19a: {  	v56 =	vld [tilespmem:s0+$0x190E0];
	[tilespmem:s0+$0xC870] =	vst v14;
	v4 =	vadd.f32 v4, v11;
	v7 =	vmul.f32 $8.000000000e+00, v7  }
0x19b: {  	v58 =	vld [tilespmem:s0+$0x190F0];
	[tilespmem:s0+$0xC880] =	vst v5;
	v3 =	vadd.f32 v3, v6;
	v57 =	vmul.f32 $8.000000000e+00, v8  }
0x19c: {  	[tilespmem:s0+$0xC890] =	vst v4;
	v2 =	vadd.f32 v2, v7;
	v59 =	vmul.f32 $8.000000000e+00, v9  }
0x19d: {  	s31 =	sadd.s32 $0x1, s31;
	[tilespmem:s0+$0xC8A0] =	vst v3;
	v1 =	vadd.f32 v1, v57;
	v60 =	vmul.f32 $8.000000000e+00, v10  }
0x19e: {  	p0 =	sne.s32 s31, $0x14;
	[tilespmem:s0+$0xC8B0] =	vst v2;
	v0 =	vadd.f32 v0, v59;
	v61 =	vmul.f32 $8.000000000e+00, v55  }
.Ltmp5:
0x19f: {  	s1 =	sadd.s32 s4, s1;
	[tilespmem:s0+$0xC8C0] =	vst v1;
	v62 =	vadd.f32 v56, v60;
	(pc) =	sbr.rel @p0 .LBB2_6-.Ltmp5, $4  }
0x1a0: {  	s1 =	sshll.u32 s1, $0x3;
	[tilespmem:s0+$0xC8D0] =	vst v0;
	v63 =	vadd.f32 v58, v61  }
0x1a1: {  	s1 =	sand.u32 $0x1FFFFF80, s1;
	[tilespmem:s0+$0xC8E0] =	vst v62  }
0x1a2: {  	s21 =	sadd.s32 s2, s1;
	[tilespmem:s0+$0xC8F0] =	vst v63  }
0x1a3: {  	[hbm4b:s21+s3] =	stream.linear.scatter [tilespmem:s19], [sflag:$0x5], $0x6400, $0x38;
	[tilespmem:$0x1F400] =	vst v63  }
0x1a4: {  	_ =	swait.ge [sflag:s24], $0x6400  }
0x1a5: {  	[sflag:s24] =	ssyncset.done $0x0  }
0x1a6: {  	[sflag:s24] =	ssyncadd.s32 $0xFFFF9C00  }
0x1a7: {  	[tilespmem:s18], [sflag:$0x1] =	stream.indirect.gather [hbm4b:s5+s17], $0x40, s29, s17, $0xb8;
	[tilespmem:$0x1F400] =	vst v63  }
0x1a8: {  	_ =	swait.ge [sflag:s25], $0x6400  }
0x1a9: {  	[sflag:s25] =	ssyncset.done $0x0  }
0x1aa: {  	s0 =	simm.s32 $0x0;
	[sflag:s25] =	ssyncadd.s32 $0xFFFF9C00  }
0x1ab: {  	v6 =	vld [tilespmem:s0+$0x19000]  }
0x1ac: {  	v7 =	vld [tilespmem:s0+$0x19010]  }
0x1ad: {  	v8 =	vld [tilespmem:s0+$0x19020]  }
0x1ae: {  	v9 =	vld [tilespmem:s0+$0x19030]  }
0x1af: {  	v10 =	vld [tilespmem:s0+$0x19040]  }
0x1b0: {  	v11 =	vld [tilespmem:s0+$0x19050]  }
0x1b1: {  	v12 =	vld [tilespmem:s0+$0x19060]  }
0x1b2: {  	v14 =	vld [tilespmem:s0+$0x19070]  }
0x1b3: {  	v5 =	vld [tilespmem:s0+$0x19080]  }
0x1b4: {  	v4 =	vld [tilespmem:s0+$0x19090]  }
0x1b5: {  	v3 =	vld [tilespmem:s0+$0x190A0]  }
0x1b6: {  	v2 =	vld [tilespmem:s0+$0x190B0]  }
0x1b7: {  	v1 =	vld [tilespmem:s0+$0x190C0]  }
0x1b8: {  	v15 =	vld [tilespmem:s0+$0x12C10]  }
0x1b9: {  	v13 =	vld [tilespmem:s0+$0x12C00]  }
0x1ba: {  	v16 =	vld [tilespmem:s0+$0x12C20]  }
0x1bb: {  	v0 =	vld [tilespmem:s0+$0x190D0]  }
0x1bc: {  	v18 =	vld [tilespmem:s0+$0x12C40]  }
0x1bd: {  	v17 =	vld [tilespmem:s0+$0x12C30];
	v15 =	vmul.f32 $8.000000000e+00, v15  }
0x1be: {  	v19 =	vld [tilespmem:s0+$0x12C50];
	v13 =	vmul.f32 $8.000000000e+00, v13  }
0x1bf: {  	v20 =	vld [tilespmem:s0+$0x12C60];
	v7 =	vadd.f32 v7, v15;
	v15 =	vmul.f32 $8.000000000e+00, v16  }
0x1c0: {  	v6 =	vadd.f32 v6, v13;
	v13 =	vld [tilespmem:s0+$0x12C70]  }
0x1c1: {  	v21 =	vld [tilespmem:s0+$0x12C80];
	v8 =	vadd.f32 v8, v15;
	v15 =	vmul.f32 $8.000000000e+00, v18  }
0x1c2: {  	v62 =	vld [tilespmem:s0+$0x12C90];
	v17 =	vmul.f32 $8.000000000e+00, v17;
	[tilespmem:s0+$0x12C00] =	vst v6  }
0x1c3: {  	v63 =	vmul.f32 $8.000000000e+00, v19;
	[tilespmem:s0+$0x12C10] =	vst v7;
	v6 =	vld [tilespmem:s0+$0x12CA0];
	v10 =	vadd.f32 v10, v15  }
0x1c4: {  	v9 =	vadd.f32 v9, v17;
	v7 =	vld [tilespmem:s0+$0x12CB0];
	[tilespmem:s0+$0x12C20] =	vst v8;
	v15 =	vmul.f32 $8.000000000e+00, v20  }
0x1c5: {  	v11 =	vadd.f32 v11, v63;
	v8 =	vld [tilespmem:s0+$0x12CC0];
	[tilespmem:s0+$0x12C40] =	vst v10;
	v10 =	vmul.f32 $8.000000000e+00, v13  }
0x1c6: {  	[tilespmem:s0+$0x12C30] =	vst v9;
	v9 =	vld [tilespmem:s0+$0x12CD0];
	v12 =	vadd.f32 v12, v15;
	v13 =	vmul.f32 $8.000000000e+00, v21  }
0x1c7: {  	s1 =	simm.s32 $0x400;
	[tilespmem:s0+$0x12C50] =	vst v11;
	v11 =	vmul.f32 $8.000000000e+00, v62;
	v14 =	vadd.f32 v14, v10;
	v10 =	vld [tilespmem:s0+$0x12CE0]  }
.LBB2_14:
0x1c8: {  	p0 =	sne.s32 s1, $0x18C00;
	[tilespmem:s0+$0x12C60] =	vst v12;
	v5 =	vadd.f32 v5, v13;
	v6 =	vmul.f32 $8.000000000e+00, v6;
	v12 =	vld [tilespmem:s0+$0x12CF0]  }
0x1c9: {  	[tilespmem:s0+$0x12C70] =	vst v14;
	v4 =	vadd.f32 v4, v11;
	v7 =	vmul.f32 $8.000000000e+00, v7;
	v11 =	vld [tilespmem:s0+$0x190E0]  }
0x1ca: {  	s15 =	sshra.s32 s1, $0x2;
	[tilespmem:s0+$0x12C80] =	vst v5;
	v3 =	vadd.f32 v3, v6;
	v5 =	vmul.f32 $8.000000000e+00, v8;
	v6 =	vld [tilespmem:s0+$0x190F0]  }
0x1cb: {  	v8 =	vld [tilespmem:s15+$0x19000];
	[tilespmem:s0+$0x12C90] =	vst v4;
	v2 =	vadd.f32 v2, v7;
	v4 =	vmul.f32 $8.000000000e+00, v9  }
0x1cc: {  	v7 =	vld [tilespmem:s15+$0x19010];
	[tilespmem:s0+$0x12CA0] =	vst v3;
	v1 =	vadd.f32 v1, v5;
	v3 =	vmul.f32 $8.000000000e+00, v10  }
0x1cd: {  	v9 =	vld [tilespmem:s15+$0x19020];
	[tilespmem:s0+$0x12CB0] =	vst v2;
	v0 =	vadd.f32 v0, v4;
	v2 =	vmul.f32 $8.000000000e+00, v12  }
0x1ce: {  	v10 =	vld [tilespmem:s15+$0x19030];
	[tilespmem:s0+$0x12CC0] =	vst v1;
	v1 =	vadd.f32 v11, v3  }
0x1cf: {  	v11 =	vld [tilespmem:s15+$0x19040];
	[tilespmem:s0+$0x12CD0] =	vst v0;
	v0 =	vadd.f32 v6, v2  }
0x1d0: {  	v12 =	vld [tilespmem:s15+$0x19050];
	[tilespmem:s0+$0x12CE0] =	vst v1  }
0x1d1: {  	v13 =	vld [tilespmem:s15+$0x19060];
	[tilespmem:s0+$0x12CF0] =	vst v0;
	s0 =	smov.u32 s15  }
0x1d2: {  	v14 =	vld [tilespmem:s0+$0x19070]  }
0x1d3: {  	v5 =	vld [tilespmem:s0+$0x19080]  }
0x1d4: {  	v4 =	vld [tilespmem:s0+$0x19090]  }
0x1d5: {  	v3 =	vld [tilespmem:s0+$0x190A0]  }
0x1d6: {  	v2 =	vld [tilespmem:s0+$0x190B0]  }
0x1d7: {  	v1 =	vld [tilespmem:s0+$0x190C0]  }
0x1d8: {  	v0 =	vld [tilespmem:s0+$0x190D0]  }
0x1d9: {  	v6 =	vld [tilespmem:s0+$0x12C00]  }
0x1da: {  	v15 =	vld [tilespmem:s0+$0x12C10]  }
0x1db: {  	v16 =	vld [tilespmem:s0+$0x12C20]  }
0x1dc: {  	v17 =	vld [tilespmem:s0+$0x12C30]  }
0x1dd: {  	v18 =	vld [tilespmem:s0+$0x12C40]  }
0x1de: {  	v6 =	vmul.f32 $8.000000000e+00, v6;
	v19 =	vld [tilespmem:s0+$0x12C50]  }
0x1df: {  	v15 =	vmul.f32 $8.000000000e+00, v15;
	v20 =	vld [tilespmem:s0+$0x12C60]  }
0x1e0: {  	v6 =	vadd.f32 v8, v6;
	v8 =	vmul.f32 $8.000000000e+00, v16;
	v16 =	vld [tilespmem:s0+$0x12C70]  }
0x1e1: {  	v7 =	vadd.f32 v7, v15;
	v15 =	vmul.f32 $8.000000000e+00, v17;
	v17 =	vld [tilespmem:s0+$0x12C80]  }
0x1e2: {  	[tilespmem:s0+$0x12C00] =	vst v6;
	v8 =	vadd.f32 v9, v8;
	v9 =	vmul.f32 $8.000000000e+00, v18;
	v18 =	vld [tilespmem:s0+$0x12C90]  }
.Ltmp6:
0x1e3: {  	[tilespmem:s0+$0x12C10] =	vst v7;
	v10 =	vadd.f32 v10, v15;
	v15 =	vmul.f32 $8.000000000e+00, v19;
	v6 =	vld [tilespmem:s0+$0x12CA0];
	(pc) =	sbr.rel @p0 .LBB2_14-.Ltmp6, $4  }
0x1e4: {  	[tilespmem:s0+$0x12C20] =	vst v8;
	v9 =	vadd.f32 v11, v9;
	v11 =	vmul.f32 $8.000000000e+00, v20;
	v7 =	vld [tilespmem:s0+$0x12CB0]  }
0x1e5: {  	[tilespmem:s0+$0x12C30] =	vst v10;
	v10 =	vadd.f32 v12, v15;
	v15 =	vmul.f32 $8.000000000e+00, v16;
	v8 =	vld [tilespmem:s0+$0x12CC0]  }
0x1e6: {  	[tilespmem:s0+$0x12C40] =	vst v9;
	v12 =	vadd.f32 v13, v11;
	v13 =	vmul.f32 $8.000000000e+00, v17;
	v9 =	vld [tilespmem:s0+$0x12CD0]  }
0x1e7: {  	s1 =	sadd.s32 $0x400, s1;
	[tilespmem:s0+$0x12C50] =	vst v10;
	v14 =	vadd.f32 v14, v15;
	v11 =	vmul.f32 $8.000000000e+00, v18;
	v10 =	vld [tilespmem:s0+$0x12CE0]  }
0x1e8: {  	[tilespmem:s0+$0x12C60] =	vst v12;
	v12 =	vld [tilespmem:s0+$0x12CF0];
	v5 =	vadd.f32 v5, v13;
	v6 =	vmul.f32 $8.000000000e+00, v6  }
0x1e9: {  	v13 =	vld [tilespmem:s0+$0x190E0];
	[tilespmem:s0+$0x12C70] =	vst v14;
	v4 =	vadd.f32 v4, v11;
	v7 =	vmul.f32 $8.000000000e+00, v7  }
0x1ea: {  	[tilespmem:s0+$0x12C80] =	vst v5;
	v3 =	vadd.f32 v3, v6;
	v5 =	vmul.f32 $8.000000000e+00, v8;
	v6 =	vld [tilespmem:s0+$0x190F0]  }
0x1eb: {  	[tilespmem:s0+$0x12C90] =	vst v4;
	v2 =	vadd.f32 v2, v7;
	v4 =	vmul.f32 $8.000000000e+00, v9  }
0x1ec: {  	[tilespmem:s0+$0x12CA0] =	vst v3;
	v1 =	vadd.f32 v1, v5;
	v3 =	vmul.f32 $8.000000000e+00, v10  }
0x1ed: {  	[tilespmem:s0+$0x12CB0] =	vst v2;
	v0 =	vadd.f32 v0, v4;
	v2 =	vmul.f32 $8.000000000e+00, v12  }
0x1ee: {  	[tilespmem:s0+$0x12CC0] =	vst v1;
	v1 =	vadd.f32 v13, v3  }
0x1ef: {  	[tilespmem:s0+$0x12CD0] =	vst v0;
	v0 =	vadd.f32 v6, v2  }
0x1f0: {  	[tilespmem:s0+$0x12CE0] =	vst v1  }
0x1f1: {  	s31 =	simm.s32 $0x0;
	[tilespmem:s0+$0x12CF0] =	vst v0  }
0x1f2: {  	[hbm4b:s11+s31] =	stream.linear.scatter [tilespmem:s22], [sflag:$0x6], $0x6400, $0x38;
	[tilespmem:$0x1F400] =	vst v63  }
0x1f3: {  	_ =	swait.ge [sflag:s20], $0x6400  }
0x1f4: {  	[sflag:s20] =	ssyncset.done $0x0  }
0x1f5: {  	s0 =	simm.s32 $0x0;
	[sflag:s20] =	ssyncadd.s32 $0xFFFF9C00  }
0x1f6: {  	v6 =	vld [tilespmem:s0+$0x19000]  }
0x1f7: {  	v7 =	vld [tilespmem:s0+$0x19010]  }
0x1f8: {  	v8 =	vld [tilespmem:s0+$0x19020]  }
0x1f9: {  	v9 =	vld [tilespmem:s0+$0x19030]  }
0x1fa: {  	v10 =	vld [tilespmem:s0+$0x19040]  }
0x1fb: {  	v11 =	vld [tilespmem:s0+$0x19050]  }
0x1fc: {  	v12 =	vld [tilespmem:s0+$0x19060]  }
0x1fd: {  	v14 =	vld [tilespmem:s0+$0x19070]  }
0x1fe: {  	v5 =	vld [tilespmem:s0+$0x19080]  }
0x1ff: {  	v4 =	vld [tilespmem:s0+$0x19090]  }
0x200: {  	v3 =	vld [tilespmem:s0+$0x190A0]  }
0x201: {  	v2 =	vld [tilespmem:s0+$0x190B0]  }
0x202: {  	v1 =	vld [tilespmem:s0+$0x190C0]  }
0x203: {  	v15 =	vld [tilespmem:s0+$0x6410]  }
0x204: {  	v13 =	vld [tilespmem:s0+$0x6400]  }
0x205: {  	v16 =	vld [tilespmem:s0+$0x6420]  }
0x206: {  	v0 =	vld [tilespmem:s0+$0x190D0]  }
0x207: {  	v18 =	vld [tilespmem:s0+$0x6440]  }
0x208: {  	v17 =	vld [tilespmem:s0+$0x6430];
	v15 =	vmul.f32 $8.000000000e+00, v15  }
0x209: {  	v19 =	vld [tilespmem:s0+$0x6450];
	v13 =	vmul.f32 $8.000000000e+00, v13  }
0x20a: {  	v20 =	vld [tilespmem:s0+$0x6460];
	v7 =	vadd.f32 v7, v15;
	v15 =	vmul.f32 $8.000000000e+00, v16  }
0x20b: {  	v6 =	vadd.f32 v6, v13;
	v13 =	vld [tilespmem:s0+$0x6470]  }
0x20c: {  	v21 =	vld [tilespmem:s0+$0x6480];
	v8 =	vadd.f32 v8, v15;
	v15 =	vmul.f32 $8.000000000e+00, v18  }
0x20d: {  	v62 =	vld [tilespmem:s0+$0x6490];
	v17 =	vmul.f32 $8.000000000e+00, v17;
	[tilespmem:s0+$0x6400] =	vst v6  }
0x20e: {  	v63 =	vmul.f32 $8.000000000e+00, v19;
	[tilespmem:s0+$0x6410] =	vst v7;
	v6 =	vld [tilespmem:s0+$0x64A0];
	v10 =	vadd.f32 v10, v15  }
0x20f: {  	v9 =	vadd.f32 v9, v17;
	v7 =	vld [tilespmem:s0+$0x64B0];
	[tilespmem:s0+$0x6420] =	vst v8;
	v15 =	vmul.f32 $8.000000000e+00, v20  }
0x210: {  	v11 =	vadd.f32 v11, v63;
	v8 =	vld [tilespmem:s0+$0x64C0];
	[tilespmem:s0+$0x6440] =	vst v10;
	v10 =	vmul.f32 $8.000000000e+00, v13  }
0x211: {  	[tilespmem:s0+$0x6430] =	vst v9;
	v9 =	vld [tilespmem:s0+$0x64D0];
	v12 =	vadd.f32 v12, v15;
	v13 =	vmul.f32 $8.000000000e+00, v21  }
0x212: {  	s1 =	simm.s32 $0x400;
	[tilespmem:s0+$0x6450] =	vst v11;
	v11 =	vmul.f32 $8.000000000e+00, v62;
	v14 =	vadd.f32 v14, v10;
	v10 =	vld [tilespmem:s0+$0x64E0]  }
.LBB2_16:
0x213: {  	p0 =	sne.s32 s1, $0x18C00;
	[tilespmem:s0+$0x6460] =	vst v12;
	v5 =	vadd.f32 v5, v13;
	v6 =	vmul.f32 $8.000000000e+00, v6;
	v12 =	vld [tilespmem:s0+$0x64F0]  }
0x214: {  	[tilespmem:s0+$0x6470] =	vst v14;
	v4 =	vadd.f32 v4, v11;
	v7 =	vmul.f32 $8.000000000e+00, v7;
	v11 =	vld [tilespmem:s0+$0x190E0]  }
0x215: {  	s15 =	sshra.s32 s1, $0x2;
	[tilespmem:s0+$0x6480] =	vst v5;
	v3 =	vadd.f32 v3, v6;
	v5 =	vmul.f32 $8.000000000e+00, v8;
	v6 =	vld [tilespmem:s0+$0x190F0]  }
0x216: {  	v8 =	vld [tilespmem:s15+$0x19000];
	[tilespmem:s0+$0x6490] =	vst v4;
	v2 =	vadd.f32 v2, v7;
	v4 =	vmul.f32 $8.000000000e+00, v9  }
0x217: {  	v7 =	vld [tilespmem:s15+$0x19010];
	[tilespmem:s0+$0x64A0] =	vst v3;
	v1 =	vadd.f32 v1, v5;
	v3 =	vmul.f32 $8.000000000e+00, v10  }
0x218: {  	v9 =	vld [tilespmem:s15+$0x19020];
	[tilespmem:s0+$0x64B0] =	vst v2;
	v0 =	vadd.f32 v0, v4;
	v2 =	vmul.f32 $8.000000000e+00, v12  }
0x219: {  	v10 =	vld [tilespmem:s15+$0x19030];
	[tilespmem:s0+$0x64C0] =	vst v1;
	v1 =	vadd.f32 v11, v3  }
0x21a: {  	v11 =	vld [tilespmem:s15+$0x19040];
	[tilespmem:s0+$0x64D0] =	vst v0;
	v0 =	vadd.f32 v6, v2  }
0x21b: {  	v12 =	vld [tilespmem:s15+$0x19050];
	[tilespmem:s0+$0x64E0] =	vst v1  }
0x21c: {  	v13 =	vld [tilespmem:s15+$0x19060];
	[tilespmem:s0+$0x64F0] =	vst v0;
	s0 =	smov.u32 s15  }
0x21d: {  	v14 =	vld [tilespmem:s0+$0x19070]  }
0x21e: {  	v5 =	vld [tilespmem:s0+$0x19080]  }
0x21f: {  	v4 =	vld [tilespmem:s0+$0x19090]  }
0x220: {  	v3 =	vld [tilespmem:s0+$0x190A0]  }
0x221: {  	v2 =	vld [tilespmem:s0+$0x190B0]  }
0x222: {  	v1 =	vld [tilespmem:s0+$0x190C0]  }
0x223: {  	v0 =	vld [tilespmem:s0+$0x190D0]  }
0x224: {  	v6 =	vld [tilespmem:s0+$0x6400]  }
0x225: {  	v15 =	vld [tilespmem:s0+$0x6410]  }
0x226: {  	v16 =	vld [tilespmem:s0+$0x6420]  }
0x227: {  	v17 =	vld [tilespmem:s0+$0x6430]  }
0x228: {  	v18 =	vld [tilespmem:s0+$0x6440]  }
0x229: {  	v6 =	vmul.f32 $8.000000000e+00, v6;
	v19 =	vld [tilespmem:s0+$0x6450]  }
0x22a: {  	v15 =	vmul.f32 $8.000000000e+00, v15;
	v20 =	vld [tilespmem:s0+$0x6460]  }
0x22b: {  	v6 =	vadd.f32 v8, v6;
	v8 =	vmul.f32 $8.000000000e+00, v16;
	v16 =	vld [tilespmem:s0+$0x6470]  }
0x22c: {  	v7 =	vadd.f32 v7, v15;
	v15 =	vmul.f32 $8.000000000e+00, v17;
	v17 =	vld [tilespmem:s0+$0x6480]  }
0x22d: {  	[tilespmem:s0+$0x6400] =	vst v6;
	v8 =	vadd.f32 v9, v8;
	v9 =	vmul.f32 $8.000000000e+00, v18;
	v18 =	vld [tilespmem:s0+$0x6490]  }
.Ltmp7:
0x22e: {  	[tilespmem:s0+$0x6410] =	vst v7;
	v10 =	vadd.f32 v10, v15;
	v15 =	vmul.f32 $8.000000000e+00, v19;
	v6 =	vld [tilespmem:s0+$0x64A0];
	(pc) =	sbr.rel @p0 .LBB2_16-.Ltmp7, $4  }
0x22f: {  	[tilespmem:s0+$0x6420] =	vst v8;
	v9 =	vadd.f32 v11, v9;
	v11 =	vmul.f32 $8.000000000e+00, v20;
	v7 =	vld [tilespmem:s0+$0x64B0]  }
0x230: {  	[tilespmem:s0+$0x6430] =	vst v10;
	v10 =	vadd.f32 v12, v15;
	v15 =	vmul.f32 $8.000000000e+00, v16;
	v8 =	vld [tilespmem:s0+$0x64C0]  }
0x231: {  	[tilespmem:s0+$0x6440] =	vst v9;
	v12 =	vadd.f32 v13, v11;
	v13 =	vmul.f32 $8.000000000e+00, v17;
	v9 =	vld [tilespmem:s0+$0x64D0]  }
0x232: {  	s1 =	sadd.s32 $0x400, s1;
	[tilespmem:s0+$0x6450] =	vst v10;
	v14 =	vadd.f32 v14, v15;
	v11 =	vmul.f32 $8.000000000e+00, v18;
	v10 =	vld [tilespmem:s0+$0x64E0]  }
0x233: {  	[tilespmem:s0+$0x6460] =	vst v12;
	v55 =	vld [tilespmem:s0+$0x64F0];
	v5 =	vadd.f32 v5, v13;
	v6 =	vmul.f32 $8.000000000e+00, v6  }
0x234: {  	v56 =	vld [tilespmem:s0+$0x190E0];
	[tilespmem:s0+$0x6470] =	vst v14;
	v4 =	vadd.f32 v4, v11;
	v7 =	vmul.f32 $8.000000000e+00, v7  }
0x235: {  	v58 =	vld [tilespmem:s0+$0x190F0];
	[tilespmem:s0+$0x6480] =	vst v5;
	v3 =	vadd.f32 v3, v6;
	v57 =	vmul.f32 $8.000000000e+00, v8  }
0x236: {  	[tilespmem:s0+$0x6490] =	vst v4;
	v2 =	vadd.f32 v2, v7;
	v59 =	vmul.f32 $8.000000000e+00, v9  }
0x237: {  	[tilespmem:s0+$0x64A0] =	vst v3;
	v1 =	vadd.f32 v1, v57;
	v60 =	vmul.f32 $8.000000000e+00, v10  }
0x238: {  	[tilespmem:s0+$0x64B0] =	vst v2;
	v0 =	vadd.f32 v0, v59;
	v61 =	vmul.f32 $8.000000000e+00, v55  }
0x239: {  	[tilespmem:s0+$0x64C0] =	vst v1;
	v62 =	vadd.f32 v56, v60  }
0x23a: {  	[tilespmem:s0+$0x64D0] =	vst v0;
	v63 =	vadd.f32 v58, v61  }
0x23b: {  	[tilespmem:s0+$0x64E0] =	vst v62  }
0x23c: {  	[tilespmem:s0+$0x64F0] =	vst v63  }
0x23d: {  	[hbm4b:s12+s3] =	stream.linear.scatter [tilespmem:s18], [sflag:$0x4], $0x6400, $0x38;
	[tilespmem:$0x1F400] =	vst v63  }
0x23e: {  	_ =	swait.ge [sflag:s26], $0x6400  }
0x23f: {  	[sflag:s26] =	ssyncset.done $0x0  }
0x240: {  	s30 =	sadd.s32 $0x1, s30;
	[sflag:s26] =	ssyncadd.s32 $0xFFFF9C00  }
0x241: {  	p0 =	sne.s32 s30, s13;
	_ =	swait.ge [sflag:s28], $0x6400  }
.Ltmp8:
0x242: {  	[sflag:s28] =	ssyncset.done $0x0;
	(pc) =	sbr.rel @p0 .LBB2_1-.Ltmp8, $4  }
0x243: {  	[sflag:s28] =	ssyncadd.s32 $0xFFFF9C00  }
0x244: {  	_ =	swait.ge [sflag:s24], $0x6400  }
0x245: {  	[sflag:s24] =	ssyncset.done $0x0  }
0x246: {  	[sflag:s24] =	ssyncadd.s32 $0xFFFF9C00  }
0x247: {  	_ =	sfence.sel $0x180000  }
0x248: {  	[bflag:$0x0] =	sbarrier.arrive $0xFFFF  }
0x249: {  	_ =	strace $0x90000047  }
0x24a: {  	s0 =	stileid.u32;
	[bflag:$0x2] =	sbarrier.arrive $0xFFFF  }
0x24b: {  	p0 =	sne.s32 s0, $0x0;
	s0 =	rddreg [dreg:$0x2]  }
0x24c: {  	s0 =	sadd.s32 @!p0 $0x100000, s0  }
0x24d: {  	[sflag:s0] =	ssyncadd.tile.s32 @!p0 $0x1;
	_ =	shalt  }
.Lfunc_end2:
_tile_overlayer_lowered:
.L_overlay_start_2:
0x24e: {  	(tag) =	ssettag $0x2  }
0x24f: {  	s0 =	rddreg [dreg:$0x0];
	s2 =	stileid.u32  }
0x250: {  	s1 =	rddreg [dreg:$0x1];
	p0 =	sne.s32 s2, $0x0  }
0x251: {  	s3 =	rddreg [dreg:$0x2];
	[bflag:$0x3] =	sbarrier.arrive $0xFFFF;
	s2 =	simm.s32 @!p0 $0x1C07  }
0x252: {  	[timem:s3], [sflag:s2] =	dma.local @!p0 [hbm:s0], s1  }
0x253: {  	s0 =	simm.s32 @!p0 $0x7  }
0x254: {  	_ =	swait.ge @!p0 [sflag:s0], s1  }
0x255: {  	s1 =	ssub.s32 @!p0 $0x0, s1;
	[sflag:s0] =	ssyncset.done @!p0 $0x0  }
0x256: {  	[sflag:s0] =	ssyncadd.s32 @!p0 s1  }
0x257: {  	[bflag:$0x3] =	sbarrier.arrive $0xFFFF  }
0x258: {  	_ =	shalt  }

// kernel: sparse-core-data-format-call.cloned.1.call-start
scs
called_computation_lowered:
.L_overlay_start_0:
0x0: {  	s2 =	sld [smem:$0x3FD9]  }
0x1: {  	s3 =	sld [smem:$0x3FFE];
	_ =	sdelay $0x1  }
0x2: {  	s1 =	srdreg.scid  }
0x3: {  	s0 =	sand.u32 $0x1, s1  }
0x4: {  	s18 =	sshll.u32 s0, $0xA;
	s2 =	sadd.s32 s3, s2  }
0x5: {  	s2 =	sadd.s32 s2, s18  }
0x6: {  	[smem:$0x3FC5] =	sst s2  }
0x7: {  	_ = 	snop  }
0x8: {  	s2 =	sld [smem:$0x3FD0];
	(tm) =	ssettm $0x1  }
0x9: {  	s19 =	sld [smem:$0x3FFB];
	_ =	sdelay $0x3  }
0xa: {  	_ =	strace s19  }
0xb: {  	s3 =	sld [smem:$0x3FFC];
	_ =	sdelay $0x3  }
0xc: {  	_ =	strace s3  }
0xd: {  	s3 =	sld [smem:$0x3FFD];
	_ =	sdelay $0x3  }
0xe: {  	_ =	strace s3  }
0xf: {  	_ =	strace $0x8FFFFFFF  }
0x10: {  	s20 =	sld [smem:$0x3FDB];
	_ =	sdelay $0x1  }
0x11: {  	s4 =	simm.s32 $_scs_section_size  }
0x12: {  	s5 =	simm.s32 $_size__tile_overlayer_lowered;
	s6 =	simm.s32 $_tile_overlayer_lowered  }
0x13: {  	s23 =	simm.s32 $0x1BFF;
	s22 =	sshll.u32 s6, $0x1;
	s3 =	sadd.s32 s4, s20  }
0x14: {  	s7 =	simm.s32 $0x0;
	s21 =	sshll.u32 s5, $0x1;
	s5 =	sadd.s32 s22, s3  }
0x15: {  	[timem:s7], [sflag:s23] =	dma.local [hbm:s5], s21  }
0x16: {  	_ =	swait.ge [sflag:s23], s21  }
0x17: {  	s4 =	ssub.s32 $0x0, s21;
	[sflag:s23] =	ssyncset.done $0x0  }
0x18: {  	[sflag:s23] =	ssyncadd.s32 s4;
	_ =	sdelay $0x1  }
0x19: {  	s24 =	simm.s32 $0x1B8B  }
0x1a: {  	_ =	swait.ge [sflag:s24], $0x1  }
0x1b: {  	[sflag:s24] =	ssyncset.done $0x0  }
0x1c: {  	s26 =	simm.s32 $0x1B8E;
	s25 =	sld [smem:$0x3FFE];
	[sflag:s24] =	ssyncadd.s32 $0xFFFFFFFF  }
0x1d: {  	s27 =	simm.s32 $execute0_lowered;
	[smem:$0x3FD2] =	sst s26  }
0x1e: {  	s5 =	sshll.u32 s27, $0x1;
	_ =	strace $0x80000049;
	[dreg:$0x1] =	wrdreg $0xFFFFFFFF  }
0x1f: {  	s28 =	simm.s32 $_size_execute0_lowered;
	s3 =	sadd.s32 s3, s5;
	[dreg:$0x0] =	wrdreg $0x0  }
0x20: {  	s5 =	sshll.u32 s28, $0x1;
	[dreg:$0x2] =	wrdreg s3  }
0x21: {  	[dreg:$0x3] =	wrdreg s5  }
0x22: {  	[dreg:$0x4] =	wrdreg $0xC0  }
0x23: {  	_ =	task [dreg:s7], $0x5FFFF  }
0x24: {  	[dreg:$0x1] =	wrdreg $0xFFFFFFFF  }
0x25: {  	[dreg:$0x0] =	wrdreg $0x60  }
0x26: {  	[dreg:$0x2] =	wrdreg s25  }
0x27: {  	[dreg:$0x3] =	wrdreg s2  }
0x28: {  	[dreg:$0x4] =	wrdreg $0x9  }
0x29: {  	_ =	task.clear_ibuf [dreg:s7], $0x5FFFF;
	_ =	strace $0x90000049  }
0x2a: {  	s29 =	simm.s32 $0x9;
	_ =	strace $0x8000004B  }
0x2b: {  	_ =	swait.ge [sflag:s29], $0x1  }
0x2c: {  	[sflag:s29] =	ssyncadd.s32 $0xFFFFFFFF  }
0x2d: {  	_ =	strace $0x9000004B  }
0x2e: {  	_ =	sfence  }
0x2f: {  	s30 =	sld [smem:$0x0];
	_ =	sdelay $0x2  }
0x30: {  	s31 =	sshll.u32 s1, $0xD;
	s1 =	sshrl.u32 s1, $0x2  }
0x31: {  	s3 =	sand.u32 $0x4000, s31;
	s1 =	sadd.s32 s1, s30  }
0x32: {  	s0 =	sor.u32 s3, s0;
	s1 =	sshll.u32 s1, $0x11  }
0x33: {  	s0 =	sor.u32 s1, s0  }
0x34: {  	s0 =	sadd.s32 $0x8F2B, s0  }
0x35: {  	[sflag:s0] =	ssyncadd.remote.s32 $0x1  }
0x36: {  	_ =	sfence.sel $0xFFFF  }
0x37: {  	[dreg:$0x0] =	wrdreg $0xFFFFFFFF;
	(pc) =	sbr.abs _section_cstart, $3  }
0x38: {  	[dreg:$0x1] =	wrdreg $0xFFFFFFFF  }
0x39: {  	_ =	task.clear_ibuf [dreg:s7], $0x2FFFF;
	_ =	strace $0x9FFFFFFF  }
0x3a: {  	(tm) =	ssettm $0x7FFFFFFF  }
0x3b: {  	_ =	shalt  }
tec
execute0_lowered:
.L_overlay_start_1:
0x0: {  	(tag) =	ssettag $0x1  }
0x1: {  	s0 =	srdreg.scid  }
0x2: {  	s1 =	sshll.u32 s0, $0x4  }
0x3: {  	s0 =	stileid.u32;
	s1 =	sand.u32 $0x10, s1  }
0x4: {  	s1 =	sor.u32 s0, s1  }
0x5: {  	s6 =	rddreg [dreg:$0x0];
	s4 =	simm.s32 $0x1;
	s2 =	sshll.u32 s1, $0x7  }
0x6: {  	s7 =	simm.s32 $0x2;
	s12 =	simm.s32 $0x0;
	s1 =	ssub.s32 $0x1000, s2  }
0x7: {  	s8 =	simm.s32 $0x8000;
	s13 =	simm.s32 $0x0;
	s3 =	sand.u32 $0xF80, s1  }
0x8: {  	s9 =	simm.s32 $0x0;
	s5 =	sshrl.u32 s1, $0xC;
	p0 =	sne.s32 s3, $0x0  }
.Ltmp0:
0x9: {  	s1 =	rddreg [dreg:$0x2];
	s4 =	simm.s32 @!p0 $0x0;
	(pc) =	sbr.rel .LBB1_1-.Ltmp0, $4  }
0xa: {  	s11 =	simm.s32 $0x0;
	s3 =	rddreg [dreg:$0x1];
	s5 =	sadd.s32 s4, s5  }
0xb: {  	_ =	strace $0x8000004A;
	s4 =	simm.s32 $0x1;
	s5 =	smul.u32 $0xC8, s5  }
0xc: {  	s6 =	sadd.s32 $0xC00, s6;
	s10 =	smov.u32 s2;
	[sflag:s4] =	ssyncpa.u1 $0x0  }
0xd: {  	p0 =	por $0x0, $0x0;
	[sflag:s7] =	ssyncpa.u1 $0x0;
	s7 =	sor.u32 $0x1, s5  }
.LBB1_4:
0xe: {  	s16 =	sshll.u32 s13, $0x3;
	s17 =	sand.u32 $0x78, s13  }
0xf: {  	s30 =	sand.u32 $0x7E00, s13;
	s12 =	sshll.u32 s12, $0xF;
	s16 =	sand.u32 $0xC00, s16  }
0x10: {  	[tilespmem:s15+$0x810 ss:$0x81] =	vst.msk $0xffff, v2;
	s31 =	sand.u32 $0x7, s13;
	s16 =	sor.u32 s17, s16;
	s17 =	sadd.s32 s3, s30  }
0x11: {  	[tilespmem:s15+$0x1020 ss:$0x81] =	vst.msk $0xffff, v0;
	s13 =	sshll.u32 s31, $0x12;
	s12 =	sadd.s32 s12, s17;
	s16 =	sshrl.u32 s16, $0x3  }
0x12: {  	[tilespmem:s15+$0x0 ss:$0x81] =	vst.msk $0xffff, v1;
	s13 =	sor.u32 $0x400, s13;
	s12 =	sadd.s32 s16, s12  }
0x13: {  	[hbm4b:s12+s13] =	stream.strided.scatter [tilespmem:s14], [sflag:$0x2], $0x2000, s8, s13, $0x20;
	[tilespmem:$0x8080] =	vst v63  }
.LBB1_5:
0x14: {  	s14 =	sadd.s32 $0x1, s9  }
0x15: {  	s12 =	sadd.s32 $0x1000, s10;
	s16 =	smov.u32 s10;
	p2 =	sgt.s32 s14, $0xC7  }
0x16: {  	s16 =	smov.u32 @p2 s12  }
0x17: {  	s14 =	simm.s32 @p2 $0x0;
	p2 =	sgt.s32 s16, $0xFFF  }
0x18: {  	s16 =	smov.u32 @p2 s2;
	p2 =	sne.s32 s11, s7  }
.Ltmp1:
0x19: {  	p1 =	slt.u32 s11, $0x2;
	(pc) =	sbr.rel @!p2 .LBB1_6-.Ltmp1, $4  }
0x1a: {  	s15 =	simm.s32 @!p1 $0x2  }
0x1b: {  	s13 =	smov.u32 s10;
	p0 =	por !p0, !p0;
	_ =	swait.ge @!p1 [sflag:s15], $0x2000  }
0x1c: {  	s12 =	smov.u32 s9;
	[sflag:s15] =	ssyncset.done @!p1 $0x0;
	s9 =	smov.u32 s14  }
0x1d: {  	s11 =	sadd.s32 $0x1, s11;
	[sflag:s15] =	ssyncadd.s32 @!p1 $0xFFFFE000;
	s10 =	smov.u32 s16  }
.LBB1_1:
0x1e: {  	p1 =	sge.u32 s11, s5  }
0x1f: {  	s14 =	sand.u32 @!p1 $0x1FFFFFF, s9  }
0x20: {  	s15 =	smulhi.u32 @!p1 $0x147AE15, s14;
	_ =	sdelay $0x1  }
0x21: {  	s15 =	smul.u32 @!p1 $0xC8, s15  }
0x22: {  	s16 =	sxor.u32 @!p1 $0xFFFFFFFF, s11;
	s17 =	smul.u32 @!p1 $0xC80, s10  }
0x23: {  	s31 =	sadd.s32 $0xFFFFFFFF, s11;
	s16 =	sshll.u32 @!p1 s16, $0xD;
	s14 =	ssub.s32 @!p1 s14, s15  }
0x24: {  	s15 =	sand.u32 @!p1 $0x2000, s16;
	s16 =	sadd.s32 @!p1 s6, s17;
	s14 =	sshll.u32 @!p1 s14, $0x4  }
0x25: {  	s17 =	simm.s32 @!p1 $0x6400;
	s14 =	sadd.s32 @!p1 s14, s16;
	s16 =	simm.s32 @!p1 $0x40  }
0x26: {  	[tilespmem:s15], [sflag:$0x1] =	stream.strided.gather @!p1 [hbm4b:s14+s16], $0x2000, s17, s16, $0x38;
	[tilespmem:$0x8080] =	vst v63  }
0x27: {  	p1 =	sge.u32 s31, s5  }
.Ltmp2:
0x28: {  	_ = 	snop;
	(pc) =	sbr.rel @p1 .LBB1_5-.Ltmp2, $1  }
0x29: {  	_ =	sdelay $0x3  }
0x2a: {  	s14 =	simm.s32 $0x1  }
0x2b: {  	_ =	swait.ge [sflag:s4], $0x2000;
	s14 =	simm.s32 @!p0 $0x0  }
0x2c: {  	[sflag:s4] =	ssyncset.done $0x0;
	s15 =	sshll.u32 s14, $0xD  }
0x2d: {  	[sflag:s4] =	ssyncadd.s32 $0xFFFFE000;
	s18 =	sor.u32 $0x20, s15  }
0x2e: {  	s14 =	smul.u32 $0x8100, s14;
	v3 =	vld [tilespmem:s18+$0x10]  }
0x2f: {  	s30 =	sand.u32 $0x1, s11;
	v2 =	vld [tilespmem:s18+$0xFFFFFFF0]  }
0x30: {  	s15 =	smul.u32 $0x8100, s30;
	s14 =	sshrl.u32 s14, $0x2;
	v0 =	vld [tilespmem:s18+$0x0]  }
0x31: {  	v1 =	vld [tilespmem:s18+$0xFFFFFFE0];
	s16 =	sor.u32 $0x4000, s14  }
0x32: {  	s31 =	sshrl.u32 s15, $0x2;
	s15 =	sadd.s32 $0x0, s16  }
0x33: {  	s17 =	simm.s32 $0x4;
	s18 =	sadd.s32 $0x40, s18;
	s14 =	sor.u32 $0x4000, s31;
	[tilespmem:s15+$0x1830 ss:$0x81] =	vst.msk $0xffff, v3  }
.LBB1_3:
0x34: {  	v3 =	vld [tilespmem:s18+$0x10];
	p1 =	sne.s32 s17, $0x1FC;
	[tilespmem:s15+$0x810 ss:$0x81] =	vst.msk $0xffff, v2;
	s19 =	smov.u32 s17;
	s17 =	sadd.s32 $0x4, s17  }
.Ltmp3:
0x35: {  	v2 =	vld [tilespmem:s18+$0xFFFFFFF0];
	[tilespmem:s15+$0x1020 ss:$0x81] =	vst.msk $0xffff, v0;
	(pc) =	sbr.rel @p1 .LBB1_3-.Ltmp3, $4  }
0x36: {  	v0 =	vld [tilespmem:s18+$0x0];
	[tilespmem:s15+$0x0 ss:$0x81] =	vst.msk $0xffff, v1  }
0x37: {  	s15 =	sshra.s32 s19, $0x2;
	v1 =	vld [tilespmem:s18+$0xFFFFFFE0]  }
0x38: {  	s15 =	sadd.s32 s15, s16  }
0x39: {  	s18 =	sadd.s32 $0x40, s18;
	[tilespmem:s15+$0x1830 ss:$0x81] =	vst.msk $0xffff, v3  }
.Ltmp4:
0x3a: {  	_ = 	snop;
	(pc) =	sbr.rel .LBB1_4-.Ltmp4, $1  }
0x3b: {  	_ =	sdelay $0x3  }
.LBB1_6:
0x3c: {  	_ =	sfence.sel $0x180000  }
0x3d: {  	s2 =	simm.s32 $0x1;
	[bflag:$0x0] =	sbarrier.arrive $0xFFFF  }
0x3e: {  	s31 =	simm.s32 $0x2;
	[sflag:s2] =	ssyncpa.u1 $0x1  }
0x3f: {  	[sflag:s31] =	ssyncpa.u1 $0x1  }
0x40: {  	p0 =	sne.s32 s0, $0x0;
	_ =	strace $0x9000004A  }
0x41: {  	s0 =	sadd.s32 @!p0 $0x100000, s1;
	[bflag:$0x2] =	sbarrier.arrive $0xFFFF  }
0x42: {  	[sflag:s0] =	ssyncadd.tile.s32 @!p0 $0x1;
	_ =	shalt  }
.Lfunc_end1:
_tile_overlayer_lowered:
.L_overlay_start_2:
0x43: {  	(tag) =	ssettag $0x2  }
0x44: {  	s0 =	rddreg [dreg:$0x0];
	s2 =	stileid.u32  }
0x45: {  	s1 =	rddreg [dreg:$0x1];
	p0 =	sne.s32 s2, $0x0  }
0x46: {  	s3 =	rddreg [dreg:$0x2];
	[bflag:$0x3] =	sbarrier.arrive $0xFFFF;
	s2 =	simm.s32 @!p0 $0x1C01  }
0x47: {  	[timem:s3], [sflag:s2] =	dma.local @!p0 [hbm:s0], s1  }
0x48: {  	s0 =	simm.s32 @!p0 $0x1  }
0x49: {  	_ =	swait.ge @!p0 [sflag:s0], s1  }
0x4a: {  	s1 =	ssub.s32 @!p0 $0x0, s1;
	[sflag:s0] =	ssyncset.done @!p0 $0x0  }
0x4b: {  	[sflag:s0] =	ssyncadd.s32 @!p0 s1  }
0x4c: {  	[bflag:$0x3] =	sbarrier.arrive $0xFFFF  }
0x4d: {  	_ =	shalt  }

</sc_bundles>
